<compile_context>
chip_gen: v7x
topology: tpu7x:2x2x1
jax: 0.10.2.dev20260603
libtpu: 0.0.44.dev20260713+nightly
codegen_flags: <defaults>
</compile_context>

<pallas_src>
import functools

import jax
import jax.numpy as jnp
from jax import lax
from jax.experimental import pallas as pl
from jax.experimental.pallas import tpu as pltpu
from jax.experimental.pallas import tpu_sc as plsc

N = 10000
E = 320000
D1 = 128
D2 = 16

NC = 2
NS = 16
NW = NC * NS
EPW = E // NW
C = 80
NCH = EPW // C
IB = 25
NB = NCH // IB
NRC = N // C


def _spmm_body(d, support_hbm, src_hbm, dst_hbm, ew_hbm, out_hbm,
               srcbuf, dstbuf, ewbuf, rows, acc, sem):
    cid = lax.axis_index("c")
    sid = lax.axis_index("s")
    wid = cid * NS + sid
    nd = d // 16

    def zloop(z, _):
        for k in range(nd):
            rows[z, pl.ds(16 * k, 16)] = jnp.zeros((16,), jnp.float32)
        return _
    lax.fori_loop(0, C, zloop, None)
    my_nrc = (NRC + NS - 1 - sid) // NS

    def zcopy(r, _):
        ch = sid + NS * r
        pltpu.sync_copy(rows, acc.at[pl.ds(C * ch, C)])
        return _
    lax.fori_loop(0, my_nrc, zcopy, None)
    plsc.subcore_barrier()

    def batch(b, _):
        pltpu.sync_copy(src_hbm.at[wid, b], srcbuf)
        pltpu.sync_copy(dst_hbm.at[wid, b], dstbuf)
        pltpu.sync_copy(ew_hbm.at[wid, b], ewbuf)

        def chunk(i, _):
            pltpu.async_copy(support_hbm.at[srcbuf.at[i]], rows, sem).wait()

            def scale(g, _):
                wvec = ewbuf[i, pl.ds(16 * g, 16)]
                for j in range(16):
                    w = wvec[j]
                    e = 16 * g + j
                    for k in range(nd):
                        rows[e, pl.ds(16 * k, 16)] = (
                            rows[e, pl.ds(16 * k, 16)] * w)
                return _
            lax.fori_loop(0, C // 16, scale, None)

            pltpu.sync_copy(rows, acc.at[dstbuf.at[i]], add=True)
            return _
        lax.fori_loop(0, IB, chunk, None)
        return _
    lax.fori_loop(0, NB, batch, None)

    plsc.subcore_barrier()

    def ocopy(r, _):
        ch = sid + NS * r
        pltpu.sync_copy(acc.at[pl.ds(C * ch, C)],
                        out_hbm.at[cid, pl.ds(C * ch, C)])
        return _
    lax.fori_loop(0, my_nrc, ocopy, None)


def _make_spmm(d):
    mesh = plsc.VectorSubcoreMesh(core_axis_name="c", subcore_axis_name="s")
    return functools.partial(
        pl.kernel,
        functools.partial(_spmm_body, d),
        out_type=jax.ShapeDtypeStruct((NC, N, d), jnp.float32),
        mesh=mesh,
        scratch_types=[
            pltpu.VMEM((IB, C), jnp.int32),
            pltpu.VMEM((IB, C), jnp.int32),
            pltpu.VMEM((IB, C), jnp.float32),
            pltpu.VMEM((C, d), jnp.float32),
            pltpu.VMEM_SHARED((N, d), jnp.float32),
            pltpu.SemaphoreType.DMA,
        ],
        compiler_params=pltpu.CompilerParams(use_tc_tiling_on_sc=False),
    )()


_spmm1 = _make_spmm(D1)
_spmm2 = _make_spmm(D2)



_BN = 1000


def _mm_body(x_ref, w_ref, o_ref):
    o_ref[...] = jnp.dot(x_ref[...], w_ref[...],
                         preferred_element_type=jnp.float32)


def _mm(x, w):
    n, k = x.shape
    m = w.shape[1]
    return pl.pallas_call(
        _mm_body,
        grid=(n // _BN,),
        in_specs=[pl.BlockSpec((_BN, k), lambda i: (i, 0)),
                  pl.BlockSpec((k, m), lambda i: (0, 0))],
        out_specs=pl.BlockSpec((_BN, m), lambda i: (i, 0)),
        out_shape=jax.ShapeDtypeStruct((n, m), jnp.float32),
    )(x, w)


def _mid_body(p_ref, b_ref, w_ref, e1_ref, s2_ref):
    h = p_ref[0] + p_ref[1] + b_ref[...]
    e1_ref[...] = h
    s2_ref[...] = jnp.dot(jnp.maximum(h, 0.0), w_ref[...],
                          preferred_element_type=jnp.float32)


def _mid(p, b1, w2):
    return pl.pallas_call(
        _mid_body,
        grid=(N // _BN,),
        in_specs=[pl.BlockSpec((NC, _BN, D1), lambda i: (0, i, 0)),
                  pl.BlockSpec((1, D1), lambda i: (0, 0)),
                  pl.BlockSpec((D1, D2), lambda i: (0, 0))],
        out_specs=[pl.BlockSpec((_BN, D1), lambda i: (i, 0)),
                   pl.BlockSpec((_BN, D2), lambda i: (i, 0))],
        out_shape=[jax.ShapeDtypeStruct((N, D1), jnp.float32),
                   jax.ShapeDtypeStruct((N, D2), jnp.float32)],
    )(p, b1.reshape(1, D1), w2)


def _fin_body(q_ref, b_ref, o_ref, e2_ref):
    h = q_ref[0] + q_ref[1] + b_ref[...]
    e2_ref[...] = h
    m = jnp.max(h, axis=1, keepdims=True)
    lse = jnp.log(jnp.sum(jnp.exp(h - m), axis=1, keepdims=True)) + m
    o_ref[...] = h - lse


def _fin(q, b2):
    return pl.pallas_call(
        _fin_body,
        grid=(N // _BN,),
        in_specs=[pl.BlockSpec((NC, _BN, D2), lambda i: (0, i, 0)),
                  pl.BlockSpec((1, D2), lambda i: (0, 0))],
        out_specs=[pl.BlockSpec((_BN, D2), lambda i: (i, 0)),
                   pl.BlockSpec((_BN, D2), lambda i: (i, 0))],
        out_shape=[jax.ShapeDtypeStruct((N, D2), jnp.float32),
                   jax.ShapeDtypeStruct((N, D2), jnp.float32)],
    )(q, b2.reshape(1, D2))


def kernel(x, edge_index, edge_weight, W1, b1, W2, b2):
    src = edge_index[1].reshape(NW, NB, IB, C)
    dst = edge_index[0].reshape(NW, NB, IB, C)
    ew = edge_weight.reshape(NW, NB, IB, C)

    support1 = _mm(x, W1)
    p = _spmm1(support1, src, dst, ew)
    embed1, support2 = _mid(p, b1, W2)
    q = _spmm2(support2, src, dst, ew)
    out, embed2 = _fin(q, b2)
    return (out, embed1, embed2)

# --- scband reference (transcript-rebuilt; emitter-appended) ---
"""Pipeline reference for scband-gcn-pia-unlearn-baseline-44306882625587 (READ-ONLY COPY).

The authoritative reference and input builder live on the scoring server;
editing this copy changes nothing except your own understanding.
"""

import jax, jax.numpy as jnp
import numpy as np

N_NODES = 10000
N_EDGES = 320000
NFEAT = 128
NHID = 128
NCLASS = 16


def setup_inputs(seed: int = 0) -> dict:
    key = jax.random.key(seed)
    k = jax.random.split(key, 8)
    x = jax.random.normal(k[0], (N_NODES, NFEAT), dtype=jnp.float32)
    edge_index = jax.random.randint(k[1], (2, N_EDGES), 0, N_NODES, dtype=jnp.int64 if jax.config.jax_enable_x64 else jnp.int32).astype(jnp.int32)
    edge_weight = jax.random.uniform(k[2], (N_EDGES,), dtype=jnp.float32)
    # Fixed (npara-provided) parameters for GraphConvolution_pia_unlearn1 layers
    W1 = jax.random.normal(k[3], (NFEAT, NHID), dtype=jnp.float32) * (1.0 / np.sqrt(NFEAT))
    b1 = jax.random.normal(k[4], (NHID,), dtype=jnp.float32) * 0.01
    W2 = jax.random.normal(k[5], (NHID, NCLASS), dtype=jnp.float32) * (1.0 / np.sqrt(NHID))
    b2 = jax.random.normal(k[6], (NCLASS,), dtype=jnp.float32) * 0.01
    return {"x": x, "edge_index": edge_index, "edge_weight": edge_weight,
            "W1": W1, "b1": b1, "W2": W2, "b2": b2}


def _gc_layer(x, W, b, src, dst, ew, n_nodes):
    # support = x @ W ; out = spmm(adj, support) + b
    support = x @ W
    msg = jnp.take(support, src, axis=0) * ew[:, None]
    agg = jax.ops.segment_sum(msg, dst, num_segments=n_nodes)
    return agg + b


def reference(x, edge_index, edge_weight, W1, b1, W2, b2):
    src = edge_index[1]  # column index of adj (neighbor j)
    dst = edge_index[0]  # row index of adj (target i)
    h1 = _gc_layer(x, W1, b1, src, dst, edge_weight, N_NODES)
    embed1 = h1
    a = jax.nn.relu(h1)
    # dropout is identity in eval mode
    h2 = _gc_layer(a, W2, b2, src, dst, edge_weight, N_NODES)
    embed2 = h2
    out = jax.nn.log_softmax(h2, axis=1)
    return (out, embed1, embed2)

if __name__ == "__main__":
    import jax
    _d = setup_inputs()
    print(jax.jit(kernel)(*tuple(_d.values())))

</pallas_src>

<mosaic_0001>
#map = affine_map<(d0, d1) -> (0, 0)>
#map1 = affine_map<(d0, d1) -> (0, 0, 0, 0)>
#map2 = affine_map<(d0, d1) -> (0, 0, 0)>
module attributes {stable_mosaic.version = 14 : i64} {
  func.func @_spmm_body(%arg0: i32, %arg1: i32, %arg2: memref<10000x16xf32, #tpu.memory_space<hbm>>, %arg3: memref<32x5x25x80xi32, #tpu.memory_space<hbm>>, %arg4: memref<32x5x25x80xi32, #tpu.memory_space<hbm>>, %arg5: memref<32x5x25x80xf32, #tpu.memory_space<hbm>>, %arg6: memref<2x10000x16xf32, #tpu.memory_space<hbm>>, %arg7: memref<25x80xi32, #tpu.memory_space<vmem>>, %arg8: memref<25x80xi32, #tpu.memory_space<vmem>>, %arg9: memref<25x80xf32, #tpu.memory_space<vmem>>, %arg10: memref<80x16xf32, #tpu.memory_space<vmem>>, %arg11: memref<10000x16xf32, #tpu.memory_space<vmem_shared>>, %arg12: memref<!tpu.dma_semaphore, #tpu.memory_space<semaphore_mem>>) attributes {dimension_semantics = [#tpu.dimension_semantics<core_parallel>, #tpu.dimension_semantics<subcore_parallel>], iteration_bounds = array<i64: 2, 16>, scalar_prefetch = 0 : i64, scratch_operands = 6 : i64, tpu.core_type = #tpu.core_type<sc_vector_subcore>, window_params = [{transform_indices = #map}, {transform_indices = #map1}, {transform_indices = #map1}, {transform_indices = #map1}, {transform_indices = #map2}]} {
    %mul3A = arith.constant 16 : i32
    %mul3A_0 = arith.muli %arg0, %mul3A : i32
    %add3A = arith.addi %mul3A_0, %arg1 : i32
    %scan3A = arith.constant 0 : i32
    %scan3A_1 = arith.constant 80 : i32
    %scan3A_2 = arith.addi %scan3A, %scan3A_1 : i32
    %scan3A_3 = arith.constant 1 : i32
    scf.for %scan3A_46 = %scan3A to %scan3A_2 step %scan3A_3  : i32 {
      %broadcast_in_dim3A = arith.constant 0.000000e+00 : f32
      %broadcast_in_dim3A_47 = vector.broadcast %broadcast_in_dim3A : f32 to vector<16xf32>
      %swap3A = arith.index_cast %scan3A_46 : i32 to index
      %swap3A_48 = arith.constant 0 : index
      %swap3A_49 = tpu.vector_load %arg10[%swap3A, %swap3A_48] {strides = array<i32>} : memref<80x16xf32, #tpu.memory_space<vmem>>, vector<1x16xf32>,
      %swap3A_50 = vector.shape_cast %swap3A_49 : vector<1x16xf32> to vector<16xf32>
      %swap3A_51 = vector.shape_cast %broadcast_in_dim3A_47 : vector<16xf32> to vector<1x16xf32>
      tpu.vector_store %arg10[%swap3A, %swap3A_48], %swap3A_51 {strides = array<i32>} : memref<80x16xf32, #tpu.memory_space<vmem>>, vector<1x16xf32>,
    }
    %scan3A_4 = arith.constant 80 : i32
    %sub3A = arith.constant 140 : i32
    %sub3A_5 = arith.subi %sub3A, %arg1 : i32
    %jit3A = arith.constant 16 : i32
    %div3A = arith.divsi %sub3A_5, %jit3A : i32
    %sign3A = arith.constant 0 : i32
    %sign3A_6 = arith.cmpi sgt, %sub3A_5, %sign3A : i32
    %sign3A_7 = arith.extui %sign3A_6 : i1 to i32
    %sign3A_8 = arith.constant 0 : i32
    %sign3A_9 = arith.cmpi slt, %sub3A_5, %sign3A_8 : i32
    %sign3A_10 = arith.extui %sign3A_9 : i1 to i32
    %sign3A_11 = arith.subi %sign3A_7, %sign3A_10 : i32
    %sign3A_12 = arith.constant 0 : i32
    %sign3A_13 = arith.cmpi sgt, %jit3A, %sign3A_12 : i32
    %sign3A_14 = arith.extui %sign3A_13 : i1 to i32
    %sign3A_15 = arith.constant 0 : i32
    %sign3A_16 = arith.cmpi slt, %jit3A, %sign3A_15 : i32
    %sign3A_17 = arith.extui %sign3A_16 : i1 to i32
    %sign3A_18 = arith.subi %sign3A_14, %sign3A_17 : i32
    %ne3A = arith.cmpi ne, %sign3A_11, %sign3A_18 : i32
    %rem3A = arith.remsi %sub3A_5, %jit3A : i32
    %ne3A_19 = arith.constant 0 : i32
    %ne3A_20 = arith.cmpi ne, %rem3A, %ne3A_19 : i32
    %and3A = arith.andi %ne3A, %ne3A_20 : i1
    %sub3A_21 = arith.constant 1 : i32
    %sub3A_22 = arith.subi %div3A, %sub3A_21 : i32
    %select_n3A = arith.select %and3A, %sub3A_22, %div3A : i32
    %while3A = arith.constant 0 : i32
    %while3A_23 = arith.subi %select_n3A, %while3A : i32
    %while3A_24 = arith.addi %while3A, %while3A_23 : i32
    %while3A_25 = arith.constant 1 : i32
    %while3A_26 = arith.divsi %while3A_23, %while3A_25 : i32
    %while3A_27 = arith.muli %while3A_26, %while3A_25 : i32
    %while3A_28 = arith.addi %while3A, %while3A_27 : i32
    %while3A_29 = arith.constant 1 : i32
    scf.for %while3A_46 = %while3A to %while3A_28 step %while3A_29  : i32 {
      %mul3A_47 = arith.constant 16 : i32
      %mul3A_48 = arith.muli %mul3A_47, %while3A_46 : i32
      %add3A_49 = arith.addi %arg1, %mul3A_48 : i32
      %mul3A_50 = arith.constant 80 : i32
      %mul3A_51 = arith.muli %mul3A_50, %add3A_49 : i32
      "tpu.region"() ({
        %run_scoped3A = tpu.sem_alloc : memref<!tpu.dma_semaphore, #tpu.memory_space<semaphore_mem>>
        %dma_start3A = arith.constant 0 : i32
        %dma_start3A_52 = tpu.memref_slice %arg11[%mul3A_51, %dma_start3A] : memref<10000x16xf32, #tpu.memory_space<vmem_shared>> -> memref<80x16xf32, #tpu.memory_space<vmem_shared>>
        %dma_start3A_53 = arith.constant 0 : i32
        %dma_start3A_54 = tpu.memref_slice %arg11[%mul3A_51, %dma_start3A_53] : memref<10000x16xf32, #tpu.memory_space<vmem_shared>> -> memref<80x16xf32, #tpu.memory_space<vmem_shared>>
        tpu.enqueue_dma source(%arg10 : memref<80x16xf32, #tpu.memory_space<vmem>>) target(%dma_start3A_54 : memref<80x16xf32, #tpu.memory_space<vmem_shared>>) target_semaphore(%run_scoped3A : memref<!tpu.dma_semaphore, #tpu.memory_space<semaphore_mem>>)
        %dma_wait3A = arith.constant 0 : i32
        %dma_wait3A_55 = tpu.memref_slice %arg11[%mul3A_51, %dma_wait3A] : memref<10000x16xf32, #tpu.memory_space<vmem_shared>> -> memref<80x16xf32, #tpu.memory_space<vmem_shared>>
        %dma_wait3A_56 = arith.constant 0 : i32
        %dma_wait3A_57 = tpu.memref_slice %arg11[%mul3A_51, %dma_wait3A_56] : memref<10000x16xf32, #tpu.memory_space<vmem_shared>> -> memref<80x16xf32, #tpu.memory_space<vmem_shared>>
        tpu.wait_dma2 semaphore(%run_scoped3A : memref<!tpu.dma_semaphore, #tpu.memory_space<semaphore_mem>>) src(%arg10 : memref<80x16xf32, #tpu.memory_space<vmem>>) dst(%dma_wait3A_57 : memref<80x16xf32, #tpu.memory_space<vmem_shared>>)
        tpu.yield
      }) : () -> ()
    }
    %while3A_30 = arith.constant 1 : i32
    scf.for %while3A_46 = %while3A_28 to %while3A_24 step %while3A_30  : i32 {
      %mul3A_47 = arith.constant 16 : i32
      %mul3A_48 = arith.muli %mul3A_47, %while3A_46 : i32
      %add3A_49 = arith.addi %arg1, %mul3A_48 : i32
      %mul3A_50 = arith.constant 80 : i32
      %mul3A_51 = arith.muli %mul3A_50, %add3A_49 : i32
      "tpu.region"() ({
        %run_scoped3A = tpu.sem_alloc : memref<!tpu.dma_semaphore, #tpu.memory_space<semaphore_mem>>
        %dma_start3A = arith.constant 0 : i32
        %dma_start3A_52 = tpu.memref_slice %arg11[%mul3A_51, %dma_start3A] : memref<10000x16xf32, #tpu.memory_space<vmem_shared>> -> memref<80x16xf32, #tpu.memory_space<vmem_shared>>
        %dma_start3A_53 = arith.constant 0 : i32
        %dma_start3A_54 = tpu.memref_slice %arg11[%mul3A_51, %dma_start3A_53] : memref<10000x16xf32, #tpu.memory_space<vmem_shared>> -> memref<80x16xf32, #tpu.memory_space<vmem_shared>>
        tpu.enqueue_dma source(%arg10 : memref<80x16xf32, #tpu.memory_space<vmem>>) target(%dma_start3A_54 : memref<80x16xf32, #tpu.memory_space<vmem_shared>>) target_semaphore(%run_scoped3A : memref<!tpu.dma_semaphore, #tpu.memory_space<semaphore_mem>>)
        %dma_wait3A = arith.constant 0 : i32
        %dma_wait3A_55 = tpu.memref_slice %arg11[%mul3A_51, %dma_wait3A] : memref<10000x16xf32, #tpu.memory_space<vmem_shared>> -> memref<80x16xf32, #tpu.memory_space<vmem_shared>>
        %dma_wait3A_56 = arith.constant 0 : i32
        %dma_wait3A_57 = tpu.memref_slice %arg11[%mul3A_51, %dma_wait3A_56] : memref<10000x16xf32, #tpu.memory_space<vmem_shared>> -> memref<80x16xf32, #tpu.memory_space<vmem_shared>>
        tpu.wait_dma2 semaphore(%run_scoped3A : memref<!tpu.dma_semaphore, #tpu.memory_space<semaphore_mem>>) src(%arg10 : memref<80x16xf32, #tpu.memory_space<vmem>>) dst(%dma_wait3A_57 : memref<80x16xf32, #tpu.memory_space<vmem_shared>>)
        tpu.yield
      }) : () -> ()
    }
    %barrier3A = arith.constant 0 : index
    tpu.barrier barrier_id(%barrier3A)
    %scan3A_31 = arith.constant 0 : i32
    %scan3A_32 = arith.constant 5 : i32
    %scan3A_33 = arith.addi %scan3A_31, %scan3A_32 : i32
    %scan3A_34 = arith.constant 1 : i32
    scf.for %scan3A_46 = %scan3A_31 to %scan3A_33 step %scan3A_34  : i32 {
      "tpu.region"() ({
        %run_scoped3A = tpu.sem_alloc : memref<!tpu.dma_semaphore, #tpu.memory_space<semaphore_mem>>
        %dma_start3A = arith.constant 0 : i32
        %dma_start3A_52 = arith.constant 0 : i32
        %dma_start3A_53 = tpu.memref_slice %arg3[%add3A, %scan3A_46, %dma_start3A, %dma_start3A_52] : memref<32x5x25x80xi32, #tpu.memory_space<hbm>> -> memref<1x1x25x80xi32, #tpu.memory_space<hbm>>
        %dma_start3A_54 = tpu.memref_squeeze %dma_start3A_53 : memref<1x1x25x80xi32, #tpu.memory_space<hbm>> -> memref<25x80xi32, #tpu.memory_space<hbm>>
        %dma_start3A_55 = arith.constant 0 : i32
        %dma_start3A_56 = arith.constant 0 : i32
        %dma_start3A_57 = tpu.memref_slice %arg3[%add3A, %scan3A_46, %dma_start3A_55, %dma_start3A_56] : memref<32x5x25x80xi32, #tpu.memory_space<hbm>> -> memref<1x1x25x80xi32, #tpu.memory_space<hbm>>
        %dma_start3A_58 = tpu.memref_squeeze %dma_start3A_57 : memref<1x1x25x80xi32, #tpu.memory_space<hbm>> -> memref<25x80xi32, #tpu.memory_space<hbm>>
        tpu.enqueue_dma source(%dma_start3A_58 : memref<25x80xi32, #tpu.memory_space<hbm>>) target(%arg7 : memref<25x80xi32, #tpu.memory_space<vmem>>) target_semaphore(%run_scoped3A : memref<!tpu.dma_semaphore, #tpu.memory_space<semaphore_mem>>)
        %dma_wait3A = arith.constant 0 : i32
        %dma_wait3A_59 = arith.constant 0 : i32
        %dma_wait3A_60 = tpu.memref_slice %arg3[%add3A, %scan3A_46, %dma_wait3A, %dma_wait3A_59] : memref<32x5x25x80xi32, #tpu.memory_space<hbm>> -> memref<1x1x25x80xi32, #tpu.memory_space<hbm>>
        %dma_wait3A_61 = tpu.memref_squeeze %dma_wait3A_60 : memref<1x1x25x80xi32, #tpu.memory_space<hbm>> -> memref<25x80xi32, #tpu.memory_space<hbm>>
        %dma_wait3A_62 = arith.constant 0 : i32
        %dma_wait3A_63 = arith.constant 0 : i32
        %dma_wait3A_64 = tpu.memref_slice %arg3[%add3A, %scan3A_46, %dma_wait3A_62, %dma_wait3A_63] : memref<32x5x25x80xi32, #tpu.memory_space<hbm>> -> memref<1x1x25x80xi32, #tpu.memory_space<hbm>>
        %dma_wait3A_65 = tpu.memref_squeeze %dma_wait3A_64 : memref<1x1x25x80xi32, #tpu.memory_space<hbm>> -> memref<25x80xi32, #tpu.memory_space<hbm>>
        tpu.wait_dma2 semaphore(%run_scoped3A : memref<!tpu.dma_semaphore, #tpu.memory_space<semaphore_mem>>) src(%dma_wait3A_65 : memref<25x80xi32, #tpu.memory_space<hbm>>) dst(%arg7 : memref<25x80xi32, #tpu.memory_space<vmem>>)
        tpu.yield
      }) : () -> ()
      "tpu.region"() ({
        %run_scoped3A = tpu.sem_alloc : memref<!tpu.dma_semaphore, #tpu.memory_space<semaphore_mem>>
        %dma_start3A = arith.constant 0 : i32
        %dma_start3A_52 = arith.constant 0 : i32
        %dma_start3A_53 = tpu.memref_slice %arg4[%add3A, %scan3A_46, %dma_start3A, %dma_start3A_52] : memref<32x5x25x80xi32, #tpu.memory_space<hbm>> -> memref<1x1x25x80xi32, #tpu.memory_space<hbm>>
        %dma_start3A_54 = tpu.memref_squeeze %dma_start3A_53 : memref<1x1x25x80xi32, #tpu.memory_space<hbm>> -> memref<25x80xi32, #tpu.memory_space<hbm>>
        %dma_start3A_55 = arith.constant 0 : i32
        %dma_start3A_56 = arith.constant 0 : i32
        %dma_start3A_57 = tpu.memref_slice %arg4[%add3A, %scan3A_46, %dma_start3A_55, %dma_start3A_56] : memref<32x5x25x80xi32, #tpu.memory_space<hbm>> -> memref<1x1x25x80xi32, #tpu.memory_space<hbm>>
        %dma_start3A_58 = tpu.memref_squeeze %dma_start3A_57 : memref<1x1x25x80xi32, #tpu.memory_space<hbm>> -> memref<25x80xi32, #tpu.memory_space<hbm>>
        tpu.enqueue_dma source(%dma_start3A_58 : memref<25x80xi32, #tpu.memory_space<hbm>>) target(%arg8 : memref<25x80xi32, #tpu.memory_space<vmem>>) target_semaphore(%run_scoped3A : memref<!tpu.dma_semaphore, #tpu.memory_space<semaphore_mem>>)
        %dma_wait3A = arith.constant 0 : i32
        %dma_wait3A_59 = arith.constant 0 : i32
        %dma_wait3A_60 = tpu.memref_slice %arg4[%add3A, %scan3A_46, %dma_wait3A, %dma_wait3A_59] : memref<32x5x25x80xi32, #tpu.memory_space<hbm>> -> memref<1x1x25x80xi32, #tpu.memory_space<hbm>>
        %dma_wait3A_61 = tpu.memref_squeeze %dma_wait3A_60 : memref<1x1x25x80xi32, #tpu.memory_space<hbm>> -> memref<25x80xi32, #tpu.memory_space<hbm>>
        %dma_wait3A_62 = arith.constant 0 : i32
        %dma_wait3A_63 = arith.constant 0 : i32
        %dma_wait3A_64 = tpu.memref_slice %arg4[%add3A, %scan3A_46, %dma_wait3A_62, %dma_wait3A_63] : memref<32x5x25x80xi32, #tpu.memory_space<hbm>> -> memref<1x1x25x80xi32, #tpu.memory_space<hbm>>
        %dma_wait3A_65 = tpu.memref_squeeze %dma_wait3A_64 : memref<1x1x25x80xi32, #tpu.memory_space<hbm>> -> memref<25x80xi32, #tpu.memory_space<hbm>>
        tpu.wait_dma2 semaphore(%run_scoped3A : memref<!tpu.dma_semaphore, #tpu.memory_space<semaphore_mem>>) src(%dma_wait3A_65 : memref<25x80xi32, #tpu.memory_space<hbm>>) dst(%arg8 : memref<25x80xi32, #tpu.memory_space<vmem>>)
        tpu.yield
      }) : () -> ()
      "tpu.region"() ({
        %run_scoped3A = tpu.sem_alloc : memref<!tpu.dma_semaphore, #tpu.memory_space<semaphore_mem>>
        %dma_start3A = arith.constant 0 : i32
        %dma_start3A_52 = arith.constant 0 : i32
        %dma_start3A_53 = tpu.memref_slice %arg5[%add3A, %scan3A_46, %dma_start3A, %dma_start3A_52] : memref<32x5x25x80xf32, #tpu.memory_space<hbm>> -> memref<1x1x25x80xf32, #tpu.memory_space<hbm>>
        %dma_start3A_54 = tpu.memref_squeeze %dma_start3A_53 : memref<1x1x25x80xf32, #tpu.memory_space<hbm>> -> memref<25x80xf32, #tpu.memory_space<hbm>>
        %dma_start3A_55 = arith.constant 0 : i32
        %dma_start3A_56 = arith.constant 0 : i32
        %dma_start3A_57 = tpu.memref_slice %arg5[%add3A, %scan3A_46, %dma_start3A_55, %dma_start3A_56] : memref<32x5x25x80xf32, #tpu.memory_space<hbm>> -> memref<1x1x25x80xf32, #tpu.memory_space<hbm>>
        %dma_start3A_58 = tpu.memref_squeeze %dma_start3A_57 : memref<1x1x25x80xf32, #tpu.memory_space<hbm>> -> memref<25x80xf32, #tpu.memory_space<hbm>>
        tpu.enqueue_dma source(%dma_start3A_58 : memref<25x80xf32, #tpu.memory_space<hbm>>) target(%arg9 : memref<25x80xf32, #tpu.memory_space<vmem>>) target_semaphore(%run_scoped3A : memref<!tpu.dma_semaphore, #tpu.memory_space<semaphore_mem>>)
        %dma_wait3A = arith.constant 0 : i32
        %dma_wait3A_59 = arith.constant 0 : i32
        %dma_wait3A_60 = tpu.memref_slice %arg5[%add3A, %scan3A_46, %dma_wait3A, %dma_wait3A_59] : memref<32x5x25x80xf32, #tpu.memory_space<hbm>> -> memref<1x1x25x80xf32, #tpu.memory_space<hbm>>
        %dma_wait3A_61 = tpu.memref_squeeze %dma_wait3A_60 : memref<1x1x25x80xf32, #tpu.memory_space<hbm>> -> memref<25x80xf32, #tpu.memory_space<hbm>>
        %dma_wait3A_62 = arith.constant 0 : i32
        %dma_wait3A_63 = arith.constant 0 : i32
        %dma_wait3A_64 = tpu.memref_slice %arg5[%add3A, %scan3A_46, %dma_wait3A_62, %dma_wait3A_63] : memref<32x5x25x80xf32, #tpu.memory_space<hbm>> -> memref<1x1x25x80xf32, #tpu.memory_space<hbm>>
        %dma_wait3A_65 = tpu.memref_squeeze %dma_wait3A_64 : memref<1x1x25x80xf32, #tpu.memory_space<hbm>> -> memref<25x80xf32, #tpu.memory_space<hbm>>
        tpu.wait_dma2 semaphore(%run_scoped3A : memref<!tpu.dma_semaphore, #tpu.memory_space<semaphore_mem>>) src(%dma_wait3A_65 : memref<25x80xf32, #tpu.memory_space<hbm>>) dst(%arg9 : memref<25x80xf32, #tpu.memory_space<vmem>>)
        tpu.yield
      }) : () -> ()
      %scan3A_47 = arith.constant 0 : i32
      %scan3A_48 = arith.constant 25 : i32
      %scan3A_49 = arith.addi %scan3A_47, %scan3A_48 : i32
      %scan3A_50 = arith.constant 1 : i32
      scf.for %scan3A_52 = %scan3A_47 to %scan3A_49 step %scan3A_50  : i32 {
        %dma_start3A = arith.constant 0 : i32
        %dma_start3A_53 = tpu.memref_slice %arg7[%scan3A_52, %dma_start3A] : memref<25x80xi32, #tpu.memory_space<vmem>> -> memref<1x80xi32, #tpu.memory_space<vmem>>
        %dma_start3A_54 = tpu.memref_squeeze %dma_start3A_53 : memref<1x80xi32, #tpu.memory_space<vmem>> -> memref<80xi32, #tpu.memory_space<vmem>>
        %dma_start3A_55 = arith.constant 0 : i32
        %dma_start3A_56 = arith.constant 0 : i32
        %dma_start3A_57 = tpu.memref_slice %arg2[%dma_start3A_55, %dma_start3A_56] : memref<10000x16xf32, #tpu.memory_space<hbm>> -> memref<10000x16xf32, #tpu.memory_space<hbm>>
        tpu.enqueue_indirect_dma source(%dma_start3A_57 : memref<10000x16xf32, #tpu.memory_space<hbm>>) target(%arg10 : memref<80x16xf32, #tpu.memory_space<vmem>>) offsets(%dma_start3A_54 : memref<80xi32, #tpu.memory_space<vmem>>) semaphore(%arg12 : memref<!tpu.dma_semaphore, #tpu.memory_space<semaphore_mem>>)
        %dma_wait3A = arith.constant 0 : i32
        %dma_wait3A_58 = tpu.memref_slice %arg7[%scan3A_52, %dma_wait3A] : memref<25x80xi32, #tpu.memory_space<vmem>> -> memref<1x80xi32, #tpu.memory_space<vmem>>
        %dma_wait3A_59 = tpu.memref_squeeze %dma_wait3A_58 : memref<1x80xi32, #tpu.memory_space<vmem>> -> memref<80xi32, #tpu.memory_space<vmem>>
        %dma_wait3A_60 = arith.constant 0 : i32
        %dma_wait3A_61 = arith.constant 0 : i32
        %dma_wait3A_62 = tpu.memref_slice %arg2[%dma_wait3A_60, %dma_wait3A_61] : memref<10000x16xf32, #tpu.memory_space<hbm>> -> memref<10000x16xf32, #tpu.memory_space<hbm>>
        tpu.wait_indirect_dma semaphore(%arg12 : memref<!tpu.dma_semaphore, #tpu.memory_space<semaphore_mem>>) src(%dma_wait3A_62 : memref<10000x16xf32, #tpu.memory_space<hbm>>) dst(%arg10 : memref<80x16xf32, #tpu.memory_space<vmem>>)
        %scan3A_63 = arith.constant 0 : i32
        %scan3A_64 = arith.constant 5 : i32
        %scan3A_65 = arith.addi %scan3A_63, %scan3A_64 : i32
        %scan3A_66 = arith.constant 1 : i32
        scf.for %scan3A_68 = %scan3A_63 to %scan3A_65 step %scan3A_66  : i32 {
          %mul3A_69 = arith.constant 16 : i32
          %mul3A_70 = arith.muli %mul3A_69, %scan3A_68 : i32
          %get3A = arith.index_cast %scan3A_52 : i32 to index
          %get3A_71 = arith.index_cast %mul3A_70 : i32 to index
          %get3A_72 = tpu.vector_load %arg9[%get3A, %get3A_71] {strides = array<i32>} : memref<25x80xf32, #tpu.memory_space<vmem>>, vector<1x16xf32>,
          %get3A_73 = vector.shape_cast %get3A_72 : vector<1x16xf32> to vector<16xf32>
          %slice3A = vector.extract_strided_slice %get3A_73 {offsets = [0], sizes = [1], strides = [1]} : vector<16xf32> to vector<1xf32>
          %squeeze3A = vector.extract %slice3A[0] : f32 from vector<1xf32>
          %mul3A_74 = arith.constant 16 : i32
          %mul3A_75 = arith.muli %mul3A_74, %scan3A_68 : i32
          %add3A_76 = arith.constant 0 : i32
          %add3A_77 = arith.addi %mul3A_75, %add3A_76 : i32
          %get3A_78 = arith.index_cast %add3A_77 : i32 to index
          %get3A_79 = arith.constant 0 : index
          %get3A_80 = tpu.vector_load %arg10[%get3A_78, %get3A_79] {strides = array<i32>} : memref<80x16xf32, #tpu.memory_space<vmem>>, vector<1x16xf32>,
          %get3A_81 = vector.shape_cast %get3A_80 : vector<1x16xf32> to vector<16xf32>
          %mul3A_82 = vector.broadcast %squeeze3A : f32 to vector<16xf32>
          %mul3A_83 = arith.mulf %get3A_81, %mul3A_82 : vector<16xf32>
          %swap3A = arith.index_cast %add3A_77 : i32 to index
          %swap3A_84 = arith.constant 0 : index
          %swap3A_85 = tpu.vector_load %arg10[%swap3A, %swap3A_84] {strides = array<i32>} : memref<80x16xf32, #tpu.memory_space<vmem>>, vector<1x16xf32>,
          %swap3A_86 = vector.shape_cast %swap3A_85 : vector<1x16xf32> to vector<16xf32>
          %swap3A_87 = vector.shape_cast %mul3A_83 : vector<16xf32> to vector<1x16xf32>
          tpu.vector_store %arg10[%swap3A, %swap3A_84], %swap3A_87 {strides = array<i32>} : memref<80x16xf32, #tpu.memory_space<vmem>>, vector<1x16xf32>,
          %slice3A_88 = vector.extract_strided_slice %get3A_73 {offsets = [1], sizes = [1], strides = [1]} : vector<16xf32> to vector<1xf32>
          %squeeze3A_89 = vector.extract %slice3A_88[0] : f32 from vector<1xf32>
          %mul3A_90 = arith.constant 16 : i32
          %mul3A_91 = arith.muli %mul3A_90, %scan3A_68 : i32
          %add3A_92 = arith.constant 1 : i32
          %add3A_93 = arith.addi %mul3A_91, %add3A_92 : i32
          %get3A_94 = arith.index_cast %add3A_93 : i32 to index
          %get3A_95 = arith.constant 0 : index
          %get3A_96 = tpu.vector_load %arg10[%get3A_94, %get3A_95] {strides = array<i32>} : memref<80x16xf32, #tpu.memory_space<vmem>>, vector<1x16xf32>,
          %get3A_97 = vector.shape_cast %get3A_96 : vector<1x16xf32> to vector<16xf32>
          %mul3A_98 = vector.broadcast %squeeze3A_89 : f32 to vector<16xf32>
          %mul3A_99 = arith.mulf %get3A_97, %mul3A_98 : vector<16xf32>
          %swap3A_100 = arith.index_cast %add3A_93 : i32 to index
          %swap3A_101 = arith.constant 0 : index
          %swap3A_102 = tpu.vector_load %arg10[%swap3A_100, %swap3A_101] {strides = array<i32>} : memref<80x16xf32, #tpu.memory_space<vmem>>, vector<1x16xf32>,
          %swap3A_103 = vector.shape_cast %swap3A_102 : vector<1x16xf32> to vector<16xf32>
          %swap3A_104 = vector.shape_cast %mul3A_99 : vector<16xf32> to vector<1x16xf32>
          tpu.vector_store %arg10[%swap3A_100, %swap3A_101], %swap3A_104 {strides = array<i32>} : memref<80x16xf32, #tpu.memory_space<vmem>>, vector<1x16xf32>,
          %slice3A_105 = vector.extract_strided_slice %get3A_73 {offsets = [2], sizes = [1], strides = [1]} : vector<16xf32> to vector<1xf32>
          %squeeze3A_106 = vector.extract %slice3A_105[0] : f32 from vector<1xf32>
          %mul3A_107 = arith.constant 16 : i32
          %mul3A_108 = arith.muli %mul3A_107, %scan3A_68 : i32
          %add3A_109 = arith.constant 2 : i32
          %add3A_110 = arith.addi %mul3A_108, %add3A_109 : i32
          %get3A_111 = arith.index_cast %add3A_110 : i32 to index
          %get3A_112 = arith.constant 0 : index
          %get3A_113 = tpu.vector_load %arg10[%get3A_111, %get3A_112] {strides = array<i32>} : memref<80x16xf32, #tpu.memory_space<vmem>>, vector<1x16xf32>,
          %get3A_114 = vector.shape_cast %get3A_113 : vector<1x16xf32> to vector<16xf32>
          %mul3A_115 = vector.broadcast %squeeze3A_106 : f32 to vector<16xf32>
          %mul3A_116 = arith.mulf %get3A_114, %mul3A_115 : vector<16xf32>
          %swap3A_117 = arith.index_cast %add3A_110 : i32 to index
          %swap3A_118 = arith.constant 0 : index
          %swap3A_119 = tpu.vector_load %arg10[%swap3A_117, %swap3A_118] {strides = array<i32>} : memref<80x16xf32, #tpu.memory_space<vmem>>, vector<1x16xf32>,
          %swap3A_120 = vector.shape_cast %swap3A_119 : vector<1x16xf32> to vector<16xf32>
          %swap3A_121 = vector.shape_cast %mul3A_116 : vector<16xf32> to vector<1x16xf32>
          tpu.vector_store %arg10[%swap3A_117, %swap3A_118], %swap3A_121 {strides = array<i32>} : memref<80x16xf32, #tpu.memory_space<vmem>>, vector<1x16xf32>,
          %slice3A_122 = vector.extract_strided_slice %get3A_73 {offsets = [3], sizes = [1], strides = [1]} : vector<16xf32> to vector<1xf32>
          %squeeze3A_123 = vector.extract %slice3A_122[0] : f32 from vector<1xf32>
          %mul3A_124 = arith.constant 16 : i32
          %mul3A_125 = arith.muli %mul3A_124, %scan3A_68 : i32
          %add3A_126 = arith.constant 3 : i32
          %add3A_127 = arith.addi %mul3A_125, %add3A_126 : i32
          %get3A_128 = arith.index_cast %add3A_127 : i32 to index
          %get3A_129 = arith.constant 0 : index
          %get3A_130 = tpu.vector_load %arg10[%get3A_128, %get3A_129] {strides = array<i32>} : memref<80x16xf32, #tpu.memory_space<vmem>>, vector<1x16xf32>,
          %get3A_131 = vector.shape_cast %get3A_130 : vector<1x16xf32> to vector<16xf32>
          %mul3A_132 = vector.broadcast %squeeze3A_123 : f32 to vector<16xf32>
          %mul3A_133 = arith.mulf %get3A_131, %mul3A_132 : vector<16xf32>
          %swap3A_134 = arith.index_cast %add3A_127 : i32 to index
          %swap3A_135 = arith.constant 0 : index
          %swap3A_136 = tpu.vector_load %arg10[%swap3A_134, %swap3A_135] {strides = array<i32>} : memref<80x16xf32, #tpu.memory_space<vmem>>, vector<1x16xf32>,
          %swap3A_137 = vector.shape_cast %swap3A_136 : vector<1x16xf32> to vector<16xf32>
          %swap3A_138 = vector.shape_cast %mul3A_133 : vector<16xf32> to vector<1x16xf32>
          tpu.vector_store %arg10[%swap3A_134, %swap3A_135], %swap3A_138 {strides = array<i32>} : memref<80x16xf32, #tpu.memory_space<vmem>>, vector<1x16xf32>,
          %slice3A_139 = vector.extract_strided_slice %get3A_73 {offsets = [4], sizes = [1], strides = [1]} : vector<16xf32> to vector<1xf32>
          %squeeze3A_140 = vector.extract %slice3A_139[0] : f32 from vector<1xf32>
          %mul3A_141 = arith.constant 16 : i32
          %mul3A_142 = arith.muli %mul3A_141, %scan3A_68 : i32
          %add3A_143 = arith.constant 4 : i32
          %add3A_144 = arith.addi %mul3A_142, %add3A_143 : i32
          %get3A_145 = arith.index_cast %add3A_144 : i32 to index
          %get3A_146 = arith.constant 0 : index
          %get3A_147 = tpu.vector_load %arg10[%get3A_145, %get3A_146] {strides = array<i32>} : memref<80x16xf32, #tpu.memory_space<vmem>>, vector<1x16xf32>,
          %get3A_148 = vector.shape_cast %get3A_147 : vector<1x16xf32> to vector<16xf32>
          %mul3A_149 = vector.broadcast %squeeze3A_140 : f32 to vector<16xf32>
          %mul3A_150 = arith.mulf %get3A_148, %mul3A_149 : vector<16xf32>
          %swap3A_151 = arith.index_cast %add3A_144 : i32 to index
          %swap3A_152 = arith.constant 0 : index
          %swap3A_153 = tpu.vector_load %arg10[%swap3A_151, %swap3A_152] {strides = array<i32>} : memref<80x16xf32, #tpu.memory_space<vmem>>, vector<1x16xf32>,
          %swap3A_154 = vector.shape_cast %swap3A_153 : vector<1x16xf32> to vector<16xf32>
          %swap3A_155 = vector.shape_cast %mul3A_150 : vector<16xf32> to vector<1x16xf32>
          tpu.vector_store %arg10[%swap3A_151, %swap3A_152], %swap3A_155 {strides = array<i32>} : memref<80x16xf32, #tpu.memory_space<vmem>>, vector<1x16xf32>,
          %slice3A_156 = vector.extract_strided_slice %get3A_73 {offsets = [5], sizes = [1], strides = [1]} : vector<16xf32> to vector<1xf32>
          %squeeze3A_157 = vector.extract %slice3A_156[0] : f32 from vector<1xf32>
          %mul3A_158 = arith.constant 16 : i32
          %mul3A_159 = arith.muli %mul3A_158, %scan3A_68 : i32
          %add3A_160 = arith.constant 5 : i32
          %add3A_161 = arith.addi %mul3A_159, %add3A_160 : i32
          %get3A_162 = arith.index_cast %add3A_161 : i32 to index
          %get3A_163 = arith.constant 0 : index
          %get3A_164 = tpu.vector_load %arg10[%get3A_162, %get3A_163] {strides = array<i32>} : memref<80x16xf32, #tpu.memory_space<vmem>>, vector<1x16xf32>,
          %get3A_165 = vector.shape_cast %get3A_164 : vector<1x16xf32> to vector<16xf32>
          %mul3A_166 = vector.broadcast %squeeze3A_157 : f32 to vector<16xf32>
          %mul3A_167 = arith.mulf %get3A_165, %mul3A_166 : vector<16xf32>
          %swap3A_168 = arith.index_cast %add3A_161 : i32 to index
          %swap3A_169 = arith.constant 0 : index
          %swap3A_170 = tpu.vector_load %arg10[%swap3A_168, %swap3A_169] {strides = array<i32>} : memref<80x16xf32, #tpu.memory_space<vmem>>, vector<1x16xf32>,
          %swap3A_171 = vector.shape_cast %swap3A_170 : vector<1x16xf32> to vector<16xf32>
          %swap3A_172 = vector.shape_cast %mul3A_167 : vector<16xf32> to vector<1x16xf32>
          tpu.vector_store %arg10[%swap3A_168, %swap3A_169], %swap3A_172 {strides = array<i32>} : memref<80x16xf32, #tpu.memory_space<vmem>>, vector<1x16xf32>,
          %slice3A_173 = vector.extract_strided_slice %get3A_73 {offsets = [6], sizes = [1], strides = [1]} : vector<16xf32> to vector<1xf32>
          %squeeze3A_174 = vector.extract %slice3A_173[0] : f32 from vector<1xf32>
          %mul3A_175 = arith.constant 16 : i32
          %mul3A_176 = arith.muli %mul3A_175, %scan3A_68 : i32
          %add3A_177 = arith.constant 6 : i32
          %add3A_178 = arith.addi %mul3A_176, %add3A_177 : i32
          %get3A_179 = arith.index_cast %add3A_178 : i32 to index
          %get3A_180 = arith.constant 0 : index
          %get3A_181 = tpu.vector_load %arg10[%get3A_179, %get3A_180] {strides = array<i32>} : memref<80x16xf32, #tpu.memory_space<vmem>>, vector<1x16xf32>,
          %get3A_182 = vector.shape_cast %get3A_181 : vector<1x16xf32> to vector<16xf32>
          %mul3A_183 = vector.broadcast %squeeze3A_174 : f32 to vector<16xf32>
          %mul3A_184 = arith.mulf %get3A_182, %mul3A_183 : vector<16xf32>
          %swap3A_185 = arith.index_cast %add3A_178 : i32 to index
          %swap3A_186 = arith.constant 0 : index
          %swap3A_187 = tpu.vector_load %arg10[%swap3A_185, %swap3A_186] {strides = array<i32>} : memref<80x16xf32, #tpu.memory_space<vmem>>, vector<1x16xf32>,
          %swap3A_188 = vector.shape_cast %swap3A_187 : vector<1x16xf32> to vector<16xf32>
          %swap3A_189 = vector.shape_cast %mul3A_184 : vector<16xf32> to vector<1x16xf32>
          tpu.vector_store %arg10[%swap3A_185, %swap3A_186], %swap3A_189 {strides = array<i32>} : memref<80x16xf32, #tpu.memory_space<vmem>>, vector<1x16xf32>,
          %slice3A_190 = vector.extract_strided_slice %get3A_73 {offsets = [7], sizes = [1], strides = [1]} : vector<16xf32> to vector<1xf32>
          %squeeze3A_191 = vector.extract %slice3A_190[0] : f32 from vector<1xf32>
          %mul3A_192 = arith.constant 16 : i32
          %mul3A_193 = arith.muli %mul3A_192, %scan3A_68 : i32
          %add3A_194 = arith.constant 7 : i32
          %add3A_195 = arith.addi %mul3A_193, %add3A_194 : i32
          %get3A_196 = arith.index_cast %add3A_195 : i32 to index
          %get3A_197 = arith.constant 0 : index
          %get3A_198 = tpu.vector_load %arg10[%get3A_196, %get3A_197] {strides = array<i32>} : memref<80x16xf32, #tpu.memory_space<vmem>>, vector<1x16xf32>,
          %get3A_199 = vector.shape_cast %get3A_198 : vector<1x16xf32> to vector<16xf32>
          %mul3A_200 = vector.broadcast %squeeze3A_191 : f32 to vector<16xf32>
          %mul3A_201 = arith.mulf %get3A_199, %mul3A_200 : vector<16xf32>
          %swap3A_202 = arith.index_cast %add3A_195 : i32 to index
          %swap3A_203 = arith.constant 0 : index
          %swap3A_204 = tpu.vector_load %arg10[%swap3A_202, %swap3A_203] {strides = array<i32>} : memref<80x16xf32, #tpu.memory_space<vmem>>, vector<1x16xf32>,
          %swap3A_205 = vector.shape_cast %swap3A_204 : vector<1x16xf32> to vector<16xf32>
          %swap3A_206 = vector.shape_cast %mul3A_201 : vector<16xf32> to vector<1x16xf32>
          tpu.vector_store %arg10[%swap3A_202, %swap3A_203], %swap3A_206 {strides = array<i32>} : memref<80x16xf32, #tpu.memory_space<vmem>>, vector<1x16xf32>,
          %slice3A_207 = vector.extract_strided_slice %get3A_73 {offsets = [8], sizes = [1], strides = [1]} : vector<16xf32> to vector<1xf32>
          %squeeze3A_208 = vector.extract %slice3A_207[0] : f32 from vector<1xf32>
          %mul3A_209 = arith.constant 16 : i32
          %mul3A_210 = arith.muli %mul3A_209, %scan3A_68 : i32
          %add3A_211 = arith.constant 8 : i32
          %add3A_212 = arith.addi %mul3A_210, %add3A_211 : i32
          %get3A_213 = arith.index_cast %add3A_212 : i32 to index
          %get3A_214 = arith.constant 0 : index
          %get3A_215 = tpu.vector_load %arg10[%get3A_213, %get3A_214] {strides = array<i32>} : memref<80x16xf32, #tpu.memory_space<vmem>>, vector<1x16xf32>,
          %get3A_216 = vector.shape_cast %get3A_215 : vector<1x16xf32> to vector<16xf32>
          %mul3A_217 = vector.broadcast %squeeze3A_208 : f32 to vector<16xf32>
          %mul3A_218 = arith.mulf %get3A_216, %mul3A_217 : vector<16xf32>
          %swap3A_219 = arith.index_cast %add3A_212 : i32 to index
          %swap3A_220 = arith.constant 0 : index
          %swap3A_221 = tpu.vector_load %arg10[%swap3A_219, %swap3A_220] {strides = array<i32>} : memref<80x16xf32, #tpu.memory_space<vmem>>, vector<1x16xf32>,
          %swap3A_222 = vector.shape_cast %swap3A_221 : vector<1x16xf32> to vector<16xf32>
          %swap3A_223 = vector.shape_cast %mul3A_218 : vector<16xf32> to vector<1x16xf32>
          tpu.vector_store %arg10[%swap3A_219, %swap3A_220], %swap3A_223 {strides = array<i32>} : memref<80x16xf32, #tpu.memory_space<vmem>>, vector<1x16xf32>,
          %slice3A_224 = vector.extract_strided_slice %get3A_73 {offsets = [9], sizes = [1], strides = [1]} : vector<16xf32> to vector<1xf32>
          %squeeze3A_225 = vector.extract %slice3A_224[0] : f32 from vector<1xf32>
          %mul3A_226 = arith.constant 16 : i32
          %mul3A_227 = arith.muli %mul3A_226, %scan3A_68 : i32
          %add3A_228 = arith.constant 9 : i32
          %add3A_229 = arith.addi %mul3A_227, %add3A_228 : i32
          %get3A_230 = arith.index_cast %add3A_229 : i32 to index
          %get3A_231 = arith.constant 0 : index
          %get3A_232 = tpu.vector_load %arg10[%get3A_230, %get3A_231] {strides = array<i32>} : memref<80x16xf32, #tpu.memory_space<vmem>>, vector<1x16xf32>,
          %get3A_233 = vector.shape_cast %get3A_232 : vector<1x16xf32> to vector<16xf32>
          %mul3A_234 = vector.broadcast %squeeze3A_225 : f32 to vector<16xf32>
          %mul3A_235 = arith.mulf %get3A_233, %mul3A_234 : vector<16xf32>
          %swap3A_236 = arith.index_cast %add3A_229 : i32 to index
          %swap3A_237 = arith.constant 0 : index
          %swap3A_238 = tpu.vector_load %arg10[%swap3A_236, %swap3A_237] {strides = array<i32>} : memref<80x16xf32, #tpu.memory_space<vmem>>, vector<1x16xf32>,
          %swap3A_239 = vector.shape_cast %swap3A_238 : vector<1x16xf32> to vector<16xf32>
          %swap3A_240 = vector.shape_cast %mul3A_235 : vector<16xf32> to vector<1x16xf32>
          tpu.vector_store %arg10[%swap3A_236, %swap3A_237], %swap3A_240 {strides = array<i32>} : memref<80x16xf32, #tpu.memory_space<vmem>>, vector<1x16xf32>,
          %slice3A_241 = vector.extract_strided_slice %get3A_73 {offsets = [10], sizes = [1], strides = [1]} : vector<16xf32> to vector<1xf32>
          %squeeze3A_242 = vector.extract %slice3A_241[0] : f32 from vector<1xf32>
          %mul3A_243 = arith.constant 16 : i32
          %mul3A_244 = arith.muli %mul3A_243, %scan3A_68 : i32
          %add3A_245 = arith.constant 10 : i32
          %add3A_246 = arith.addi %mul3A_244, %add3A_245 : i32
          %get3A_247 = arith.index_cast %add3A_246 : i32 to index
          %get3A_248 = arith.constant 0 : index
          %get3A_249 = tpu.vector_load %arg10[%get3A_247, %get3A_248] {strides = array<i32>} : memref<80x16xf32, #tpu.memory_space<vmem>>, vector<1x16xf32>,
          %get3A_250 = vector.shape_cast %get3A_249 : vector<1x16xf32> to vector<16xf32>
          %mul3A_251 = vector.broadcast %squeeze3A_242 : f32 to vector<16xf32>
          %mul3A_252 = arith.mulf %get3A_250, %mul3A_251 : vector<16xf32>
          %swap3A_253 = arith.index_cast %add3A_246 : i32 to index
          %swap3A_254 = arith.constant 0 : index
          %swap3A_255 = tpu.vector_load %arg10[%swap3A_253, %swap3A_254] {strides = array<i32>} : memref<80x16xf32, #tpu.memory_space<vmem>>, vector<1x16xf32>,
          %swap3A_256 = vector.shape_cast %swap3A_255 : vector<1x16xf32> to vector<16xf32>
          %swap3A_257 = vector.shape_cast %mul3A_252 : vector<16xf32> to vector<1x16xf32>
          tpu.vector_store %arg10[%swap3A_253, %swap3A_254], %swap3A_257 {strides = array<i32>} : memref<80x16xf32, #tpu.memory_space<vmem>>, vector<1x16xf32>,
          %slice3A_258 = vector.extract_strided_slice %get3A_73 {offsets = [11], sizes = [1], strides = [1]} : vector<16xf32> to vector<1xf32>
          %squeeze3A_259 = vector.extract %slice3A_258[0] : f32 from vector<1xf32>
          %mul3A_260 = arith.constant 16 : i32
          %mul3A_261 = arith.muli %mul3A_260, %scan3A_68 : i32
          %add3A_262 = arith.constant 11 : i32
          %add3A_263 = arith.addi %mul3A_261, %add3A_262 : i32
          %get3A_264 = arith.index_cast %add3A_263 : i32 to index
          %get3A_265 = arith.constant 0 : index
          %get3A_266 = tpu.vector_load %arg10[%get3A_264, %get3A_265] {strides = array<i32>} : memref<80x16xf32, #tpu.memory_space<vmem>>, vector<1x16xf32>,
          %get3A_267 = vector.shape_cast %get3A_266 : vector<1x16xf32> to vector<16xf32>
          %mul3A_268 = vector.broadcast %squeeze3A_259 : f32 to vector<16xf32>
          %mul3A_269 = arith.mulf %get3A_267, %mul3A_268 : vector<16xf32>
          %swap3A_270 = arith.index_cast %add3A_263 : i32 to index
          %swap3A_271 = arith.constant 0 : index
          %swap3A_272 = tpu.vector_load %arg10[%swap3A_270, %swap3A_271] {strides = array<i32>} : memref<80x16xf32, #tpu.memory_space<vmem>>, vector<1x16xf32>,
          %swap3A_273 = vector.shape_cast %swap3A_272 : vector<1x16xf32> to vector<16xf32>
          %swap3A_274 = vector.shape_cast %mul3A_269 : vector<16xf32> to vector<1x16xf32>
          tpu.vector_store %arg10[%swap3A_270, %swap3A_271], %swap3A_274 {strides = array<i32>} : memref<80x16xf32, #tpu.memory_space<vmem>>, vector<1x16xf32>,
          %slice3A_275 = vector.extract_strided_slice %get3A_73 {offsets = [12], sizes = [1], strides = [1]} : vector<16xf32> to vector<1xf32>
          %squeeze3A_276 = vector.extract %slice3A_275[0] : f32 from vector<1xf32>
          %mul3A_277 = arith.constant 16 : i32
          %mul3A_278 = arith.muli %mul3A_277, %scan3A_68 : i32
          %add3A_279 = arith.constant 12 : i32
          %add3A_280 = arith.addi %mul3A_278, %add3A_279 : i32
          %get3A_281 = arith.index_cast %add3A_280 : i32 to index
          %get3A_282 = arith.constant 0 : index
          %get3A_283 = tpu.vector_load %arg10[%get3A_281, %get3A_282] {strides = array<i32>} : memref<80x16xf32, #tpu.memory_space<vmem>>, vector<1x16xf32>,
          %get3A_284 = vector.shape_cast %get3A_283 : vector<1x16xf32> to vector<16xf32>
          %mul3A_285 = vector.broadcast %squeeze3A_276 : f32 to vector<16xf32>
          %mul3A_286 = arith.mulf %get3A_284, %mul3A_285 : vector<16xf32>
          %swap3A_287 = arith.index_cast %add3A_280 : i32 to index
          %swap3A_288 = arith.constant 0 : index
          %swap3A_289 = tpu.vector_load %arg10[%swap3A_287, %swap3A_288] {strides = array<i32>} : memref<80x16xf32, #tpu.memory_space<vmem>>, vector<1x16xf32>,
          %swap3A_290 = vector.shape_cast %swap3A_289 : vector<1x16xf32> to vector<16xf32>
          %swap3A_291 = vector.shape_cast %mul3A_286 : vector<16xf32> to vector<1x16xf32>
          tpu.vector_store %arg10[%swap3A_287, %swap3A_288], %swap3A_291 {strides = array<i32>} : memref<80x16xf32, #tpu.memory_space<vmem>>, vector<1x16xf32>,
          %slice3A_292 = vector.extract_strided_slice %get3A_73 {offsets = [13], sizes = [1], strides = [1]} : vector<16xf32> to vector<1xf32>
          %squeeze3A_293 = vector.extract %slice3A_292[0] : f32 from vector<1xf32>
          %mul3A_294 = arith.constant 16 : i32
          %mul3A_295 = arith.muli %mul3A_294, %scan3A_68 : i32
          %add3A_296 = arith.constant 13 : i32
          %add3A_297 = arith.addi %mul3A_295, %add3A_296 : i32
          %get3A_298 = arith.index_cast %add3A_297 : i32 to index
          %get3A_299 = arith.constant 0 : index
          %get3A_300 = tpu.vector_load %arg10[%get3A_298, %get3A_299] {strides = array<i32>} : memref<80x16xf32, #tpu.memory_space<vmem>>, vector<1x16xf32>,
          %get3A_301 = vector.shape_cast %get3A_300 : vector<1x16xf32> to vector<16xf32>
          %mul3A_302 = vector.broadcast %squeeze3A_293 : f32 to vector<16xf32>
          %mul3A_303 = arith.mulf %get3A_301, %mul3A_302 : vector<16xf32>
          %swap3A_304 = arith.index_cast %add3A_297 : i32 to index
          %swap3A_305 = arith.constant 0 : index
          %swap3A_306 = tpu.vector_load %arg10[%swap3A_304, %swap3A_305] {strides = array<i32>} : memref<80x16xf32, #tpu.memory_space<vmem>>, vector<1x16xf32>,
          %swap3A_307 = vector.shape_cast %swap3A_306 : vector<1x16xf32> to vector<16xf32>
          %swap3A_308 = vector.shape_cast %mul3A_303 : vector<16xf32> to vector<1x16xf32>
          tpu.vector_store %arg10[%swap3A_304, %swap3A_305], %swap3A_308 {strides = array<i32>} : memref<80x16xf32, #tpu.memory_space<vmem>>, vector<1x16xf32>,
          %slice3A_309 = vector.extract_strided_slice %get3A_73 {offsets = [14], sizes = [1], strides = [1]} : vector<16xf32> to vector<1xf32>
          %squeeze3A_310 = vector.extract %slice3A_309[0] : f32 from vector<1xf32>
          %mul3A_311 = arith.constant 16 : i32
          %mul3A_312 = arith.muli %mul3A_311, %scan3A_68 : i32
          %add3A_313 = arith.constant 14 : i32
          %add3A_314 = arith.addi %mul3A_312, %add3A_313 : i32
          %get3A_315 = arith.index_cast %add3A_314 : i32 to index
          %get3A_316 = arith.constant 0 : index
          %get3A_317 = tpu.vector_load %arg10[%get3A_315, %get3A_316] {strides = array<i32>} : memref<80x16xf32, #tpu.memory_space<vmem>>, vector<1x16xf32>,
          %get3A_318 = vector.shape_cast %get3A_317 : vector<1x16xf32> to vector<16xf32>
          %mul3A_319 = vector.broadcast %squeeze3A_310 : f32 to vector<16xf32>
          %mul3A_320 = arith.mulf %get3A_318, %mul3A_319 : vector<16xf32>
          %swap3A_321 = arith.index_cast %add3A_314 : i32 to index
          %swap3A_322 = arith.constant 0 : index
          %swap3A_323 = tpu.vector_load %arg10[%swap3A_321, %swap3A_322] {strides = array<i32>} : memref<80x16xf32, #tpu.memory_space<vmem>>, vector<1x16xf32>,
          %swap3A_324 = vector.shape_cast %swap3A_323 : vector<1x16xf32> to vector<16xf32>
          %swap3A_325 = vector.shape_cast %mul3A_320 : vector<16xf32> to vector<1x16xf32>
          tpu.vector_store %arg10[%swap3A_321, %swap3A_322], %swap3A_325 {strides = array<i32>} : memref<80x16xf32, #tpu.memory_space<vmem>>, vector<1x16xf32>,
          %slice3A_326 = vector.extract_strided_slice %get3A_73 {offsets = [15], sizes = [1], strides = [1]} : vector<16xf32> to vector<1xf32>
          %squeeze3A_327 = vector.extract %slice3A_326[0] : f32 from vector<1xf32>
          %mul3A_328 = arith.constant 16 : i32
          %mul3A_329 = arith.muli %mul3A_328, %scan3A_68 : i32
          %add3A_330 = arith.constant 15 : i32
          %add3A_331 = arith.addi %mul3A_329, %add3A_330 : i32
          %get3A_332 = arith.index_cast %add3A_331 : i32 to index
          %get3A_333 = arith.constant 0 : index
          %get3A_334 = tpu.vector_load %arg10[%get3A_332, %get3A_333] {strides = array<i32>} : memref<80x16xf32, #tpu.memory_space<vmem>>, vector<1x16xf32>,
          %get3A_335 = vector.shape_cast %get3A_334 : vector<1x16xf32> to vector<16xf32>
          %mul3A_336 = vector.broadcast %squeeze3A_327 : f32 to vector<16xf32>
          %mul3A_337 = arith.mulf %get3A_335, %mul3A_336 : vector<16xf32>
          %swap3A_338 = arith.index_cast %add3A_331 : i32 to index
          %swap3A_339 = arith.constant 0 : index
          %swap3A_340 = tpu.vector_load %arg10[%swap3A_338, %swap3A_339] {strides = array<i32>} : memref<80x16xf32, #tpu.memory_space<vmem>>, vector<1x16xf32>,
          %swap3A_341 = vector.shape_cast %swap3A_340 : vector<1x16xf32> to vector<16xf32>
          %swap3A_342 = vector.shape_cast %mul3A_337 : vector<16xf32> to vector<1x16xf32>
          tpu.vector_store %arg10[%swap3A_338, %swap3A_339], %swap3A_342 {strides = array<i32>} : memref<80x16xf32, #tpu.memory_space<vmem>>, vector<1x16xf32>,
        }
        %scan3A_67 = arith.constant 5 : i32
        "tpu.region"() ({
          %run_scoped3A = tpu.sem_alloc : memref<!tpu.dma_semaphore, #tpu.memory_space<semaphore_mem>>
          %dma_start3A_68 = arith.constant 0 : i32
          %dma_start3A_69 = tpu.memref_slice %arg8[%scan3A_52, %dma_start3A_68] : memref<25x80xi32, #tpu.memory_space<vmem>> -> memref<1x80xi32, #tpu.memory_space<vmem>>
          %dma_start3A_70 = tpu.memref_squeeze %dma_start3A_69 : memref<1x80xi32, #tpu.memory_space<vmem>> -> memref<80xi32, #tpu.memory_space<vmem>>
          %dma_start3A_71 = arith.constant 0 : i32
          %dma_start3A_72 = arith.constant 0 : i32
          %dma_start3A_73 = tpu.memref_slice %arg11[%dma_start3A_71, %dma_start3A_72] : memref<10000x16xf32, #tpu.memory_space<vmem_shared>> -> memref<10000x16xf32, #tpu.memory_space<vmem_shared>>
          tpu.enqueue_indirect_dma source(%arg10 : memref<80x16xf32, #tpu.memory_space<vmem>>) target(%dma_start3A_73 : memref<10000x16xf32, #tpu.memory_space<vmem_shared>>) offsets(%dma_start3A_70 : memref<80xi32, #tpu.memory_space<vmem>>) semaphore(%run_scoped3A : memref<!tpu.dma_semaphore, #tpu.memory_space<semaphore_mem>>) {add = true}
          %dma_wait3A_74 = arith.constant 0 : i32
          %dma_wait3A_75 = tpu.memref_slice %arg8[%scan3A_52, %dma_wait3A_74] : memref<25x80xi32, #tpu.memory_space<vmem>> -> memref<1x80xi32, #tpu.memory_space<vmem>>
          %dma_wait3A_76 = tpu.memref_squeeze %dma_wait3A_75 : memref<1x80xi32, #tpu.memory_space<vmem>> -> memref<80xi32, #tpu.memory_space<vmem>>
          %dma_wait3A_77 = arith.constant 0 : i32
          %dma_wait3A_78 = arith.constant 0 : i32
          %dma_wait3A_79 = tpu.memref_slice %arg11[%dma_wait3A_77, %dma_wait3A_78] : memref<10000x16xf32, #tpu.memory_space<vmem_shared>> -> memref<10000x16xf32, #tpu.memory_space<vmem_shared>>
          tpu.wait_indirect_dma semaphore(%run_scoped3A : memref<!tpu.dma_semaphore, #tpu.memory_space<semaphore_mem>>) src(%arg10 : memref<80x16xf32, #tpu.memory_space<vmem>>) dst(%dma_wait3A_79 : memref<10000x16xf32, #tpu.memory_space<vmem_shared>>)
          tpu.yield
        }) : () -> ()
      }
      %scan3A_51 = arith.constant 25 : i32
    }
    %scan3A_35 = arith.constant 5 : i32
    %barrier3A_36 = arith.constant 0 : index
    tpu.barrier barrier_id(%barrier3A_36)
    %while3A_37 = arith.constant 0 : i32
    %while3A_38 = arith.subi %select_n3A, %while3A_37 : i32
    %while3A_39 = arith.addi %while3A_37, %while3A_38 : i32
    %while3A_40 = arith.constant 1 : i32
    %while3A_41 = arith.divsi %while3A_38, %while3A_40 : i32
    %while3A_42 = arith.muli %while3A_41, %while3A_40 : i32
    %while3A_43 = arith.addi %while3A_37, %while3A_42 : i32
    %while3A_44 = arith.constant 1 : i32
    scf.for %while3A_46 = %while3A_37 to %while3A_43 step %while3A_44  : i32 {
      %mul3A_47 = arith.constant 16 : i32
      %mul3A_48 = arith.muli %mul3A_47, %while3A_46 : i32
      %add3A_49 = arith.addi %arg1, %mul3A_48 : i32
      %mul3A_50 = arith.constant 80 : i32
      %mul3A_51 = arith.muli %mul3A_50, %add3A_49 : i32
      %mul3A_52 = arith.constant 80 : i32
      %mul3A_53 = arith.muli %mul3A_52, %add3A_49 : i32
      "tpu.region"() ({
        %run_scoped3A = tpu.sem_alloc : memref<!tpu.dma_semaphore, #tpu.memory_space<semaphore_mem>>
        %dma_start3A = arith.constant 0 : i32
        %dma_start3A_54 = tpu.memref_slice %arg6[%arg0, %mul3A_53, %dma_start3A] : memref<2x10000x16xf32, #tpu.memory_space<hbm>> -> memref<1x80x16xf32, #tpu.memory_space<hbm>>
        %dma_start3A_55 = tpu.memref_squeeze %dma_start3A_54 : memref<1x80x16xf32, #tpu.memory_space<hbm>> -> memref<80x16xf32, #tpu.memory_space<hbm>>
        %dma_start3A_56 = arith.constant 0 : i32
        %dma_start3A_57 = tpu.memref_slice %arg11[%mul3A_51, %dma_start3A_56] : memref<10000x16xf32, #tpu.memory_space<vmem_shared>> -> memref<80x16xf32, #tpu.memory_space<vmem_shared>>
        tpu.enqueue_dma source(%dma_start3A_57 : memref<80x16xf32, #tpu.memory_space<vmem_shared>>) target(%dma_start3A_55 : memref<80x16xf32, #tpu.memory_space<hbm>>) target_semaphore(%run_scoped3A : memref<!tpu.dma_semaphore, #tpu.memory_space<semaphore_mem>>)
        %dma_wait3A = arith.constant 0 : i32
        %dma_wait3A_58 = tpu.memref_slice %arg6[%arg0, %mul3A_53, %dma_wait3A] : memref<2x10000x16xf32, #tpu.memory_space<hbm>> -> memref<1x80x16xf32, #tpu.memory_space<hbm>>
        %dma_wait3A_59 = tpu.memref_squeeze %dma_wait3A_58 : memref<1x80x16xf32, #tpu.memory_space<hbm>> -> memref<80x16xf32, #tpu.memory_space<hbm>>
        %dma_wait3A_60 = arith.constant 0 : i32
        %dma_wait3A_61 = tpu.memref_slice %arg11[%mul3A_51, %dma_wait3A_60] : memref<10000x16xf32, #tpu.memory_space<vmem_shared>> -> memref<80x16xf32, #tpu.memory_space<vmem_shared>>
        tpu.wait_dma2 semaphore(%run_scoped3A : memref<!tpu.dma_semaphore, #tpu.memory_space<semaphore_mem>>) src(%dma_wait3A_61 : memref<80x16xf32, #tpu.memory_space<vmem_shared>>) dst(%dma_wait3A_59 : memref<80x16xf32, #tpu.memory_space<hbm>>)
        tpu.yield
      }) : () -> ()
    }
    %while3A_45 = arith.constant 1 : i32
    scf.for %while3A_46 = %while3A_43 to %while3A_39 step %while3A_45  : i32 {
      %mul3A_47 = arith.constant 16 : i32
      %mul3A_48 = arith.muli %mul3A_47, %while3A_46 : i32
      %add3A_49 = arith.addi %arg1, %mul3A_48 : i32
      %mul3A_50 = arith.constant 80 : i32
      %mul3A_51 = arith.muli %mul3A_50, %add3A_49 : i32
      %mul3A_52 = arith.constant 80 : i32
      %mul3A_53 = arith.muli %mul3A_52, %add3A_49 : i32
      "tpu.region"() ({
        %run_scoped3A = tpu.sem_alloc : memref<!tpu.dma_semaphore, #tpu.memory_space<semaphore_mem>>
        %dma_start3A = arith.constant 0 : i32
        %dma_start3A_54 = tpu.memref_slice %arg6[%arg0, %mul3A_53, %dma_start3A] : memref<2x10000x16xf32, #tpu.memory_space<hbm>> -> memref<1x80x16xf32, #tpu.memory_space<hbm>>
        %dma_start3A_55 = tpu.memref_squeeze %dma_start3A_54 : memref<1x80x16xf32, #tpu.memory_space<hbm>> -> memref<80x16xf32, #tpu.memory_space<hbm>>
        %dma_start3A_56 = arith.constant 0 : i32
        %dma_start3A_57 = tpu.memref_slice %arg11[%mul3A_51, %dma_start3A_56] : memref<10000x16xf32, #tpu.memory_space<vmem_shared>> -> memref<80x16xf32, #tpu.memory_space<vmem_shared>>
        tpu.enqueue_dma source(%dma_start3A_57 : memref<80x16xf32, #tpu.memory_space<vmem_shared>>) target(%dma_start3A_55 : memref<80x16xf32, #tpu.memory_space<hbm>>) target_semaphore(%run_scoped3A : memref<!tpu.dma_semaphore, #tpu.memory_space<semaphore_mem>>)
        %dma_wait3A = arith.constant 0 : i32
        %dma_wait3A_58 = tpu.memref_slice %arg6[%arg0, %mul3A_53, %dma_wait3A] : memref<2x10000x16xf32, #tpu.memory_space<hbm>> -> memref<1x80x16xf32, #tpu.memory_space<hbm>>
        %dma_wait3A_59 = tpu.memref_squeeze %dma_wait3A_58 : memref<1x80x16xf32, #tpu.memory_space<hbm>> -> memref<80x16xf32, #tpu.memory_space<hbm>>
        %dma_wait3A_60 = arith.constant 0 : i32
        %dma_wait3A_61 = tpu.memref_slice %arg11[%mul3A_51, %dma_wait3A_60] : memref<10000x16xf32, #tpu.memory_space<vmem_shared>> -> memref<80x16xf32, #tpu.memory_space<vmem_shared>>
        tpu.wait_dma2 semaphore(%run_scoped3A : memref<!tpu.dma_semaphore, #tpu.memory_space<semaphore_mem>>) src(%dma_wait3A_61 : memref<80x16xf32, #tpu.memory_space<vmem_shared>>) dst(%dma_wait3A_59 : memref<80x16xf32, #tpu.memory_space<hbm>>)
        tpu.yield
      }) : () -> ()
    }
    return
  }
}

#map = affine_map<(d0, d1) -> (0, 0)>
#map1 = affine_map<(d0, d1) -> (0, 0, 0, 0)>
#map2 = affine_map<(d0, d1) -> (0, 0, 0)>
module attributes {stable_mosaic.version = 14 : i64} {
  func.func @_spmm_body(%arg0: i32, %arg1: i32, %arg2: memref<10000x128xf32, #tpu.memory_space<hbm>>, %arg3: memref<32x5x25x80xi32, #tpu.memory_space<hbm>>, %arg4: memref<32x5x25x80xi32, #tpu.memory_space<hbm>>, %arg5: memref<32x5x25x80xf32, #tpu.memory_space<hbm>>, %arg6: memref<2x10000x128xf32, #tpu.memory_space<hbm>>, %arg7: memref<25x80xi32, #tpu.memory_space<vmem>>, %arg8: memref<25x80xi32, #tpu.memory_space<vmem>>, %arg9: memref<25x80xf32, #tpu.memory_space<vmem>>, %arg10: memref<80x128xf32, #tpu.memory_space<vmem>>, %arg11: memref<10000x128xf32, #tpu.memory_space<vmem_shared>>, %arg12: memref<!tpu.dma_semaphore, #tpu.memory_space<semaphore_mem>>) attributes {dimension_semantics = [#tpu.dimension_semantics<core_parallel>, #tpu.dimension_semantics<subcore_parallel>], iteration_bounds = array<i64: 2, 16>, scalar_prefetch = 0 : i64, scratch_operands = 6 : i64, tpu.core_type = #tpu.core_type<sc_vector_subcore>, window_params = [{transform_indices = #map}, {transform_indices = #map1}, {transform_indices = #map1}, {transform_indices = #map1}, {transform_indices = #map2}]} {
    %mul3A = arith.constant 16 : i32
    %mul3A_0 = arith.muli %arg0, %mul3A : i32
    %add3A = arith.addi %mul3A_0, %arg1 : i32
    %scan3A = arith.constant 0 : i32
    %scan3A_1 = arith.constant 80 : i32
    %scan3A_2 = arith.addi %scan3A, %scan3A_1 : i32
    %scan3A_3 = arith.constant 1 : i32
    scf.for %scan3A_46 = %scan3A to %scan3A_2 step %scan3A_3  : i32 {
      %broadcast_in_dim3A = arith.constant 0.000000e+00 : f32
      %broadcast_in_dim3A_47 = vector.broadcast %broadcast_in_dim3A : f32 to vector<16xf32>
      %swap3A = arith.index_cast %scan3A_46 : i32 to index
      %swap3A_48 = arith.constant 0 : index
      %swap3A_49 = tpu.vector_load %arg10[%swap3A, %swap3A_48] {strides = array<i32>} : memref<80x128xf32, #tpu.memory_space<vmem>>, vector<1x16xf32>,
      %swap3A_50 = vector.shape_cast %swap3A_49 : vector<1x16xf32> to vector<16xf32>
      %swap3A_51 = vector.shape_cast %broadcast_in_dim3A_47 : vector<16xf32> to vector<1x16xf32>
      tpu.vector_store %arg10[%swap3A, %swap3A_48], %swap3A_51 {strides = array<i32>} : memref<80x128xf32, #tpu.memory_space<vmem>>, vector<1x16xf32>,
      %broadcast_in_dim3A_52 = arith.constant 0.000000e+00 : f32
      %broadcast_in_dim3A_53 = vector.broadcast %broadcast_in_dim3A_52 : f32 to vector<16xf32>
      %swap3A_54 = arith.index_cast %scan3A_46 : i32 to index
      %swap3A_55 = arith.constant 16 : index
      %swap3A_56 = tpu.vector_load %arg10[%swap3A_54, %swap3A_55] {strides = array<i32>} : memref<80x128xf32, #tpu.memory_space<vmem>>, vector<1x16xf32>,
      %swap3A_57 = vector.shape_cast %swap3A_56 : vector<1x16xf32> to vector<16xf32>
      %swap3A_58 = vector.shape_cast %broadcast_in_dim3A_53 : vector<16xf32> to vector<1x16xf32>
      tpu.vector_store %arg10[%swap3A_54, %swap3A_55], %swap3A_58 {strides = array<i32>} : memref<80x128xf32, #tpu.memory_space<vmem>>, vector<1x16xf32>,
      %broadcast_in_dim3A_59 = arith.constant 0.000000e+00 : f32
      %broadcast_in_dim3A_60 = vector.broadcast %broadcast_in_dim3A_59 : f32 to vector<16xf32>
      %swap3A_61 = arith.index_cast %scan3A_46 : i32 to index
      %swap3A_62 = arith.constant 32 : index
      %swap3A_63 = tpu.vector_load %arg10[%swap3A_61, %swap3A_62] {strides = array<i32>} : memref<80x128xf32, #tpu.memory_space<vmem>>, vector<1x16xf32>,
      %swap3A_64 = vector.shape_cast %swap3A_63 : vector<1x16xf32> to vector<16xf32>
      %swap3A_65 = vector.shape_cast %broadcast_in_dim3A_60 : vector<16xf32> to vector<1x16xf32>
      tpu.vector_store %arg10[%swap3A_61, %swap3A_62], %swap3A_65 {strides = array<i32>} : memref<80x128xf32, #tpu.memory_space<vmem>>, vector<1x16xf32>,
      %broadcast_in_dim3A_66 = arith.constant 0.000000e+00 : f32
      %broadcast_in_dim3A_67 = vector.broadcast %broadcast_in_dim3A_66 : f32 to vector<16xf32>
      %swap3A_68 = arith.index_cast %scan3A_46 : i32 to index
      %swap3A_69 = arith.constant 48 : index
      %swap3A_70 = tpu.vector_load %arg10[%swap3A_68, %swap3A_69] {strides = array<i32>} : memref<80x128xf32, #tpu.memory_space<vmem>>, vector<1x16xf32>,
      %swap3A_71 = vector.shape_cast %swap3A_70 : vector<1x16xf32> to vector<16xf32>
      %swap3A_72 = vector.shape_cast %broadcast_in_dim3A_67 : vector<16xf32> to vector<1x16xf32>
      tpu.vector_store %arg10[%swap3A_68, %swap3A_69], %swap3A_72 {strides = array<i32>} : memref<80x128xf32, #tpu.memory_space<vmem>>, vector<1x16xf32>,
      %broadcast_in_dim3A_73 = arith.constant 0.000000e+00 : f32
      %broadcast_in_dim3A_74 = vector.broadcast %broadcast_in_dim3A_73 : f32 to vector<16xf32>
      %swap3A_75 = arith.index_cast %scan3A_46 : i32 to index
      %swap3A_76 = arith.constant 64 : index
      %swap3A_77 = tpu.vector_load %arg10[%swap3A_75, %swap3A_76] {strides = array<i32>} : memref<80x128xf32, #tpu.memory_space<vmem>>, vector<1x16xf32>,
      %swap3A_78 = vector.shape_cast %swap3A_77 : vector<1x16xf32> to vector<16xf32>
      %swap3A_79 = vector.shape_cast %broadcast_in_dim3A_74 : vector<16xf32> to vector<1x16xf32>
      tpu.vector_store %arg10[%swap3A_75, %swap3A_76], %swap3A_79 {strides = array<i32>} : memref<80x128xf32, #tpu.memory_space<vmem>>, vector<1x16xf32>,
      %broadcast_in_dim3A_80 = arith.constant 0.000000e+00 : f32
      %broadcast_in_dim3A_81 = vector.broadcast %broadcast_in_dim3A_80 : f32 to vector<16xf32>
      %swap3A_82 = arith.index_cast %scan3A_46 : i32 to index
      %swap3A_83 = arith.constant 80 : index
      %swap3A_84 = tpu.vector_load %arg10[%swap3A_82, %swap3A_83] {strides = array<i32>} : memref<80x128xf32, #tpu.memory_space<vmem>>, vector<1x16xf32>,
      %swap3A_85 = vector.shape_cast %swap3A_84 : vector<1x16xf32> to vector<16xf32>
      %swap3A_86 = vector.shape_cast %broadcast_in_dim3A_81 : vector<16xf32> to vector<1x16xf32>
      tpu.vector_store %arg10[%swap3A_82, %swap3A_83], %swap3A_86 {strides = array<i32>} : memref<80x128xf32, #tpu.memory_space<vmem>>, vector<1x16xf32>,
      %broadcast_in_dim3A_87 = arith.constant 0.000000e+00 : f32
      %broadcast_in_dim3A_88 = vector.broadcast %broadcast_in_dim3A_87 : f32 to vector<16xf32>
      %swap3A_89 = arith.index_cast %scan3A_46 : i32 to index
      %swap3A_90 = arith.constant 96 : index
      %swap3A_91 = tpu.vector_load %arg10[%swap3A_89, %swap3A_90] {strides = array<i32>} : memref<80x128xf32, #tpu.memory_space<vmem>>, vector<1x16xf32>,
      %swap3A_92 = vector.shape_cast %swap3A_91 : vector<1x16xf32> to vector<16xf32>
      %swap3A_93 = vector.shape_cast %broadcast_in_dim3A_88 : vector<16xf32> to vector<1x16xf32>
      tpu.vector_store %arg10[%swap3A_89, %swap3A_90], %swap3A_93 {strides = array<i32>} : memref<80x128xf32, #tpu.memory_space<vmem>>, vector<1x16xf32>,
      %broadcast_in_dim3A_94 = arith.constant 0.000000e+00 : f32
      %broadcast_in_dim3A_95 = vector.broadcast %broadcast_in_dim3A_94 : f32 to vector<16xf32>
      %swap3A_96 = arith.index_cast %scan3A_46 : i32 to index
      %swap3A_97 = arith.constant 112 : index
      %swap3A_98 = tpu.vector_load %arg10[%swap3A_96, %swap3A_97] {strides = array<i32>} : memref<80x128xf32, #tpu.memory_space<vmem>>, vector<1x16xf32>,
      %swap3A_99 = vector.shape_cast %swap3A_98 : vector<1x16xf32> to vector<16xf32>
      %swap3A_100 = vector.shape_cast %broadcast_in_dim3A_95 : vector<16xf32> to vector<1x16xf32>
      tpu.vector_store %arg10[%swap3A_96, %swap3A_97], %swap3A_100 {strides = array<i32>} : memref<80x128xf32, #tpu.memory_space<vmem>>, vector<1x16xf32>,
    }
    %scan3A_4 = arith.constant 80 : i32
    %sub3A = arith.constant 140 : i32
    %sub3A_5 = arith.subi %sub3A, %arg1 : i32
    %jit3A = arith.constant 16 : i32
    %div3A = arith.divsi %sub3A_5, %jit3A : i32
    %sign3A = arith.constant 0 : i32
    %sign3A_6 = arith.cmpi sgt, %sub3A_5, %sign3A : i32
    %sign3A_7 = arith.extui %sign3A_6 : i1 to i32
    %sign3A_8 = arith.constant 0 : i32
    %sign3A_9 = arith.cmpi slt, %sub3A_5, %sign3A_8 : i32
    %sign3A_10 = arith.extui %sign3A_9 : i1 to i32
    %sign3A_11 = arith.subi %sign3A_7, %sign3A_10 : i32
    %sign3A_12 = arith.constant 0 : i32
    %sign3A_13 = arith.cmpi sgt, %jit3A, %sign3A_12 : i32
    %sign3A_14 = arith.extui %sign3A_13 : i1 to i32
    %sign3A_15 = arith.constant 0 : i32
    %sign3A_16 = arith.cmpi slt, %jit3A, %sign3A_15 : i32
    %sign3A_17 = arith.extui %sign3A_16 : i1 to i32
    %sign3A_18 = arith.subi %sign3A_14, %sign3A_17 : i32
    %ne3A = arith.cmpi ne, %sign3A_11, %sign3A_18 : i32
    %rem3A = arith.remsi %sub3A_5, %jit3A : i32
    %ne3A_19 = arith.constant 0 : i32
    %ne3A_20 = arith.cmpi ne, %rem3A, %ne3A_19 : i32
    %and3A = arith.andi %ne3A, %ne3A_20 : i1
    %sub3A_21 = arith.constant 1 : i32
    %sub3A_22 = arith.subi %div3A, %sub3A_21 : i32
    %select_n3A = arith.select %and3A, %sub3A_22, %div3A : i32
    %while3A = arith.constant 0 : i32
    %while3A_23 = arith.subi %select_n3A, %while3A : i32
    %while3A_24 = arith.addi %while3A, %while3A_23 : i32
    %while3A_25 = arith.constant 1 : i32
    %while3A_26 = arith.divsi %while3A_23, %while3A_25 : i32
    %while3A_27 = arith.muli %while3A_26, %while3A_25 : i32
    %while3A_28 = arith.addi %while3A, %while3A_27 : i32
    %while3A_29 = arith.constant 1 : i32
    scf.for %while3A_46 = %while3A to %while3A_28 step %while3A_29  : i32 {
      %mul3A_47 = arith.constant 16 : i32
      %mul3A_48 = arith.muli %mul3A_47, %while3A_46 : i32
      %add3A_49 = arith.addi %arg1, %mul3A_48 : i32
      %mul3A_50 = arith.constant 80 : i32
      %mul3A_51 = arith.muli %mul3A_50, %add3A_49 : i32
      "tpu.region"() ({
        %run_scoped3A = tpu.sem_alloc : memref<!tpu.dma_semaphore, #tpu.memory_space<semaphore_mem>>
        %dma_start3A = arith.constant 0 : i32
        %dma_start3A_52 = tpu.memref_slice %arg11[%mul3A_51, %dma_start3A] : memref<10000x128xf32, #tpu.memory_space<vmem_shared>> -> memref<80x128xf32, #tpu.memory_space<vmem_shared>>
        %dma_start3A_53 = arith.constant 0 : i32
        %dma_start3A_54 = tpu.memref_slice %arg11[%mul3A_51, %dma_start3A_53] : memref<10000x128xf32, #tpu.memory_space<vmem_shared>> -> memref<80x128xf32, #tpu.memory_space<vmem_shared>>
        tpu.enqueue_dma source(%arg10 : memref<80x128xf32, #tpu.memory_space<vmem>>) target(%dma_start3A_54 : memref<80x128xf32, #tpu.memory_space<vmem_shared>>) target_semaphore(%run_scoped3A : memref<!tpu.dma_semaphore, #tpu.memory_space<semaphore_mem>>)
        %dma_wait3A = arith.constant 0 : i32
        %dma_wait3A_55 = tpu.memref_slice %arg11[%mul3A_51, %dma_wait3A] : memref<10000x128xf32, #tpu.memory_space<vmem_shared>> -> memref<80x128xf32, #tpu.memory_space<vmem_shared>>
        %dma_wait3A_56 = arith.constant 0 : i32
        %dma_wait3A_57 = tpu.memref_slice %arg11[%mul3A_51, %dma_wait3A_56] : memref<10000x128xf32, #tpu.memory_space<vmem_shared>> -> memref<80x128xf32, #tpu.memory_space<vmem_shared>>
        tpu.wait_dma2 semaphore(%run_scoped3A : memref<!tpu.dma_semaphore, #tpu.memory_space<semaphore_mem>>) src(%arg10 : memref<80x128xf32, #tpu.memory_space<vmem>>) dst(%dma_wait3A_57 : memref<80x128xf32, #tpu.memory_space<vmem_shared>>)
        tpu.yield
      }) : () -> ()
    }
    %while3A_30 = arith.constant 1 : i32
    scf.for %while3A_46 = %while3A_28 to %while3A_24 step %while3A_30  : i32 {
      %mul3A_47 = arith.constant 16 : i32
      %mul3A_48 = arith.muli %mul3A_47, %while3A_46 : i32
      %add3A_49 = arith.addi %arg1, %mul3A_48 : i32
      %mul3A_50 = arith.constant 80 : i32
      %mul3A_51 = arith.muli %mul3A_50, %add3A_49 : i32
      "tpu.region"() ({
        %run_scoped3A = tpu.sem_alloc : memref<!tpu.dma_semaphore, #tpu.memory_space<semaphore_mem>>
        %dma_start3A = arith.constant 0 : i32
        %dma_start3A_52 = tpu.memref_slice %arg11[%mul3A_51, %dma_start3A] : memref<10000x128xf32, #tpu.memory_space<vmem_shared>> -> memref<80x128xf32, #tpu.memory_space<vmem_shared>>
        %dma_start3A_53 = arith.constant 0 : i32
        %dma_start3A_54 = tpu.memref_slice %arg11[%mul3A_51, %dma_start3A_53] : memref<10000x128xf32, #tpu.memory_space<vmem_shared>> -> memref<80x128xf32, #tpu.memory_space<vmem_shared>>
        tpu.enqueue_dma source(%arg10 : memref<80x128xf32, #tpu.memory_space<vmem>>) target(%dma_start3A_54 : memref<80x128xf32, #tpu.memory_space<vmem_shared>>) target_semaphore(%run_scoped3A : memref<!tpu.dma_semaphore, #tpu.memory_space<semaphore_mem>>)
        %dma_wait3A = arith.constant 0 : i32
        %dma_wait3A_55 = tpu.memref_slice %arg11[%mul3A_51, %dma_wait3A] : memref<10000x128xf32, #tpu.memory_space<vmem_shared>> -> memref<80x128xf32, #tpu.memory_space<vmem_shared>>
        %dma_wait3A_56 = arith.constant 0 : i32
        %dma_wait3A_57 = tpu.memref_slice %arg11[%mul3A_51, %dma_wait3A_56] : memref<10000x128xf32, #tpu.memory_space<vmem_shared>> -> memref<80x128xf32, #tpu.memory_space<vmem_shared>>
        tpu.wait_dma2 semaphore(%run_scoped3A : memref<!tpu.dma_semaphore, #tpu.memory_space<semaphore_mem>>) src(%arg10 : memref<80x128xf32, #tpu.memory_space<vmem>>) dst(%dma_wait3A_57 : memref<80x128xf32, #tpu.memory_space<vmem_shared>>)
        tpu.yield
      }) : () -> ()
    }
    %barrier3A = arith.constant 0 : index
    tpu.barrier barrier_id(%barrier3A)
    %scan3A_31 = arith.constant 0 : i32
    %scan3A_32 = arith.constant 5 : i32
    %scan3A_33 = arith.addi %scan3A_31, %scan3A_32 : i32
    %scan3A_34 = arith.constant 1 : i32
    scf.for %scan3A_46 = %scan3A_31 to %scan3A_33 step %scan3A_34  : i32 {
      "tpu.region"() ({
        %run_scoped3A = tpu.sem_alloc : memref<!tpu.dma_semaphore, #tpu.memory_space<semaphore_mem>>
        %dma_start3A = arith.constant 0 : i32
        %dma_start3A_52 = arith.constant 0 : i32
        %dma_start3A_53 = tpu.memref_slice %arg3[%add3A, %scan3A_46, %dma_start3A, %dma_start3A_52] : memref<32x5x25x80xi32, #tpu.memory_space<hbm>> -> memref<1x1x25x80xi32, #tpu.memory_space<hbm>>
        %dma_start3A_54 = tpu.memref_squeeze %dma_start3A_53 : memref<1x1x25x80xi32, #tpu.memory_space<hbm>> -> memref<25x80xi32, #tpu.memory_space<hbm>>
        %dma_start3A_55 = arith.constant 0 : i32
        %dma_start3A_56 = arith.constant 0 : i32
        %dma_start3A_57 = tpu.memref_slice %arg3[%add3A, %scan3A_46, %dma_start3A_55, %dma_start3A_56] : memref<32x5x25x80xi32, #tpu.memory_space<hbm>> -> memref<1x1x25x80xi32, #tpu.memory_space<hbm>>
        %dma_start3A_58 = tpu.memref_squeeze %dma_start3A_57 : memref<1x1x25x80xi32, #tpu.memory_space<hbm>> -> memref<25x80xi32, #tpu.memory_space<hbm>>
        tpu.enqueue_dma source(%dma_start3A_58 : memref<25x80xi32, #tpu.memory_space<hbm>>) target(%arg7 : memref<25x80xi32, #tpu.memory_space<vmem>>) target_semaphore(%run_scoped3A : memref<!tpu.dma_semaphore, #tpu.memory_space<semaphore_mem>>)
        %dma_wait3A = arith.constant 0 : i32
        %dma_wait3A_59 = arith.constant 0 : i32
        %dma_wait3A_60 = tpu.memref_slice %arg3[%add3A, %scan3A_46, %dma_wait3A, %dma_wait3A_59] : memref<32x5x25x80xi32, #tpu.memory_space<hbm>> -> memref<1x1x25x80xi32, #tpu.memory_space<hbm>>
        %dma_wait3A_61 = tpu.memref_squeeze %dma_wait3A_60 : memref<1x1x25x80xi32, #tpu.memory_space<hbm>> -> memref<25x80xi32, #tpu.memory_space<hbm>>
        %dma_wait3A_62 = arith.constant 0 : i32
        %dma_wait3A_63 = arith.constant 0 : i32
        %dma_wait3A_64 = tpu.memref_slice %arg3[%add3A, %scan3A_46, %dma_wait3A_62, %dma_wait3A_63] : memref<32x5x25x80xi32, #tpu.memory_space<hbm>> -> memref<1x1x25x80xi32, #tpu.memory_space<hbm>>
        %dma_wait3A_65 = tpu.memref_squeeze %dma_wait3A_64 : memref<1x1x25x80xi32, #tpu.memory_space<hbm>> -> memref<25x80xi32, #tpu.memory_space<hbm>>
        tpu.wait_dma2 semaphore(%run_scoped3A : memref<!tpu.dma_semaphore, #tpu.memory_space<semaphore_mem>>) src(%dma_wait3A_65 : memref<25x80xi32, #tpu.memory_space<hbm>>) dst(%arg7 : memref<25x80xi32, #tpu.memory_space<vmem>>)
        tpu.yield
      }) : () -> ()
      "tpu.region"() ({
        %run_scoped3A = tpu.sem_alloc : memref<!tpu.dma_semaphore, #tpu.memory_space<semaphore_mem>>
        %dma_start3A = arith.constant 0 : i32
        %dma_start3A_52 = arith.constant 0 : i32
        %dma_start3A_53 = tpu.memref_slice %arg4[%add3A, %scan3A_46, %dma_start3A, %dma_start3A_52] : memref<32x5x25x80xi32, #tpu.memory_space<hbm>> -> memref<1x1x25x80xi32, #tpu.memory_space<hbm>>
        %dma_start3A_54 = tpu.memref_squeeze %dma_start3A_53 : memref<1x1x25x80xi32, #tpu.memory_space<hbm>> -> memref<25x80xi32, #tpu.memory_space<hbm>>
        %dma_start3A_55 = arith.constant 0 : i32
        %dma_start3A_56 = arith.constant 0 : i32
        %dma_start3A_57 = tpu.memref_slice %arg4[%add3A, %scan3A_46, %dma_start3A_55, %dma_start3A_56] : memref<32x5x25x80xi32, #tpu.memory_space<hbm>> -> memref<1x1x25x80xi32, #tpu.memory_space<hbm>>
        %dma_start3A_58 = tpu.memref_squeeze %dma_start3A_57 : memref<1x1x25x80xi32, #tpu.memory_space<hbm>> -> memref<25x80xi32, #tpu.memory_space<hbm>>
        tpu.enqueue_dma source(%dma_start3A_58 : memref<25x80xi32, #tpu.memory_space<hbm>>) target(%arg8 : memref<25x80xi32, #tpu.memory_space<vmem>>) target_semaphore(%run_scoped3A : memref<!tpu.dma_semaphore, #tpu.memory_space<semaphore_mem>>)
        %dma_wait3A = arith.constant 0 : i32
        %dma_wait3A_59 = arith.constant 0 : i32
        %dma_wait3A_60 = tpu.memref_slice %arg4[%add3A, %scan3A_46, %dma_wait3A, %dma_wait3A_59] : memref<32x5x25x80xi32, #tpu.memory_space<hbm>> -> memref<1x1x25x80xi32, #tpu.memory_space<hbm>>
        %dma_wait3A_61 = tpu.memref_squeeze %dma_wait3A_60 : memref<1x1x25x80xi32, #tpu.memory_space<hbm>> -> memref<25x80xi32, #tpu.memory_space<hbm>>
        %dma_wait3A_62 = arith.constant 0 : i32
        %dma_wait3A_63 = arith.constant 0 : i32
        %dma_wait3A_64 = tpu.memref_slice %arg4[%add3A, %scan3A_46, %dma_wait3A_62, %dma_wait3A_63] : memref<32x5x25x80xi32, #tpu.memory_space<hbm>> -> memref<1x1x25x80xi32, #tpu.memory_space<hbm>>
        %dma_wait3A_65 = tpu.memref_squeeze %dma_wait3A_64 : memref<1x1x25x80xi32, #tpu.memory_space<hbm>> -> memref<25x80xi32, #tpu.memory_space<hbm>>
        tpu.wait_dma2 semaphore(%run_scoped3A : memref<!tpu.dma_semaphore, #tpu.memory_space<semaphore_mem>>) src(%dma_wait3A_65 : memref<25x80xi32, #tpu.memory_space<hbm>>) dst(%arg8 : memref<25x80xi32, #tpu.memory_space<vmem>>)
        tpu.yield
      }) : () -> ()
      "tpu.region"() ({
        %run_scoped3A = tpu.sem_alloc : memref<!tpu.dma_semaphore, #tpu.memory_space<semaphore_mem>>
        %dma_start3A = arith.constant 0 : i32
        %dma_start3A_52 = arith.constant 0 : i32
        %dma_start3A_53 = tpu.memref_slice %arg5[%add3A, %scan3A_46, %dma_start3A, %dma_start3A_52] : memref<32x5x25x80xf32, #tpu.memory_space<hbm>> -> memref<1x1x25x80xf32, #tpu.memory_space<hbm>>
        %dma_start3A_54 = tpu.memref_squeeze %dma_start3A_53 : memref<1x1x25x80xf32, #tpu.memory_space<hbm>> -> memref<25x80xf32, #tpu.memory_space<hbm>>
        %dma_start3A_55 = arith.constant 0 : i32
        %dma_start3A_56 = arith.constant 0 : i32
        %dma_start3A_57 = tpu.memref_slice %arg5[%add3A, %scan3A_46, %dma_start3A_55, %dma_start3A_56] : memref<32x5x25x80xf32, #tpu.memory_space<hbm>> -> memref<1x1x25x80xf32, #tpu.memory_space<hbm>>
        %dma_start3A_58 = tpu.memref_squeeze %dma_start3A_57 : memref<1x1x25x80xf32, #tpu.memory_space<hbm>> -> memref<25x80xf32, #tpu.memory_space<hbm>>
        tpu.enqueue_dma source(%dma_start3A_58 : memref<25x80xf32, #tpu.memory_space<hbm>>) target(%arg9 : memref<25x80xf32, #tpu.memory_space<vmem>>) target_semaphore(%run_scoped3A : memref<!tpu.dma_semaphore, #tpu.memory_space<semaphore_mem>>)
        %dma_wait3A = arith.constant 0 : i32
        %dma_wait3A_59 = arith.constant 0 : i32
        %dma_wait3A_60 = tpu.memref_slice %arg5[%add3A, %scan3A_46, %dma_wait3A, %dma_wait3A_59] : memref<32x5x25x80xf32, #tpu.memory_space<hbm>> -> memref<1x1x25x80xf32, #tpu.memory_space<hbm>>
        %dma_wait3A_61 = tpu.memref_squeeze %dma_wait3A_60 : memref<1x1x25x80xf32, #tpu.memory_space<hbm>> -> memref<25x80xf32, #tpu.memory_space<hbm>>
        %dma_wait3A_62 = arith.constant 0 : i32
        %dma_wait3A_63 = arith.constant 0 : i32
        %dma_wait3A_64 = tpu.memref_slice %arg5[%add3A, %scan3A_46, %dma_wait3A_62, %dma_wait3A_63] : memref<32x5x25x80xf32, #tpu.memory_space<hbm>> -> memref<1x1x25x80xf32, #tpu.memory_space<hbm>>
        %dma_wait3A_65 = tpu.memref_squeeze %dma_wait3A_64 : memref<1x1x25x80xf32, #tpu.memory_space<hbm>> -> memref<25x80xf32, #tpu.memory_space<hbm>>
        tpu.wait_dma2 semaphore(%run_scoped3A : memref<!tpu.dma_semaphore, #tpu.memory_space<semaphore_mem>>) src(%dma_wait3A_65 : memref<25x80xf32, #tpu.memory_space<hbm>>) dst(%arg9 : memref<25x80xf32, #tpu.memory_space<vmem>>)
        tpu.yield
      }) : () -> ()
      %scan3A_47 = arith.constant 0 : i32
      %scan3A_48 = arith.constant 25 : i32
      %scan3A_49 = arith.addi %scan3A_47, %scan3A_48 : i32
      %scan3A_50 = arith.constant 1 : i32
      scf.for %scan3A_52 = %scan3A_47 to %scan3A_49 step %scan3A_50  : i32 {
        %dma_start3A = arith.constant 0 : i32
        %dma_start3A_53 = tpu.memref_slice %arg7[%scan3A_52, %dma_start3A] : memref<25x80xi32, #tpu.memory_space<vmem>> -> memref<1x80xi32, #tpu.memory_space<vmem>>
        %dma_start3A_54 = tpu.memref_squeeze %dma_start3A_53 : memref<1x80xi32, #tpu.memory_space<vmem>> -> memref<80xi32, #tpu.memory_space<vmem>>
        %dma_start3A_55 = arith.constant 0 : i32
        %dma_start3A_56 = arith.constant 0 : i32
        %dma_start3A_57 = tpu.memref_slice %arg2[%dma_start3A_55, %dma_start3A_56] : memref<10000x128xf32, #tpu.memory_space<hbm>> -> memref<10000x128xf32, #tpu.memory_space<hbm>>
        tpu.enqueue_indirect_dma source(%dma_start3A_57 : memref<10000x128xf32, #tpu.memory_space<hbm>>) target(%arg10 : memref<80x128xf32, #tpu.memory_space<vmem>>) offsets(%dma_start3A_54 : memref<80xi32, #tpu.memory_space<vmem>>) semaphore(%arg12 : memref<!tpu.dma_semaphore, #tpu.memory_space<semaphore_mem>>)
        %dma_wait3A = arith.constant 0 : i32
        %dma_wait3A_58 = tpu.memref_slice %arg7[%scan3A_52, %dma_wait3A] : memref<25x80xi32, #tpu.memory_space<vmem>> -> memref<1x80xi32, #tpu.memory_space<vmem>>
        %dma_wait3A_59 = tpu.memref_squeeze %dma_wait3A_58 : memref<1x80xi32, #tpu.memory_space<vmem>> -> memref<80xi32, #tpu.memory_space<vmem>>
        %dma_wait3A_60 = arith.constant 0 : i32
        %dma_wait3A_61 = arith.constant 0 : i32
        %dma_wait3A_62 = tpu.memref_slice %arg2[%dma_wait3A_60, %dma_wait3A_61] : memref<10000x128xf32, #tpu.memory_space<hbm>> -> memref<10000x128xf32, #tpu.memory_space<hbm>>
        tpu.wait_indirect_dma semaphore(%arg12 : memref<!tpu.dma_semaphore, #tpu.memory_space<semaphore_mem>>) src(%dma_wait3A_62 : memref<10000x128xf32, #tpu.memory_space<hbm>>) dst(%arg10 : memref<80x128xf32, #tpu.memory_space<vmem>>)
        %scan3A_63 = arith.constant 0 : i32
        %scan3A_64 = arith.constant 5 : i32
        %scan3A_65 = arith.addi %scan3A_63, %scan3A_64 : i32
        %scan3A_66 = arith.constant 1 : i32
        scf.for %scan3A_68 = %scan3A_63 to %scan3A_65 step %scan3A_66  : i32 {
          %mul3A_69 = arith.constant 16 : i32
          %mul3A_70 = arith.muli %mul3A_69, %scan3A_68 : i32
          %get3A = arith.index_cast %scan3A_52 : i32 to index
          %get3A_71 = arith.index_cast %mul3A_70 : i32 to index
          %get3A_72 = tpu.vector_load %arg9[%get3A, %get3A_71] {strides = array<i32>} : memref<25x80xf32, #tpu.memory_space<vmem>>, vector<1x16xf32>,
          %get3A_73 = vector.shape_cast %get3A_72 : vector<1x16xf32> to vector<16xf32>
          %slice3A = vector.extract_strided_slice %get3A_73 {offsets = [0], sizes = [1], strides = [1]} : vector<16xf32> to vector<1xf32>
          %squeeze3A = vector.extract %slice3A[0] : f32 from vector<1xf32>
          %mul3A_74 = arith.constant 16 : i32
          %mul3A_75 = arith.muli %mul3A_74, %scan3A_68 : i32
          %add3A_76 = arith.constant 0 : i32
          %add3A_77 = arith.addi %mul3A_75, %add3A_76 : i32
          %get3A_78 = arith.index_cast %add3A_77 : i32 to index
          %get3A_79 = arith.constant 0 : index
          %get3A_80 = tpu.vector_load %arg10[%get3A_78, %get3A_79] {strides = array<i32>} : memref<80x128xf32, #tpu.memory_space<vmem>>, vector<1x16xf32>,
          %get3A_81 = vector.shape_cast %get3A_80 : vector<1x16xf32> to vector<16xf32>
          %mul3A_82 = vector.broadcast %squeeze3A : f32 to vector<16xf32>
          %mul3A_83 = arith.mulf %get3A_81, %mul3A_82 : vector<16xf32>
          %swap3A = arith.index_cast %add3A_77 : i32 to index
          %swap3A_84 = arith.constant 0 : index
          %swap3A_85 = tpu.vector_load %arg10[%swap3A, %swap3A_84] {strides = array<i32>} : memref<80x128xf32, #tpu.memory_space<vmem>>, vector<1x16xf32>,
          %swap3A_86 = vector.shape_cast %swap3A_85 : vector<1x16xf32> to vector<16xf32>
          %swap3A_87 = vector.shape_cast %mul3A_83 : vector<16xf32> to vector<1x16xf32>
          tpu.vector_store %arg10[%swap3A, %swap3A_84], %swap3A_87 {strides = array<i32>} : memref<80x128xf32, #tpu.memory_space<vmem>>, vector<1x16xf32>,
          %get3A_88 = arith.index_cast %add3A_77 : i32 to index
          %get3A_89 = arith.constant 16 : index
          %get3A_90 = tpu.vector_load %arg10[%get3A_88, %get3A_89] {strides = array<i32>} : memref<80x128xf32, #tpu.memory_space<vmem>>, vector<1x16xf32>,
          %get3A_91 = vector.shape_cast %get3A_90 : vector<1x16xf32> to vector<16xf32>
          %mul3A_92 = vector.broadcast %squeeze3A : f32 to vector<16xf32>
          %mul3A_93 = arith.mulf %get3A_91, %mul3A_92 : vector<16xf32>
          %swap3A_94 = arith.index_cast %add3A_77 : i32 to index
          %swap3A_95 = arith.constant 16 : index
          %swap3A_96 = tpu.vector_load %arg10[%swap3A_94, %swap3A_95] {strides = array<i32>} : memref<80x128xf32, #tpu.memory_space<vmem>>, vector<1x16xf32>,
          %swap3A_97 = vector.shape_cast %swap3A_96 : vector<1x16xf32> to vector<16xf32>
          %swap3A_98 = vector.shape_cast %mul3A_93 : vector<16xf32> to vector<1x16xf32>
          tpu.vector_store %arg10[%swap3A_94, %swap3A_95], %swap3A_98 {strides = array<i32>} : memref<80x128xf32, #tpu.memory_space<vmem>>, vector<1x16xf32>,
          %get3A_99 = arith.index_cast %add3A_77 : i32 to index
          %get3A_100 = arith.constant 32 : index
          %get3A_101 = tpu.vector_load %arg10[%get3A_99, %get3A_100] {strides = array<i32>} : memref<80x128xf32, #tpu.memory_space<vmem>>, vector<1x16xf32>,
          %get3A_102 = vector.shape_cast %get3A_101 : vector<1x16xf32> to vector<16xf32>
          %mul3A_103 = vector.broadcast %squeeze3A : f32 to vector<16xf32>
          %mul3A_104 = arith.mulf %get3A_102, %mul3A_103 : vector<16xf32>
          %swap3A_105 = arith.index_cast %add3A_77 : i32 to index
          %swap3A_106 = arith.constant 32 : index
          %swap3A_107 = tpu.vector_load %arg10[%swap3A_105, %swap3A_106] {strides = array<i32>} : memref<80x128xf32, #tpu.memory_space<vmem>>, vector<1x16xf32>,
          %swap3A_108 = vector.shape_cast %swap3A_107 : vector<1x16xf32> to vector<16xf32>
          %swap3A_109 = vector.shape_cast %mul3A_104 : vector<16xf32> to vector<1x16xf32>
          tpu.vector_store %arg10[%swap3A_105, %swap3A_106], %swap3A_109 {strides = array<i32>} : memref<80x128xf32, #tpu.memory_space<vmem>>, vector<1x16xf32>,
          %get3A_110 = arith.index_cast %add3A_77 : i32 to index
          %get3A_111 = arith.constant 48 : index
          %get3A_112 = tpu.vector_load %arg10[%get3A_110, %get3A_111] {strides = array<i32>} : memref<80x128xf32, #tpu.memory_space<vmem>>, vector<1x16xf32>,
          %get3A_113 = vector.shape_cast %get3A_112 : vector<1x16xf32> to vector<16xf32>
          %mul3A_114 = vector.broadcast %squeeze3A : f32 to vector<16xf32>
          %mul3A_115 = arith.mulf %get3A_113, %mul3A_114 : vector<16xf32>
          %swap3A_116 = arith.index_cast %add3A_77 : i32 to index
          %swap3A_117 = arith.constant 48 : index
          %swap3A_118 = tpu.vector_load %arg10[%swap3A_116, %swap3A_117] {strides = array<i32>} : memref<80x128xf32, #tpu.memory_space<vmem>>, vector<1x16xf32>,
          %swap3A_119 = vector.shape_cast %swap3A_118 : vector<1x16xf32> to vector<16xf32>
          %swap3A_120 = vector.shape_cast %mul3A_115 : vector<16xf32> to vector<1x16xf32>
          tpu.vector_store %arg10[%swap3A_116, %swap3A_117], %swap3A_120 {strides = array<i32>} : memref<80x128xf32, #tpu.memory_space<vmem>>, vector<1x16xf32>,
          %get3A_121 = arith.index_cast %add3A_77 : i32 to index
          %get3A_122 = arith.constant 64 : index
          %get3A_123 = tpu.vector_load %arg10[%get3A_121, %get3A_122] {strides = array<i32>} : memref<80x128xf32, #tpu.memory_space<vmem>>, vector<1x16xf32>,
          %get3A_124 = vector.shape_cast %get3A_123 : vector<1x16xf32> to vector<16xf32>
          %mul3A_125 = vector.broadcast %squeeze3A : f32 to vector<16xf32>
          %mul3A_126 = arith.mulf %get3A_124, %mul3A_125 : vector<16xf32>
          %swap3A_127 = arith.index_cast %add3A_77 : i32 to index
          %swap3A_128 = arith.constant 64 : index
          %swap3A_129 = tpu.vector_load %arg10[%swap3A_127, %swap3A_128] {strides = array<i32>} : memref<80x128xf32, #tpu.memory_space<vmem>>, vector<1x16xf32>,
          %swap3A_130 = vector.shape_cast %swap3A_129 : vector<1x16xf32> to vector<16xf32>
          %swap3A_131 = vector.shape_cast %mul3A_126 : vector<16xf32> to vector<1x16xf32>
          tpu.vector_store %arg10[%swap3A_127, %swap3A_128], %swap3A_131 {strides = array<i32>} : memref<80x128xf32, #tpu.memory_space<vmem>>, vector<1x16xf32>,
          %get3A_132 = arith.index_cast %add3A_77 : i32 to index
          %get3A_133 = arith.constant 80 : index
          %get3A_134 = tpu.vector_load %arg10[%get3A_132, %get3A_133] {strides = array<i32>} : memref<80x128xf32, #tpu.memory_space<vmem>>, vector<1x16xf32>,
          %get3A_135 = vector.shape_cast %get3A_134 : vector<1x16xf32> to vector<16xf32>
          %mul3A_136 = vector.broadcast %squeeze3A : f32 to vector<16xf32>
          %mul3A_137 = arith.mulf %get3A_135, %mul3A_136 : vector<16xf32>
          %swap3A_138 = arith.index_cast %add3A_77 : i32 to index
          %swap3A_139 = arith.constant 80 : index
          %swap3A_140 = tpu.vector_load %arg10[%swap3A_138, %swap3A_139] {strides = array<i32>} : memref<80x128xf32, #tpu.memory_space<vmem>>, vector<1x16xf32>,
          %swap3A_141 = vector.shape_cast %swap3A_140 : vector<1x16xf32> to vector<16xf32>
          %swap3A_142 = vector.shape_cast %mul3A_137 : vector<16xf32> to vector<1x16xf32>
          tpu.vector_store %arg10[%swap3A_138, %swap3A_139], %swap3A_142 {strides = array<i32>} : memref<80x128xf32, #tpu.memory_space<vmem>>, vector<1x16xf32>,
          %get3A_143 = arith.index_cast %add3A_77 : i32 to index
          %get3A_144 = arith.constant 96 : index
          %get3A_145 = tpu.vector_load %arg10[%get3A_143, %get3A_144] {strides = array<i32>} : memref<80x128xf32, #tpu.memory_space<vmem>>, vector<1x16xf32>,
          %get3A_146 = vector.shape_cast %get3A_145 : vector<1x16xf32> to vector<16xf32>
          %mul3A_147 = vector.broadcast %squeeze3A : f32 to vector<16xf32>
          %mul3A_148 = arith.mulf %get3A_146, %mul3A_147 : vector<16xf32>
          %swap3A_149 = arith.index_cast %add3A_77 : i32 to index
          %swap3A_150 = arith.constant 96 : index
          %swap3A_151 = tpu.vector_load %arg10[%swap3A_149, %swap3A_150] {strides = array<i32>} : memref<80x128xf32, #tpu.memory_space<vmem>>, vector<1x16xf32>,
          %swap3A_152 = vector.shape_cast %swap3A_151 : vector<1x16xf32> to vector<16xf32>
          %swap3A_153 = vector.shape_cast %mul3A_148 : vector<16xf32> to vector<1x16xf32>
          tpu.vector_store %arg10[%swap3A_149, %swap3A_150], %swap3A_153 {strides = array<i32>} : memref<80x128xf32, #tpu.memory_space<vmem>>, vector<1x16xf32>,
          %get3A_154 = arith.index_cast %add3A_77 : i32 to index
          %get3A_155 = arith.constant 112 : index
          %get3A_156 = tpu.vector_load %arg10[%get3A_154, %get3A_155] {strides = array<i32>} : memref<80x128xf32, #tpu.memory_space<vmem>>, vector<1x16xf32>,
          %get3A_157 = vector.shape_cast %get3A_156 : vector<1x16xf32> to vector<16xf32>
          %mul3A_158 = vector.broadcast %squeeze3A : f32 to vector<16xf32>
          %mul3A_159 = arith.mulf %get3A_157, %mul3A_158 : vector<16xf32>
          %swap3A_160 = arith.index_cast %add3A_77 : i32 to index
          %swap3A_161 = arith.constant 112 : index
          %swap3A_162 = tpu.vector_load %arg10[%swap3A_160, %swap3A_161] {strides = array<i32>} : memref<80x128xf32, #tpu.memory_space<vmem>>, vector<1x16xf32>,
          %swap3A_163 = vector.shape_cast %swap3A_162 : vector<1x16xf32> to vector<16xf32>
          %swap3A_164 = vector.shape_cast %mul3A_159 : vector<16xf32> to vector<1x16xf32>
          tpu.vector_store %arg10[%swap3A_160, %swap3A_161], %swap3A_164 {strides = array<i32>} : memref<80x128xf32, #tpu.memory_space<vmem>>, vector<1x16xf32>,
          %slice3A_165 = vector.extract_strided_slice %get3A_73 {offsets = [1], sizes = [1], strides = [1]} : vector<16xf32> to vector<1xf32>
          %squeeze3A_166 = vector.extract %slice3A_165[0] : f32 from vector<1xf32>
          %mul3A_167 = arith.constant 16 : i32
          %mul3A_168 = arith.muli %mul3A_167, %scan3A_68 : i32
          %add3A_169 = arith.constant 1 : i32
          %add3A_170 = arith.addi %mul3A_168, %add3A_169 : i32
          %get3A_171 = arith.index_cast %add3A_170 : i32 to index
          %get3A_172 = arith.constant 0 : index
          %get3A_173 = tpu.vector_load %arg10[%get3A_171, %get3A_172] {strides = array<i32>} : memref<80x128xf32, #tpu.memory_space<vmem>>, vector<1x16xf32>,
          %get3A_174 = vector.shape_cast %get3A_173 : vector<1x16xf32> to vector<16xf32>
          %mul3A_175 = vector.broadcast %squeeze3A_166 : f32 to vector<16xf32>
          %mul3A_176 = arith.mulf %get3A_174, %mul3A_175 : vector<16xf32>
          %swap3A_177 = arith.index_cast %add3A_170 : i32 to index
          %swap3A_178 = arith.constant 0 : index
          %swap3A_179 = tpu.vector_load %arg10[%swap3A_177, %swap3A_178] {strides = array<i32>} : memref<80x128xf32, #tpu.memory_space<vmem>>, vector<1x16xf32>,
          %swap3A_180 = vector.shape_cast %swap3A_179 : vector<1x16xf32> to vector<16xf32>
          %swap3A_181 = vector.shape_cast %mul3A_176 : vector<16xf32> to vector<1x16xf32>
          tpu.vector_store %arg10[%swap3A_177, %swap3A_178], %swap3A_181 {strides = array<i32>} : memref<80x128xf32, #tpu.memory_space<vmem>>, vector<1x16xf32>,
          %get3A_182 = arith.index_cast %add3A_170 : i32 to index
          %get3A_183 = arith.constant 16 : index
          %get3A_184 = tpu.vector_load %arg10[%get3A_182, %get3A_183] {strides = array<i32>} : memref<80x128xf32, #tpu.memory_space<vmem>>, vector<1x16xf32>,
          %get3A_185 = vector.shape_cast %get3A_184 : vector<1x16xf32> to vector<16xf32>
          %mul3A_186 = vector.broadcast %squeeze3A_166 : f32 to vector<16xf32>
          %mul3A_187 = arith.mulf %get3A_185, %mul3A_186 : vector<16xf32>
          %swap3A_188 = arith.index_cast %add3A_170 : i32 to index
          %swap3A_189 = arith.constant 16 : index
          %swap3A_190 = tpu.vector_load %arg10[%swap3A_188, %swap3A_189] {strides = array<i32>} : memref<80x128xf32, #tpu.memory_space<vmem>>, vector<1x16xf32>,
          %swap3A_191 = vector.shape_cast %swap3A_190 : vector<1x16xf32> to vector<16xf32>
          %swap3A_192 = vector.shape_cast %mul3A_187 : vector<16xf32> to vector<1x16xf32>
          tpu.vector_store %arg10[%swap3A_188, %swap3A_189], %swap3A_192 {strides = array<i32>} : memref<80x128xf32, #tpu.memory_space<vmem>>, vector<1x16xf32>,
          %get3A_193 = arith.index_cast %add3A_170 : i32 to index
          %get3A_194 = arith.constant 32 : index
          %get3A_195 = tpu.vector_load %arg10[%get3A_193, %get3A_194] {strides = array<i32>} : memref<80x128xf32, #tpu.memory_space<vmem>>, vector<1x16xf32>,
          %get3A_196 = vector.shape_cast %get3A_195 : vector<1x16xf32> to vector<16xf32>
          %mul3A_197 = vector.broadcast %squeeze3A_166 : f32 to vector<16xf32>
          %mul3A_198 = arith.mulf %get3A_196, %mul3A_197 : vector<16xf32>
          %swap3A_199 = arith.index_cast %add3A_170 : i32 to index
          %swap3A_200 = arith.constant 32 : index
          %swap3A_201 = tpu.vector_load %arg10[%swap3A_199, %swap3A_200] {strides = array<i32>} : memref<80x128xf32, #tpu.memory_space<vmem>>, vector<1x16xf32>,
          %swap3A_202 = vector.shape_cast %swap3A_201 : vector<1x16xf32> to vector<16xf32>
          %swap3A_203 = vector.shape_cast %mul3A_198 : vector<16xf32> to vector<1x16xf32>
          tpu.vector_store %arg10[%swap3A_199, %swap3A_200], %swap3A_203 {strides = array<i32>} : memref<80x128xf32, #tpu.memory_space<vmem>>, vector<1x16xf32>,
          %get3A_204 = arith.index_cast %add3A_170 : i32 to index
          %get3A_205 = arith.constant 48 : index
          %get3A_206 = tpu.vector_load %arg10[%get3A_204, %get3A_205] {strides = array<i32>} : memref<80x128xf32, #tpu.memory_space<vmem>>, vector<1x16xf32>,
          %get3A_207 = vector.shape_cast %get3A_206 : vector<1x16xf32> to vector<16xf32>
          %mul3A_208 = vector.broadcast %squeeze3A_166 : f32 to vector<16xf32>
          %mul3A_209 = arith.mulf %get3A_207, %mul3A_208 : vector<16xf32>
          %swap3A_210 = arith.index_cast %add3A_170 : i32 to index
          %swap3A_211 = arith.constant 48 : index
          %swap3A_212 = tpu.vector_load %arg10[%swap3A_210, %swap3A_211] {strides = array<i32>} : memref<80x128xf32, #tpu.memory_space<vmem>>, vector<1x16xf32>,
          %swap3A_213 = vector.shape_cast %swap3A_212 : vector<1x16xf32> to vector<16xf32>
          %swap3A_214 = vector.shape_cast %mul3A_209 : vector<16xf32> to vector<1x16xf32>
          tpu.vector_store %arg10[%swap3A_210, %swap3A_211], %swap3A_214 {strides = array<i32>} : memref<80x128xf32, #tpu.memory_space<vmem>>, vector<1x16xf32>,
          %get3A_215 = arith.index_cast %add3A_170 : i32 to index
          %get3A_216 = arith.constant 64 : index
          %get3A_217 = tpu.vector_load %arg10[%get3A_215, %get3A_216] {strides = array<i32>} : memref<80x128xf32, #tpu.memory_space<vmem>>, vector<1x16xf32>,
          %get3A_218 = vector.shape_cast %get3A_217 : vector<1x16xf32> to vector<16xf32>
          %mul3A_219 = vector.broadcast %squeeze3A_166 : f32 to vector<16xf32>
          %mul3A_220 = arith.mulf %get3A_218, %mul3A_219 : vector<16xf32>
          %swap3A_221 = arith.index_cast %add3A_170 : i32 to index
          %swap3A_222 = arith.constant 64 : index
          %swap3A_223 = tpu.vector_load %arg10[%swap3A_221, %swap3A_222] {strides = array<i32>} : memref<80x128xf32, #tpu.memory_space<vmem>>, vector<1x16xf32>,
          %swap3A_224 = vector.shape_cast %swap3A_223 : vector<1x16xf32> to vector<16xf32>
          %swap3A_225 = vector.shape_cast %mul3A_220 : vector<16xf32> to vector<1x16xf32>
          tpu.vector_store %arg10[%swap3A_221, %swap3A_222], %swap3A_225 {strides = array<i32>} : memref<80x128xf32, #tpu.memory_space<vmem>>, vector<1x16xf32>,
          %get3A_226 = arith.index_cast %add3A_170 : i32 to index
          %get3A_227 = arith.constant 80 : index
          %get3A_228 = tpu.vector_load %arg10[%get3A_226, %get3A_227] {strides = array<i32>} : memref<80x128xf32, #tpu.memory_space<vmem>>, vector<1x16xf32>,
          %get3A_229 = vector.shape_cast %get3A_228 : vector<1x16xf32> to vector<16xf32>
          %mul3A_230 = vector.broadcast %squeeze3A_166 : f32 to vector<16xf32>
          %mul3A_231 = arith.mulf %get3A_229, %mul3A_230 : vector<16xf32>
          %swap3A_232 = arith.index_cast %add3A_170 : i32 to index
          %swap3A_233 = arith.constant 80 : index
          %swap3A_234 = tpu.vector_load %arg10[%swap3A_232, %swap3A_233] {strides = array<i32>} : memref<80x128xf32, #tpu.memory_space<vmem>>, vector<1x16xf32>,
          %swap3A_235 = vector.shape_cast %swap3A_234 : vector<1x16xf32> to vector<16xf32>
          %swap3A_236 = vector.shape_cast %mul3A_231 : vector<16xf32> to vector<1x16xf32>
          tpu.vector_store %arg10[%swap3A_232, %swap3A_233], %swap3A_236 {strides = array<i32>} : memref<80x128xf32, #tpu.memory_space<vmem>>, vector<1x16xf32>,
          %get3A_237 = arith.index_cast %add3A_170 : i32 to index
          %get3A_238 = arith.constant 96 : index
          %get3A_239 = tpu.vector_load %arg10[%get3A_237, %get3A_238] {strides = array<i32>} : memref<80x128xf32, #tpu.memory_space<vmem>>, vector<1x16xf32>,
          %get3A_240 = vector.shape_cast %get3A_239 : vector<1x16xf32> to vector<16xf32>
          %mul3A_241 = vector.broadcast %squeeze3A_166 : f32 to vector<16xf32>
          %mul3A_242 = arith.mulf %get3A_240, %mul3A_241 : vector<16xf32>
          %swap3A_243 = arith.index_cast %add3A_170 : i32 to index
          %swap3A_244 = arith.constant 96 : index
          %swap3A_245 = tpu.vector_load %arg10[%swap3A_243, %swap3A_244] {strides = array<i32>} : memref<80x128xf32, #tpu.memory_space<vmem>>, vector<1x16xf32>,
          %swap3A_246 = vector.shape_cast %swap3A_245 : vector<1x16xf32> to vector<16xf32>
          %swap3A_247 = vector.shape_cast %mul3A_242 : vector<16xf32> to vector<1x16xf32>
          tpu.vector_store %arg10[%swap3A_243, %swap3A_244], %swap3A_247 {strides = array<i32>} : memref<80x128xf32, #tpu.memory_space<vmem>>, vector<1x16xf32>,
          %get3A_248 = arith.index_cast %add3A_170 : i32 to index
          %get3A_249 = arith.constant 112 : index
          %get3A_250 = tpu.vector_load %arg10[%get3A_248, %get3A_249] {strides = array<i32>} : memref<80x128xf32, #tpu.memory_space<vmem>>, vector<1x16xf32>,
          %get3A_251 = vector.shape_cast %get3A_250 : vector<1x16xf32> to vector<16xf32>
          %mul3A_252 = vector.broadcast %squeeze3A_166 : f32 to vector<16xf32>
          %mul3A_253 = arith.mulf %get3A_251, %mul3A_252 : vector<16xf32>
          %swap3A_254 = arith.index_cast %add3A_170 : i32 to index
          %swap3A_255 = arith.constant 112 : index
          %swap3A_256 = tpu.vector_load %arg10[%swap3A_254, %swap3A_255] {strides = array<i32>} : memref<80x128xf32, #tpu.memory_space<vmem>>, vector<1x16xf32>,
          %swap3A_257 = vector.shape_cast %swap3A_256 : vector<1x16xf32> to vector<16xf32>
          %swap3A_258 = vector.shape_cast %mul3A_253 : vector<16xf32> to vector<1x16xf32>
          tpu.vector_store %arg10[%swap3A_254, %swap3A_255], %swap3A_258 {strides = array<i32>} : memref<80x128xf32, #tpu.memory_space<vmem>>, vector<1x16xf32>,
          %slice3A_259 = vector.extract_strided_slice %get3A_73 {offsets = [2], sizes = [1], strides = [1]} : vector<16xf32> to vector<1xf32>
          %squeeze3A_260 = vector.extract %slice3A_259[0] : f32 from vector<1xf32>
          %mul3A_261 = arith.constant 16 : i32
          %mul3A_262 = arith.muli %mul3A_261, %scan3A_68 : i32
          %add3A_263 = arith.constant 2 : i32
          %add3A_264 = arith.addi %mul3A_262, %add3A_263 : i32
          %get3A_265 = arith.index_cast %add3A_264 : i32 to index
          %get3A_266 = arith.constant 0 : index
          %get3A_267 = tpu.vector_load %arg10[%get3A_265, %get3A_266] {strides = array<i32>} : memref<80x128xf32, #tpu.memory_space<vmem>>, vector<1x16xf32>,
          %get3A_268 = vector.shape_cast %get3A_267 : vector<1x16xf32> to vector<16xf32>
          %mul3A_269 = vector.broadcast %squeeze3A_260 : f32 to vector<16xf32>
          %mul3A_270 = arith.mulf %get3A_268, %mul3A_269 : vector<16xf32>
          %swap3A_271 = arith.index_cast %add3A_264 : i32 to index
          %swap3A_272 = arith.constant 0 : index
          %swap3A_273 = tpu.vector_load %arg10[%swap3A_271, %swap3A_272] {strides = array<i32>} : memref<80x128xf32, #tpu.memory_space<vmem>>, vector<1x16xf32>,
          %swap3A_274 = vector.shape_cast %swap3A_273 : vector<1x16xf32> to vector<16xf32>
          %swap3A_275 = vector.shape_cast %mul3A_270 : vector<16xf32> to vector<1x16xf32>
          tpu.vector_store %arg10[%swap3A_271, %swap3A_272], %swap3A_275 {strides = array<i32>} : memref<80x128xf32, #tpu.memory_space<vmem>>, vector<1x16xf32>,
          %get3A_276 = arith.index_cast %add3A_264 : i32 to index
          %get3A_277 = arith.constant 16 : index
          %get3A_278 = tpu.vector_load %arg10[%get3A_276, %get3A_277] {strides = array<i32>} : memref<80x128xf32, #tpu.memory_space<vmem>>, vector<1x16xf32>,
          %get3A_279 = vector.shape_cast %get3A_278 : vector<1x16xf32> to vector<16xf32>
          %mul3A_280 = vector.broadcast %squeeze3A_260 : f32 to vector<16xf32>
          %mul3A_281 = arith.mulf %get3A_279, %mul3A_280 : vector<16xf32>
          %swap3A_282 = arith.index_cast %add3A_264 : i32 to index
          %swap3A_283 = arith.constant 16 : index
          %swap3A_284 = tpu.vector_load %arg10[%swap3A_282, %swap3A_283] {strides = array<i32>} : memref<80x128xf32, #tpu.memory_space<vmem>>, vector<1x16xf32>,
          %swap3A_285 = vector.shape_cast %swap3A_284 : vector<1x16xf32> to vector<16xf32>
          %swap3A_286 = vector.shape_cast %mul3A_281 : vector<16xf32> to vector<1x16xf32>
          tpu.vector_store %arg10[%swap3A_282, %swap3A_283], %swap3A_286 {strides = array<i32>} : memref<80x128xf32, #tpu.memory_space<vmem>>, vector<1x16xf32>,
          %get3A_287 = arith.index_cast %add3A_264 : i32 to index
          %get3A_288 = arith.constant 32 : index
          %get3A_289 = tpu.vector_load %arg10[%get3A_287, %get3A_288] {strides = array<i32>} : memref<80x128xf32, #tpu.memory_space<vmem>>, vector<1x16xf32>,
          %get3A_290 = vector.shape_cast %get3A_289 : vector<1x16xf32> to vector<16xf32>
          %mul3A_291 = vector.broadcast %squeeze3A_260 : f32 to vector<16xf32>
          %mul3A_292 = arith.mulf %get3A_290, %mul3A_291 : vector<16xf32>
          %swap3A_293 = arith.index_cast %add3A_264 : i32 to index
          %swap3A_294 = arith.constant 32 : index
          %swap3A_295 = tpu.vector_load %arg10[%swap3A_293, %swap3A_294] {strides = array<i32>} : memref<80x128xf32, #tpu.memory_space<vmem>>, vector<1x16xf32>,
          %swap3A_296 = vector.shape_cast %swap3A_295 : vector<1x16xf32> to vector<16xf32>
          %swap3A_297 = vector.shape_cast %mul3A_292 : vector<16xf32> to vector<1x16xf32>
          tpu.vector_store %arg10[%swap3A_293, %swap3A_294], %swap3A_297 {strides = array<i32>} : memref<80x128xf32, #tpu.memory_space<vmem>>, vector<1x16xf32>,
          %get3A_298 = arith.index_cast %add3A_264 : i32 to index
          %get3A_299 = arith.constant 48 : index
          %get3A_300 = tpu.vector_load %arg10[%get3A_298, %get3A_299] {strides = array<i32>} : memref<80x128xf32, #tpu.memory_space<vmem>>, vector<1x16xf32>,
          %get3A_301 = vector.shape_cast %get3A_300 : vector<1x16xf32> to vector<16xf32>
          %mul3A_302 = vector.broadcast %squeeze3A_260 : f32 to vector<16xf32>
          %mul3A_303 = arith.mulf %get3A_301, %mul3A_302 : vector<16xf32>
          %swap3A_304 = arith.index_cast %add3A_264 : i32 to index
          %swap3A_305 = arith.constant 48 : index
          %swap3A_306 = tpu.vector_load %arg10[%swap3A_304, %swap3A_305] {strides = array<i32>} : memref<80x128xf32, #tpu.memory_space<vmem>>, vector<1x16xf32>,
          %swap3A_307 = vector.shape_cast %swap3A_306 : vector<1x16xf32> to vector<16xf32>
          %swap3A_308 = vector.shape_cast %mul3A_303 : vector<16xf32> to vector<1x16xf32>
          tpu.vector_store %arg10[%swap3A_304, %swap3A_305], %swap3A_308 {strides = array<i32>} : memref<80x128xf32, #tpu.memory_space<vmem>>, vector<1x16xf32>,
          %get3A_309 = arith.index_cast %add3A_264 : i32 to index
          %get3A_310 = arith.constant 64 : index
          %get3A_311 = tpu.vector_load %arg10[%get3A_309, %get3A_310] {strides = array<i32>} : memref<80x128xf32, #tpu.memory_space<vmem>>, vector<1x16xf32>,
          %get3A_312 = vector.shape_cast %get3A_311 : vector<1x16xf32> to vector<16xf32>
          %mul3A_313 = vector.broadcast %squeeze3A_260 : f32 to vector<16xf32>
          %mul3A_314 = arith.mulf %get3A_312, %mul3A_313 : vector<16xf32>
          %swap3A_315 = arith.index_cast %add3A_264 : i32 to index
          %swap3A_316 = arith.constant 64 : index
          %swap3A_317 = tpu.vector_load %arg10[%swap3A_315, %swap3A_316] {strides = array<i32>} : memref<80x128xf32, #tpu.memory_space<vmem>>, vector<1x16xf32>,
          %swap3A_318 = vector.shape_cast %swap3A_317 : vector<1x16xf32> to vector<16xf32>
          %swap3A_319 = vector.shape_cast %mul3A_314 : vector<16xf32> to vector<1x16xf32>
          tpu.vector_store %arg10[%swap3A_315, %swap3A_316], %swap3A_319 {strides = array<i32>} : memref<80x128xf32, #tpu.memory_space<vmem>>, vector<1x16xf32>,
          %get3A_320 = arith.index_cast %add3A_264 : i32 to index
          %get3A_321 = arith.constant 80 : index
          %get3A_322 = tpu.vector_load %arg10[%get3A_320, %get3A_321] {strides = array<i32>} : memref<80x128xf32, #tpu.memory_space<vmem>>, vector<1x16xf32>,
          %get3A_323 = vector.shape_cast %get3A_322 : vector<1x16xf32> to vector<16xf32>
          %mul3A_324 = vector.broadcast %squeeze3A_260 : f32 to vector<16xf32>
          %mul3A_325 = arith.mulf %get3A_323, %mul3A_324 : vector<16xf32>
          %swap3A_326 = arith.index_cast %add3A_264 : i32 to index
          %swap3A_327 = arith.constant 80 : index
          %swap3A_328 = tpu.vector_load %arg10[%swap3A_326, %swap3A_327] {strides = array<i32>} : memref<80x128xf32, #tpu.memory_space<vmem>>, vector<1x16xf32>,
          %swap3A_329 = vector.shape_cast %swap3A_328 : vector<1x16xf32> to vector<16xf32>
          %swap3A_330 = vector.shape_cast %mul3A_325 : vector<16xf32> to vector<1x16xf32>
          tpu.vector_store %arg10[%swap3A_326, %swap3A_327], %swap3A_330 {strides = array<i32>} : memref<80x128xf32, #tpu.memory_space<vmem>>, vector<1x16xf32>,
          %get3A_331 = arith.index_cast %add3A_264 : i32 to index
          %get3A_332 = arith.constant 96 : index
          %get3A_333 = tpu.vector_load %arg10[%get3A_331, %get3A_332] {strides = array<i32>} : memref<80x128xf32, #tpu.memory_space<vmem>>, vector<1x16xf32>,
          %get3A_334 = vector.shape_cast %get3A_333 : vector<1x16xf32> to vector<16xf32>
          %mul3A_335 = vector.broadcast %squeeze3A_260 : f32 to vector<16xf32>
          %mul3A_336 = arith.mulf %get3A_334, %mul3A_335 : vector<16xf32>
          %swap3A_337 = arith.index_cast %add3A_264 : i32 to index
          %swap3A_338 = arith.constant 96 : index
          %swap3A_339 = tpu.vector_load %arg10[%swap3A_337, %swap3A_338] {strides = array<i32>} : memref<80x128xf32, #tpu.memory_space<vmem>>, vector<1x16xf32>,
          %swap3A_340 = vector.shape_cast %swap3A_339 : vector<1x16xf32> to vector<16xf32>
          %swap3A_341 = vector.shape_cast %mul3A_336 : vector<16xf32> to vector<1x16xf32>
          tpu.vector_store %arg10[%swap3A_337, %swap3A_338], %swap3A_341 {strides = array<i32>} : memref<80x128xf32, #tpu.memory_space<vmem>>, vector<1x16xf32>,
          %get3A_342 = arith.index_cast %add3A_264 : i32 to index
          %get3A_343 = arith.constant 112 : index
          %get3A_344 = tpu.vector_load %arg10[%get3A_342, %get3A_343] {strides = array<i32>} : memref<80x128xf32, #tpu.memory_space<vmem>>, vector<1x16xf32>,
          %get3A_345 = vector.shape_cast %get3A_344 : vector<1x16xf32> to vector<16xf32>
          %mul3A_346 = vector.broadcast %squeeze3A_260 : f32 to vector<16xf32>
          %mul3A_347 = arith.mulf %get3A_345, %mul3A_346 : vector<16xf32>
          %swap3A_348 = arith.index_cast %add3A_264 : i32 to index
          %swap3A_349 = arith.constant 112 : index
          %swap3A_350 = tpu.vector_load %arg10[%swap3A_348, %swap3A_349] {strides = array<i32>} : memref<80x128xf32, #tpu.memory_space<vmem>>, vector<1x16xf32>,
          %swap3A_351 = vector.shape_cast %swap3A_350 : vector<1x16xf32> to vector<16xf32>
          %swap3A_352 = vector.shape_cast %mul3A_347 : vector<16xf32> to vector<1x16xf32>
          tpu.vector_store %arg10[%swap3A_348, %swap3A_349], %swap3A_352 {strides = array<i32>} : memref<80x128xf32, #tpu.memory_space<vmem>>, vector<1x16xf32>,
          %slice3A_353 = vector.extract_strided_slice %get3A_73 {offsets = [3], sizes = [1], strides = [1]} : vector<16xf32> to vector<1xf32>
          %squeeze3A_354 = vector.extract %slice3A_353[0] : f32 from vector<1xf32>
          %mul3A_355 = arith.constant 16 : i32
          %mul3A_356 = arith.muli %mul3A_355, %scan3A_68 : i32
          %add3A_357 = arith.constant 3 : i32
          %add3A_358 = arith.addi %mul3A_356, %add3A_357 : i32
          %get3A_359 = arith.index_cast %add3A_358 : i32 to index
          %get3A_360 = arith.constant 0 : index
          %get3A_361 = tpu.vector_load %arg10[%get3A_359, %get3A_360] {strides = array<i32>} : memref<80x128xf32, #tpu.memory_space<vmem>>, vector<1x16xf32>,
          %get3A_362 = vector.shape_cast %get3A_361 : vector<1x16xf32> to vector<16xf32>
          %mul3A_363 = vector.broadcast %squeeze3A_354 : f32 to vector<16xf32>
          %mul3A_364 = arith.mulf %get3A_362, %mul3A_363 : vector<16xf32>
          %swap3A_365 = arith.index_cast %add3A_358 : i32 to index
          %swap3A_366 = arith.constant 0 : index
          %swap3A_367 = tpu.vector_load %arg10[%swap3A_365, %swap3A_366] {strides = array<i32>} : memref<80x128xf32, #tpu.memory_space<vmem>>, vector<1x16xf32>,
          %swap3A_368 = vector.shape_cast %swap3A_367 : vector<1x16xf32> to vector<16xf32>
          %swap3A_369 = vector.shape_cast %mul3A_364 : vector<16xf32> to vector<1x16xf32>
          tpu.vector_store %arg10[%swap3A_365, %swap3A_366], %swap3A_369 {strides = array<i32>} : memref<80x128xf32, #tpu.memory_space<vmem>>, vector<1x16xf32>,
          %get3A_370 = arith.index_cast %add3A_358 : i32 to index
          %get3A_371 = arith.constant 16 : index
          %get3A_372 = tpu.vector_load %arg10[%get3A_370, %get3A_371] {strides = array<i32>} : memref<80x128xf32, #tpu.memory_space<vmem>>, vector<1x16xf32>,
          %get3A_373 = vector.shape_cast %get3A_372 : vector<1x16xf32> to vector<16xf32>
          %mul3A_374 = vector.broadcast %squeeze3A_354 : f32 to vector<16xf32>
          %mul3A_375 = arith.mulf %get3A_373, %mul3A_374 : vector<16xf32>
          %swap3A_376 = arith.index_cast %add3A_358 : i32 to index
          %swap3A_377 = arith.constant 16 : index
          %swap3A_378 = tpu.vector_load %arg10[%swap3A_376, %swap3A_377] {strides = array<i32>} : memref<80x128xf32, #tpu.memory_space<vmem>>, vector<1x16xf32>,
          %swap3A_379 = vector.shape_cast %swap3A_378 : vector<1x16xf32> to vector<16xf32>
          %swap3A_380 = vector.shape_cast %mul3A_375 : vector<16xf32> to vector<1x16xf32>
          tpu.vector_store %arg10[%swap3A_376, %swap3A_377], %swap3A_380 {strides = array<i32>} : memref<80x128xf32, #tpu.memory_space<vmem>>, vector<1x16xf32>,
          %get3A_381 = arith.index_cast %add3A_358 : i32 to index
          %get3A_382 = arith.constant 32 : index
          %get3A_383 = tpu.vector_load %arg10[%get3A_381, %get3A_382] {strides = array<i32>} : memref<80x128xf32, #tpu.memory_space<vmem>>, vector<1x16xf32>,
          %get3A_384 = vector.shape_cast %get3A_383 : vector<1x16xf32> to vector<16xf32>
          %mul3A_385 = vector.broadcast %squeeze3A_354 : f32 to vector<16xf32>
          %mul3A_386 = arith.mulf %get3A_384, %mul3A_385 : vector<16xf32>
          %swap3A_387 = arith.index_cast %add3A_358 : i32 to index
          %swap3A_388 = arith.constant 32 : index
          %swap3A_389 = tpu.vector_load %arg10[%swap3A_387, %swap3A_388] {strides = array<i32>} : memref<80x128xf32, #tpu.memory_space<vmem>>, vector<1x16xf32>,
          %swap3A_390 = vector.shape_cast %swap3A_389 : vector<1x16xf32> to vector<16xf32>
          %swap3A_391 = vector.shape_cast %mul3A_386 : vector<16xf32> to vector<1x16xf32>
          tpu.vector_store %arg10[%swap3A_387, %swap3A_388], %swap3A_391 {strides = array<i32>} : memref<80x128xf32, #tpu.memory_space<vmem>>, vector<1x16xf32>,
          %get3A_392 = arith.index_cast %add3A_358 : i32 to index
          %get3A_393 = arith.constant 48 : index
          %get3A_394 = tpu.vector_load %arg10[%get3A_392, %get3A_393] {strides = array<i32>} : memref<80x128xf32, #tpu.memory_space<vmem>>, vector<1x16xf32>,
          %get3A_395 = vector.shape_cast %get3A_394 : vector<1x16xf32> to vector<16xf32>
          %mul3A_396 = vector.broadcast %squeeze3A_354 : f32 to vector<16xf32>
          %mul3A_397 = arith.mulf %get3A_395, %mul3A_396 : vector<16xf32>
          %swap3A_398 = arith.index_cast %add3A_358 : i32 to index
          %swap3A_399 = arith.constant 48 : index
          %swap3A_400 = tpu.vector_load %arg10[%swap3A_398, %swap3A_399] {strides = array<i32>} : memref<80x128xf32, #tpu.memory_space<vmem>>, vector<1x16xf32>,
          %swap3A_401 = vector.shape_cast %swap3A_400 : vector<1x16xf32> to vector<16xf32>
          %swap3A_402 = vector.shape_cast %mul3A_397 : vector<16xf32> to vector<1x16xf32>
          tpu.vector_store %arg10[%swap3A_398, %swap3A_399], %swap3A_402 {strides = array<i32>} : memref<80x128xf32, #tpu.memory_space<vmem>>, vector<1x16xf32>,
          %get3A_403 = arith.index_cast %add3A_358 : i32 to index
          %get3A_404 = arith.constant 64 : index
          %get3A_405 = tpu.vector_load %arg10[%get3A_403, %get3A_404] {strides = array<i32>} : memref<80x128xf32, #tpu.memory_space<vmem>>, vector<1x16xf32>,
          %get3A_406 = vector.shape_cast %get3A_405 : vector<1x16xf32> to vector<16xf32>
          %mul3A_407 = vector.broadcast %squeeze3A_354 : f32 to vector<16xf32>
          %mul3A_408 = arith.mulf %get3A_406, %mul3A_407 : vector<16xf32>
          %swap3A_409 = arith.index_cast %add3A_358 : i32 to index
          %swap3A_410 = arith.constant 64 : index
          %swap3A_411 = tpu.vector_load %arg10[%swap3A_409, %swap3A_410] {strides = array<i32>} : memref<80x128xf32, #tpu.memory_space<vmem>>, vector<1x16xf32>,
          %swap3A_412 = vector.shape_cast %swap3A_411 : vector<1x16xf32> to vector<16xf32>
          %swap3A_413 = vector.shape_cast %mul3A_408 : vector<16xf32> to vector<1x16xf32>
          tpu.vector_store %arg10[%swap3A_409, %swap3A_410], %swap3A_413 {strides = array<i32>} : memref<80x128xf32, #tpu.memory_space<vmem>>, vector<1x16xf32>,
          %get3A_414 = arith.index_cast %add3A_358 : i32 to index
          %get3A_415 = arith.constant 80 : index
          %get3A_416 = tpu.vector_load %arg10[%get3A_414, %get3A_415] {strides = array<i32>} : memref<80x128xf32, #tpu.memory_space<vmem>>, vector<1x16xf32>,
          %get3A_417 = vector.shape_cast %get3A_416 : vector<1x16xf32> to vector<16xf32>
          %mul3A_418 = vector.broadcast %squeeze3A_354 : f32 to vector<16xf32>
          %mul3A_419 = arith.mulf %get3A_417, %mul3A_418 : vector<16xf32>
          %swap3A_420 = arith.index_cast %add3A_358 : i32 to index
          %swap3A_421 = arith.constant 80 : index
          %swap3A_422 = tpu.vector_load %arg10[%swap3A_420, %swap3A_421] {strides = array<i32>} : memref<80x128xf32, #tpu.memory_space<vmem>>, vector<1x16xf32>,
          %swap3A_423 = vector.shape_cast %swap3A_422 : vector<1x16xf32> to vector<16xf32>
          %swap3A_424 = vector.shape_cast %mul3A_419 : vector<16xf32> to vector<1x16xf32>
          tpu.vector_store %arg10[%swap3A_420, %swap3A_421], %swap3A_424 {strides = array<i32>} : memref<80x128xf32, #tpu.memory_space<vmem>>, vector<1x16xf32>,
          %get3A_425 = arith.index_cast %add3A_358 : i32 to index
          %get3A_426 = arith.constant 96 : index
          %get3A_427 = tpu.vector_load %arg10[%get3A_425, %get3A_426] {strides = array<i32>} : memref<80x128xf32, #tpu.memory_space<vmem>>, vector<1x16xf32>,
          %get3A_428 = vector.shape_cast %get3A_427 : vector<1x16xf32> to vector<16xf32>
          %mul3A_429 = vector.broadcast %squeeze3A_354 : f32 to vector<16xf32>
          %mul3A_430 = arith.mulf %get3A_428, %mul3A_429 : vector<16xf32>
          %swap3A_431 = arith.index_cast %add3A_358 : i32 to index
          %swap3A_432 = arith.constant 96 : index
          %swap3A_433 = tpu.vector_load %arg10[%swap3A_431, %swap3A_432] {strides = array<i32>} : memref<80x128xf32, #tpu.memory_space<vmem>>, vector<1x16xf32>,
          %swap3A_434 = vector.shape_cast %swap3A_433 : vector<1x16xf32> to vector<16xf32>
          %swap3A_435 = vector.shape_cast %mul3A_430 : vector<16xf32> to vector<1x16xf32>
          tpu.vector_store %arg10[%swap3A_431, %swap3A_432], %swap3A_435 {strides = array<i32>} : memref<80x128xf32, #tpu.memory_space<vmem>>, vector<1x16xf32>,
          %get3A_436 = arith.index_cast %add3A_358 : i32 to index
          %get3A_437 = arith.constant 112 : index
          %get3A_438 = tpu.vector_load %arg10[%get3A_436, %get3A_437] {strides = array<i32>} : memref<80x128xf32, #tpu.memory_space<vmem>>, vector<1x16xf32>,
          %get3A_439 = vector.shape_cast %get3A_438 : vector<1x16xf32> to vector<16xf32>
          %mul3A_440 = vector.broadcast %squeeze3A_354 : f32 to vector<16xf32>
          %mul3A_441 = arith.mulf %get3A_439, %mul3A_440 : vector<16xf32>
          %swap3A_442 = arith.index_cast %add3A_358 : i32 to index
          %swap3A_443 = arith.constant 112 : index
          %swap3A_444 = tpu.vector_load %arg10[%swap3A_442, %swap3A_443] {strides = array<i32>} : memref<80x128xf32, #tpu.memory_space<vmem>>, vector<1x16xf32>,
          %swap3A_445 = vector.shape_cast %swap3A_444 : vector<1x16xf32> to vector<16xf32>
          %swap3A_446 = vector.shape_cast %mul3A_441 : vector<16xf32> to vector<1x16xf32>
          tpu.vector_store %arg10[%swap3A_442, %swap3A_443], %swap3A_446 {strides = array<i32>} : memref<80x128xf32, #tpu.memory_space<vmem>>, vector<1x16xf32>,
          %slice3A_447 = vector.extract_strided_slice %get3A_73 {offsets = [4], sizes = [1], strides = [1]} : vector<16xf32> to vector<1xf32>
          %squeeze3A_448 = vector.extract %slice3A_447[0] : f32 from vector<1xf32>
          %mul3A_449 = arith.constant 16 : i32
          %mul3A_450 = arith.muli %mul3A_449, %scan3A_68 : i32
          %add3A_451 = arith.constant 4 : i32
          %add3A_452 = arith.addi %mul3A_450, %add3A_451 : i32
          %get3A_453 = arith.index_cast %add3A_452 : i32 to index
          %get3A_454 = arith.constant 0 : index
          %get3A_455 = tpu.vector_load %arg10[%get3A_453, %get3A_454] {strides = array<i32>} : memref<80x128xf32, #tpu.memory_space<vmem>>, vector<1x16xf32>,
          %get3A_456 = vector.shape_cast %get3A_455 : vector<1x16xf32> to vector<16xf32>
          %mul3A_457 = vector.broadcast %squeeze3A_448 : f32 to vector<16xf32>
          %mul3A_458 = arith.mulf %get3A_456, %mul3A_457 : vector<16xf32>
          %swap3A_459 = arith.index_cast %add3A_452 : i32 to index
          %swap3A_460 = arith.constant 0 : index
          %swap3A_461 = tpu.vector_load %arg10[%swap3A_459, %swap3A_460] {strides = array<i32>} : memref<80x128xf32, #tpu.memory_space<vmem>>, vector<1x16xf32>,
          %swap3A_462 = vector.shape_cast %swap3A_461 : vector<1x16xf32> to vector<16xf32>
          %swap3A_463 = vector.shape_cast %mul3A_458 : vector<16xf32> to vector<1x16xf32>
          tpu.vector_store %arg10[%swap3A_459, %swap3A_460], %swap3A_463 {strides = array<i32>} : memref<80x128xf32, #tpu.memory_space<vmem>>, vector<1x16xf32>,
          %get3A_464 = arith.index_cast %add3A_452 : i32 to index
          %get3A_465 = arith.constant 16 : index
          %get3A_466 = tpu.vector_load %arg10[%get3A_464, %get3A_465] {strides = array<i32>} : memref<80x128xf32, #tpu.memory_space<vmem>>, vector<1x16xf32>,
          %get3A_467 = vector.shape_cast %get3A_466 : vector<1x16xf32> to vector<16xf32>
          %mul3A_468 = vector.broadcast %squeeze3A_448 : f32 to vector<16xf32>
          %mul3A_469 = arith.mulf %get3A_467, %mul3A_468 : vector<16xf32>
          %swap3A_470 = arith.index_cast %add3A_452 : i32 to index
          %swap3A_471 = arith.constant 16 : index
          %swap3A_472 = tpu.vector_load %arg10[%swap3A_470, %swap3A_471] {strides = array<i32>} : memref<80x128xf32, #tpu.memory_space<vmem>>, vector<1x16xf32>,
          %swap3A_473 = vector.shape_cast %swap3A_472 : vector<1x16xf32> to vector<16xf32>
          %swap3A_474 = vector.shape_cast %mul3A_469 : vector<16xf32> to vector<1x16xf32>
          tpu.vector_store %arg10[%swap3A_470, %swap3A_471], %swap3A_474 {strides = array<i32>} : memref<80x128xf32, #tpu.memory_space<vmem>>, vector<1x16xf32>,
          %get3A_475 = arith.index_cast %add3A_452 : i32 to index
          %get3A_476 = arith.constant 32 : index
          %get3A_477 = tpu.vector_load %arg10[%get3A_475, %get3A_476] {strides = array<i32>} : memref<80x128xf32, #tpu.memory_space<vmem>>, vector<1x16xf32>,
          %get3A_478 = vector.shape_cast %get3A_477 : vector<1x16xf32> to vector<16xf32>
          %mul3A_479 = vector.broadcast %squeeze3A_448 : f32 to vector<16xf32>
          %mul3A_480 = arith.mulf %get3A_478, %mul3A_479 : vector<16xf32>
          %swap3A_481 = arith.index_cast %add3A_452 : i32 to index
          %swap3A_482 = arith.constant 32 : index
          %swap3A_483 = tpu.vector_load %arg10[%swap3A_481, %swap3A_482] {strides = array<i32>} : memref<80x128xf32, #tpu.memory_space<vmem>>, vector<1x16xf32>,
          %swap3A_484 = vector.shape_cast %swap3A_483 : vector<1x16xf32> to vector<16xf32>
          %swap3A_485 = vector.shape_cast %mul3A_480 : vector<16xf32> to vector<1x16xf32>
          tpu.vector_store %arg10[%swap3A_481, %swap3A_482], %swap3A_485 {strides = array<i32>} : memref<80x128xf32, #tpu.memory_space<vmem>>, vector<1x16xf32>,
          %get3A_486 = arith.index_cast %add3A_452 : i32 to index
          %get3A_487 = arith.constant 48 : index
          %get3A_488 = tpu.vector_load %arg10[%get3A_486, %get3A_487] {strides = array<i32>} : memref<80x128xf32, #tpu.memory_space<vmem>>, vector<1x16xf32>,
          %get3A_489 = vector.shape_cast %get3A_488 : vector<1x16xf32> to vector<16xf32>
          %mul3A_490 = vector.broadcast %squeeze3A_448 : f32 to vector<16xf32>
          %mul3A_491 = arith.mulf %get3A_489, %mul3A_490 : vector<16xf32>
          %swap3A_492 = arith.index_cast %add3A_452 : i32 to index
          %swap3A_493 = arith.constant 48 : index
          %swap3A_494 = tpu.vector_load %arg10[%swap3A_492, %swap3A_493] {strides = array<i32>} : memref<80x128xf32, #tpu.memory_space<vmem>>, vector<1x16xf32>,
          %swap3A_495 = vector.shape_cast %swap3A_494 : vector<1x16xf32> to vector<16xf32>
          %swap3A_496 = vector.shape_cast %mul3A_491 : vector<16xf32> to vector<1x16xf32>
          tpu.vector_store %arg10[%swap3A_492, %swap3A_493], %swap3A_496 {strides = array<i32>} : memref<80x128xf32, #tpu.memory_space<vmem>>, vector<1x16xf32>,
          %get3A_497 = arith.index_cast %add3A_452 : i32 to index
          %get3A_498 = arith.constant 64 : index
          %get3A_499 = tpu.vector_load %arg10[%get3A_497, %get3A_498] {strides = array<i32>} : memref<80x128xf32, #tpu.memory_space<vmem>>, vector<1x16xf32>,
          %get3A_500 = vector.shape_cast %get3A_499 : vector<1x16xf32> to vector<16xf32>
          %mul3A_501 = vector.broadcast %squeeze3A_448 : f32 to vector<16xf32>
          %mul3A_502 = arith.mulf %get3A_500, %mul3A_501 : vector<16xf32>
          %swap3A_503 = arith.index_cast %add3A_452 : i32 to index
          %swap3A_504 = arith.constant 64 : index
          %swap3A_505 = tpu.vector_load %arg10[%swap3A_503, %swap3A_504] {strides = array<i32>} : memref<80x128xf32, #tpu.memory_space<vmem>>, vector<1x16xf32>,
          %swap3A_506 = vector.shape_cast %swap3A_505 : vector<1x16xf32> to vector<16xf32>
          %swap3A_507 = vector.shape_cast %mul3A_502 : vector<16xf32> to vector<1x16xf32>
          tpu.vector_store %arg10[%swap3A_503, %swap3A_504], %swap3A_507 {strides = array<i32>} : memref<80x128xf32, #tpu.memory_space<vmem>>, vector<1x16xf32>,
          %get3A_508 = arith.index_cast %add3A_452 : i32 to index
          %get3A_509 = arith.constant 80 : index
          %get3A_510 = tpu.vector_load %arg10[%get3A_508, %get3A_509] {strides = array<i32>} : memref<80x128xf32, #tpu.memory_space<vmem>>, vector<1x16xf32>,
          %get3A_511 = vector.shape_cast %get3A_510 : vector<1x16xf32> to vector<16xf32>
          %mul3A_512 = vector.broadcast %squeeze3A_448 : f32 to vector<16xf32>
          %mul3A_513 = arith.mulf %get3A_511, %mul3A_512 : vector<16xf32>
          %swap3A_514 = arith.index_cast %add3A_452 : i32 to index
          %swap3A_515 = arith.constant 80 : index
          %swap3A_516 = tpu.vector_load %arg10[%swap3A_514, %swap3A_515] {strides = array<i32>} : memref<80x128xf32, #tpu.memory_space<vmem>>, vector<1x16xf32>,
          %swap3A_517 = vector.shape_cast %swap3A_516 : vector<1x16xf32> to vector<16xf32>
          %swap3A_518 = vector.shape_cast %mul3A_513 : vector<16xf32> to vector<1x16xf32>
          tpu.vector_store %arg10[%swap3A_514, %swap3A_515], %swap3A_518 {strides = array<i32>} : memref<80x128xf32, #tpu.memory_space<vmem>>, vector<1x16xf32>,
          %get3A_519 = arith.index_cast %add3A_452 : i32 to index
          %get3A_520 = arith.constant 96 : index
          %get3A_521 = tpu.vector_load %arg10[%get3A_519, %get3A_520] {strides = array<i32>} : memref<80x128xf32, #tpu.memory_space<vmem>>, vector<1x16xf32>,
          %get3A_522 = vector.shape_cast %get3A_521 : vector<1x16xf32> to vector<16xf32>
          %mul3A_523 = vector.broadcast %squeeze3A_448 : f32 to vector<16xf32>
          %mul3A_524 = arith.mulf %get3A_522, %mul3A_523 : vector<16xf32>
          %swap3A_525 = arith.index_cast %add3A_452 : i32 to index
          %swap3A_526 = arith.constant 96 : index
          %swap3A_527 = tpu.vector_load %arg10[%swap3A_525, %swap3A_526] {strides = array<i32>} : memref<80x128xf32, #tpu.memory_space<vmem>>, vector<1x16xf32>,
          %swap3A_528 = vector.shape_cast %swap3A_527 : vector<1x16xf32> to vector<16xf32>
          %swap3A_529 = vector.shape_cast %mul3A_524 : vector<16xf32> to vector<1x16xf32>
          tpu.vector_store %arg10[%swap3A_525, %swap3A_526], %swap3A_529 {strides = array<i32>} : memref<80x128xf32, #tpu.memory_space<vmem>>, vector<1x16xf32>,
          %get3A_530 = arith.index_cast %add3A_452 : i32 to index
          %get3A_531 = arith.constant 112 : index
          %get3A_532 = tpu.vector_load %arg10[%get3A_530, %get3A_531] {strides = array<i32>} : memref<80x128xf32, #tpu.memory_space<vmem>>, vector<1x16xf32>,
          %get3A_533 = vector.shape_cast %get3A_532 : vector<1x16xf32> to vector<16xf32>
          %mul3A_534 = vector.broadcast %squeeze3A_448 : f32 to vector<16xf32>
          %mul3A_535 = arith.mulf %get3A_533, %mul3A_534 : vector<16xf32>
          %swap3A_536 = arith.index_cast %add3A_452 : i32 to index
          %swap3A_537 = arith.constant 112 : index
          %swap3A_538 = tpu.vector_load %arg10[%swap3A_536, %swap3A_537] {strides = array<i32>} : memref<80x128xf32, #tpu.memory_space<vmem>>, vector<1x16xf32>,
          %swap3A_539 = vector.shape_cast %swap3A_538 : vector<1x16xf32> to vector<16xf32>
          %swap3A_540 = vector.shape_cast %mul3A_535 : vector<16xf32> to vector<1x16xf32>
          tpu.vector_store %arg10[%swap3A_536, %swap3A_537], %swap3A_540 {strides = array<i32>} : memref<80x128xf32, #tpu.memory_space<vmem>>, vector<1x16xf32>,
          %slice3A_541 = vector.extract_strided_slice %get3A_73 {offsets = [5], sizes = [1], strides = [1]} : vector<16xf32> to vector<1xf32>
          %squeeze3A_542 = vector.extract %slice3A_541[0] : f32 from vector<1xf32>
          %mul3A_543 = arith.constant 16 : i32
          %mul3A_544 = arith.muli %mul3A_543, %scan3A_68 : i32
          %add3A_545 = arith.constant 5 : i32
          %add3A_546 = arith.addi %mul3A_544, %add3A_545 : i32
          %get3A_547 = arith.index_cast %add3A_546 : i32 to index
          %get3A_548 = arith.constant 0 : index
          %get3A_549 = tpu.vector_load %arg10[%get3A_547, %get3A_548] {strides = array<i32>} : memref<80x128xf32, #tpu.memory_space<vmem>>, vector<1x16xf32>,
          %get3A_550 = vector.shape_cast %get3A_549 : vector<1x16xf32> to vector<16xf32>
          %mul3A_551 = vector.broadcast %squeeze3A_542 : f32 to vector<16xf32>
          %mul3A_552 = arith.mulf %get3A_550, %mul3A_551 : vector<16xf32>
          %swap3A_553 = arith.index_cast %add3A_546 : i32 to index
          %swap3A_554 = arith.constant 0 : index
          %swap3A_555 = tpu.vector_load %arg10[%swap3A_553, %swap3A_554] {strides = array<i32>} : memref<80x128xf32, #tpu.memory_space<vmem>>, vector<1x16xf32>,
          %swap3A_556 = vector.shape_cast %swap3A_555 : vector<1x16xf32> to vector<16xf32>
          %swap3A_557 = vector.shape_cast %mul3A_552 : vector<16xf32> to vector<1x16xf32>
          tpu.vector_store %arg10[%swap3A_553, %swap3A_554], %swap3A_557 {strides = array<i32>} : memref<80x128xf32, #tpu.memory_space<vmem>>, vector<1x16xf32>,
          %get3A_558 = arith.index_cast %add3A_546 : i32 to index
          %get3A_559 = arith.constant 16 : index
          %get3A_560 = tpu.vector_load %arg10[%get3A_558, %get3A_559] {strides = array<i32>} : memref<80x128xf32, #tpu.memory_space<vmem>>, vector<1x16xf32>,
          %get3A_561 = vector.shape_cast %get3A_560 : vector<1x16xf32> to vector<16xf32>
          %mul3A_562 = vector.broadcast %squeeze3A_542 : f32 to vector<16xf32>
          %mul3A_563 = arith.mulf %get3A_561, %mul3A_562 : vector<16xf32>
          %swap3A_564 = arith.index_cast %add3A_546 : i32 to index
          %swap3A_565 = arith.constant 16 : index
          %swap3A_566 = tpu.vector_load %arg10[%swap3A_564, %swap3A_565] {strides = array<i32>} : memref<80x128xf32, #tpu.memory_space<vmem>>, vector<1x16xf32>,
          %swap3A_567 = vector.shape_cast %swap3A_566 : vector<1x16xf32> to vector<16xf32>
          %swap3A_568 = vector.shape_cast %mul3A_563 : vector<16xf32> to vector<1x16xf32>
          tpu.vector_store %arg10[%swap3A_564, %swap3A_565], %swap3A_568 {strides = array<i32>} : memref<80x128xf32, #tpu.memory_space<vmem>>, vector<1x16xf32>,
          %get3A_569 = arith.index_cast %add3A_546 : i32 to index
          %get3A_570 = arith.constant 32 : index
          %get3A_571 = tpu.vector_load %arg10[%get3A_569, %get3A_570] {strides = array<i32>} : memref<80x128xf32, #tpu.memory_space<vmem>>, vector<1x16xf32>,
          %get3A_572 = vector.shape_cast %get3A_571 : vector<1x16xf32> to vector<16xf32>
          %mul3A_573 = vector.broadcast %squeeze3A_542 : f32 to vector<16xf32>
          %mul3A_574 = arith.mulf %get3A_572, %mul3A_573 : vector<16xf32>
          %swap3A_575 = arith.index_cast %add3A_546 : i32 to index
          %swap3A_576 = arith.constant 32 : index
          %swap3A_577 = tpu.vector_load %arg10[%swap3A_575, %swap3A_576] {strides = array<i32>} : memref<80x128xf32, #tpu.memory_space<vmem>>, vector<1x16xf32>,
          %swap3A_578 = vector.shape_cast %swap3A_577 : vector<1x16xf32> to vector<16xf32>
          %swap3A_579 = vector.shape_cast %mul3A_574 : vector<16xf32> to vector<1x16xf32>
          tpu.vector_store %arg10[%swap3A_575, %swap3A_576], %swap3A_579 {strides = array<i32>} : memref<80x128xf32, #tpu.memory_space<vmem>>, vector<1x16xf32>,
          %get3A_580 = arith.index_cast %add3A_546 : i32 to index
          %get3A_581 = arith.constant 48 : index
          %get3A_582 = tpu.vector_load %arg10[%get3A_580, %get3A_581] {strides = array<i32>} : memref<80x128xf32, #tpu.memory_space<vmem>>, vector<1x16xf32>,
          %get3A_583 = vector.shape_cast %get3A_582 : vector<1x16xf32> to vector<16xf32>
          %mul3A_584 = vector.broadcast %squeeze3A_542 : f32 to vector<16xf32>
          %mul3A_585 = arith.mulf %get3A_583, %mul3A_584 : vector<16xf32>
          %swap3A_586 = arith.index_cast %add3A_546 : i32 to index
          %swap3A_587 = arith.constant 48 : index
          %swap3A_588 = tpu.vector_load %arg10[%swap3A_586, %swap3A_587] {strides = array<i32>} : memref<80x128xf32, #tpu.memory_space<vmem>>, vector<1x16xf32>,
          %swap3A_589 = vector.shape_cast %swap3A_588 : vector<1x16xf32> to vector<16xf32>
          %swap3A_590 = vector.shape_cast %mul3A_585 : vector<16xf32> to vector<1x16xf32>
          tpu.vector_store %arg10[%swap3A_586, %swap3A_587], %swap3A_590 {strides = array<i32>} : memref<80x128xf32, #tpu.memory_space<vmem>>, vector<1x16xf32>,
          %get3A_591 = arith.index_cast %add3A_546 : i32 to index
          %get3A_592 = arith.constant 64 : index
          %get3A_593 = tpu.vector_load %arg10[%get3A_591, %get3A_592] {strides = array<i32>} : memref<80x128xf32, #tpu.memory_space<vmem>>, vector<1x16xf32>,
          %get3A_594 = vector.shape_cast %get3A_593 : vector<1x16xf32> to vector<16xf32>
          %mul3A_595 = vector.broadcast %squeeze3A_542 : f32 to vector<16xf32>
          %mul3A_596 = arith.mulf %get3A_594, %mul3A_595 : vector<16xf32>
          %swap3A_597 = arith.index_cast %add3A_546 : i32 to index
          %swap3A_598 = arith.constant 64 : index
          %swap3A_599 = tpu.vector_load %arg10[%swap3A_597, %swap3A_598] {strides = array<i32>} : memref<80x128xf32, #tpu.memory_space<vmem>>, vector<1x16xf32>,
          %swap3A_600 = vector.shape_cast %swap3A_599 : vector<1x16xf32> to vector<16xf32>
          %swap3A_601 = vector.shape_cast %mul3A_596 : vector<16xf32> to vector<1x16xf32>
          tpu.vector_store %arg10[%swap3A_597, %swap3A_598], %swap3A_601 {strides = array<i32>} : memref<80x128xf32, #tpu.memory_space<vmem>>, vector<1x16xf32>,
          %get3A_602 = arith.index_cast %add3A_546 : i32 to index
          %get3A_603 = arith.constant 80 : index
          %get3A_604 = tpu.vector_load %arg10[%get3A_602, %get3A_603] {strides = array<i32>} : memref<80x128xf32, #tpu.memory_space<vmem>>, vector<1x16xf32>,
          %get3A_605 = vector.shape_cast %get3A_604 : vector<1x16xf32> to vector<16xf32>
          %mul3A_606 = vector.broadcast %squeeze3A_542 : f32 to vector<16xf32>
          %mul3A_607 = arith.mulf %get3A_605, %mul3A_606 : vector<16xf32>
          %swap3A_608 = arith.index_cast %add3A_546 : i32 to index
          %swap3A_609 = arith.constant 80 : index
          %swap3A_610 = tpu.vector_load %arg10[%swap3A_608, %swap3A_609] {strides = array<i32>} : memref<80x128xf32, #tpu.memory_space<vmem>>, vector<1x16xf32>,
          %swap3A_611 = vector.shape_cast %swap3A_610 : vector<1x16xf32> to vector<16xf32>
          %swap3A_612 = vector.shape_cast %mul3A_607 : vector<16xf32> to vector<1x16xf32>
          tpu.vector_store %arg10[%swap3A_608, %swap3A_609], %swap3A_612 {strides = array<i32>} : memref<80x128xf32, #tpu.memory_space<vmem>>, vector<1x16xf32>,
          %get3A_613 = arith.index_cast %add3A_546 : i32 to index
          %get3A_614 = arith.constant 96 : index
          %get3A_615 = tpu.vector_load %arg10[%get3A_613, %get3A_614] {strides = array<i32>} : memref<80x128xf32, #tpu.memory_space<vmem>>, vector<1x16xf32>,
          %get3A_616 = vector.shape_cast %get3A_615 : vector<1x16xf32> to vector<16xf32>
          %mul3A_617 = vector.broadcast %squeeze3A_542 : f32 to vector<16xf32>
          %mul3A_618 = arith.mulf %get3A_616, %mul3A_617 : vector<16xf32>
          %swap3A_619 = arith.index_cast %add3A_546 : i32 to index
          %swap3A_620 = arith.constant 96 : index
          %swap3A_621 = tpu.vector_load %arg10[%swap3A_619, %swap3A_620] {strides = array<i32>} : memref<80x128xf32, #tpu.memory_space<vmem>>, vector<1x16xf32>,
          %swap3A_622 = vector.shape_cast %swap3A_621 : vector<1x16xf32> to vector<16xf32>
          %swap3A_623 = vector.shape_cast %mul3A_618 : vector<16xf32> to vector<1x16xf32>
          tpu.vector_store %arg10[%swap3A_619, %swap3A_620], %swap3A_623 {strides = array<i32>} : memref<80x128xf32, #tpu.memory_space<vmem>>, vector<1x16xf32>,
          %get3A_624 = arith.index_cast %add3A_546 : i32 to index
          %get3A_625 = arith.constant 112 : index
          %get3A_626 = tpu.vector_load %arg10[%get3A_624, %get3A_625] {strides = array<i32>} : memref<80x128xf32, #tpu.memory_space<vmem>>, vector<1x16xf32>,
          %get3A_627 = vector.shape_cast %get3A_626 : vector<1x16xf32> to vector<16xf32>
          %mul3A_628 = vector.broadcast %squeeze3A_542 : f32 to vector<16xf32>
          %mul3A_629 = arith.mulf %get3A_627, %mul3A_628 : vector<16xf32>
          %swap3A_630 = arith.index_cast %add3A_546 : i32 to index
          %swap3A_631 = arith.constant 112 : index
          %swap3A_632 = tpu.vector_load %arg10[%swap3A_630, %swap3A_631] {strides = array<i32>} : memref<80x128xf32, #tpu.memory_space<vmem>>, vector<1x16xf32>,
          %swap3A_633 = vector.shape_cast %swap3A_632 : vector<1x16xf32> to vector<16xf32>
          %swap3A_634 = vector.shape_cast %mul3A_629 : vector<16xf32> to vector<1x16xf32>
          tpu.vector_store %arg10[%swap3A_630, %swap3A_631], %swap3A_634 {strides = array<i32>} : memref<80x128xf32, #tpu.memory_space<vmem>>, vector<1x16xf32>,
          %slice3A_635 = vector.extract_strided_slice %get3A_73 {offsets = [6], sizes = [1], strides = [1]} : vector<16xf32> to vector<1xf32>
          %squeeze3A_636 = vector.extract %slice3A_635[0] : f32 from vector<1xf32>
          %mul3A_637 = arith.constant 16 : i32
          %mul3A_638 = arith.muli %mul3A_637, %scan3A_68 : i32
          %add3A_639 = arith.constant 6 : i32
          %add3A_640 = arith.addi %mul3A_638, %add3A_639 : i32
          %get3A_641 = arith.index_cast %add3A_640 : i32 to index
          %get3A_642 = arith.constant 0 : index
          %get3A_643 = tpu.vector_load %arg10[%get3A_641, %get3A_642] {strides = array<i32>} : memref<80x128xf32, #tpu.memory_space<vmem>>, vector<1x16xf32>,
          %get3A_644 = vector.shape_cast %get3A_643 : vector<1x16xf32> to vector<16xf32>
          %mul3A_645 = vector.broadcast %squeeze3A_636 : f32 to vector<16xf32>
          %mul3A_646 = arith.mulf %get3A_644, %mul3A_645 : vector<16xf32>
          %swap3A_647 = arith.index_cast %add3A_640 : i32 to index
          %swap3A_648 = arith.constant 0 : index
          %swap3A_649 = tpu.vector_load %arg10[%swap3A_647, %swap3A_648] {strides = array<i32>} : memref<80x128xf32, #tpu.memory_space<vmem>>, vector<1x16xf32>,
          %swap3A_650 = vector.shape_cast %swap3A_649 : vector<1x16xf32> to vector<16xf32>
          %swap3A_651 = vector.shape_cast %mul3A_646 : vector<16xf32> to vector<1x16xf32>
          tpu.vector_store %arg10[%swap3A_647, %swap3A_648], %swap3A_651 {strides = array<i32>} : memref<80x128xf32, #tpu.memory_space<vmem>>, vector<1x16xf32>,
          %get3A_652 = arith.index_cast %add3A_640 : i32 to index
          %get3A_653 = arith.constant 16 : index
          %get3A_654 = tpu.vector_load %arg10[%get3A_652, %get3A_653] {strides = array<i32>} : memref<80x128xf32, #tpu.memory_space<vmem>>, vector<1x16xf32>,
          %get3A_655 = vector.shape_cast %get3A_654 : vector<1x16xf32> to vector<16xf32>
          %mul3A_656 = vector.broadcast %squeeze3A_636 : f32 to vector<16xf32>
          %mul3A_657 = arith.mulf %get3A_655, %mul3A_656 : vector<16xf32>
          %swap3A_658 = arith.index_cast %add3A_640 : i32 to index
          %swap3A_659 = arith.constant 16 : index
          %swap3A_660 = tpu.vector_load %arg10[%swap3A_658, %swap3A_659] {strides = array<i32>} : memref<80x128xf32, #tpu.memory_space<vmem>>, vector<1x16xf32>,
          %swap3A_661 = vector.shape_cast %swap3A_660 : vector<1x16xf32> to vector<16xf32>
          %swap3A_662 = vector.shape_cast %mul3A_657 : vector<16xf32> to vector<1x16xf32>
          tpu.vector_store %arg10[%swap3A_658, %swap3A_659], %swap3A_662 {strides = array<i32>} : memref<80x128xf32, #tpu.memory_space<vmem>>, vector<1x16xf32>,
          %get3A_663 = arith.index_cast %add3A_640 : i32 to index
          %get3A_664 = arith.constant 32 : index
          %get3A_665 = tpu.vector_load %arg10[%get3A_663, %get3A_664] {strides = array<i32>} : memref<80x128xf32, #tpu.memory_space<vmem>>, vector<1x16xf32>,
          %get3A_666 = vector.shape_cast %get3A_665 : vector<1x16xf32> to vector<16xf32>
          %mul3A_667 = vector.broadcast %squeeze3A_636 : f32 to vector<16xf32>
          %mul3A_668 = arith.mulf %get3A_666, %mul3A_667 : vector<16xf32>
          %swap3A_669 = arith.index_cast %add3A_640 : i32 to index
          %swap3A_670 = arith.constant 32 : index
          %swap3A_671 = tpu.vector_load %arg10[%swap3A_669, %swap3A_670] {strides = array<i32>} : memref<80x128xf32, #tpu.memory_space<vmem>>, vector<1x16xf32>,
          %swap3A_672 = vector.shape_cast %swap3A_671 : vector<1x16xf32> to vector<16xf32>
          %swap3A_673 = vector.shape_cast %mul3A_668 : vector<16xf32> to vector<1x16xf32>
          tpu.vector_store %arg10[%swap3A_669, %swap3A_670], %swap3A_673 {strides = array<i32>} : memref<80x128xf32, #tpu.memory_space<vmem>>, vector<1x16xf32>,
          %get3A_674 = arith.index_cast %add3A_640 : i32 to index
          %get3A_675 = arith.constant 48 : index
          %get3A_676 = tpu.vector_load %arg10[%get3A_674, %get3A_675] {strides = array<i32>} : memref<80x128xf32, #tpu.memory_space<vmem>>, vector<1x16xf32>,
          %get3A_677 = vector.shape_cast %get3A_676 : vector<1x16xf32> to vector<16xf32>
          %mul3A_678 = vector.broadcast %squeeze3A_636 : f32 to vector<16xf32>
          %mul3A_679 = arith.mulf %get3A_677, %mul3A_678 : vector<16xf32>
          %swap3A_680 = arith.index_cast %add3A_640 : i32 to index
          %swap3A_681 = arith.constant 48 : index
          %swap3A_682 = tpu.vector_load %arg10[%swap3A_680, %swap3A_681] {strides = array<i32>} : memref<80x128xf32, #tpu.memory_space<vmem>>, vector<1x16xf32>,
          %swap3A_683 = vector.shape_cast %swap3A_682 : vector<1x16xf32> to vector<16xf32>
          %swap3A_684 = vector.shape_cast %mul3A_679 : vector<16xf32> to vector<1x16xf32>
          tpu.vector_store %arg10[%swap3A_680, %swap3A_681], %swap3A_684 {strides = array<i32>} : memref<80x128xf32, #tpu.memory_space<vmem>>, vector<1x16xf32>,
          %get3A_685 = arith.index_cast %add3A_640 : i32 to index
          %get3A_686 = arith.constant 64 : index
          %get3A_687 = tpu.vector_load %arg10[%get3A_685, %get3A_686] {strides = array<i32>} : memref<80x128xf32, #tpu.memory_space<vmem>>, vector<1x16xf32>,
          %get3A_688 = vector.shape_cast %get3A_687 : vector<1x16xf32> to vector<16xf32>
          %mul3A_689 = vector.broadcast %squeeze3A_636 : f32 to vector<16xf32>
          %mul3A_690 = arith.mulf %get3A_688, %mul3A_689 : vector<16xf32>
          %swap3A_691 = arith.index_cast %add3A_640 : i32 to index
          %swap3A_692 = arith.constant 64 : index
          %swap3A_693 = tpu.vector_load %arg10[%swap3A_691, %swap3A_692] {strides = array<i32>} : memref<80x128xf32, #tpu.memory_space<vmem>>, vector<1x16xf32>,
          %swap3A_694 = vector.shape_cast %swap3A_693 : vector<1x16xf32> to vector<16xf32>
          %swap3A_695 = vector.shape_cast %mul3A_690 : vector<16xf32> to vector<1x16xf32>
          tpu.vector_store %arg10[%swap3A_691, %swap3A_692], %swap3A_695 {strides = array<i32>} : memref<80x128xf32, #tpu.memory_space<vmem>>, vector<1x16xf32>,
          %get3A_696 = arith.index_cast %add3A_640 : i32 to index
          %get3A_697 = arith.constant 80 : index
          %get3A_698 = tpu.vector_load %arg10[%get3A_696, %get3A_697] {strides = array<i32>} : memref<80x128xf32, #tpu.memory_space<vmem>>, vector<1x16xf32>,
          %get3A_699 = vector.shape_cast %get3A_698 : vector<1x16xf32> to vector<16xf32>
          %mul3A_700 = vector.broadcast %squeeze3A_636 : f32 to vector<16xf32>
          %mul3A_701 = arith.mulf %get3A_699, %mul3A_700 : vector<16xf32>
          %swap3A_702 = arith.index_cast %add3A_640 : i32 to index
          %swap3A_703 = arith.constant 80 : index
          %swap3A_704 = tpu.vector_load %arg10[%swap3A_702, %swap3A_703] {strides = array<i32>} : memref<80x128xf32, #tpu.memory_space<vmem>>, vector<1x16xf32>,
          %swap3A_705 = vector.shape_cast %swap3A_704 : vector<1x16xf32> to vector<16xf32>
          %swap3A_706 = vector.shape_cast %mul3A_701 : vector<16xf32> to vector<1x16xf32>
          tpu.vector_store %arg10[%swap3A_702, %swap3A_703], %swap3A_706 {strides = array<i32>} : memref<80x128xf32, #tpu.memory_space<vmem>>, vector<1x16xf32>,
          %get3A_707 = arith.index_cast %add3A_640 : i32 to index
          %get3A_708 = arith.constant 96 : index
          %get3A_709 = tpu.vector_load %arg10[%get3A_707, %get3A_708] {strides = array<i32>} : memref<80x128xf32, #tpu.memory_space<vmem>>, vector<1x16xf32>,
          %get3A_710 = vector.shape_cast %get3A_709 : vector<1x16xf32> to vector<16xf32>
          %mul3A_711 = vector.broadcast %squeeze3A_636 : f32 to vector<16xf32>
          %mul3A_712 = arith.mulf %get3A_710, %mul3A_711 : vector<16xf32>
          %swap3A_713 = arith.index_cast %add3A_640 : i32 to index
          %swap3A_714 = arith.constant 96 : index
          %swap3A_715 = tpu.vector_load %arg10[%swap3A_713, %swap3A_714] {strides = array<i32>} : memref<80x128xf32, #tpu.memory_space<vmem>>, vector<1x16xf32>,
          %swap3A_716 = vector.shape_cast %swap3A_715 : vector<1x16xf32> to vector<16xf32>
          %swap3A_717 = vector.shape_cast %mul3A_712 : vector<16xf32> to vector<1x16xf32>
          tpu.vector_store %arg10[%swap3A_713, %swap3A_714], %swap3A_717 {strides = array<i32>} : memref<80x128xf32, #tpu.memory_space<vmem>>, vector<1x16xf32>,
          %get3A_718 = arith.index_cast %add3A_640 : i32 to index
          %get3A_719 = arith.constant 112 : index
          %get3A_720 = tpu.vector_load %arg10[%get3A_718, %get3A_719] {strides = array<i32>} : memref<80x128xf32, #tpu.memory_space<vmem>>, vector<1x16xf32>,
          %get3A_721 = vector.shape_cast %get3A_720 : vector<1x16xf32> to vector<16xf32>
          %mul3A_722 = vector.broadcast %squeeze3A_636 : f32 to vector<16xf32>
          %mul3A_723 = arith.mulf %get3A_721, %mul3A_722 : vector<16xf32>
          %swap3A_724 = arith.index_cast %add3A_640 : i32 to index
          %swap3A_725 = arith.constant 112 : index
          %swap3A_726 = tpu.vector_load %arg10[%swap3A_724, %swap3A_725] {strides = array<i32>} : memref<80x128xf32, #tpu.memory_space<vmem>>, vector<1x16xf32>,
          %swap3A_727 = vector.shape_cast %swap3A_726 : vector<1x16xf32> to vector<16xf32>
          %swap3A_728 = vector.shape_cast %mul3A_723 : vector<16xf32> to vector<1x16xf32>
          tpu.vector_store %arg10[%swap3A_724, %swap3A_725], %swap3A_728 {strides = array<i32>} : memref<80x128xf32, #tpu.memory_space<vmem>>, vector<1x16xf32>,
          %slice3A_729 = vector.extract_strided_slice %get3A_73 {offsets = [7], sizes = [1], strides = [1]} : vector<16xf32> to vector<1xf32>
          %squeeze3A_730 = vector.extract %slice3A_729[0] : f32 from vector<1xf32>
          %mul3A_731 = arith.constant 16 : i32
          %mul3A_732 = arith.muli %mul3A_731, %scan3A_68 : i32
          %add3A_733 = arith.constant 7 : i32
          %add3A_734 = arith.addi %mul3A_732, %add3A_733 : i32
          %get3A_735 = arith.index_cast %add3A_734 : i32 to index
          %get3A_736 = arith.constant 0 : index
          %get3A_737 = tpu.vector_load %arg10[%get3A_735, %get3A_736] {strides = array<i32>} : memref<80x128xf32, #tpu.memory_space<vmem>>, vector<1x16xf32>,
          %get3A_738 = vector.shape_cast %get3A_737 : vector<1x16xf32> to vector<16xf32>
          %mul3A_739 = vector.broadcast %squeeze3A_730 : f32 to vector<16xf32>
          %mul3A_740 = arith.mulf %get3A_738, %mul3A_739 : vector<16xf32>
          %swap3A_741 = arith.index_cast %add3A_734 : i32 to index
          %swap3A_742 = arith.constant 0 : index
          %swap3A_743 = tpu.vector_load %arg10[%swap3A_741, %swap3A_742] {strides = array<i32>} : memref<80x128xf32, #tpu.memory_space<vmem>>, vector<1x16xf32>,
          %swap3A_744 = vector.shape_cast %swap3A_743 : vector<1x16xf32> to vector<16xf32>
          %swap3A_745 = vector.shape_cast %mul3A_740 : vector<16xf32> to vector<1x16xf32>
          tpu.vector_store %arg10[%swap3A_741, %swap3A_742], %swap3A_745 {strides = array<i32>} : memref<80x128xf32, #tpu.memory_space<vmem>>, vector<1x16xf32>,
          %get3A_746 = arith.index_cast %add3A_734 : i32 to index
          %get3A_747 = arith.constant 16 : index
          %get3A_748 = tpu.vector_load %arg10[%get3A_746, %get3A_747] {strides = array<i32>} : memref<80x128xf32, #tpu.memory_space<vmem>>, vector<1x16xf32>,
          %get3A_749 = vector.shape_cast %get3A_748 : vector<1x16xf32> to vector<16xf32>
          %mul3A_750 = vector.broadcast %squeeze3A_730 : f32 to vector<16xf32>
          %mul3A_751 = arith.mulf %get3A_749, %mul3A_750 : vector<16xf32>
          %swap3A_752 = arith.index_cast %add3A_734 : i32 to index
          %swap3A_753 = arith.constant 16 : index
          %swap3A_754 = tpu.vector_load %arg10[%swap3A_752, %swap3A_753] {strides = array<i32>} : memref<80x128xf32, #tpu.memory_space<vmem>>, vector<1x16xf32>,
          %swap3A_755 = vector.shape_cast %swap3A_754 : vector<1x16xf32> to vector<16xf32>
          %swap3A_756 = vector.shape_cast %mul3A_751 : vector<16xf32> to vector<1x16xf32>
          tpu.vector_store %arg10[%swap3A_752, %swap3A_753], %swap3A_756 {strides = array<i32>} : memref<80x128xf32, #tpu.memory_space<vmem>>, vector<1x16xf32>,
          %get3A_757 = arith.index_cast %add3A_734 : i32 to index
          %get3A_758 = arith.constant 32 : index
          %get3A_759 = tpu.vector_load %arg10[%get3A_757, %get3A_758] {strides = array<i32>} : memref<80x128xf32, #tpu.memory_space<vmem>>, vector<1x16xf32>,
          %get3A_760 = vector.shape_cast %get3A_759 : vector<1x16xf32> to vector<16xf32>
          %mul3A_761 = vector.broadcast %squeeze3A_730 : f32 to vector<16xf32>
          %mul3A_762 = arith.mulf %get3A_760, %mul3A_761 : vector<16xf32>
          %swap3A_763 = arith.index_cast %add3A_734 : i32 to index
          %swap3A_764 = arith.constant 32 : index
          %swap3A_765 = tpu.vector_load %arg10[%swap3A_763, %swap3A_764] {strides = array<i32>} : memref<80x128xf32, #tpu.memory_space<vmem>>, vector<1x16xf32>,
          %swap3A_766 = vector.shape_cast %swap3A_765 : vector<1x16xf32> to vector<16xf32>
          %swap3A_767 = vector.shape_cast %mul3A_762 : vector<16xf32> to vector<1x16xf32>
          tpu.vector_store %arg10[%swap3A_763, %swap3A_764], %swap3A_767 {strides = array<i32>} : memref<80x128xf32, #tpu.memory_space<vmem>>, vector<1x16xf32>,
          %get3A_768 = arith.index_cast %add3A_734 : i32 to index
          %get3A_769 = arith.constant 48 : index
          %get3A_770 = tpu.vector_load %arg10[%get3A_768, %get3A_769] {strides = array<i32>} : memref<80x128xf32, #tpu.memory_space<vmem>>, vector<1x16xf32>,
          %get3A_771 = vector.shape_cast %get3A_770 : vector<1x16xf32> to vector<16xf32>
          %mul3A_772 = vector.broadcast %squeeze3A_730 : f32 to vector<16xf32>
          %mul3A_773 = arith.mulf %get3A_771, %mul3A_772 : vector<16xf32>
          %swap3A_774 = arith.index_cast %add3A_734 : i32 to index
          %swap3A_775 = arith.constant 48 : index
          %swap3A_776 = tpu.vector_load %arg10[%swap3A_774, %swap3A_775] {strides = array<i32>} : memref<80x128xf32, #tpu.memory_space<vmem>>, vector<1x16xf32>,
          %swap3A_777 = vector.shape_cast %swap3A_776 : vector<1x16xf32> to vector<16xf32>
          %swap3A_778 = vector.shape_cast %mul3A_773 : vector<16xf32> to vector<1x16xf32>
          tpu.vector_store %arg10[%swap3A_774, %swap3A_775], %swap3A_778 {strides = array<i32>} : memref<80x128xf32, #tpu.memory_space<vmem>>, vector<1x16xf32>,
          %get3A_779 = arith.index_cast %add3A_734 : i32 to index
          %get3A_780 = arith.constant 64 : index
          %get3A_781 = tpu.vector_load %arg10[%get3A_779, %get3A_780] {strides = array<i32>} : memref<80x128xf32, #tpu.memory_space<vmem>>, vector<1x16xf32>,
          %get3A_782 = vector.shape_cast %get3A_781 : vector<1x16xf32> to vector<16xf32>
          %mul3A_783 = vector.broadcast %squeeze3A_730 : f32 to vector<16xf32>
          %mul3A_784 = arith.mulf %get3A_782, %mul3A_783 : vector<16xf32>
          %swap3A_785 = arith.index_cast %add3A_734 : i32 to index
          %swap3A_786 = arith.constant 64 : index
          %swap3A_787 = tpu.vector_load %arg10[%swap3A_785, %swap3A_786] {strides = array<i32>} : memref<80x128xf32, #tpu.memory_space<vmem>>, vector<1x16xf32>,
          %swap3A_788 = vector.shape_cast %swap3A_787 : vector<1x16xf32> to vector<16xf32>
          %swap3A_789 = vector.shape_cast %mul3A_784 : vector<16xf32> to vector<1x16xf32>
          tpu.vector_store %arg10[%swap3A_785, %swap3A_786], %swap3A_789 {strides = array<i32>} : memref<80x128xf32, #tpu.memory_space<vmem>>, vector<1x16xf32>,
          %get3A_790 = arith.index_cast %add3A_734 : i32 to index
          %get3A_791 = arith.constant 80 : index
          %get3A_792 = tpu.vector_load %arg10[%get3A_790, %get3A_791] {strides = array<i32>} : memref<80x128xf32, #tpu.memory_space<vmem>>, vector<1x16xf32>,
          %get3A_793 = vector.shape_cast %get3A_792 : vector<1x16xf32> to vector<16xf32>
          %mul3A_794 = vector.broadcast %squeeze3A_730 : f32 to vector<16xf32>
          %mul3A_795 = arith.mulf %get3A_793, %mul3A_794 : vector<16xf32>
          %swap3A_796 = arith.index_cast %add3A_734 : i32 to index
          %swap3A_797 = arith.constant 80 : index
          %swap3A_798 = tpu.vector_load %arg10[%swap3A_796, %swap3A_797] {strides = array<i32>} : memref<80x128xf32, #tpu.memory_space<vmem>>, vector<1x16xf32>,
          %swap3A_799 = vector.shape_cast %swap3A_798 : vector<1x16xf32> to vector<16xf32>
          %swap3A_800 = vector.shape_cast %mul3A_795 : vector<16xf32> to vector<1x16xf32>
          tpu.vector_store %arg10[%swap3A_796, %swap3A_797], %swap3A_800 {strides = array<i32>} : memref<80x128xf32, #tpu.memory_space<vmem>>, vector<1x16xf32>,
          %get3A_801 = arith.index_cast %add3A_734 : i32 to index
          %get3A_802 = arith.constant 96 : index
          %get3A_803 = tpu.vector_load %arg10[%get3A_801, %get3A_802] {strides = array<i32>} : memref<80x128xf32, #tpu.memory_space<vmem>>, vector<1x16xf32>,
          %get3A_804 = vector.shape_cast %get3A_803 : vector<1x16xf32> to vector<16xf32>
          %mul3A_805 = vector.broadcast %squeeze3A_730 : f32 to vector<16xf32>
          %mul3A_806 = arith.mulf %get3A_804, %mul3A_805 : vector<16xf32>
          %swap3A_807 = arith.index_cast %add3A_734 : i32 to index
          %swap3A_808 = arith.constant 96 : index
          %swap3A_809 = tpu.vector_load %arg10[%swap3A_807, %swap3A_808] {strides = array<i32>} : memref<80x128xf32, #tpu.memory_space<vmem>>, vector<1x16xf32>,
          %swap3A_810 = vector.shape_cast %swap3A_809 : vector<1x16xf32> to vector<16xf32>
          %swap3A_811 = vector.shape_cast %mul3A_806 : vector<16xf32> to vector<1x16xf32>
          tpu.vector_store %arg10[%swap3A_807, %swap3A_808], %swap3A_811 {strides = array<i32>} : memref<80x128xf32, #tpu.memory_space<vmem>>, vector<1x16xf32>,
          %get3A_812 = arith.index_cast %add3A_734 : i32 to index
          %get3A_813 = arith.constant 112 : index
          %get3A_814 = tpu.vector_load %arg10[%get3A_812, %get3A_813] {strides = array<i32>} : memref<80x128xf32, #tpu.memory_space<vmem>>, vector<1x16xf32>,
          %get3A_815 = vector.shape_cast %get3A_814 : vector<1x16xf32> to vector<16xf32>
          %mul3A_816 = vector.broadcast %squeeze3A_730 : f32 to vector<16xf32>
          %mul3A_817 = arith.mulf %get3A_815, %mul3A_816 : vector<16xf32>
          %swap3A_818 = arith.index_cast %add3A_734 : i32 to index
          %swap3A_819 = arith.constant 112 : index
          %swap3A_820 = tpu.vector_load %arg10[%swap3A_818, %swap3A_819] {strides = array<i32>} : memref<80x128xf32, #tpu.memory_space<vmem>>, vector<1x16xf32>,
          %swap3A_821 = vector.shape_cast %swap3A_820 : vector<1x16xf32> to vector<16xf32>
          %swap3A_822 = vector.shape_cast %mul3A_817 : vector<16xf32> to vector<1x16xf32>
          tpu.vector_store %arg10[%swap3A_818, %swap3A_819], %swap3A_822 {strides = array<i32>} : memref<80x128xf32, #tpu.memory_space<vmem>>, vector<1x16xf32>,
          %slice3A_823 = vector.extract_strided_slice %get3A_73 {offsets = [8], sizes = [1], strides = [1]} : vector<16xf32> to vector<1xf32>
          %squeeze3A_824 = vector.extract %slice3A_823[0] : f32 from vector<1xf32>
          %mul3A_825 = arith.constant 16 : i32
          %mul3A_826 = arith.muli %mul3A_825, %scan3A_68 : i32
          %add3A_827 = arith.constant 8 : i32
          %add3A_828 = arith.addi %mul3A_826, %add3A_827 : i32
          %get3A_829 = arith.index_cast %add3A_828 : i32 to index
          %get3A_830 = arith.constant 0 : index
          %get3A_831 = tpu.vector_load %arg10[%get3A_829, %get3A_830] {strides = array<i32>} : memref<80x128xf32, #tpu.memory_space<vmem>>, vector<1x16xf32>,
          %get3A_832 = vector.shape_cast %get3A_831 : vector<1x16xf32> to vector<16xf32>
          %mul3A_833 = vector.broadcast %squeeze3A_824 : f32 to vector<16xf32>
          %mul3A_834 = arith.mulf %get3A_832, %mul3A_833 : vector<16xf32>
          %swap3A_835 = arith.index_cast %add3A_828 : i32 to index
          %swap3A_836 = arith.constant 0 : index
          %swap3A_837 = tpu.vector_load %arg10[%swap3A_835, %swap3A_836] {strides = array<i32>} : memref<80x128xf32, #tpu.memory_space<vmem>>, vector<1x16xf32>,
          %swap3A_838 = vector.shape_cast %swap3A_837 : vector<1x16xf32> to vector<16xf32>
          %swap3A_839 = vector.shape_cast %mul3A_834 : vector<16xf32> to vector<1x16xf32>
          tpu.vector_store %arg10[%swap3A_835, %swap3A_836], %swap3A_839 {strides = array<i32>} : memref<80x128xf32, #tpu.memory_space<vmem>>, vector<1x16xf32>,
          %get3A_840 = arith.index_cast %add3A_828 : i32 to index
          %get3A_841 = arith.constant 16 : index
          %get3A_842 = tpu.vector_load %arg10[%get3A_840, %get3A_841] {strides = array<i32>} : memref<80x128xf32, #tpu.memory_space<vmem>>, vector<1x16xf32>,
          %get3A_843 = vector.shape_cast %get3A_842 : vector<1x16xf32> to vector<16xf32>
          %mul3A_844 = vector.broadcast %squeeze3A_824 : f32 to vector<16xf32>
          %mul3A_845 = arith.mulf %get3A_843, %mul3A_844 : vector<16xf32>
          %swap3A_846 = arith.index_cast %add3A_828 : i32 to index
          %swap3A_847 = arith.constant 16 : index
          %swap3A_848 = tpu.vector_load %arg10[%swap3A_846, %swap3A_847] {strides = array<i32>} : memref<80x128xf32, #tpu.memory_space<vmem>>, vector<1x16xf32>,
          %swap3A_849 = vector.shape_cast %swap3A_848 : vector<1x16xf32> to vector<16xf32>
          %swap3A_850 = vector.shape_cast %mul3A_845 : vector<16xf32> to vector<1x16xf32>
          tpu.vector_store %arg10[%swap3A_846, %swap3A_847], %swap3A_850 {strides = array<i32>} : memref<80x128xf32, #tpu.memory_space<vmem>>, vector<1x16xf32>,
          %get3A_851 = arith.index_cast %add3A_828 : i32 to index
          %get3A_852 = arith.constant 32 : index
          %get3A_853 = tpu.vector_load %arg10[%get3A_851, %get3A_852] {strides = array<i32>} : memref<80x128xf32, #tpu.memory_space<vmem>>, vector<1x16xf32>,
          %get3A_854 = vector.shape_cast %get3A_853 : vector<1x16xf32> to vector<16xf32>
          %mul3A_855 = vector.broadcast %squeeze3A_824 : f32 to vector<16xf32>
          %mul3A_856 = arith.mulf %get3A_854, %mul3A_855 : vector<16xf32>
          %swap3A_857 = arith.index_cast %add3A_828 : i32 to index
          %swap3A_858 = arith.constant 32 : index
          %swap3A_859 = tpu.vector_load %arg10[%swap3A_857, %swap3A_858] {strides = array<i32>} : memref<80x128xf32, #tpu.memory_space<vmem>>, vector<1x16xf32>,
          %swap3A_860 = vector.shape_cast %swap3A_859 : vector<1x16xf32> to vector<16xf32>
          %swap3A_861 = vector.shape_cast %mul3A_856 : vector<16xf32> to vector<1x16xf32>
          tpu.vector_store %arg10[%swap3A_857, %swap3A_858], %swap3A_861 {strides = array<i32>} : memref<80x128xf32, #tpu.memory_space<vmem>>, vector<1x16xf32>,
          %get3A_862 = arith.index_cast %add3A_828 : i32 to index
          %get3A_863 = arith.constant 48 : index
          %get3A_864 = tpu.vector_load %arg10[%get3A_862, %get3A_863] {strides = array<i32>} : memref<80x128xf32, #tpu.memory_space<vmem>>, vector<1x16xf32>,
          %get3A_865 = vector.shape_cast %get3A_864 : vector<1x16xf32> to vector<16xf32>
          %mul3A_866 = vector.broadcast %squeeze3A_824 : f32 to vector<16xf32>
          %mul3A_867 = arith.mulf %get3A_865, %mul3A_866 : vector<16xf32>
          %swap3A_868 = arith.index_cast %add3A_828 : i32 to index
          %swap3A_869 = arith.constant 48 : index
          %swap3A_870 = tpu.vector_load %arg10[%swap3A_868, %swap3A_869] {strides = array<i32>} : memref<80x128xf32, #tpu.memory_space<vmem>>, vector<1x16xf32>,
          %swap3A_871 = vector.shape_cast %swap3A_870 : vector<1x16xf32> to vector<16xf32>
          %swap3A_872 = vector.shape_cast %mul3A_867 : vector<16xf32> to vector<1x16xf32>
          tpu.vector_store %arg10[%swap3A_868, %swap3A_869], %swap3A_872 {strides = array<i32>} : memref<80x128xf32, #tpu.memory_space<vmem>>, vector<1x16xf32>,
          %get3A_873 = arith.index_cast %add3A_828 : i32 to index
          %get3A_874 = arith.constant 64 : index
          %get3A_875 = tpu.vector_load %arg10[%get3A_873, %get3A_874] {strides = array<i32>} : memref<80x128xf32, #tpu.memory_space<vmem>>, vector<1x16xf32>,
          %get3A_876 = vector.shape_cast %get3A_875 : vector<1x16xf32> to vector<16xf32>
          %mul3A_877 = vector.broadcast %squeeze3A_824 : f32 to vector<16xf32>
          %mul3A_878 = arith.mulf %get3A_876, %mul3A_877 : vector<16xf32>
          %swap3A_879 = arith.index_cast %add3A_828 : i32 to index
          %swap3A_880 = arith.constant 64 : index
          %swap3A_881 = tpu.vector_load %arg10[%swap3A_879, %swap3A_880] {strides = array<i32>} : memref<80x128xf32, #tpu.memory_space<vmem>>, vector<1x16xf32>,
          %swap3A_882 = vector.shape_cast %swap3A_881 : vector<1x16xf32> to vector<16xf32>
          %swap3A_883 = vector.shape_cast %mul3A_878 : vector<16xf32> to vector<1x16xf32>
          tpu.vector_store %arg10[%swap3A_879, %swap3A_880], %swap3A_883 {strides = array<i32>} : memref<80x128xf32, #tpu.memory_space<vmem>>, vector<1x16xf32>,
          %get3A_884 = arith.index_cast %add3A_828 : i32 to index
          %get3A_885 = arith.constant 80 : index
          %get3A_886 = tpu.vector_load %arg10[%get3A_884, %get3A_885] {strides = array<i32>} : memref<80x128xf32, #tpu.memory_space<vmem>>, vector<1x16xf32>,
          %get3A_887 = vector.shape_cast %get3A_886 : vector<1x16xf32> to vector<16xf32>
          %mul3A_888 = vector.broadcast %squeeze3A_824 : f32 to vector<16xf32>
          %mul3A_889 = arith.mulf %get3A_887, %mul3A_888 : vector<16xf32>
          %swap3A_890 = arith.index_cast %add3A_828 : i32 to index
          %swap3A_891 = arith.constant 80 : index
          %swap3A_892 = tpu.vector_load %arg10[%swap3A_890, %swap3A_891] {strides = array<i32>} : memref<80x128xf32, #tpu.memory_space<vmem>>, vector<1x16xf32>,
          %swap3A_893 = vector.shape_cast %swap3A_892 : vector<1x16xf32> to vector<16xf32>
          %swap3A_894 = vector.shape_cast %mul3A_889 : vector<16xf32> to vector<1x16xf32>
          tpu.vector_store %arg10[%swap3A_890, %swap3A_891], %swap3A_894 {strides = array<i32>} : memref<80x128xf32, #tpu.memory_space<vmem>>, vector<1x16xf32>,
          %get3A_895 = arith.index_cast %add3A_828 : i32 to index
          %get3A_896 = arith.constant 96 : index
          %get3A_897 = tpu.vector_load %arg10[%get3A_895, %get3A_896] {strides = array<i32>} : memref<80x128xf32, #tpu.memory_space<vmem>>, vector<1x16xf32>,
          %get3A_898 = vector.shape_cast %get3A_897 : vector<1x16xf32> to vector<16xf32>
          %mul3A_899 = vector.broadcast %squeeze3A_824 : f32 to vector<16xf32>
          %mul3A_900 = arith.mulf %get3A_898, %mul3A_899 : vector<16xf32>
          %swap3A_901 = arith.index_cast %add3A_828 : i32 to index
          %swap3A_902 = arith.constant 96 : index
          %swap3A_903 = tpu.vector_load %arg10[%swap3A_901, %swap3A_902] {strides = array<i32>} : memref<80x128xf32, #tpu.memory_space<vmem>>, vector<1x16xf32>,
          %swap3A_904 = vector.shape_cast %swap3A_903 : vector<1x16xf32> to vector<16xf32>
          %swap3A_905 = vector.shape_cast %mul3A_900 : vector<16xf32> to vector<1x16xf32>
          tpu.vector_store %arg10[%swap3A_901, %swap3A_902], %swap3A_905 {strides = array<i32>} : memref<80x128xf32, #tpu.memory_space<vmem>>, vector<1x16xf32>,
          %get3A_906 = arith.index_cast %add3A_828 : i32 to index
          %get3A_907 = arith.constant 112 : index
          %get3A_908 = tpu.vector_load %arg10[%get3A_906, %get3A_907] {strides = array<i32>} : memref<80x128xf32, #tpu.memory_space<vmem>>, vector<1x16xf32>,
          %get3A_909 = vector.shape_cast %get3A_908 : vector<1x16xf32> to vector<16xf32>
          %mul3A_910 = vector.broadcast %squeeze3A_824 : f32 to vector<16xf32>
          %mul3A_911 = arith.mulf %get3A_909, %mul3A_910 : vector<16xf32>
          %swap3A_912 = arith.index_cast %add3A_828 : i32 to index
          %swap3A_913 = arith.constant 112 : index
          %swap3A_914 = tpu.vector_load %arg10[%swap3A_912, %swap3A_913] {strides = array<i32>} : memref<80x128xf32, #tpu.memory_space<vmem>>, vector<1x16xf32>,
          %swap3A_915 = vector.shape_cast %swap3A_914 : vector<1x16xf32> to vector<16xf32>
          %swap3A_916 = vector.shape_cast %mul3A_911 : vector<16xf32> to vector<1x16xf32>
          tpu.vector_store %arg10[%swap3A_912, %swap3A_913], %swap3A_916 {strides = array<i32>} : memref<80x128xf32, #tpu.memory_space<vmem>>, vector<1x16xf32>,
          %slice3A_917 = vector.extract_strided_slice %get3A_73 {offsets = [9], sizes = [1], strides = [1]} : vector<16xf32> to vector<1xf32>
          %squeeze3A_918 = vector.extract %slice3A_917[0] : f32 from vector<1xf32>
          %mul3A_919 = arith.constant 16 : i32
          %mul3A_920 = arith.muli %mul3A_919, %scan3A_68 : i32
          %add3A_921 = arith.constant 9 : i32
          %add3A_922 = arith.addi %mul3A_920, %add3A_921 : i32
          %get3A_923 = arith.index_cast %add3A_922 : i32 to index
          %get3A_924 = arith.constant 0 : index
          %get3A_925 = tpu.vector_load %arg10[%get3A_923, %get3A_924] {strides = array<i32>} : memref<80x128xf32, #tpu.memory_space<vmem>>, vector<1x16xf32>,
          %get3A_926 = vector.shape_cast %get3A_925 : vector<1x16xf32> to vector<16xf32>
          %mul3A_927 = vector.broadcast %squeeze3A_918 : f32 to vector<16xf32>
          %mul3A_928 = arith.mulf %get3A_926, %mul3A_927 : vector<16xf32>
          %swap3A_929 = arith.index_cast %add3A_922 : i32 to index
          %swap3A_930 = arith.constant 0 : index
          %swap3A_931 = tpu.vector_load %arg10[%swap3A_929, %swap3A_930] {strides = array<i32>} : memref<80x128xf32, #tpu.memory_space<vmem>>, vector<1x16xf32>,
          %swap3A_932 = vector.shape_cast %swap3A_931 : vector<1x16xf32> to vector<16xf32>
          %swap3A_933 = vector.shape_cast %mul3A_928 : vector<16xf32> to vector<1x16xf32>
          tpu.vector_store %arg10[%swap3A_929, %swap3A_930], %swap3A_933 {strides = array<i32>} : memref<80x128xf32, #tpu.memory_space<vmem>>, vector<1x16xf32>,
          %get3A_934 = arith.index_cast %add3A_922 : i32 to index
          %get3A_935 = arith.constant 16 : index
          %get3A_936 = tpu.vector_load %arg10[%get3A_934, %get3A_935] {strides = array<i32>} : memref<80x128xf32, #tpu.memory_space<vmem>>, vector<1x16xf32>,
          %get3A_937 = vector.shape_cast %get3A_936 : vector<1x16xf32> to vector<16xf32>
          %mul3A_938 = vector.broadcast %squeeze3A_918 : f32 to vector<16xf32>
          %mul3A_939 = arith.mulf %get3A_937, %mul3A_938 : vector<16xf32>
          %swap3A_940 = arith.index_cast %add3A_922 : i32 to index
          %swap3A_941 = arith.constant 16 : index
          %swap3A_942 = tpu.vector_load %arg10[%swap3A_940, %swap3A_941] {strides = array<i32>} : memref<80x128xf32, #tpu.memory_space<vmem>>, vector<1x16xf32>,
          %swap3A_943 = vector.shape_cast %swap3A_942 : vector<1x16xf32> to vector<16xf32>
          %swap3A_944 = vector.shape_cast %mul3A_939 : vector<16xf32> to vector<1x16xf32>
          tpu.vector_store %arg10[%swap3A_940, %swap3A_941], %swap3A_944 {strides = array<i32>} : memref<80x128xf32, #tpu.memory_space<vmem>>, vector<1x16xf32>,
          %get3A_945 = arith.index_cast %add3A_922 : i32 to index
          %get3A_946 = arith.constant 32 : index
          %get3A_947 = tpu.vector_load %arg10[%get3A_945, %get3A_946] {strides = array<i32>} : memref<80x128xf32, #tpu.memory_space<vmem>>, vector<1x16xf32>,
          %get3A_948 = vector.shape_cast %get3A_947 : vector<1x16xf32> to vector<16xf32>
          %mul3A_949 = vector.broadcast %squeeze3A_918 : f32 to vector<16xf32>
          %mul3A_950 = arith.mulf %get3A_948, %mul3A_949 : vector<16xf32>
          %swap3A_951 = arith.index_cast %add3A_922 : i32 to index
          %swap3A_952 = arith.constant 32 : index
          %swap3A_953 = tpu.vector_load %arg10[%swap3A_951, %swap3A_952] {strides = array<i32>} : memref<80x128xf32, #tpu.memory_space<vmem>>, vector<1x16xf32>,
          %swap3A_954 = vector.shape_cast %swap3A_953 : vector<1x16xf32> to vector<16xf32>
          %swap3A_955 = vector.shape_cast %mul3A_950 : vector<16xf32> to vector<1x16xf32>
          tpu.vector_store %arg10[%swap3A_951, %swap3A_952], %swap3A_955 {strides = array<i32>} : memref<80x128xf32, #tpu.memory_space<vmem>>, vector<1x16xf32>,
          %get3A_956 = arith.index_cast %add3A_922 : i32 to index
          %get3A_957 = arith.constant 48 : index
          %get3A_958 = tpu.vector_load %arg10[%get3A_956, %get3A_957] {strides = array<i32>} : memref<80x128xf32, #tpu.memory_space<vmem>>, vector<1x16xf32>,
          %get3A_959 = vector.shape_cast %get3A_958 : vector<1x16xf32> to vector<16xf32>
          %mul3A_960 = vector.broadcast %squeeze3A_918 : f32 to vector<16xf32>
          %mul3A_961 = arith.mulf %get3A_959, %mul3A_960 : vector<16xf32>
          %swap3A_962 = arith.index_cast %add3A_922 : i32 to index
          %swap3A_963 = arith.constant 48 : index
          %swap3A_964 = tpu.vector_load %arg10[%swap3A_962, %swap3A_963] {strides = array<i32>} : memref<80x128xf32, #tpu.memory_space<vmem>>, vector<1x16xf32>,
          %swap3A_965 = vector.shape_cast %swap3A_964 : vector<1x16xf32> to vector<16xf32>
          %swap3A_966 = vector.shape_cast %mul3A_961 : vector<16xf32> to vector<1x16xf32>
          tpu.vector_store %arg10[%swap3A_962, %swap3A_963], %swap3A_966 {strides = array<i32>} : memref<80x128xf32, #tpu.memory_space<vmem>>, vector<1x16xf32>,
          %get3A_967 = arith.index_cast %add3A_922 : i32 to index
          %get3A_968 = arith.constant 64 : index
          %get3A_969 = tpu.vector_load %arg10[%get3A_967, %get3A_968] {strides = array<i32>} : memref<80x128xf32, #tpu.memory_space<vmem>>, vector<1x16xf32>,
          %get3A_970 = vector.shape_cast %get3A_969 : vector<1x16xf32> to vector<16xf32>
          %mul3A_971 = vector.broadcast %squeeze3A_918 : f32 to vector<16xf32>
          %mul3A_972 = arith.mulf %get3A_970, %mul3A_971 : vector<16xf32>
          %swap3A_973 = arith.index_cast %add3A_922 : i32 to index
          %swap3A_974 = arith.constant 64 : index
          %swap3A_975 = tpu.vector_load %arg10[%swap3A_973, %swap3A_974] {strides = array<i32>} : memref<80x128xf32, #tpu.memory_space<vmem>>, vector<1x16xf32>,
          %swap3A_976 = vector.shape_cast %swap3A_975 : vector<1x16xf32> to vector<16xf32>
          %swap3A_977 = vector.shape_cast %mul3A_972 : vector<16xf32> to vector<1x16xf32>
          tpu.vector_store %arg10[%swap3A_973, %swap3A_974], %swap3A_977 {strides = array<i32>} : memref<80x128xf32, #tpu.memory_space<vmem>>, vector<1x16xf32>,
          %get3A_978 = arith.index_cast %add3A_922 : i32 to index
          %get3A_979 = arith.constant 80 : index
          %get3A_980 = tpu.vector_load %arg10[%get3A_978, %get3A_979] {strides = array<i32>} : memref<80x128xf32, #tpu.memory_space<vmem>>, vector<1x16xf32>,
          %get3A_981 = vector.shape_cast %get3A_980 : vector<1x16xf32> to vector<16xf32>
          %mul3A_982 = vector.broadcast %squeeze3A_918 : f32 to vector<16xf32>
          %mul3A_983 = arith.mulf %get3A_981, %mul3A_982 : vector<16xf32>
          %swap3A_984 = arith.index_cast %add3A_922 : i32 to index
          %swap3A_985 = arith.constant 80 : index
          %swap3A_986 = tpu.vector_load %arg10[%swap3A_984, %swap3A_985] {strides = array<i32>} : memref<80x128xf32, #tpu.memory_space<vmem>>, vector<1x16xf32>,
          %swap3A_987 = vector.shape_cast %swap3A_986 : vector<1x16xf32> to vector<16xf32>
          %swap3A_988 = vector.shape_cast %mul3A_983 : vector<16xf32> to vector<1x16xf32>
          tpu.vector_store %arg10[%swap3A_984, %swap3A_985], %swap3A_988 {strides = array<i32>} : memref<80x128xf32, #tpu.memory_space<vmem>>, vector<1x16xf32>,
          %get3A_989 = arith.index_cast %add3A_922 : i32 to index
          %get3A_990 = arith.constant 96 : index
          %get3A_991 = tpu.vector_load %arg10[%get3A_989, %get3A_990] {strides = array<i32>} : memref<80x128xf32, #tpu.memory_space<vmem>>, vector<1x16xf32>,
          %get3A_992 = vector.shape_cast %get3A_991 : vector<1x16xf32> to vector<16xf32>
          %mul3A_993 = vector.broadcast %squeeze3A_918 : f32 to vector<16xf32>
          %mul3A_994 = arith.mulf %get3A_992, %mul3A_993 : vector<16xf32>
          %swap3A_995 = arith.index_cast %add3A_922 : i32 to index
          %swap3A_996 = arith.constant 96 : index
          %swap3A_997 = tpu.vector_load %arg10[%swap3A_995, %swap3A_996] {strides = array<i32>} : memref<80x128xf32, #tpu.memory_space<vmem>>, vector<1x16xf32>,
          %swap3A_998 = vector.shape_cast %swap3A_997 : vector<1x16xf32> to vector<16xf32>
          %swap3A_999 = vector.shape_cast %mul3A_994 : vector<16xf32> to vector<1x16xf32>
          tpu.vector_store %arg10[%swap3A_995, %swap3A_996], %swap3A_999 {strides = array<i32>} : memref<80x128xf32, #tpu.memory_space<vmem>>, vector<1x16xf32>,
          %get3A_1000 = arith.index_cast %add3A_922 : i32 to index
          %get3A_1001 = arith.constant 112 : index
          %get3A_1002 = tpu.vector_load %arg10[%get3A_1000, %get3A_1001] {strides = array<i32>} : memref<80x128xf32, #tpu.memory_space<vmem>>, vector<1x16xf32>,
          %get3A_1003 = vector.shape_cast %get3A_1002 : vector<1x16xf32> to vector<16xf32>
          %mul3A_1004 = vector.broadcast %squeeze3A_918 : f32 to vector<16xf32>
          %mul3A_1005 = arith.mulf %get3A_1003, %mul3A_1004 : vector<16xf32>
          %swap3A_1006 = arith.index_cast %add3A_922 : i32 to index
          %swap3A_1007 = arith.constant 112 : index
          %swap3A_1008 = tpu.vector_load %arg10[%swap3A_1006, %swap3A_1007] {strides = array<i32>} : memref<80x128xf32, #tpu.memory_space<vmem>>, vector<1x16xf32>,
          %swap3A_1009 = vector.shape_cast %swap3A_1008 : vector<1x16xf32> to vector<16xf32>
          %swap3A_1010 = vector.shape_cast %mul3A_1005 : vector<16xf32> to vector<1x16xf32>
          tpu.vector_store %arg10[%swap3A_1006, %swap3A_1007], %swap3A_1010 {strides = array<i32>} : memref<80x128xf32, #tpu.memory_space<vmem>>, vector<1x16xf32>,
          %slice3A_1011 = vector.extract_strided_slice %get3A_73 {offsets = [10], sizes = [1], strides = [1]} : vector<16xf32> to vector<1xf32>
          %squeeze3A_1012 = vector.extract %slice3A_1011[0] : f32 from vector<1xf32>
          %mul3A_1013 = arith.constant 16 : i32
          %mul3A_1014 = arith.muli %mul3A_1013, %scan3A_68 : i32
          %add3A_1015 = arith.constant 10 : i32
          %add3A_1016 = arith.addi %mul3A_1014, %add3A_1015 : i32
          %get3A_1017 = arith.index_cast %add3A_1016 : i32 to index
          %get3A_1018 = arith.constant 0 : index
          %get3A_1019 = tpu.vector_load %arg10[%get3A_1017, %get3A_1018] {strides = array<i32>} : memref<80x128xf32, #tpu.memory_space<vmem>>, vector<1x16xf32>,
          %get3A_1020 = vector.shape_cast %get3A_1019 : vector<1x16xf32> to vector<16xf32>
          %mul3A_1021 = vector.broadcast %squeeze3A_1012 : f32 to vector<16xf32>
          %mul3A_1022 = arith.mulf %get3A_1020, %mul3A_1021 : vector<16xf32>
          %swap3A_1023 = arith.index_cast %add3A_1016 : i32 to index
          %swap3A_1024 = arith.constant 0 : index
          %swap3A_1025 = tpu.vector_load %arg10[%swap3A_1023, %swap3A_1024] {strides = array<i32>} : memref<80x128xf32, #tpu.memory_space<vmem>>, vector<1x16xf32>,
          %swap3A_1026 = vector.shape_cast %swap3A_1025 : vector<1x16xf32> to vector<16xf32>
          %swap3A_1027 = vector.shape_cast %mul3A_1022 : vector<16xf32> to vector<1x16xf32>
          tpu.vector_store %arg10[%swap3A_1023, %swap3A_1024], %swap3A_1027 {strides = array<i32>} : memref<80x128xf32, #tpu.memory_space<vmem>>, vector<1x16xf32>,
          %get3A_1028 = arith.index_cast %add3A_1016 : i32 to index
          %get3A_1029 = arith.constant 16 : index
          %get3A_1030 = tpu.vector_load %arg10[%get3A_1028, %get3A_1029] {strides = array<i32>} : memref<80x128xf32, #tpu.memory_space<vmem>>, vector<1x16xf32>,
          %get3A_1031 = vector.shape_cast %get3A_1030 : vector<1x16xf32> to vector<16xf32>
          %mul3A_1032 = vector.broadcast %squeeze3A_1012 : f32 to vector<16xf32>
          %mul3A_1033 = arith.mulf %get3A_1031, %mul3A_1032 : vector<16xf32>
          %swap3A_1034 = arith.index_cast %add3A_1016 : i32 to index
          %swap3A_1035 = arith.constant 16 : index
          %swap3A_1036 = tpu.vector_load %arg10[%swap3A_1034, %swap3A_1035] {strides = array<i32>} : memref<80x128xf32, #tpu.memory_space<vmem>>, vector<1x16xf32>,
          %swap3A_1037 = vector.shape_cast %swap3A_1036 : vector<1x16xf32> to vector<16xf32>
          %swap3A_1038 = vector.shape_cast %mul3A_1033 : vector<16xf32> to vector<1x16xf32>
          tpu.vector_store %arg10[%swap3A_1034, %swap3A_1035], %swap3A_1038 {strides = array<i32>} : memref<80x128xf32, #tpu.memory_space<vmem>>, vector<1x16xf32>,
          %get3A_1039 = arith.index_cast %add3A_1016 : i32 to index
          %get3A_1040 = arith.constant 32 : index
          %get3A_1041 = tpu.vector_load %arg10[%get3A_1039, %get3A_1040] {strides = array<i32>} : memref<80x128xf32, #tpu.memory_space<vmem>>, vector<1x16xf32>,
          %get3A_1042 = vector.shape_cast %get3A_1041 : vector<1x16xf32> to vector<16xf32>
          %mul3A_1043 = vector.broadcast %squeeze3A_1012 : f32 to vector<16xf32>
          %mul3A_1044 = arith.mulf %get3A_1042, %mul3A_1043 : vector<16xf32>
          %swap3A_1045 = arith.index_cast %add3A_1016 : i32 to index
          %swap3A_1046 = arith.constant 32 : index
          %swap3A_1047 = tpu.vector_load %arg10[%swap3A_1045, %swap3A_1046] {strides = array<i32>} : memref<80x128xf32, #tpu.memory_space<vmem>>, vector<1x16xf32>,
          %swap3A_1048 = vector.shape_cast %swap3A_1047 : vector<1x16xf32> to vector<16xf32>
          %swap3A_1049 = vector.shape_cast %mul3A_1044 : vector<16xf32> to vector<1x16xf32>
          tpu.vector_store %arg10[%swap3A_1045, %swap3A_1046], %swap3A_1049 {strides = array<i32>} : memref<80x128xf32, #tpu.memory_space<vmem>>, vector<1x16xf32>,
          %get3A_1050 = arith.index_cast %add3A_1016 : i32 to index
          %get3A_1051 = arith.constant 48 : index
          %get3A_1052 = tpu.vector_load %arg10[%get3A_1050, %get3A_1051] {strides = array<i32>} : memref<80x128xf32, #tpu.memory_space<vmem>>, vector<1x16xf32>,
          %get3A_1053 = vector.shape_cast %get3A_1052 : vector<1x16xf32> to vector<16xf32>
          %mul3A_1054 = vector.broadcast %squeeze3A_1012 : f32 to vector<16xf32>
          %mul3A_1055 = arith.mulf %get3A_1053, %mul3A_1054 : vector<16xf32>
          %swap3A_1056 = arith.index_cast %add3A_1016 : i32 to index
          %swap3A_1057 = arith.constant 48 : index
          %swap3A_1058 = tpu.vector_load %arg10[%swap3A_1056, %swap3A_1057] {strides = array<i32>} : memref<80x128xf32, #tpu.memory_space<vmem>>, vector<1x16xf32>,
          %swap3A_1059 = vector.shape_cast %swap3A_1058 : vector<1x16xf32> to vector<16xf32>
          %swap3A_1060 = vector.shape_cast %mul3A_1055 : vector<16xf32> to vector<1x16xf32>
          tpu.vector_store %arg10[%swap3A_1056, %swap3A_1057], %swap3A_1060 {strides = array<i32>} : memref<80x128xf32, #tpu.memory_space<vmem>>, vector<1x16xf32>,
          %get3A_1061 = arith.index_cast %add3A_1016 : i32 to index
          %get3A_1062 = arith.constant 64 : index
          %get3A_1063 = tpu.vector_load %arg10[%get3A_1061, %get3A_1062] {strides = array<i32>} : memref<80x128xf32, #tpu.memory_space<vmem>>, vector<1x16xf32>,
          %get3A_1064 = vector.shape_cast %get3A_1063 : vector<1x16xf32> to vector<16xf32>
          %mul3A_1065 = vector.broadcast %squeeze3A_1012 : f32 to vector<16xf32>
          %mul3A_1066 = arith.mulf %get3A_1064, %mul3A_1065 : vector<16xf32>
          %swap3A_1067 = arith.index_cast %add3A_1016 : i32 to index
          %swap3A_1068 = arith.constant 64 : index
          %swap3A_1069 = tpu.vector_load %arg10[%swap3A_1067, %swap3A_1068] {strides = array<i32>} : memref<80x128xf32, #tpu.memory_space<vmem>>, vector<1x16xf32>,
          %swap3A_1070 = vector.shape_cast %swap3A_1069 : vector<1x16xf32> to vector<16xf32>
          %swap3A_1071 = vector.shape_cast %mul3A_1066 : vector<16xf32> to vector<1x16xf32>
          tpu.vector_store %arg10[%swap3A_1067, %swap3A_1068], %swap3A_1071 {strides = array<i32>} : memref<80x128xf32, #tpu.memory_space<vmem>>, vector<1x16xf32>,
          %get3A_1072 = arith.index_cast %add3A_1016 : i32 to index
          %get3A_1073 = arith.constant 80 : index
          %get3A_1074 = tpu.vector_load %arg10[%get3A_1072, %get3A_1073] {strides = array<i32>} : memref<80x128xf32, #tpu.memory_space<vmem>>, vector<1x16xf32>,
          %get3A_1075 = vector.shape_cast %get3A_1074 : vector<1x16xf32> to vector<16xf32>
          %mul3A_1076 = vector.broadcast %squeeze3A_1012 : f32 to vector<16xf32>
          %mul3A_1077 = arith.mulf %get3A_1075, %mul3A_1076 : vector<16xf32>
          %swap3A_1078 = arith.index_cast %add3A_1016 : i32 to index
          %swap3A_1079 = arith.constant 80 : index
          %swap3A_1080 = tpu.vector_load %arg10[%swap3A_1078, %swap3A_1079] {strides = array<i32>} : memref<80x128xf32, #tpu.memory_space<vmem>>, vector<1x16xf32>,
          %swap3A_1081 = vector.shape_cast %swap3A_1080 : vector<1x16xf32> to vector<16xf32>
          %swap3A_1082 = vector.shape_cast %mul3A_1077 : vector<16xf32> to vector<1x16xf32>
          tpu.vector_store %arg10[%swap3A_1078, %swap3A_1079], %swap3A_1082 {strides = array<i32>} : memref<80x128xf32, #tpu.memory_space<vmem>>, vector<1x16xf32>,
          %get3A_1083 = arith.index_cast %add3A_1016 : i32 to index
          %get3A_1084 = arith.constant 96 : index
          %get3A_1085 = tpu.vector_load %arg10[%get3A_1083, %get3A_1084] {strides = array<i32>} : memref<80x128xf32, #tpu.memory_space<vmem>>, vector<1x16xf32>,
          %get3A_1086 = vector.shape_cast %get3A_1085 : vector<1x16xf32> to vector<16xf32>
          %mul3A_1087 = vector.broadcast %squeeze3A_1012 : f32 to vector<16xf32>
          %mul3A_1088 = arith.mulf %get3A_1086, %mul3A_1087 : vector<16xf32>
          %swap3A_1089 = arith.index_cast %add3A_1016 : i32 to index
          %swap3A_1090 = arith.constant 96 : index
          %swap3A_1091 = tpu.vector_load %arg10[%swap3A_1089, %swap3A_1090] {strides = array<i32>} : memref<80x128xf32, #tpu.memory_space<vmem>>, vector<1x16xf32>,
          %swap3A_1092 = vector.shape_cast %swap3A_1091 : vector<1x16xf32> to vector<16xf32>
          %swap3A_1093 = vector.shape_cast %mul3A_1088 : vector<16xf32> to vector<1x16xf32>
          tpu.vector_store %arg10[%swap3A_1089, %swap3A_1090], %swap3A_1093 {strides = array<i32>} : memref<80x128xf32, #tpu.memory_space<vmem>>, vector<1x16xf32>,
          %get3A_1094 = arith.index_cast %add3A_1016 : i32 to index
          %get3A_1095 = arith.constant 112 : index
          %get3A_1096 = tpu.vector_load %arg10[%get3A_1094, %get3A_1095] {strides = array<i32>} : memref<80x128xf32, #tpu.memory_space<vmem>>, vector<1x16xf32>,
          %get3A_1097 = vector.shape_cast %get3A_1096 : vector<1x16xf32> to vector<16xf32>
          %mul3A_1098 = vector.broadcast %squeeze3A_1012 : f32 to vector<16xf32>
          %mul3A_1099 = arith.mulf %get3A_1097, %mul3A_1098 : vector<16xf32>
          %swap3A_1100 = arith.index_cast %add3A_1016 : i32 to index
          %swap3A_1101 = arith.constant 112 : index
          %swap3A_1102 = tpu.vector_load %arg10[%swap3A_1100, %swap3A_1101] {strides = array<i32>} : memref<80x128xf32, #tpu.memory_space<vmem>>, vector<1x16xf32>,
          %swap3A_1103 = vector.shape_cast %swap3A_1102 : vector<1x16xf32> to vector<16xf32>
          %swap3A_1104 = vector.shape_cast %mul3A_1099 : vector<16xf32> to vector<1x16xf32>
          tpu.vector_store %arg10[%swap3A_1100, %swap3A_1101], %swap3A_1104 {strides = array<i32>} : memref<80x128xf32, #tpu.memory_space<vmem>>, vector<1x16xf32>,
          %slice3A_1105 = vector.extract_strided_slice %get3A_73 {offsets = [11], sizes = [1], strides = [1]} : vector<16xf32> to vector<1xf32>
          %squeeze3A_1106 = vector.extract %slice3A_1105[0] : f32 from vector<1xf32>
          %mul3A_1107 = arith.constant 16 : i32
          %mul3A_1108 = arith.muli %mul3A_1107, %scan3A_68 : i32
          %add3A_1109 = arith.constant 11 : i32
          %add3A_1110 = arith.addi %mul3A_1108, %add3A_1109 : i32
          %get3A_1111 = arith.index_cast %add3A_1110 : i32 to index
          %get3A_1112 = arith.constant 0 : index
          %get3A_1113 = tpu.vector_load %arg10[%get3A_1111, %get3A_1112] {strides = array<i32>} : memref<80x128xf32, #tpu.memory_space<vmem>>, vector<1x16xf32>,
          %get3A_1114 = vector.shape_cast %get3A_1113 : vector<1x16xf32> to vector<16xf32>
          %mul3A_1115 = vector.broadcast %squeeze3A_1106 : f32 to vector<16xf32>
          %mul3A_1116 = arith.mulf %get3A_1114, %mul3A_1115 : vector<16xf32>
          %swap3A_1117 = arith.index_cast %add3A_1110 : i32 to index
          %swap3A_1118 = arith.constant 0 : index
          %swap3A_1119 = tpu.vector_load %arg10[%swap3A_1117, %swap3A_1118] {strides = array<i32>} : memref<80x128xf32, #tpu.memory_space<vmem>>, vector<1x16xf32>,
          %swap3A_1120 = vector.shape_cast %swap3A_1119 : vector<1x16xf32> to vector<16xf32>
          %swap3A_1121 = vector.shape_cast %mul3A_1116 : vector<16xf32> to vector<1x16xf32>
          tpu.vector_store %arg10[%swap3A_1117, %swap3A_1118], %swap3A_1121 {strides = array<i32>} : memref<80x128xf32, #tpu.memory_space<vmem>>, vector<1x16xf32>,
          %get3A_1122 = arith.index_cast %add3A_1110 : i32 to index
          %get3A_1123 = arith.constant 16 : index
          %get3A_1124 = tpu.vector_load %arg10[%get3A_1122, %get3A_1123] {strides = array<i32>} : memref<80x128xf32, #tpu.memory_space<vmem>>, vector<1x16xf32>,
          %get3A_1125 = vector.shape_cast %get3A_1124 : vector<1x16xf32> to vector<16xf32>
          %mul3A_1126 = vector.broadcast %squeeze3A_1106 : f32 to vector<16xf32>
          %mul3A_1127 = arith.mulf %get3A_1125, %mul3A_1126 : vector<16xf32>
          %swap3A_1128 = arith.index_cast %add3A_1110 : i32 to index
          %swap3A_1129 = arith.constant 16 : index
          %swap3A_1130 = tpu.vector_load %arg10[%swap3A_1128, %swap3A_1129] {strides = array<i32>} : memref<80x128xf32, #tpu.memory_space<vmem>>, vector<1x16xf32>,
          %swap3A_1131 = vector.shape_cast %swap3A_1130 : vector<1x16xf32> to vector<16xf32>
          %swap3A_1132 = vector.shape_cast %mul3A_1127 : vector<16xf32> to vector<1x16xf32>
          tpu.vector_store %arg10[%swap3A_1128, %swap3A_1129], %swap3A_1132 {strides = array<i32>} : memref<80x128xf32, #tpu.memory_space<vmem>>, vector<1x16xf32>,
          %get3A_1133 = arith.index_cast %add3A_1110 : i32 to index
          %get3A_1134 = arith.constant 32 : index
          %get3A_1135 = tpu.vector_load %arg10[%get3A_1133, %get3A_1134] {strides = array<i32>} : memref<80x128xf32, #tpu.memory_space<vmem>>, vector<1x16xf32>,
          %get3A_1136 = vector.shape_cast %get3A_1135 : vector<1x16xf32> to vector<16xf32>
          %mul3A_1137 = vector.broadcast %squeeze3A_1106 : f32 to vector<16xf32>
          %mul3A_1138 = arith.mulf %get3A_1136, %mul3A_1137 : vector<16xf32>
          %swap3A_1139 = arith.index_cast %add3A_1110 : i32 to index
          %swap3A_1140 = arith.constant 32 : index
          %swap3A_1141 = tpu.vector_load %arg10[%swap3A_1139, %swap3A_1140] {strides = array<i32>} : memref<80x128xf32, #tpu.memory_space<vmem>>, vector<1x16xf32>,
          %swap3A_1142 = vector.shape_cast %swap3A_1141 : vector<1x16xf32> to vector<16xf32>
          %swap3A_1143 = vector.shape_cast %mul3A_1138 : vector<16xf32> to vector<1x16xf32>
          tpu.vector_store %arg10[%swap3A_1139, %swap3A_1140], %swap3A_1143 {strides = array<i32>} : memref<80x128xf32, #tpu.memory_space<vmem>>, vector<1x16xf32>,
          %get3A_1144 = arith.index_cast %add3A_1110 : i32 to index
          %get3A_1145 = arith.constant 48 : index
          %get3A_1146 = tpu.vector_load %arg10[%get3A_1144, %get3A_1145] {strides = array<i32>} : memref<80x128xf32, #tpu.memory_space<vmem>>, vector<1x16xf32>,
          %get3A_1147 = vector.shape_cast %get3A_1146 : vector<1x16xf32> to vector<16xf32>
          %mul3A_1148 = vector.broadcast %squeeze3A_1106 : f32 to vector<16xf32>
          %mul3A_1149 = arith.mulf %get3A_1147, %mul3A_1148 : vector<16xf32>
          %swap3A_1150 = arith.index_cast %add3A_1110 : i32 to index
          %swap3A_1151 = arith.constant 48 : index
          %swap3A_1152 = tpu.vector_load %arg10[%swap3A_1150, %swap3A_1151] {strides = array<i32>} : memref<80x128xf32, #tpu.memory_space<vmem>>, vector<1x16xf32>,
          %swap3A_1153 = vector.shape_cast %swap3A_1152 : vector<1x16xf32> to vector<16xf32>
          %swap3A_1154 = vector.shape_cast %mul3A_1149 : vector<16xf32> to vector<1x16xf32>
          tpu.vector_store %arg10[%swap3A_1150, %swap3A_1151], %swap3A_1154 {strides = array<i32>} : memref<80x128xf32, #tpu.memory_space<vmem>>, vector<1x16xf32>,
          %get3A_1155 = arith.index_cast %add3A_1110 : i32 to index
          %get3A_1156 = arith.constant 64 : index
          %get3A_1157 = tpu.vector_load %arg10[%get3A_1155, %get3A_1156] {strides = array<i32>} : memref<80x128xf32, #tpu.memory_space<vmem>>, vector<1x16xf32>,
          %get3A_1158 = vector.shape_cast %get3A_1157 : vector<1x16xf32> to vector<16xf32>
          %mul3A_1159 = vector.broadcast %squeeze3A_1106 : f32 to vector<16xf32>
          %mul3A_1160 = arith.mulf %get3A_1158, %mul3A_1159 : vector<16xf32>
          %swap3A_1161 = arith.index_cast %add3A_1110 : i32 to index
          %swap3A_1162 = arith.constant 64 : index
          %swap3A_1163 = tpu.vector_load %arg10[%swap3A_1161, %swap3A_1162] {strides = array<i32>} : memref<80x128xf32, #tpu.memory_space<vmem>>, vector<1x16xf32>,
          %swap3A_1164 = vector.shape_cast %swap3A_1163 : vector<1x16xf32> to vector<16xf32>
          %swap3A_1165 = vector.shape_cast %mul3A_1160 : vector<16xf32> to vector<1x16xf32>
          tpu.vector_store %arg10[%swap3A_1161, %swap3A_1162], %swap3A_1165 {strides = array<i32>} : memref<80x128xf32, #tpu.memory_space<vmem>>, vector<1x16xf32>,
          %get3A_1166 = arith.index_cast %add3A_1110 : i32 to index
          %get3A_1167 = arith.constant 80 : index
          %get3A_1168 = tpu.vector_load %arg10[%get3A_1166, %get3A_1167] {strides = array<i32>} : memref<80x128xf32, #tpu.memory_space<vmem>>, vector<1x16xf32>,
          %get3A_1169 = vector.shape_cast %get3A_1168 : vector<1x16xf32> to vector<16xf32>
          %mul3A_1170 = vector.broadcast %squeeze3A_1106 : f32 to vector<16xf32>
          %mul3A_1171 = arith.mulf %get3A_1169, %mul3A_1170 : vector<16xf32>
          %swap3A_1172 = arith.index_cast %add3A_1110 : i32 to index
          %swap3A_1173 = arith.constant 80 : index
          %swap3A_1174 = tpu.vector_load %arg10[%swap3A_1172, %swap3A_1173] {strides = array<i32>} : memref<80x128xf32, #tpu.memory_space<vmem>>, vector<1x16xf32>,
          %swap3A_1175 = vector.shape_cast %swap3A_1174 : vector<1x16xf32> to vector<16xf32>
          %swap3A_1176 = vector.shape_cast %mul3A_1171 : vector<16xf32> to vector<1x16xf32>
          tpu.vector_store %arg10[%swap3A_1172, %swap3A_1173], %swap3A_1176 {strides = array<i32>} : memref<80x128xf32, #tpu.memory_space<vmem>>, vector<1x16xf32>,
          %get3A_1177 = arith.index_cast %add3A_1110 : i32 to index
          %get3A_1178 = arith.constant 96 : index
          %get3A_1179 = tpu.vector_load %arg10[%get3A_1177, %get3A_1178] {strides = array<i32>} : memref<80x128xf32, #tpu.memory_space<vmem>>, vector<1x16xf32>,
          %get3A_1180 = vector.shape_cast %get3A_1179 : vector<1x16xf32> to vector<16xf32>
          %mul3A_1181 = vector.broadcast %squeeze3A_1106 : f32 to vector<16xf32>
          %mul3A_1182 = arith.mulf %get3A_1180, %mul3A_1181 : vector<16xf32>
          %swap3A_1183 = arith.index_cast %add3A_1110 : i32 to index
          %swap3A_1184 = arith.constant 96 : index
          %swap3A_1185 = tpu.vector_load %arg10[%swap3A_1183, %swap3A_1184] {strides = array<i32>} : memref<80x128xf32, #tpu.memory_space<vmem>>, vector<1x16xf32>,
          %swap3A_1186 = vector.shape_cast %swap3A_1185 : vector<1x16xf32> to vector<16xf32>
          %swap3A_1187 = vector.shape_cast %mul3A_1182 : vector<16xf32> to vector<1x16xf32>
          tpu.vector_store %arg10[%swap3A_1183, %swap3A_1184], %swap3A_1187 {strides = array<i32>} : memref<80x128xf32, #tpu.memory_space<vmem>>, vector<1x16xf32>,
          %get3A_1188 = arith.index_cast %add3A_1110 : i32 to index
          %get3A_1189 = arith.constant 112 : index
          %get3A_1190 = tpu.vector_load %arg10[%get3A_1188, %get3A_1189] {strides = array<i32>} : memref<80x128xf32, #tpu.memory_space<vmem>>, vector<1x16xf32>,
          %get3A_1191 = vector.shape_cast %get3A_1190 : vector<1x16xf32> to vector<16xf32>
          %mul3A_1192 = vector.broadcast %squeeze3A_1106 : f32 to vector<16xf32>
          %mul3A_1193 = arith.mulf %get3A_1191, %mul3A_1192 : vector<16xf32>
          %swap3A_1194 = arith.index_cast %add3A_1110 : i32 to index
          %swap3A_1195 = arith.constant 112 : index
          %swap3A_1196 = tpu.vector_load %arg10[%swap3A_1194, %swap3A_1195] {strides = array<i32>} : memref<80x128xf32, #tpu.memory_space<vmem>>, vector<1x16xf32>,
          %swap3A_1197 = vector.shape_cast %swap3A_1196 : vector<1x16xf32> to vector<16xf32>
          %swap3A_1198 = vector.shape_cast %mul3A_1193 : vector<16xf32> to vector<1x16xf32>
          tpu.vector_store %arg10[%swap3A_1194, %swap3A_1195], %swap3A_1198 {strides = array<i32>} : memref<80x128xf32, #tpu.memory_space<vmem>>, vector<1x16xf32>,
          %slice3A_1199 = vector.extract_strided_slice %get3A_73 {offsets = [12], sizes = [1], strides = [1]} : vector<16xf32> to vector<1xf32>
          %squeeze3A_1200 = vector.extract %slice3A_1199[0] : f32 from vector<1xf32>
          %mul3A_1201 = arith.constant 16 : i32
          %mul3A_1202 = arith.muli %mul3A_1201, %scan3A_68 : i32
          %add3A_1203 = arith.constant 12 : i32
          %add3A_1204 = arith.addi %mul3A_1202, %add3A_1203 : i32
          %get3A_1205 = arith.index_cast %add3A_1204 : i32 to index
          %get3A_1206 = arith.constant 0 : index
          %get3A_1207 = tpu.vector_load %arg10[%get3A_1205, %get3A_1206] {strides = array<i32>} : memref<80x128xf32, #tpu.memory_space<vmem>>, vector<1x16xf32>,
          %get3A_1208 = vector.shape_cast %get3A_1207 : vector<1x16xf32> to vector<16xf32>
          %mul3A_1209 = vector.broadcast %squeeze3A_1200 : f32 to vector<16xf32>
          %mul3A_1210 = arith.mulf %get3A_1208, %mul3A_1209 : vector<16xf32>
          %swap3A_1211 = arith.index_cast %add3A_1204 : i32 to index
          %swap3A_1212 = arith.constant 0 : index
          %swap3A_1213 = tpu.vector_load %arg10[%swap3A_1211, %swap3A_1212] {strides = array<i32>} : memref<80x128xf32, #tpu.memory_space<vmem>>, vector<1x16xf32>,
          %swap3A_1214 = vector.shape_cast %swap3A_1213 : vector<1x16xf32> to vector<16xf32>
          %swap3A_1215 = vector.shape_cast %mul3A_1210 : vector<16xf32> to vector<1x16xf32>
          tpu.vector_store %arg10[%swap3A_1211, %swap3A_1212], %swap3A_1215 {strides = array<i32>} : memref<80x128xf32, #tpu.memory_space<vmem>>, vector<1x16xf32>,
          %get3A_1216 = arith.index_cast %add3A_1204 : i32 to index
          %get3A_1217 = arith.constant 16 : index
          %get3A_1218 = tpu.vector_load %arg10[%get3A_1216, %get3A_1217] {strides = array<i32>} : memref<80x128xf32, #tpu.memory_space<vmem>>, vector<1x16xf32>,
          %get3A_1219 = vector.shape_cast %get3A_1218 : vector<1x16xf32> to vector<16xf32>
          %mul3A_1220 = vector.broadcast %squeeze3A_1200 : f32 to vector<16xf32>
          %mul3A_1221 = arith.mulf %get3A_1219, %mul3A_1220 : vector<16xf32>
          %swap3A_1222 = arith.index_cast %add3A_1204 : i32 to index
          %swap3A_1223 = arith.constant 16 : index
          %swap3A_1224 = tpu.vector_load %arg10[%swap3A_1222, %swap3A_1223] {strides = array<i32>} : memref<80x128xf32, #tpu.memory_space<vmem>>, vector<1x16xf32>,
          %swap3A_1225 = vector.shape_cast %swap3A_1224 : vector<1x16xf32> to vector<16xf32>
          %swap3A_1226 = vector.shape_cast %mul3A_1221 : vector<16xf32> to vector<1x16xf32>
          tpu.vector_store %arg10[%swap3A_1222, %swap3A_1223], %swap3A_1226 {strides = array<i32>} : memref<80x128xf32, #tpu.memory_space<vmem>>, vector<1x16xf32>,
          %get3A_1227 = arith.index_cast %add3A_1204 : i32 to index
          %get3A_1228 = arith.constant 32 : index
          %get3A_1229 = tpu.vector_load %arg10[%get3A_1227, %get3A_1228] {strides = array<i32>} : memref<80x128xf32, #tpu.memory_space<vmem>>, vector<1x16xf32>,
          %get3A_1230 = vector.shape_cast %get3A_1229 : vector<1x16xf32> to vector<16xf32>
          %mul3A_1231 = vector.broadcast %squeeze3A_1200 : f32 to vector<16xf32>
          %mul3A_1232 = arith.mulf %get3A_1230, %mul3A_1231 : vector<16xf32>
          %swap3A_1233 = arith.index_cast %add3A_1204 : i32 to index
          %swap3A_1234 = arith.constant 32 : index
          %swap3A_1235 = tpu.vector_load %arg10[%swap3A_1233, %swap3A_1234] {strides = array<i32>} : memref<80x128xf32, #tpu.memory_space<vmem>>, vector<1x16xf32>,
          %swap3A_1236 = vector.shape_cast %swap3A_1235 : vector<1x16xf32> to vector<16xf32>
          %swap3A_1237 = vector.shape_cast %mul3A_1232 : vector<16xf32> to vector<1x16xf32>
          tpu.vector_store %arg10[%swap3A_1233, %swap3A_1234], %swap3A_1237 {strides = array<i32>} : memref<80x128xf32, #tpu.memory_space<vmem>>, vector<1x16xf32>,
          %get3A_1238 = arith.index_cast %add3A_1204 : i32 to index
          %get3A_1239 = arith.constant 48 : index
          %get3A_1240 = tpu.vector_load %arg10[%get3A_1238, %get3A_1239] {strides = array<i32>} : memref<80x128xf32, #tpu.memory_space<vmem>>, vector<1x16xf32>,
          %get3A_1241 = vector.shape_cast %get3A_1240 : vector<1x16xf32> to vector<16xf32>
          %mul3A_1242 = vector.broadcast %squeeze3A_1200 : f32 to vector<16xf32>
          %mul3A_1243 = arith.mulf %get3A_1241, %mul3A_1242 : vector<16xf32>
          %swap3A_1244 = arith.index_cast %add3A_1204 : i32 to index
          %swap3A_1245 = arith.constant 48 : index
          %swap3A_1246 = tpu.vector_load %arg10[%swap3A_1244, %swap3A_1245] {strides = array<i32>} : memref<80x128xf32, #tpu.memory_space<vmem>>, vector<1x16xf32>,
          %swap3A_1247 = vector.shape_cast %swap3A_1246 : vector<1x16xf32> to vector<16xf32>
          %swap3A_1248 = vector.shape_cast %mul3A_1243 : vector<16xf32> to vector<1x16xf32>
          tpu.vector_store %arg10[%swap3A_1244, %swap3A_1245], %swap3A_1248 {strides = array<i32>} : memref<80x128xf32, #tpu.memory_space<vmem>>, vector<1x16xf32>,
          %get3A_1249 = arith.index_cast %add3A_1204 : i32 to index
          %get3A_1250 = arith.constant 64 : index
          %get3A_1251 = tpu.vector_load %arg10[%get3A_1249, %get3A_1250] {strides = array<i32>} : memref<80x128xf32, #tpu.memory_space<vmem>>, vector<1x16xf32>,
          %get3A_1252 = vector.shape_cast %get3A_1251 : vector<1x16xf32> to vector<16xf32>
          %mul3A_1253 = vector.broadcast %squeeze3A_1200 : f32 to vector<16xf32>
          %mul3A_1254 = arith.mulf %get3A_1252, %mul3A_1253 : vector<16xf32>
          %swap3A_1255 = arith.index_cast %add3A_1204 : i32 to index
          %swap3A_1256 = arith.constant 64 : index
          %swap3A_1257 = tpu.vector_load %arg10[%swap3A_1255, %swap3A_1256] {strides = array<i32>} : memref<80x128xf32, #tpu.memory_space<vmem>>, vector<1x16xf32>,
          %swap3A_1258 = vector.shape_cast %swap3A_1257 : vector<1x16xf32> to vector<16xf32>
          %swap3A_1259 = vector.shape_cast %mul3A_1254 : vector<16xf32> to vector<1x16xf32>
          tpu.vector_store %arg10[%swap3A_1255, %swap3A_1256], %swap3A_1259 {strides = array<i32>} : memref<80x128xf32, #tpu.memory_space<vmem>>, vector<1x16xf32>,
          %get3A_1260 = arith.index_cast %add3A_1204 : i32 to index
          %get3A_1261 = arith.constant 80 : index
          %get3A_1262 = tpu.vector_load %arg10[%get3A_1260, %get3A_1261] {strides = array<i32>} : memref<80x128xf32, #tpu.memory_space<vmem>>, vector<1x16xf32>,
          %get3A_1263 = vector.shape_cast %get3A_1262 : vector<1x16xf32> to vector<16xf32>
          %mul3A_1264 = vector.broadcast %squeeze3A_1200 : f32 to vector<16xf32>
          %mul3A_1265 = arith.mulf %get3A_1263, %mul3A_1264 : vector<16xf32>
          %swap3A_1266 = arith.index_cast %add3A_1204 : i32 to index
          %swap3A_1267 = arith.constant 80 : index
          %swap3A_1268 = tpu.vector_load %arg10[%swap3A_1266, %swap3A_1267] {strides = array<i32>} : memref<80x128xf32, #tpu.memory_space<vmem>>, vector<1x16xf32>,
          %swap3A_1269 = vector.shape_cast %swap3A_1268 : vector<1x16xf32> to vector<16xf32>
          %swap3A_1270 = vector.shape_cast %mul3A_1265 : vector<16xf32> to vector<1x16xf32>
          tpu.vector_store %arg10[%swap3A_1266, %swap3A_1267], %swap3A_1270 {strides = array<i32>} : memref<80x128xf32, #tpu.memory_space<vmem>>, vector<1x16xf32>,
          %get3A_1271 = arith.index_cast %add3A_1204 : i32 to index
          %get3A_1272 = arith.constant 96 : index
          %get3A_1273 = tpu.vector_load %arg10[%get3A_1271, %get3A_1272] {strides = array<i32>} : memref<80x128xf32, #tpu.memory_space<vmem>>, vector<1x16xf32>,
          %get3A_1274 = vector.shape_cast %get3A_1273 : vector<1x16xf32> to vector<16xf32>
          %mul3A_1275 = vector.broadcast %squeeze3A_1200 : f32 to vector<16xf32>
          %mul3A_1276 = arith.mulf %get3A_1274, %mul3A_1275 : vector<16xf32>
          %swap3A_1277 = arith.index_cast %add3A_1204 : i32 to index
          %swap3A_1278 = arith.constant 96 : index
          %swap3A_1279 = tpu.vector_load %arg10[%swap3A_1277, %swap3A_1278] {strides = array<i32>} : memref<80x128xf32, #tpu.memory_space<vmem>>, vector<1x16xf32>,
          %swap3A_1280 = vector.shape_cast %swap3A_1279 : vector<1x16xf32> to vector<16xf32>
          %swap3A_1281 = vector.shape_cast %mul3A_1276 : vector<16xf32> to vector<1x16xf32>
          tpu.vector_store %arg10[%swap3A_1277, %swap3A_1278], %swap3A_1281 {strides = array<i32>} : memref<80x128xf32, #tpu.memory_space<vmem>>, vector<1x16xf32>,
          %get3A_1282 = arith.index_cast %add3A_1204 : i32 to index
          %get3A_1283 = arith.constant 112 : index
          %get3A_1284 = tpu.vector_load %arg10[%get3A_1282, %get3A_1283] {strides = array<i32>} : memref<80x128xf32, #tpu.memory_space<vmem>>, vector<1x16xf32>,
          %get3A_1285 = vector.shape_cast %get3A_1284 : vector<1x16xf32> to vector<16xf32>
          %mul3A_1286 = vector.broadcast %squeeze3A_1200 : f32 to vector<16xf32>
          %mul3A_1287 = arith.mulf %get3A_1285, %mul3A_1286 : vector<16xf32>
          %swap3A_1288 = arith.index_cast %add3A_1204 : i32 to index
          %swap3A_1289 = arith.constant 112 : index
          %swap3A_1290 = tpu.vector_load %arg10[%swap3A_1288, %swap3A_1289] {strides = array<i32>} : memref<80x128xf32, #tpu.memory_space<vmem>>, vector<1x16xf32>,
          %swap3A_1291 = vector.shape_cast %swap3A_1290 : vector<1x16xf32> to vector<16xf32>
          %swap3A_1292 = vector.shape_cast %mul3A_1287 : vector<16xf32> to vector<1x16xf32>
          tpu.vector_store %arg10[%swap3A_1288, %swap3A_1289], %swap3A_1292 {strides = array<i32>} : memref<80x128xf32, #tpu.memory_space<vmem>>, vector<1x16xf32>,
          %slice3A_1293 = vector.extract_strided_slice %get3A_73 {offsets = [13], sizes = [1], strides = [1]} : vector<16xf32> to vector<1xf32>
          %squeeze3A_1294 = vector.extract %slice3A_1293[0] : f32 from vector<1xf32>
          %mul3A_1295 = arith.constant 16 : i32
          %mul3A_1296 = arith.muli %mul3A_1295, %scan3A_68 : i32
          %add3A_1297 = arith.constant 13 : i32
          %add3A_1298 = arith.addi %mul3A_1296, %add3A_1297 : i32
          %get3A_1299 = arith.index_cast %add3A_1298 : i32 to index
          %get3A_1300 = arith.constant 0 : index
          %get3A_1301 = tpu.vector_load %arg10[%get3A_1299, %get3A_1300] {strides = array<i32>} : memref<80x128xf32, #tpu.memory_space<vmem>>, vector<1x16xf32>,
          %get3A_1302 = vector.shape_cast %get3A_1301 : vector<1x16xf32> to vector<16xf32>
          %mul3A_1303 = vector.broadcast %squeeze3A_1294 : f32 to vector<16xf32>
          %mul3A_1304 = arith.mulf %get3A_1302, %mul3A_1303 : vector<16xf32>
          %swap3A_1305 = arith.index_cast %add3A_1298 : i32 to index
          %swap3A_1306 = arith.constant 0 : index
          %swap3A_1307 = tpu.vector_load %arg10[%swap3A_1305, %swap3A_1306] {strides = array<i32>} : memref<80x128xf32, #tpu.memory_space<vmem>>, vector<1x16xf32>,
          %swap3A_1308 = vector.shape_cast %swap3A_1307 : vector<1x16xf32> to vector<16xf32>
          %swap3A_1309 = vector.shape_cast %mul3A_1304 : vector<16xf32> to vector<1x16xf32>
          tpu.vector_store %arg10[%swap3A_1305, %swap3A_1306], %swap3A_1309 {strides = array<i32>} : memref<80x128xf32, #tpu.memory_space<vmem>>, vector<1x16xf32>,
          %get3A_1310 = arith.index_cast %add3A_1298 : i32 to index
          %get3A_1311 = arith.constant 16 : index
          %get3A_1312 = tpu.vector_load %arg10[%get3A_1310, %get3A_1311] {strides = array<i32>} : memref<80x128xf32, #tpu.memory_space<vmem>>, vector<1x16xf32>,
          %get3A_1313 = vector.shape_cast %get3A_1312 : vector<1x16xf32> to vector<16xf32>
          %mul3A_1314 = vector.broadcast %squeeze3A_1294 : f32 to vector<16xf32>
          %mul3A_1315 = arith.mulf %get3A_1313, %mul3A_1314 : vector<16xf32>
          %swap3A_1316 = arith.index_cast %add3A_1298 : i32 to index
          %swap3A_1317 = arith.constant 16 : index
          %swap3A_1318 = tpu.vector_load %arg10[%swap3A_1316, %swap3A_1317] {strides = array<i32>} : memref<80x128xf32, #tpu.memory_space<vmem>>, vector<1x16xf32>,
          %swap3A_1319 = vector.shape_cast %swap3A_1318 : vector<1x16xf32> to vector<16xf32>
          %swap3A_1320 = vector.shape_cast %mul3A_1315 : vector<16xf32> to vector<1x16xf32>
          tpu.vector_store %arg10[%swap3A_1316, %swap3A_1317], %swap3A_1320 {strides = array<i32>} : memref<80x128xf32, #tpu.memory_space<vmem>>, vector<1x16xf32>,
          %get3A_1321 = arith.index_cast %add3A_1298 : i32 to index
          %get3A_1322 = arith.constant 32 : index
          %get3A_1323 = tpu.vector_load %arg10[%get3A_1321, %get3A_1322] {strides = array<i32>} : memref<80x128xf32, #tpu.memory_space<vmem>>, vector<1x16xf32>,
          %get3A_1324 = vector.shape_cast %get3A_1323 : vector<1x16xf32> to vector<16xf32>
          %mul3A_1325 = vector.broadcast %squeeze3A_1294 : f32 to vector<16xf32>
          %mul3A_1326 = arith.mulf %get3A_1324, %mul3A_1325 : vector<16xf32>
          %swap3A_1327 = arith.index_cast %add3A_1298 : i32 to index
          %swap3A_1328 = arith.constant 32 : index
          %swap3A_1329 = tpu.vector_load %arg10[%swap3A_1327, %swap3A_1328] {strides = array<i32>} : memref<80x128xf32, #tpu.memory_space<vmem>>, vector<1x16xf32>,
          %swap3A_1330 = vector.shape_cast %swap3A_1329 : vector<1x16xf32> to vector<16xf32>
          %swap3A_1331 = vector.shape_cast %mul3A_1326 : vector<16xf32> to vector<1x16xf32>
          tpu.vector_store %arg10[%swap3A_1327, %swap3A_1328], %swap3A_1331 {strides = array<i32>} : memref<80x128xf32, #tpu.memory_space<vmem>>, vector<1x16xf32>,
          %get3A_1332 = arith.index_cast %add3A_1298 : i32 to index
          %get3A_1333 = arith.constant 48 : index
          %get3A_1334 = tpu.vector_load %arg10[%get3A_1332, %get3A_1333] {strides = array<i32>} : memref<80x128xf32, #tpu.memory_space<vmem>>, vector<1x16xf32>,
          %get3A_1335 = vector.shape_cast %get3A_1334 : vector<1x16xf32> to vector<16xf32>
          %mul3A_1336 = vector.broadcast %squeeze3A_1294 : f32 to vector<16xf32>
          %mul3A_1337 = arith.mulf %get3A_1335, %mul3A_1336 : vector<16xf32>
          %swap3A_1338 = arith.index_cast %add3A_1298 : i32 to index
          %swap3A_1339 = arith.constant 48 : index
          %swap3A_1340 = tpu.vector_load %arg10[%swap3A_1338, %swap3A_1339] {strides = array<i32>} : memref<80x128xf32, #tpu.memory_space<vmem>>, vector<1x16xf32>,
          %swap3A_1341 = vector.shape_cast %swap3A_1340 : vector<1x16xf32> to vector<16xf32>
          %swap3A_1342 = vector.shape_cast %mul3A_1337 : vector<16xf32> to vector<1x16xf32>
          tpu.vector_store %arg10[%swap3A_1338, %swap3A_1339], %swap3A_1342 {strides = array<i32>} : memref<80x128xf32, #tpu.memory_space<vmem>>, vector<1x16xf32>,
          %get3A_1343 = arith.index_cast %add3A_1298 : i32 to index
          %get3A_1344 = arith.constant 64 : index
          %get3A_1345 = tpu.vector_load %arg10[%get3A_1343, %get3A_1344] {strides = array<i32>} : memref<80x128xf32, #tpu.memory_space<vmem>>, vector<1x16xf32>,
          %get3A_1346 = vector.shape_cast %get3A_1345 : vector<1x16xf32> to vector<16xf32>
          %mul3A_1347 = vector.broadcast %squeeze3A_1294 : f32 to vector<16xf32>
          %mul3A_1348 = arith.mulf %get3A_1346, %mul3A_1347 : vector<16xf32>
          %swap3A_1349 = arith.index_cast %add3A_1298 : i32 to index
          %swap3A_1350 = arith.constant 64 : index
          %swap3A_1351 = tpu.vector_load %arg10[%swap3A_1349, %swap3A_1350] {strides = array<i32>} : memref<80x128xf32, #tpu.memory_space<vmem>>, vector<1x16xf32>,
          %swap3A_1352 = vector.shape_cast %swap3A_1351 : vector<1x16xf32> to vector<16xf32>
          %swap3A_1353 = vector.shape_cast %mul3A_1348 : vector<16xf32> to vector<1x16xf32>
          tpu.vector_store %arg10[%swap3A_1349, %swap3A_1350], %swap3A_1353 {strides = array<i32>} : memref<80x128xf32, #tpu.memory_space<vmem>>, vector<1x16xf32>,
          %get3A_1354 = arith.index_cast %add3A_1298 : i32 to index
          %get3A_1355 = arith.constant 80 : index
          %get3A_1356 = tpu.vector_load %arg10[%get3A_1354, %get3A_1355] {strides = array<i32>} : memref<80x128xf32, #tpu.memory_space<vmem>>, vector<1x16xf32>,
          %get3A_1357 = vector.shape_cast %get3A_1356 : vector<1x16xf32> to vector<16xf32>
          %mul3A_1358 = vector.broadcast %squeeze3A_1294 : f32 to vector<16xf32>
          %mul3A_1359 = arith.mulf %get3A_1357, %mul3A_1358 : vector<16xf32>
          %swap3A_1360 = arith.index_cast %add3A_1298 : i32 to index
          %swap3A_1361 = arith.constant 80 : index
          %swap3A_1362 = tpu.vector_load %arg10[%swap3A_1360, %swap3A_1361] {strides = array<i32>} : memref<80x128xf32, #tpu.memory_space<vmem>>, vector<1x16xf32>,
          %swap3A_1363 = vector.shape_cast %swap3A_1362 : vector<1x16xf32> to vector<16xf32>
          %swap3A_1364 = vector.shape_cast %mul3A_1359 : vector<16xf32> to vector<1x16xf32>
          tpu.vector_store %arg10[%swap3A_1360, %swap3A_1361], %swap3A_1364 {strides = array<i32>} : memref<80x128xf32, #tpu.memory_space<vmem>>, vector<1x16xf32>,
          %get3A_1365 = arith.index_cast %add3A_1298 : i32 to index
          %get3A_1366 = arith.constant 96 : index
          %get3A_1367 = tpu.vector_load %arg10[%get3A_1365, %get3A_1366] {strides = array<i32>} : memref<80x128xf32, #tpu.memory_space<vmem>>, vector<1x16xf32>,
          %get3A_1368 = vector.shape_cast %get3A_1367 : vector<1x16xf32> to vector<16xf32>
          %mul3A_1369 = vector.broadcast %squeeze3A_1294 : f32 to vector<16xf32>
          %mul3A_1370 = arith.mulf %get3A_1368, %mul3A_1369 : vector<16xf32>
          %swap3A_1371 = arith.index_cast %add3A_1298 : i32 to index
          %swap3A_1372 = arith.constant 96 : index
          %swap3A_1373 = tpu.vector_load %arg10[%swap3A_1371, %swap3A_1372] {strides = array<i32>} : memref<80x128xf32, #tpu.memory_space<vmem>>, vector<1x16xf32>,
          %swap3A_1374 = vector.shape_cast %swap3A_1373 : vector<1x16xf32> to vector<16xf32>
          %swap3A_1375 = vector.shape_cast %mul3A_1370 : vector<16xf32> to vector<1x16xf32>
          tpu.vector_store %arg10[%swap3A_1371, %swap3A_1372], %swap3A_1375 {strides = array<i32>} : memref<80x128xf32, #tpu.memory_space<vmem>>, vector<1x16xf32>,
          %get3A_1376 = arith.index_cast %add3A_1298 : i32 to index
          %get3A_1377 = arith.constant 112 : index
          %get3A_1378 = tpu.vector_load %arg10[%get3A_1376, %get3A_1377] {strides = array<i32>} : memref<80x128xf32, #tpu.memory_space<vmem>>, vector<1x16xf32>,
          %get3A_1379 = vector.shape_cast %get3A_1378 : vector<1x16xf32> to vector<16xf32>
          %mul3A_1380 = vector.broadcast %squeeze3A_1294 : f32 to vector<16xf32>
          %mul3A_1381 = arith.mulf %get3A_1379, %mul3A_1380 : vector<16xf32>
          %swap3A_1382 = arith.index_cast %add3A_1298 : i32 to index
          %swap3A_1383 = arith.constant 112 : index
          %swap3A_1384 = tpu.vector_load %arg10[%swap3A_1382, %swap3A_1383] {strides = array<i32>} : memref<80x128xf32, #tpu.memory_space<vmem>>, vector<1x16xf32>,
          %swap3A_1385 = vector.shape_cast %swap3A_1384 : vector<1x16xf32> to vector<16xf32>
          %swap3A_1386 = vector.shape_cast %mul3A_1381 : vector<16xf32> to vector<1x16xf32>
          tpu.vector_store %arg10[%swap3A_1382, %swap3A_1383], %swap3A_1386 {strides = array<i32>} : memref<80x128xf32, #tpu.memory_space<vmem>>, vector<1x16xf32>,
          %slice3A_1387 = vector.extract_strided_slice %get3A_73 {offsets = [14], sizes = [1], strides = [1]} : vector<16xf32> to vector<1xf32>
          %squeeze3A_1388 = vector.extract %slice3A_1387[0] : f32 from vector<1xf32>
          %mul3A_1389 = arith.constant 16 : i32
          %mul3A_1390 = arith.muli %mul3A_1389, %scan3A_68 : i32
          %add3A_1391 = arith.constant 14 : i32
          %add3A_1392 = arith.addi %mul3A_1390, %add3A_1391 : i32
          %get3A_1393 = arith.index_cast %add3A_1392 : i32 to index
          %get3A_1394 = arith.constant 0 : index
          %get3A_1395 = tpu.vector_load %arg10[%get3A_1393, %get3A_1394] {strides = array<i32>} : memref<80x128xf32, #tpu.memory_space<vmem>>, vector<1x16xf32>,
          %get3A_1396 = vector.shape_cast %get3A_1395 : vector<1x16xf32> to vector<16xf32>
          %mul3A_1397 = vector.broadcast %squeeze3A_1388 : f32 to vector<16xf32>
          %mul3A_1398 = arith.mulf %get3A_1396, %mul3A_1397 : vector<16xf32>
          %swap3A_1399 = arith.index_cast %add3A_1392 : i32 to index
          %swap3A_1400 = arith.constant 0 : index
          %swap3A_1401 = tpu.vector_load %arg10[%swap3A_1399, %swap3A_1400] {strides = array<i32>} : memref<80x128xf32, #tpu.memory_space<vmem>>, vector<1x16xf32>,
          %swap3A_1402 = vector.shape_cast %swap3A_1401 : vector<1x16xf32> to vector<16xf32>
          %swap3A_1403 = vector.shape_cast %mul3A_1398 : vector<16xf32> to vector<1x16xf32>
          tpu.vector_store %arg10[%swap3A_1399, %swap3A_1400], %swap3A_1403 {strides = array<i32>} : memref<80x128xf32, #tpu.memory_space<vmem>>, vector<1x16xf32>,
          %get3A_1404 = arith.index_cast %add3A_1392 : i32 to index
          %get3A_1405 = arith.constant 16 : index
          %get3A_1406 = tpu.vector_load %arg10[%get3A_1404, %get3A_1405] {strides = array<i32>} : memref<80x128xf32, #tpu.memory_space<vmem>>, vector<1x16xf32>,
          %get3A_1407 = vector.shape_cast %get3A_1406 : vector<1x16xf32> to vector<16xf32>
          %mul3A_1408 = vector.broadcast %squeeze3A_1388 : f32 to vector<16xf32>
          %mul3A_1409 = arith.mulf %get3A_1407, %mul3A_1408 : vector<16xf32>
          %swap3A_1410 = arith.index_cast %add3A_1392 : i32 to index
          %swap3A_1411 = arith.constant 16 : index
          %swap3A_1412 = tpu.vector_load %arg10[%swap3A_1410, %swap3A_1411] {strides = array<i32>} : memref<80x128xf32, #tpu.memory_space<vmem>>, vector<1x16xf32>,
          %swap3A_1413 = vector.shape_cast %swap3A_1412 : vector<1x16xf32> to vector<16xf32>
          %swap3A_1414 = vector.shape_cast %mul3A_1409 : vector<16xf32> to vector<1x16xf32>
          tpu.vector_store %arg10[%swap3A_1410, %swap3A_1411], %swap3A_1414 {strides = array<i32>} : memref<80x128xf32, #tpu.memory_space<vmem>>, vector<1x16xf32>,
          %get3A_1415 = arith.index_cast %add3A_1392 : i32 to index
          %get3A_1416 = arith.constant 32 : index
          %get3A_1417 = tpu.vector_load %arg10[%get3A_1415, %get3A_1416] {strides = array<i32>} : memref<80x128xf32, #tpu.memory_space<vmem>>, vector<1x16xf32>,
          %get3A_1418 = vector.shape_cast %get3A_1417 : vector<1x16xf32> to vector<16xf32>
          %mul3A_1419 = vector.broadcast %squeeze3A_1388 : f32 to vector<16xf32>
          %mul3A_1420 = arith.mulf %get3A_1418, %mul3A_1419 : vector<16xf32>
          %swap3A_1421 = arith.index_cast %add3A_1392 : i32 to index
          %swap3A_1422 = arith.constant 32 : index
          %swap3A_1423 = tpu.vector_load %arg10[%swap3A_1421, %swap3A_1422] {strides = array<i32>} : memref<80x128xf32, #tpu.memory_space<vmem>>, vector<1x16xf32>,
          %swap3A_1424 = vector.shape_cast %swap3A_1423 : vector<1x16xf32> to vector<16xf32>
          %swap3A_1425 = vector.shape_cast %mul3A_1420 : vector<16xf32> to vector<1x16xf32>
          tpu.vector_store %arg10[%swap3A_1421, %swap3A_1422], %swap3A_1425 {strides = array<i32>} : memref<80x128xf32, #tpu.memory_space<vmem>>, vector<1x16xf32>,
          %get3A_1426 = arith.index_cast %add3A_1392 : i32 to index
          %get3A_1427 = arith.constant 48 : index
          %get3A_1428 = tpu.vector_load %arg10[%get3A_1426, %get3A_1427] {strides = array<i32>} : memref<80x128xf32, #tpu.memory_space<vmem>>, vector<1x16xf32>,
          %get3A_1429 = vector.shape_cast %get3A_1428 : vector<1x16xf32> to vector<16xf32>
          %mul3A_1430 = vector.broadcast %squeeze3A_1388 : f32 to vector<16xf32>
          %mul3A_1431 = arith.mulf %get3A_1429, %mul3A_1430 : vector<16xf32>
          %swap3A_1432 = arith.index_cast %add3A_1392 : i32 to index
          %swap3A_1433 = arith.constant 48 : index
          %swap3A_1434 = tpu.vector_load %arg10[%swap3A_1432, %swap3A_1433] {strides = array<i32>} : memref<80x128xf32, #tpu.memory_space<vmem>>, vector<1x16xf32>,
          %swap3A_1435 = vector.shape_cast %swap3A_1434 : vector<1x16xf32> to vector<16xf32>
          %swap3A_1436 = vector.shape_cast %mul3A_1431 : vector<16xf32> to vector<1x16xf32>
          tpu.vector_store %arg10[%swap3A_1432, %swap3A_1433], %swap3A_1436 {strides = array<i32>} : memref<80x128xf32, #tpu.memory_space<vmem>>, vector<1x16xf32>,
          %get3A_1437 = arith.index_cast %add3A_1392 : i32 to index
          %get3A_1438 = arith.constant 64 : index
          %get3A_1439 = tpu.vector_load %arg10[%get3A_1437, %get3A_1438] {strides = array<i32>} : memref<80x128xf32, #tpu.memory_space<vmem>>, vector<1x16xf32>,
          %get3A_1440 = vector.shape_cast %get3A_1439 : vector<1x16xf32> to vector<16xf32>
          %mul3A_1441 = vector.broadcast %squeeze3A_1388 : f32 to vector<16xf32>
          %mul3A_1442 = arith.mulf %get3A_1440, %mul3A_1441 : vector<16xf32>
          %swap3A_1443 = arith.index_cast %add3A_1392 : i32 to index
          %swap3A_1444 = arith.constant 64 : index
          %swap3A_1445 = tpu.vector_load %arg10[%swap3A_1443, %swap3A_1444] {strides = array<i32>} : memref<80x128xf32, #tpu.memory_space<vmem>>, vector<1x16xf32>,
          %swap3A_1446 = vector.shape_cast %swap3A_1445 : vector<1x16xf32> to vector<16xf32>
          %swap3A_1447 = vector.shape_cast %mul3A_1442 : vector<16xf32> to vector<1x16xf32>
          tpu.vector_store %arg10[%swap3A_1443, %swap3A_1444], %swap3A_1447 {strides = array<i32>} : memref<80x128xf32, #tpu.memory_space<vmem>>, vector<1x16xf32>,
          %get3A_1448 = arith.index_cast %add3A_1392 : i32 to index
          %get3A_1449 = arith.constant 80 : index
          %get3A_1450 = tpu.vector_load %arg10[%get3A_1448, %get3A_1449] {strides = array<i32>} : memref<80x128xf32, #tpu.memory_space<vmem>>, vector<1x16xf32>,
          %get3A_1451 = vector.shape_cast %get3A_1450 : vector<1x16xf32> to vector<16xf32>
          %mul3A_1452 = vector.broadcast %squeeze3A_1388 : f32 to vector<16xf32>
          %mul3A_1453 = arith.mulf %get3A_1451, %mul3A_1452 : vector<16xf32>
          %swap3A_1454 = arith.index_cast %add3A_1392 : i32 to index
          %swap3A_1455 = arith.constant 80 : index
          %swap3A_1456 = tpu.vector_load %arg10[%swap3A_1454, %swap3A_1455] {strides = array<i32>} : memref<80x128xf32, #tpu.memory_space<vmem>>, vector<1x16xf32>,
          %swap3A_1457 = vector.shape_cast %swap3A_1456 : vector<1x16xf32> to vector<16xf32>
          %swap3A_1458 = vector.shape_cast %mul3A_1453 : vector<16xf32> to vector<1x16xf32>
          tpu.vector_store %arg10[%swap3A_1454, %swap3A_1455], %swap3A_1458 {strides = array<i32>} : memref<80x128xf32, #tpu.memory_space<vmem>>, vector<1x16xf32>,
          %get3A_1459 = arith.index_cast %add3A_1392 : i32 to index
          %get3A_1460 = arith.constant 96 : index
          %get3A_1461 = tpu.vector_load %arg10[%get3A_1459, %get3A_1460] {strides = array<i32>} : memref<80x128xf32, #tpu.memory_space<vmem>>, vector<1x16xf32>,
          %get3A_1462 = vector.shape_cast %get3A_1461 : vector<1x16xf32> to vector<16xf32>
          %mul3A_1463 = vector.broadcast %squeeze3A_1388 : f32 to vector<16xf32>
          %mul3A_1464 = arith.mulf %get3A_1462, %mul3A_1463 : vector<16xf32>
          %swap3A_1465 = arith.index_cast %add3A_1392 : i32 to index
          %swap3A_1466 = arith.constant 96 : index
          %swap3A_1467 = tpu.vector_load %arg10[%swap3A_1465, %swap3A_1466] {strides = array<i32>} : memref<80x128xf32, #tpu.memory_space<vmem>>, vector<1x16xf32>,
          %swap3A_1468 = vector.shape_cast %swap3A_1467 : vector<1x16xf32> to vector<16xf32>
          %swap3A_1469 = vector.shape_cast %mul3A_1464 : vector<16xf32> to vector<1x16xf32>
          tpu.vector_store %arg10[%swap3A_1465, %swap3A_1466], %swap3A_1469 {strides = array<i32>} : memref<80x128xf32, #tpu.memory_space<vmem>>, vector<1x16xf32>,
          %get3A_1470 = arith.index_cast %add3A_1392 : i32 to index
          %get3A_1471 = arith.constant 112 : index
          %get3A_1472 = tpu.vector_load %arg10[%get3A_1470, %get3A_1471] {strides = array<i32>} : memref<80x128xf32, #tpu.memory_space<vmem>>, vector<1x16xf32>,
          %get3A_1473 = vector.shape_cast %get3A_1472 : vector<1x16xf32> to vector<16xf32>
          %mul3A_1474 = vector.broadcast %squeeze3A_1388 : f32 to vector<16xf32>
          %mul3A_1475 = arith.mulf %get3A_1473, %mul3A_1474 : vector<16xf32>
          %swap3A_1476 = arith.index_cast %add3A_1392 : i32 to index
          %swap3A_1477 = arith.constant 112 : index
          %swap3A_1478 = tpu.vector_load %arg10[%swap3A_1476, %swap3A_1477] {strides = array<i32>} : memref<80x128xf32, #tpu.memory_space<vmem>>, vector<1x16xf32>,
          %swap3A_1479 = vector.shape_cast %swap3A_1478 : vector<1x16xf32> to vector<16xf32>
          %swap3A_1480 = vector.shape_cast %mul3A_1475 : vector<16xf32> to vector<1x16xf32>
          tpu.vector_store %arg10[%swap3A_1476, %swap3A_1477], %swap3A_1480 {strides = array<i32>} : memref<80x128xf32, #tpu.memory_space<vmem>>, vector<1x16xf32>,
          %slice3A_1481 = vector.extract_strided_slice %get3A_73 {offsets = [15], sizes = [1], strides = [1]} : vector<16xf32> to vector<1xf32>
          %squeeze3A_1482 = vector.extract %slice3A_1481[0] : f32 from vector<1xf32>
          %mul3A_1483 = arith.constant 16 : i32
          %mul3A_1484 = arith.muli %mul3A_1483, %scan3A_68 : i32
          %add3A_1485 = arith.constant 15 : i32
          %add3A_1486 = arith.addi %mul3A_1484, %add3A_1485 : i32
          %get3A_1487 = arith.index_cast %add3A_1486 : i32 to index
          %get3A_1488 = arith.constant 0 : index
          %get3A_1489 = tpu.vector_load %arg10[%get3A_1487, %get3A_1488] {strides = array<i32>} : memref<80x128xf32, #tpu.memory_space<vmem>>, vector<1x16xf32>,
          %get3A_1490 = vector.shape_cast %get3A_1489 : vector<1x16xf32> to vector<16xf32>
          %mul3A_1491 = vector.broadcast %squeeze3A_1482 : f32 to vector<16xf32>
          %mul3A_1492 = arith.mulf %get3A_1490, %mul3A_1491 : vector<16xf32>
          %swap3A_1493 = arith.index_cast %add3A_1486 : i32 to index
          %swap3A_1494 = arith.constant 0 : index
          %swap3A_1495 = tpu.vector_load %arg10[%swap3A_1493, %swap3A_1494] {strides = array<i32>} : memref<80x128xf32, #tpu.memory_space<vmem>>, vector<1x16xf32>,
          %swap3A_1496 = vector.shape_cast %swap3A_1495 : vector<1x16xf32> to vector<16xf32>
          %swap3A_1497 = vector.shape_cast %mul3A_1492 : vector<16xf32> to vector<1x16xf32>
          tpu.vector_store %arg10[%swap3A_1493, %swap3A_1494], %swap3A_1497 {strides = array<i32>} : memref<80x128xf32, #tpu.memory_space<vmem>>, vector<1x16xf32>,
          %get3A_1498 = arith.index_cast %add3A_1486 : i32 to index
          %get3A_1499 = arith.constant 16 : index
          %get3A_1500 = tpu.vector_load %arg10[%get3A_1498, %get3A_1499] {strides = array<i32>} : memref<80x128xf32, #tpu.memory_space<vmem>>, vector<1x16xf32>,
          %get3A_1501 = vector.shape_cast %get3A_1500 : vector<1x16xf32> to vector<16xf32>
          %mul3A_1502 = vector.broadcast %squeeze3A_1482 : f32 to vector<16xf32>
          %mul3A_1503 = arith.mulf %get3A_1501, %mul3A_1502 : vector<16xf32>
          %swap3A_1504 = arith.index_cast %add3A_1486 : i32 to index
          %swap3A_1505 = arith.constant 16 : index
          %swap3A_1506 = tpu.vector_load %arg10[%swap3A_1504, %swap3A_1505] {strides = array<i32>} : memref<80x128xf32, #tpu.memory_space<vmem>>, vector<1x16xf32>,
          %swap3A_1507 = vector.shape_cast %swap3A_1506 : vector<1x16xf32> to vector<16xf32>
          %swap3A_1508 = vector.shape_cast %mul3A_1503 : vector<16xf32> to vector<1x16xf32>
          tpu.vector_store %arg10[%swap3A_1504, %swap3A_1505], %swap3A_1508 {strides = array<i32>} : memref<80x128xf32, #tpu.memory_space<vmem>>, vector<1x16xf32>,
          %get3A_1509 = arith.index_cast %add3A_1486 : i32 to index
          %get3A_1510 = arith.constant 32 : index
          %get3A_1511 = tpu.vector_load %arg10[%get3A_1509, %get3A_1510] {strides = array<i32>} : memref<80x128xf32, #tpu.memory_space<vmem>>, vector<1x16xf32>,
          %get3A_1512 = vector.shape_cast %get3A_1511 : vector<1x16xf32> to vector<16xf32>
          %mul3A_1513 = vector.broadcast %squeeze3A_1482 : f32 to vector<16xf32>
          %mul3A_1514 = arith.mulf %get3A_1512, %mul3A_1513 : vector<16xf32>
          %swap3A_1515 = arith.index_cast %add3A_1486 : i32 to index
          %swap3A_1516 = arith.constant 32 : index
          %swap3A_1517 = tpu.vector_load %arg10[%swap3A_1515, %swap3A_1516] {strides = array<i32>} : memref<80x128xf32, #tpu.memory_space<vmem>>, vector<1x16xf32>,
          %swap3A_1518 = vector.shape_cast %swap3A_1517 : vector<1x16xf32> to vector<16xf32>
          %swap3A_1519 = vector.shape_cast %mul3A_1514 : vector<16xf32> to vector<1x16xf32>
          tpu.vector_store %arg10[%swap3A_1515, %swap3A_1516], %swap3A_1519 {strides = array<i32>} : memref<80x128xf32, #tpu.memory_space<vmem>>, vector<1x16xf32>,
          %get3A_1520 = arith.index_cast %add3A_1486 : i32 to index
          %get3A_1521 = arith.constant 48 : index
          %get3A_1522 = tpu.vector_load %arg10[%get3A_1520, %get3A_1521] {strides = array<i32>} : memref<80x128xf32, #tpu.memory_space<vmem>>, vector<1x16xf32>,
          %get3A_1523 = vector.shape_cast %get3A_1522 : vector<1x16xf32> to vector<16xf32>
          %mul3A_1524 = vector.broadcast %squeeze3A_1482 : f32 to vector<16xf32>
          %mul3A_1525 = arith.mulf %get3A_1523, %mul3A_1524 : vector<16xf32>
          %swap3A_1526 = arith.index_cast %add3A_1486 : i32 to index
          %swap3A_1527 = arith.constant 48 : index
          %swap3A_1528 = tpu.vector_load %arg10[%swap3A_1526, %swap3A_1527] {strides = array<i32>} : memref<80x128xf32, #tpu.memory_space<vmem>>, vector<1x16xf32>,
          %swap3A_1529 = vector.shape_cast %swap3A_1528 : vector<1x16xf32> to vector<16xf32>
          %swap3A_1530 = vector.shape_cast %mul3A_1525 : vector<16xf32> to vector<1x16xf32>
          tpu.vector_store %arg10[%swap3A_1526, %swap3A_1527], %swap3A_1530 {strides = array<i32>} : memref<80x128xf32, #tpu.memory_space<vmem>>, vector<1x16xf32>,
          %get3A_1531 = arith.index_cast %add3A_1486 : i32 to index
          %get3A_1532 = arith.constant 64 : index
          %get3A_1533 = tpu.vector_load %arg10[%get3A_1531, %get3A_1532] {strides = array<i32>} : memref<80x128xf32, #tpu.memory_space<vmem>>, vector<1x16xf32>,
          %get3A_1534 = vector.shape_cast %get3A_1533 : vector<1x16xf32> to vector<16xf32>
          %mul3A_1535 = vector.broadcast %squeeze3A_1482 : f32 to vector<16xf32>
          %mul3A_1536 = arith.mulf %get3A_1534, %mul3A_1535 : vector<16xf32>
          %swap3A_1537 = arith.index_cast %add3A_1486 : i32 to index
          %swap3A_1538 = arith.constant 64 : index
          %swap3A_1539 = tpu.vector_load %arg10[%swap3A_1537, %swap3A_1538] {strides = array<i32>} : memref<80x128xf32, #tpu.memory_space<vmem>>, vector<1x16xf32>,
          %swap3A_1540 = vector.shape_cast %swap3A_1539 : vector<1x16xf32> to vector<16xf32>
          %swap3A_1541 = vector.shape_cast %mul3A_1536 : vector<16xf32> to vector<1x16xf32>
          tpu.vector_store %arg10[%swap3A_1537, %swap3A_1538], %swap3A_1541 {strides = array<i32>} : memref<80x128xf32, #tpu.memory_space<vmem>>, vector<1x16xf32>,
          %get3A_1542 = arith.index_cast %add3A_1486 : i32 to index
          %get3A_1543 = arith.constant 80 : index
          %get3A_1544 = tpu.vector_load %arg10[%get3A_1542, %get3A_1543] {strides = array<i32>} : memref<80x128xf32, #tpu.memory_space<vmem>>, vector<1x16xf32>,
          %get3A_1545 = vector.shape_cast %get3A_1544 : vector<1x16xf32> to vector<16xf32>
          %mul3A_1546 = vector.broadcast %squeeze3A_1482 : f32 to vector<16xf32>
          %mul3A_1547 = arith.mulf %get3A_1545, %mul3A_1546 : vector<16xf32>
          %swap3A_1548 = arith.index_cast %add3A_1486 : i32 to index
          %swap3A_1549 = arith.constant 80 : index
          %swap3A_1550 = tpu.vector_load %arg10[%swap3A_1548, %swap3A_1549] {strides = array<i32>} : memref<80x128xf32, #tpu.memory_space<vmem>>, vector<1x16xf32>,
          %swap3A_1551 = vector.shape_cast %swap3A_1550 : vector<1x16xf32> to vector<16xf32>
          %swap3A_1552 = vector.shape_cast %mul3A_1547 : vector<16xf32> to vector<1x16xf32>
          tpu.vector_store %arg10[%swap3A_1548, %swap3A_1549], %swap3A_1552 {strides = array<i32>} : memref<80x128xf32, #tpu.memory_space<vmem>>, vector<1x16xf32>,
          %get3A_1553 = arith.index_cast %add3A_1486 : i32 to index
          %get3A_1554 = arith.constant 96 : index
          %get3A_1555 = tpu.vector_load %arg10[%get3A_1553, %get3A_1554] {strides = array<i32>} : memref<80x128xf32, #tpu.memory_space<vmem>>, vector<1x16xf32>,
          %get3A_1556 = vector.shape_cast %get3A_1555 : vector<1x16xf32> to vector<16xf32>
          %mul3A_1557 = vector.broadcast %squeeze3A_1482 : f32 to vector<16xf32>
          %mul3A_1558 = arith.mulf %get3A_1556, %mul3A_1557 : vector<16xf32>
          %swap3A_1559 = arith.index_cast %add3A_1486 : i32 to index
          %swap3A_1560 = arith.constant 96 : index
          %swap3A_1561 = tpu.vector_load %arg10[%swap3A_1559, %swap3A_1560] {strides = array<i32>} : memref<80x128xf32, #tpu.memory_space<vmem>>, vector<1x16xf32>,
          %swap3A_1562 = vector.shape_cast %swap3A_1561 : vector<1x16xf32> to vector<16xf32>
          %swap3A_1563 = vector.shape_cast %mul3A_1558 : vector<16xf32> to vector<1x16xf32>
          tpu.vector_store %arg10[%swap3A_1559, %swap3A_1560], %swap3A_1563 {strides = array<i32>} : memref<80x128xf32, #tpu.memory_space<vmem>>, vector<1x16xf32>,
          %get3A_1564 = arith.index_cast %add3A_1486 : i32 to index
          %get3A_1565 = arith.constant 112 : index
          %get3A_1566 = tpu.vector_load %arg10[%get3A_1564, %get3A_1565] {strides = array<i32>} : memref<80x128xf32, #tpu.memory_space<vmem>>, vector<1x16xf32>,
          %get3A_1567 = vector.shape_cast %get3A_1566 : vector<1x16xf32> to vector<16xf32>
          %mul3A_1568 = vector.broadcast %squeeze3A_1482 : f32 to vector<16xf32>
          %mul3A_1569 = arith.mulf %get3A_1567, %mul3A_1568 : vector<16xf32>
          %swap3A_1570 = arith.index_cast %add3A_1486 : i32 to index
          %swap3A_1571 = arith.constant 112 : index
          %swap3A_1572 = tpu.vector_load %arg10[%swap3A_1570, %swap3A_1571] {strides = array<i32>} : memref<80x128xf32, #tpu.memory_space<vmem>>, vector<1x16xf32>,
          %swap3A_1573 = vector.shape_cast %swap3A_1572 : vector<1x16xf32> to vector<16xf32>
          %swap3A_1574 = vector.shape_cast %mul3A_1569 : vector<16xf32> to vector<1x16xf32>
          tpu.vector_store %arg10[%swap3A_1570, %swap3A_1571], %swap3A_1574 {strides = array<i32>} : memref<80x128xf32, #tpu.memory_space<vmem>>, vector<1x16xf32>,
        }
        %scan3A_67 = arith.constant 5 : i32
        "tpu.region"() ({
          %run_scoped3A = tpu.sem_alloc : memref<!tpu.dma_semaphore, #tpu.memory_space<semaphore_mem>>
          %dma_start3A_68 = arith.constant 0 : i32
          %dma_start3A_69 = tpu.memref_slice %arg8[%scan3A_52, %dma_start3A_68] : memref<25x80xi32, #tpu.memory_space<vmem>> -> memref<1x80xi32, #tpu.memory_space<vmem>>
          %dma_start3A_70 = tpu.memref_squeeze %dma_start3A_69 : memref<1x80xi32, #tpu.memory_space<vmem>> -> memref<80xi32, #tpu.memory_space<vmem>>
          %dma_start3A_71 = arith.constant 0 : i32
          %dma_start3A_72 = arith.constant 0 : i32
          %dma_start3A_73 = tpu.memref_slice %arg11[%dma_start3A_71, %dma_start3A_72] : memref<10000x128xf32, #tpu.memory_space<vmem_shared>> -> memref<10000x128xf32, #tpu.memory_space<vmem_shared>>
          tpu.enqueue_indirect_dma source(%arg10 : memref<80x128xf32, #tpu.memory_space<vmem>>) target(%dma_start3A_73 : memref<10000x128xf32, #tpu.memory_space<vmem_shared>>) offsets(%dma_start3A_70 : memref<80xi32, #tpu.memory_space<vmem>>) semaphore(%run_scoped3A : memref<!tpu.dma_semaphore, #tpu.memory_space<semaphore_mem>>) {add = true}
          %dma_wait3A_74 = arith.constant 0 : i32
          %dma_wait3A_75 = tpu.memref_slice %arg8[%scan3A_52, %dma_wait3A_74] : memref<25x80xi32, #tpu.memory_space<vmem>> -> memref<1x80xi32, #tpu.memory_space<vmem>>
          %dma_wait3A_76 = tpu.memref_squeeze %dma_wait3A_75 : memref<1x80xi32, #tpu.memory_space<vmem>> -> memref<80xi32, #tpu.memory_space<vmem>>
          %dma_wait3A_77 = arith.constant 0 : i32
          %dma_wait3A_78 = arith.constant 0 : i32
          %dma_wait3A_79 = tpu.memref_slice %arg11[%dma_wait3A_77, %dma_wait3A_78] : memref<10000x128xf32, #tpu.memory_space<vmem_shared>> -> memref<10000x128xf32, #tpu.memory_space<vmem_shared>>
          tpu.wait_indirect_dma semaphore(%run_scoped3A : memref<!tpu.dma_semaphore, #tpu.memory_space<semaphore_mem>>) src(%arg10 : memref<80x128xf32, #tpu.memory_space<vmem>>) dst(%dma_wait3A_79 : memref<10000x128xf32, #tpu.memory_space<vmem_shared>>)
          tpu.yield
        }) : () -> ()
      }
      %scan3A_51 = arith.constant 25 : i32
    }
    %scan3A_35 = arith.constant 5 : i32
    %barrier3A_36 = arith.constant 0 : index
    tpu.barrier barrier_id(%barrier3A_36)
    %while3A_37 = arith.constant 0 : i32
    %while3A_38 = arith.subi %select_n3A, %while3A_37 : i32
    %while3A_39 = arith.addi %while3A_37, %while3A_38 : i32
    %while3A_40 = arith.constant 1 : i32
    %while3A_41 = arith.divsi %while3A_38, %while3A_40 : i32
    %while3A_42 = arith.muli %while3A_41, %while3A_40 : i32
    %while3A_43 = arith.addi %while3A_37, %while3A_42 : i32
    %while3A_44 = arith.constant 1 : i32
    scf.for %while3A_46 = %while3A_37 to %while3A_43 step %while3A_44  : i32 {
      %mul3A_47 = arith.constant 16 : i32
      %mul3A_48 = arith.muli %mul3A_47, %while3A_46 : i32
      %add3A_49 = arith.addi %arg1, %mul3A_48 : i32
      %mul3A_50 = arith.constant 80 : i32
      %mul3A_51 = arith.muli %mul3A_50, %add3A_49 : i32
      %mul3A_52 = arith.constant 80 : i32
      %mul3A_53 = arith.muli %mul3A_52, %add3A_49 : i32
      "tpu.region"() ({
        %run_scoped3A = tpu.sem_alloc : memref<!tpu.dma_semaphore, #tpu.memory_space<semaphore_mem>>
        %dma_start3A = arith.constant 0 : i32
        %dma_start3A_54 = tpu.memref_slice %arg6[%arg0, %mul3A_53, %dma_start3A] : memref<2x10000x128xf32, #tpu.memory_space<hbm>> -> memref<1x80x128xf32, #tpu.memory_space<hbm>>
        %dma_start3A_55 = tpu.memref_squeeze %dma_start3A_54 : memref<1x80x128xf32, #tpu.memory_space<hbm>> -> memref<80x128xf32, #tpu.memory_space<hbm>>
        %dma_start3A_56 = arith.constant 0 : i32
        %dma_start3A_57 = tpu.memref_slice %arg11[%mul3A_51, %dma_start3A_56] : memref<10000x128xf32, #tpu.memory_space<vmem_shared>> -> memref<80x128xf32, #tpu.memory_space<vmem_shared>>
        tpu.enqueue_dma source(%dma_start3A_57 : memref<80x128xf32, #tpu.memory_space<vmem_shared>>) target(%dma_start3A_55 : memref<80x128xf32, #tpu.memory_space<hbm>>) target_semaphore(%run_scoped3A : memref<!tpu.dma_semaphore, #tpu.memory_space<semaphore_mem>>)
        %dma_wait3A = arith.constant 0 : i32
        %dma_wait3A_58 = tpu.memref_slice %arg6[%arg0, %mul3A_53, %dma_wait3A] : memref<2x10000x128xf32, #tpu.memory_space<hbm>> -> memref<1x80x128xf32, #tpu.memory_space<hbm>>
        %dma_wait3A_59 = tpu.memref_squeeze %dma_wait3A_58 : memref<1x80x128xf32, #tpu.memory_space<hbm>> -> memref<80x128xf32, #tpu.memory_space<hbm>>
        %dma_wait3A_60 = arith.constant 0 : i32
        %dma_wait3A_61 = tpu.memref_slice %arg11[%mul3A_51, %dma_wait3A_60] : memref<10000x128xf32, #tpu.memory_space<vmem_shared>> -> memref<80x128xf32, #tpu.memory_space<vmem_shared>>
        tpu.wait_dma2 semaphore(%run_scoped3A : memref<!tpu.dma_semaphore, #tpu.memory_space<semaphore_mem>>) src(%dma_wait3A_61 : memref<80x128xf32, #tpu.memory_space<vmem_shared>>) dst(%dma_wait3A_59 : memref<80x128xf32, #tpu.memory_space<hbm>>)
        tpu.yield
      }) : () -> ()
    }
    %while3A_45 = arith.constant 1 : i32
    scf.for %while3A_46 = %while3A_43 to %while3A_39 step %while3A_45  : i32 {
      %mul3A_47 = arith.constant 16 : i32
      %mul3A_48 = arith.muli %mul3A_47, %while3A_46 : i32
      %add3A_49 = arith.addi %arg1, %mul3A_48 : i32
      %mul3A_50 = arith.constant 80 : i32
      %mul3A_51 = arith.muli %mul3A_50, %add3A_49 : i32
      %mul3A_52 = arith.constant 80 : i32
      %mul3A_53 = arith.muli %mul3A_52, %add3A_49 : i32
      "tpu.region"() ({
        %run_scoped3A = tpu.sem_alloc : memref<!tpu.dma_semaphore, #tpu.memory_space<semaphore_mem>>
        %dma_start3A = arith.constant 0 : i32
        %dma_start3A_54 = tpu.memref_slice %arg6[%arg0, %mul3A_53, %dma_start3A] : memref<2x10000x128xf32, #tpu.memory_space<hbm>> -> memref<1x80x128xf32, #tpu.memory_space<hbm>>
        %dma_start3A_55 = tpu.memref_squeeze %dma_start3A_54 : memref<1x80x128xf32, #tpu.memory_space<hbm>> -> memref<80x128xf32, #tpu.memory_space<hbm>>
        %dma_start3A_56 = arith.constant 0 : i32
        %dma_start3A_57 = tpu.memref_slice %arg11[%mul3A_51, %dma_start3A_56] : memref<10000x128xf32, #tpu.memory_space<vmem_shared>> -> memref<80x128xf32, #tpu.memory_space<vmem_shared>>
        tpu.enqueue_dma source(%dma_start3A_57 : memref<80x128xf32, #tpu.memory_space<vmem_shared>>) target(%dma_start3A_55 : memref<80x128xf32, #tpu.memory_space<hbm>>) target_semaphore(%run_scoped3A : memref<!tpu.dma_semaphore, #tpu.memory_space<semaphore_mem>>)
        %dma_wait3A = arith.constant 0 : i32
        %dma_wait3A_58 = tpu.memref_slice %arg6[%arg0, %mul3A_53, %dma_wait3A] : memref<2x10000x128xf32, #tpu.memory_space<hbm>> -> memref<1x80x128xf32, #tpu.memory_space<hbm>>
        %dma_wait3A_59 = tpu.memref_squeeze %dma_wait3A_58 : memref<1x80x128xf32, #tpu.memory_space<hbm>> -> memref<80x128xf32, #tpu.memory_space<hbm>>
        %dma_wait3A_60 = arith.constant 0 : i32
        %dma_wait3A_61 = tpu.memref_slice %arg11[%mul3A_51, %dma_wait3A_60] : memref<10000x128xf32, #tpu.memory_space<vmem_shared>> -> memref<80x128xf32, #tpu.memory_space<vmem_shared>>
        tpu.wait_dma2 semaphore(%run_scoped3A : memref<!tpu.dma_semaphore, #tpu.memory_space<semaphore_mem>>) src(%dma_wait3A_61 : memref<80x128xf32, #tpu.memory_space<vmem_shared>>) dst(%dma_wait3A_59 : memref<80x128xf32, #tpu.memory_space<hbm>>)
        tpu.yield
      }) : () -> ()
    }
    return
  }
}

module attributes {stable_mosaic.version = 14 : i64} {
  func.func @_mm_body(%arg0: i32, %arg1: memref<1000x128xf32, #tpu.memory_space<vmem>>, %arg2: memref<128x128xf32, #tpu.memory_space<vmem>>, %arg3: memref<1000x128xf32, #tpu.memory_space<vmem>>) attributes {dimension_semantics = [#tpu.dimension_semantics<arbitrary>], iteration_bounds = array<i64: 10>, scalar_prefetch = 0 : i64, scratch_operands = 0 : i64, tpu.core_type = #tpu.core_type<tc>, window_params = [{transform_indices = @transform_0, window_bounds = array<i64: 1000, 128>}, {pipeline_mode = #tpu.pipeline_mode<synchronous>, transform_indices = @transform_1, window_bounds = array<i64: 128, 128>}, {transform_indices = @transform_2, window_bounds = array<i64: 1000, 128>}]} {
    %get3A = arith.constant 0 : index
    %get3A_0 = arith.constant 0 : index
    %get3A_1 = vector.load %arg1[%get3A, %get3A_0] : memref<1000x128xf32, #tpu.memory_space<vmem>>, vector<1000x128xf32>
    %get3A_2 = arith.constant 0 : index
    %get3A_3 = arith.constant 0 : index
    %get3A_4 = vector.load %arg2[%get3A_2, %get3A_3] : memref<128x128xf32, #tpu.memory_space<vmem>>, vector<128x128xf32>
    %dot_general3A = arith.constant dense<0.000000e+00> : vector<1000x128xf32>
    %dot_general3A_5 = tpu.matmul %get3A_1, %get3A_4, %dot_general3A {dimension_numbers = #tpu.dot_dimension_numbers<[1], [0], [0], [1], [0, 0, 1, 1], [], []>, transpose_lhs_hint = false} : vector<1000x128xf32>, vector<128x128xf32>, vector<1000x128xf32> -> vector<1000x128xf32>
    %swap3A = arith.constant 0 : index
    %swap3A_6 = arith.constant 0 : index
    %swap3A_7 = vector.load %arg3[%swap3A, %swap3A_6] : memref<1000x128xf32, #tpu.memory_space<vmem>>, vector<1000x128xf32>
    tpu.vector_store %arg3[%swap3A, %swap3A_6], %dot_general3A_5 {strides = array<i32>} : memref<1000x128xf32, #tpu.memory_space<vmem>>, vector<1000x128xf32>,
    return
  }
  func.func @transform_0(%arg0: i32) -> (i32, i32) {
    %c0_i32 = arith.constant 0 : i32
    %c0_i32_0 = arith.constant 0 : i32
    return %arg0, %c0_i32 : i32, i32
  }
  func.func @transform_1(%arg0: i32) -> (i32, i32) {
    %c0_i32 = arith.constant 0 : i32
    %c0_i32_0 = arith.constant 0 : i32
    %c0_i32_1 = arith.constant 0 : i32
    return %c0_i32, %c0_i32_0 : i32, i32
  }
  func.func @transform_2(%arg0: i32) -> (i32, i32) {
    %c0_i32 = arith.constant 0 : i32
    %c0_i32_0 = arith.constant 0 : i32
    return %arg0, %c0_i32 : i32, i32
  }
}

module attributes {stable_mosaic.version = 14 : i64} {
  func.func @_mid_body(%arg0: i32, %arg1: memref<2x1000x128xf32, #tpu.memory_space<vmem>>, %arg2: memref<1x128xf32, #tpu.memory_space<vmem>>, %arg3: memref<128x16xf32, #tpu.memory_space<vmem>>, %arg4: memref<1000x128xf32, #tpu.memory_space<vmem>>, %arg5: memref<1000x16xf32, #tpu.memory_space<vmem>>) attributes {dimension_semantics = [#tpu.dimension_semantics<arbitrary>], iteration_bounds = array<i64: 10>, scalar_prefetch = 0 : i64, scratch_operands = 0 : i64, tpu.core_type = #tpu.core_type<tc>, window_params = [{transform_indices = @transform_0, window_bounds = array<i64: 2, 1000, 128>}, {pipeline_mode = #tpu.pipeline_mode<synchronous>, transform_indices = @transform_1, window_bounds = array<i64: 1, 128>}, {pipeline_mode = #tpu.pipeline_mode<synchronous>, transform_indices = @transform_2, window_bounds = array<i64: 128, 16>}, {transform_indices = @transform_3, window_bounds = array<i64: 1000, 128>}, {transform_indices = @transform_4, window_bounds = array<i64: 1000, 16>}]} {
    %get3A = arith.constant 0 : index
    %get3A_0 = arith.constant 0 : index
    %get3A_1 = arith.constant 0 : index
    %get3A_2 = vector.load %arg1[%get3A, %get3A_0, %get3A_1] : memref<2x1000x128xf32, #tpu.memory_space<vmem>>, vector<1x1000x128xf32>
    %get3A_3 = vector.shape_cast %get3A_2 : vector<1x1000x128xf32> to vector<1000x128xf32>
    %get3A_4 = arith.constant 1 : index
    %get3A_5 = arith.constant 0 : index
    %get3A_6 = arith.constant 0 : index
    %get3A_7 = vector.load %arg1[%get3A_4, %get3A_5, %get3A_6] : memref<2x1000x128xf32, #tpu.memory_space<vmem>>, vector<1x1000x128xf32>
    %get3A_8 = vector.shape_cast %get3A_7 : vector<1x1000x128xf32> to vector<1000x128xf32>
    %add3A = arith.addf %get3A_3, %get3A_8 : vector<1000x128xf32>
    %get3A_9 = arith.constant 0 : index
    %get3A_10 = arith.constant 0 : index
    %get3A_11 = vector.load %arg2[%get3A_9, %get3A_10] : memref<1x128xf32, #tpu.memory_space<vmem>>, vector<1x128xf32>
    %add3A_12 = vector.broadcast %get3A_11 : vector<1x128xf32> to vector<1000x128xf32>
    %add3A_13 = arith.addf %add3A, %add3A_12 : vector<1000x128xf32>
    %swap3A = arith.constant 0 : index
    %swap3A_14 = arith.constant 0 : index
    %swap3A_15 = vector.load %arg4[%swap3A, %swap3A_14] : memref<1000x128xf32, #tpu.memory_space<vmem>>, vector<1000x128xf32>
    tpu.vector_store %arg4[%swap3A, %swap3A_14], %add3A_13 {strides = array<i32>} : memref<1000x128xf32, #tpu.memory_space<vmem>>, vector<1000x128xf32>,
    %max3A = arith.constant 0.000000e+00 : f32
    %max3A_16 = vector.broadcast %max3A : f32 to vector<1000x128xf32>
    %max3A_17 = arith.maximumf %add3A_13, %max3A_16 : vector<1000x128xf32>
    %get3A_18 = arith.constant 0 : index
    %get3A_19 = arith.constant 0 : index
    %get3A_20 = vector.load %arg3[%get3A_18, %get3A_19] : memref<128x16xf32, #tpu.memory_space<vmem>>, vector<128x16xf32>
    %dot_general3A = arith.constant dense<0.000000e+00> : vector<1000x16xf32>
    %dot_general3A_21 = tpu.matmul %max3A_17, %get3A_20, %dot_general3A {dimension_numbers = #tpu.dot_dimension_numbers<[1], [0], [0], [1], [0, 0, 1, 1], [], []>, transpose_lhs_hint = false} : vector<1000x128xf32>, vector<128x16xf32>, vector<1000x16xf32> -> vector<1000x16xf32>
    %swap3A_22 = arith.constant 0 : index
    %swap3A_23 = arith.constant 0 : index
    %swap3A_24 = vector.load %arg5[%swap3A_22, %swap3A_23] : memref<1000x16xf32, #tpu.memory_space<vmem>>, vector<1000x16xf32>
    tpu.vector_store %arg5[%swap3A_22, %swap3A_23], %dot_general3A_21 {strides = array<i32>} : memref<1000x16xf32, #tpu.memory_space<vmem>>, vector<1000x16xf32>,
    return
  }
  func.func @transform_0(%arg0: i32) -> (i32, i32, i32) {
    %c0_i32 = arith.constant 0 : i32
    %c0_i32_0 = arith.constant 0 : i32
    %c0_i32_1 = arith.constant 0 : i32
    return %c0_i32, %arg0, %c0_i32_0 : i32, i32, i32
  }
  func.func @transform_1(%arg0: i32) -> (i32, i32) {
    %c0_i32 = arith.constant 0 : i32
    %c0_i32_0 = arith.constant 0 : i32
    %c0_i32_1 = arith.constant 0 : i32
    return %c0_i32, %c0_i32_0 : i32, i32
  }
  func.func @transform_2(%arg0: i32) -> (i32, i32) {
    %c0_i32 = arith.constant 0 : i32
    %c0_i32_0 = arith.constant 0 : i32
    %c0_i32_1 = arith.constant 0 : i32
    return %c0_i32, %c0_i32_0 : i32, i32
  }
  func.func @transform_3(%arg0: i32) -> (i32, i32) {
    %c0_i32 = arith.constant 0 : i32
    %c0_i32_0 = arith.constant 0 : i32
    return %arg0, %c0_i32 : i32, i32
  }
  func.func @transform_4(%arg0: i32) -> (i32, i32) {
    %c0_i32 = arith.constant 0 : i32
    %c0_i32_0 = arith.constant 0 : i32
    return %arg0, %c0_i32 : i32, i32
  }
}

module attributes {stable_mosaic.version = 14 : i64} {
  func.func @_fin_body(%arg0: i32, %arg1: memref<2x1000x16xf32, #tpu.memory_space<vmem>>, %arg2: memref<1x16xf32, #tpu.memory_space<vmem>>, %arg3: memref<1000x16xf32, #tpu.memory_space<vmem>>, %arg4: memref<1000x16xf32, #tpu.memory_space<vmem>>) attributes {dimension_semantics = [#tpu.dimension_semantics<arbitrary>], iteration_bounds = array<i64: 10>, scalar_prefetch = 0 : i64, scratch_operands = 0 : i64, tpu.core_type = #tpu.core_type<tc>, window_params = [{transform_indices = @transform_0, window_bounds = array<i64: 2, 1000, 16>}, {pipeline_mode = #tpu.pipeline_mode<synchronous>, transform_indices = @transform_1, window_bounds = array<i64: 1, 16>}, {transform_indices = @transform_2, window_bounds = array<i64: 1000, 16>}, {transform_indices = @transform_3, window_bounds = array<i64: 1000, 16>}]} {
    %get3A = arith.constant 0 : index
    %get3A_0 = arith.constant 0 : index
    %get3A_1 = arith.constant 0 : index
    %get3A_2 = vector.load %arg1[%get3A, %get3A_0, %get3A_1] : memref<2x1000x16xf32, #tpu.memory_space<vmem>>, vector<1x1000x16xf32>
    %get3A_3 = vector.shape_cast %get3A_2 : vector<1x1000x16xf32> to vector<1000x16xf32>
    %get3A_4 = arith.constant 1 : index
    %get3A_5 = arith.constant 0 : index
    %get3A_6 = arith.constant 0 : index
    %get3A_7 = vector.load %arg1[%get3A_4, %get3A_5, %get3A_6] : memref<2x1000x16xf32, #tpu.memory_space<vmem>>, vector<1x1000x16xf32>
    %get3A_8 = vector.shape_cast %get3A_7 : vector<1x1000x16xf32> to vector<1000x16xf32>
    %add3A = arith.addf %get3A_3, %get3A_8 : vector<1000x16xf32>
    %get3A_9 = arith.constant 0 : index
    %get3A_10 = arith.constant 0 : index
    %get3A_11 = vector.load %arg2[%get3A_9, %get3A_10] : memref<1x16xf32, #tpu.memory_space<vmem>>, vector<1x16xf32>
    %add3A_12 = vector.broadcast %get3A_11 : vector<1x16xf32> to vector<1000x16xf32>
    %add3A_13 = arith.addf %add3A, %add3A_12 : vector<1000x16xf32>
    %swap3A = arith.constant 0 : index
    %swap3A_14 = arith.constant 0 : index
    %swap3A_15 = vector.load %arg4[%swap3A, %swap3A_14] : memref<1000x16xf32, #tpu.memory_space<vmem>>, vector<1000x16xf32>
    tpu.vector_store %arg4[%swap3A, %swap3A_14], %add3A_13 {strides = array<i32>} : memref<1000x16xf32, #tpu.memory_space<vmem>>, vector<1000x16xf32>,
    %reduce_max3A = arith.constant dense<0xFF800000> : vector<1000xf32>
    %reduce_max3A_16 = vector.multi_reduction <maximumf>, %add3A_13, %reduce_max3A [1] : vector<1000x16xf32> to vector<1000xf32>
    %broadcast_in_dim3A = vector.shape_cast %reduce_max3A_16 : vector<1000xf32> to vector<1000x1xf32>
    %sub3A = vector.broadcast %broadcast_in_dim3A : vector<1000x1xf32> to vector<1000x16xf32>
    %sub3A_17 = arith.subf %add3A_13, %sub3A : vector<1000x16xf32>
    %exp3A = math.exp %sub3A_17 : vector<1000x16xf32>
    %reduce_sum3A = arith.constant dense<0.000000e+00> : vector<1000xf32>
    %reduce_sum3A_18 = vector.multi_reduction <add>, %exp3A, %reduce_sum3A [1] : vector<1000x16xf32> to vector<1000xf32>
    %broadcast_in_dim3A_19 = vector.shape_cast %reduce_sum3A_18 : vector<1000xf32> to vector<1000x1xf32>
    %log3A = math.log %broadcast_in_dim3A_19 : vector<1000x1xf32>
    %add3A_20 = arith.addf %log3A, %broadcast_in_dim3A : vector<1000x1xf32>
    %sub3A_21 = vector.broadcast %add3A_20 : vector<1000x1xf32> to vector<1000x16xf32>
    %sub3A_22 = arith.subf %add3A_13, %sub3A_21 : vector<1000x16xf32>
    %swap3A_23 = arith.constant 0 : index
    %swap3A_24 = arith.constant 0 : index
    %swap3A_25 = vector.load %arg3[%swap3A_23, %swap3A_24] : memref<1000x16xf32, #tpu.memory_space<vmem>>, vector<1000x16xf32>
    tpu.vector_store %arg3[%swap3A_23, %swap3A_24], %sub3A_22 {strides = array<i32>} : memref<1000x16xf32, #tpu.memory_space<vmem>>, vector<1000x16xf32>,
    return
  }
  func.func @transform_0(%arg0: i32) -> (i32, i32, i32) {
    %c0_i32 = arith.constant 0 : i32
    %c0_i32_0 = arith.constant 0 : i32
    %c0_i32_1 = arith.constant 0 : i32
    return %c0_i32, %arg0, %c0_i32_0 : i32, i32, i32
  }
  func.func @transform_1(%arg0: i32) -> (i32, i32) {
    %c0_i32 = arith.constant 0 : i32
    %c0_i32_0 = arith.constant 0 : i32
    %c0_i32_1 = arith.constant 0 : i32
    return %c0_i32, %c0_i32_0 : i32, i32
  }
  func.func @transform_2(%arg0: i32) -> (i32, i32) {
    %c0_i32 = arith.constant 0 : i32
    %c0_i32_0 = arith.constant 0 : i32
    return %arg0, %c0_i32 : i32, i32
  }
  func.func @transform_3(%arg0: i32) -> (i32, i32) {
    %c0_i32 = arith.constant 0 : i32
    %c0_i32_0 = arith.constant 0 : i32
    return %arg0, %c0_i32 : i32, i32
  }
}

</mosaic_0001>

<sc_bundles>
// kernel: kernel.10.cloned.1.call-start
scs
__scs_entry_jumppad:
0x0: {  	(pc) =	sbr.rel $0x88, $3  }
0x1: {  	(tag) =	ssettag $0x0;
	lr =	simm.s32 $0x1  }
0x2: {  	[smem:$0x3F9A] =	sst lr;
	_ =	strace $0xD0000000  }
0x3: {  	_ = 	snop  }
0x4: {  	_ = 	snop  }
0x5: {  	_ = 	snop  }
0x6: {  	_ = 	snop  }
0x7: {  	_ = 	snop  }
__scs_overlays_trampoline_lowered:
0x8: {  	[smem:$0x3FA9] =	sst s0  }
0x9: {  	[smem:$0x3FAA] =	sst s1  }
0xa: {  	[smem:$0x3FAB] =	sst s2  }
0xb: {  	[smem:$0x3FAC] =	sst s3  }
0xc: {  	[smem:$0x3FAD] =	sst s4  }
0xd: {  	[smem:$0x3FAE] =	sst s5  }
0xe: {  	[smem:$0x3FAF] =	sst s6  }
0xf: {  	[smem:$0x3FB0] =	sst s7  }
0x10: {  	[smem:$0x3FB1] =	sst s8  }
0x11: {  	[smem:$0x3FB2] =	sst s9;
	s0 =	simm.s32 @!p0 $0x0  }
0x12: {  	s1 =	sld [smem:$0x3F98];
	s0 =	simm.s32 @p0 $0x1  }
0x13: {  	[smem:$0x3FB3] =	sst s0;
	s0 =	simm.s32 @!p1 $0x0  }
0x14: {  	s2 =	sld [smem:$0x3F97];
	s0 =	simm.s32 @p1 $0x1  }
0x15: {  	[smem:$0x3FB4] =	sst s0;
	s0 =	simm.s32 @!p2 $0x0  }
0x16: {  	s3 =	sld [smem:$0x3FDB];
	s0 =	simm.s32 @p2 $0x1  }
0x17: {  	s4 =	simm.s32 $0x1BF5;
	[smem:$0x3FB6] =	sst s0  }
0x18: {  	s0 =	sld [smem:$0x3F99];
	_ =	swait.ge [sflag:s4], $0x0  }
0x19: {  	s7 =	sld [smem:$0x3F9A]  }
0x1a: {  	s8 =	sadd.s32 $0xFFFFE003, lr  }
0x1b: {  	s9 =	sadd.s32 $0xFFFFFEF7, lr;
	s5 =	simm.s32 $0xFFFFFFFF;
	p2 =	slt.u32 s8, $0xFFFFF086  }
0x1c: {  	p1 =	slt.u32 s9, $0xF7A;
	s5 =	simm.s32 @!p2 $0x0  }
0x1d: {  	s5 =	simm.s32 @p1 $0x1;
	p0 =	seq.s32 s7, s2  }
0x1e: {  	s7 =	smul.u32 @!p0 $0xF7A, s2;
	p2 =	seq.s32 @!p0 s5, $0x0  }
0x1f: {  	s9 =	smul.u32 $0xF7A, s1;
	s8 =	simm.s32 @!p0 $0x1BF5;
	p2 =	por !p2, p0  }
0x20: {  	[sflag:s8] =	ssyncset.s32 @!p0 $0xFFFFF086;
	s6 =	sadd.s32 @!p0 s3, s7;
	s7 =	simm.s32 @!p0 $0x108  }
0x21: {  	s3 =	sadd.s32 s3, s9;
	s6 =	sadd.s32 @!p0 $0x88, s6;
	s7 =	simm.s32 @p2 $0x1082  }
0x22: {  	[simem:s7], [sflag:s8] =	dma.local @!p0 [hbm:s6], $0xF7A  }
0x23: {  	s9 =	sor.u32 $0xD0000000, s2;
	s6 =	simm.s32 $0x108;
	_ =	swait.ge @!p0 [sflag:s8], $0x0  }
0x24: {  	s3 =	sadd.s32 $0x88, s3;
	s6 =	simm.s32 @!p1 $0x1082;
	[sflag:s4] =	ssyncset.s32 $0xFFFFF086  }
0x25: {  	[simem:s6], [sflag:s4] =	dma.local [hbm:s3], $0xF7A  }
0x26: {  	[smem:$0x3F9A] =	sst s1;
	(tag) =	ssettag s2;
	_ =	strace s9  }
0x27: {  	s1 =	sld [smem:$0x3FAA]  }
0x28: {  	s2 =	sld [smem:$0x3FAB]  }
0x29: {  	s4 =	sld [smem:$0x3FAD]  }
0x2a: {  	p0 =	seq.s32 s5, $0x0;
	s5 =	sld [smem:$0x3FAE]  }
0x2b: {  	s6 =	sld [smem:$0x3FAF]  }
0x2c: {  	s7 =	sld [smem:$0x3FB0]  }
0x2d: {  	s3 =	simm.s32 $0x108;
	s8 =	sld [smem:$0x3FB1]  }
0x2e: {  	s3 =	simm.s32 @!p0 $0x1082;
	s9 =	sld [smem:$0x3FB2]  }
0x2f: {  	lr =	sadd.s32 s0, s3;
	s0 =	sld [smem:$0x3FA9]  }
0x30: {  	s3 =	sld [smem:$0x3FAC]  }
0x31: {  	[smem:$0x3FB5] =	sst s10  }
0x32: {  	s10 =	sld [smem:$0x3FB3];
	_ =	sdelay $0x3  }
0x33: {  	p0 =	seq.s32 s10, $0x1;
	s10 =	sld [smem:$0x3FB5];
	_ =	sdelay $0x3  }
0x34: {  	[smem:$0x3FB5] =	sst s10  }
0x35: {  	s10 =	sld [smem:$0x3FB4];
	_ =	sdelay $0x3  }
0x36: {  	p1 =	seq.s32 s10, $0x1;
	s10 =	sld [smem:$0x3FB5];
	_ =	sdelay $0x3  }
0x37: {  	[smem:$0x3FB5] =	sst s10  }
0x38: {  	s10 =	sld [smem:$0x3FB6]  }
0x39: {  	_ = 	snop;
	(pc) =	sbr.ind lr, $3  }
0x3a: {  	_ = 	snop  }
0x3b: {  	_ = 	snop  }
0x3c: {  	p2 =	seq.s32 s10, $0x1;
	s10 =	sld [smem:$0x3FB5]  }
0x3d: {  	_ =	shalt  }
0x3e: {  	_ =	shalt  }
0x3f: {  	_ =	shalt  }
0x40: {  	_ =	shalt  }
0x41: {  	_ =	shalt  }
0x42: {  	_ =	shalt  }
0x43: {  	_ =	shalt  }
0x44: {  	_ =	shalt  }
0x45: {  	_ =	shalt  }
0x46: {  	_ =	shalt  }
0x47: {  	_ =	shalt  }
0x48: {  	_ =	shalt  }
0x49: {  	_ =	shalt  }
0x4a: {  	_ =	shalt  }
0x4b: {  	_ =	shalt  }
0x4c: {  	_ =	shalt  }
0x4d: {  	_ =	shalt  }
0x4e: {  	_ =	shalt  }
0x4f: {  	_ =	shalt  }
0x50: {  	_ =	shalt  }
0x51: {  	_ =	shalt  }
0x52: {  	_ =	shalt  }
0x53: {  	_ =	shalt  }
0x54: {  	_ =	shalt  }
0x55: {  	_ =	shalt  }
0x56: {  	_ =	shalt  }
0x57: {  	_ =	shalt  }
0x58: {  	_ =	shalt  }
0x59: {  	_ =	shalt  }
0x5a: {  	_ =	shalt  }
0x5b: {  	_ =	shalt  }
0x5c: {  	_ =	shalt  }
0x5d: {  	_ =	shalt  }
0x5e: {  	_ =	shalt  }
0x5f: {  	_ =	shalt  }
0x60: {  	_ =	shalt  }
0x61: {  	_ =	shalt  }
0x62: {  	_ =	shalt  }
0x63: {  	_ =	shalt  }
0x64: {  	_ =	shalt  }
0x65: {  	_ =	shalt  }
0x66: {  	_ =	shalt  }
0x67: {  	_ =	shalt  }
0x68: {  	_ =	shalt  }
0x69: {  	_ =	shalt  }
0x6a: {  	_ =	shalt  }
0x6b: {  	_ =	shalt  }
0x6c: {  	_ =	shalt  }
0x6d: {  	_ =	shalt  }
0x6e: {  	_ =	shalt  }
0x6f: {  	_ =	shalt  }
0x70: {  	_ =	shalt  }
0x71: {  	_ =	shalt  }
0x72: {  	_ =	shalt  }
0x73: {  	_ =	shalt  }
0x74: {  	_ =	shalt  }
0x75: {  	_ =	shalt  }
0x76: {  	_ =	shalt  }
0x77: {  	_ =	shalt  }
0x78: {  	_ =	shalt  }
0x79: {  	_ =	shalt  }
0x7a: {  	_ =	shalt  }
0x7b: {  	_ =	shalt  }
0x7c: {  	_ =	shalt  }
0x7d: {  	_ =	shalt  }
0x7e: {  	_ =	shalt  }
0x7f: {  	_ =	shalt  }
0x80: {  	_ =	shalt  }
0x81: {  	_ =	shalt  }
0x82: {  	_ =	shalt  }
0x83: {  	_ =	shalt  }
0x84: {  	_ =	shalt  }
0x85: {  	_ =	shalt  }
0x86: {  	_ =	shalt  }
0x87: {  	_ =	shalt  }
.Lfunc_end0:
.L_simem_size_0:
called_computation.1_lowered:
.L_overlay_start_0:
0x88: {  	s2 =	sld [smem:$0x3FD9]  }
0x89: {  	s3 =	sld [smem:$0x3FFE];
	_ =	sdelay $0x1  }
0x8a: {  	s1 =	srdreg.scid  }
0x8b: {  	s0 =	sand.u32 $0x1, s1  }
0x8c: {  	s14 =	sshll.u32 s0, $0xA;
	s2 =	sadd.s32 s3, s2  }
0x8d: {  	s2 =	sadd.s32 s2, s14  }
0x8e: {  	[smem:$0x3FC1] =	sst s2  }
0x8f: {  	_ = 	snop  }
0x90: {  	s2 =	sld [smem:$0x3FD0];
	_ =	sdelay $0x2  }
0x91: {  	s4 =	simm.s32 $0xA;
	s5 =	simm.s32 $0x10;
	s15 =	sld [smem:$0x3FC7]  }
0x92: {  	[smem:s5], [sflag:s4] =	dma.local [hbm:s2], $0x1  }
0x93: {  	_ =	swait.eq [sflag:s4], $0x1  }
0x94: {  	[sflag:s4] =	ssyncset.done $0x0  }
0x95: {  	[sflag:s4] =	ssyncadd.s32 $0xFFFFFFFF  }
0x96: {  	s16 =	sld [smem:$0x12];
	(tm) =	ssettm $0x1  }
0x97: {  	s17 =	sld [smem:$0x3FFB];
	_ =	sdelay $0x3  }
0x98: {  	_ =	strace s17  }
0x99: {  	s4 =	sld [smem:$0x3FFC];
	_ =	sdelay $0x3  }
0x9a: {  	_ =	strace s4  }
0x9b: {  	s4 =	sld [smem:$0x3FFD];
	_ =	sdelay $0x3  }
0x9c: {  	_ =	strace s4  }
0x9d: {  	_ =	strace $0x8FFFFFFF  }
0x9e: {  	s18 =	sld [smem:$0x3FDB];
	_ =	sdelay $0x1  }
0x9f: {  	s19 =	simm.s32 $_scs_section_size  }
0xa0: {  	s6 =	simm.s32 $_size__tile_overlayer_lowered;
	s7 =	simm.s32 $_tile_overlayer_lowered  }
0xa1: {  	s22 =	simm.s32 $0x1BFF;
	s21 =	sshll.u32 s7, $0x1;
	s4 =	sadd.s32 s19, s18  }
0xa2: {  	s8 =	simm.s32 $0x0;
	s20 =	sshll.u32 s6, $0x1;
	s6 =	sadd.s32 s21, s4  }
0xa3: {  	[timem:s8], [sflag:s22] =	dma.local [hbm:s6], s20  }
0xa4: {  	_ =	swait.ge [sflag:s22], s20  }
0xa5: {  	s5 =	ssub.s32 $0x0, s20;
	[sflag:s22] =	ssyncset.done $0x0  }
0xa6: {  	[sflag:s22] =	ssyncadd.s32 s5;
	_ =	sdelay $0x1  }
0xa7: {  	s23 =	simm.s32 $0x1B8B  }
0xa8: {  	_ =	swait.ge [sflag:s23], $0x1  }
0xa9: {  	[sflag:s23] =	ssyncset.done $0x0  }
0xaa: {  	s25 =	simm.s32 $0x1B8E;
	s24 =	sld [smem:$0x3FFE];
	[sflag:s23] =	ssyncadd.s32 $0xFFFFFFFF  }
0xab: {  	s26 =	simm.s32 $execute0_lowered;
	[smem:$0x3FD2] =	sst s25  }
0xac: {  	s6 =	sshll.u32 s26, $0x1;
	_ =	strace $0x80000049;
	[dreg:$0x1] =	wrdreg $0xFFFFFFFF  }
0xad: {  	s28 =	simm.s32 $_size_execute0_lowered;
	s4 =	sadd.s32 s4, s6;
	[dreg:$0x0] =	wrdreg $0x0  }
0xae: {  	s6 =	sshll.u32 s28, $0x1;
	[dreg:$0x2] =	wrdreg s4  }
0xaf: {  	[dreg:$0x3] =	wrdreg s6  }
0xb0: {  	[dreg:$0x4] =	wrdreg $0xC0  }
0xb1: {  	_ =	task [dreg:s8], $0x5FFFF  }
0xb2: {  	[dreg:$0x1] =	wrdreg $0xFFFFFFFF  }
0xb3: {  	[dreg:$0x0] =	wrdreg $0x60  }
0xb4: {  	[dreg:$0x2] =	wrdreg s16  }
0xb5: {  	[dreg:$0x3] =	wrdreg s24  }
0xb6: {  	[dreg:$0x4] =	wrdreg s15  }
0xb7: {  	[dreg:$0x5] =	wrdreg $0x1C700  }
0xb8: {  	[dreg:$0x6] =	wrdreg $0x9  }
0xb9: {  	_ =	task.clear_ibuf [dreg:s8], $0x7FFFF;
	_ =	strace $0x90000049  }
0xba: {  	s29 =	simm.s32 $0x9;
	_ =	strace $0x8000004B  }
0xbb: {  	_ =	swait.ge [sflag:s29], $0x1  }
0xbc: {  	[sflag:s29] =	ssyncadd.s32 $0xFFFFFFFF  }
0xbd: {  	_ =	strace $0x9000004B  }
0xbe: {  	_ =	sfence  }
0xbf: {  	s30 =	sld [smem:$0x0];
	_ =	sdelay $0x2  }
0xc0: {  	s31 =	sshll.u32 s1, $0xD;
	s1 =	sshrl.u32 s1, $0x2  }
0xc1: {  	s3 =	sand.u32 $0x4000, s31;
	s1 =	sadd.s32 s1, s30  }
0xc2: {  	s0 =	sor.u32 s3, s0;
	s1 =	sshll.u32 s1, $0x11  }
0xc3: {  	s0 =	sor.u32 s1, s0  }
0xc4: {  	s0 =	sadd.s32 $0x8F2B, s0  }
0xc5: {  	[sflag:s0] =	ssyncadd.remote.s32 $0x1  }
0xc6: {  	_ =	sfence.sel $0xFFFF  }
0xc7: {  	[dreg:$0x0] =	wrdreg $0xFFFFFFFF;
	(pc) =	sbr.abs _section_cstart, $3  }
0xc8: {  	[dreg:$0x1] =	wrdreg $0xFFFFFFFF  }
0xc9: {  	_ =	task.clear_ibuf [dreg:s8], $0x2FFFF;
	_ =	strace $0x9FFFFFFF  }
0xca: {  	(tm) =	ssettm $0x7FFFFFFF  }
0xcb: {  	_ =	shalt  }
tec
execute0_lowered:
.L_overlay_start_1:
0x0: {  	(tag) =	ssettag $0x1  }
0x1: {  	s0 =	rddreg [dreg:$0x0]  }
0x2: {  	s8 =	rddreg [dreg:$0x1]  }
0x3: {  	s3 =	rddreg [dreg:$0x2];
	s1 =	srdreg.scid  }
0x4: {  	s4 =	rddreg [dreg:$0x3];
	s2 =	stileid.u32  }
0x5: {  	s5 =	simm.s32 $0x0;
	s15 =	simm.s32 $0x7D0;
	s16 =	simm.s32 $0x50  }
0x6: {  	s9 =	sand.u32 $0x1, s1;
	s1 =	rddreg [dreg:$0x4];
	s10 =	smul.u32 $0x500, s2  }
0x7: {  	s17 =	simm.s32 $0x1;
	[smem:$0x7FF] =	sst s5;
	s29 =	smul.u32 $0x1400, s2  }
0x8: {  	s6 =	sadd.s32 $0xB000, s8;
	s31 =	ssub.s32 $0x8C, s2;
	s7 =	smul.u32 $0x27100, s9  }
0x9: {  	_ =	strace $0x8000004A;
	s11 =	ssub.s32 $0x2, s9;
	s30 =	sshll.u32 s9, $0x4  }
0xa: {  	s28 =	sshrl.u32 s11, $0x1;
	s13 =	sor.u32 s2, s30;
	s14 =	sshrl.u32 s29, $0x2  }
0xb: {  	s10 =	sadd.s32 s10, s7;
	s7 =	sadd.s32 $0x1200, s8;
	s11 =	ssub.s32 s11, s28  }
0xc: {  	s9 =	smul.u32 $0x2710, s13;
	s13 =	simm.s32 $0x1770;
	s10 =	sshrl.u32 s10, $0x3  }
0xd: {  	s12 =	sadd.s32 s10, s8;
	s8 =	sshrl.u32 s31, $0x4;
	s10 =	smax.u32 s11, $0x1  }
0xe: {  	v0 =	vimm.f32 $0.0e+00;
	s11 =	sadd.s32 s14, s4;
	s14 =	simm.s32 $0x2;
	s12 =	sadd.s32 $0x14E00, s12  }
.LBB2_1:
0xf: {  	s18 =	simm.s32 $0x40;
	s19 =	simm.s32 $0x0  }
.LBB2_2:
0x10: {  	p0 =	sne.s32 s18, $0x13C0;
	[tilespmem:s19+$0x1770] =	vst v0;
	s19 =	smov.u32 s18;
	s18 =	sadd.s32 $0x40, s18  }
.Ltmp0:
0x11: {  	(pc) =	sbr.rel @p0 .LBB2_2-.Ltmp0, $2  }
0x12: {  	_ =	sdelay $0x2  }
0x13: {  	s19 =	sshra.s32 s19, $0x2  }
0x14: {  	p0 =	sne.s32 s8, $0x1  }
.Ltmp1:
0x15: {  	_ = 	snop;
	(pc) =	sbr.rel @!p0 .LBB2_5-.Ltmp1, $4  }
0x16: {  	[tilespmem:s19+$0x1770] =	vst v0  }
0x17: {  	[spmem:s11] =	stream.linear.scatter [tilespmem:s13], [sflag:$0x2], $0x500, $0x38;
	[tilespmem:$0x4380] =	vst v63  }
0x18: {  	_ =	swait.ge [sflag:s14], $0x500  }
0x19: {  	s18 =	sadd.s32 $0xFFFFFFFF, s8;
	s19 =	smov.u32 s11;
	[sflag:s14] =	ssyncset.done $0x0  }
.LBB2_4:
0x1a: {  	p1 =	sne.s32 s18, $0x1;
	[sflag:s14] =	ssyncadd.s32 $0xFFFFFB00;
	s19 =	sadd.s32 $0x5000, s19  }
.Ltmp2:
0x1b: {  	s18 =	sadd.s32 $0xFFFFFFFF, s18;
	(pc) =	sbr.rel @p1 .LBB2_4-.Ltmp2, $4  }
0x1c: {  	_ = 	snop  }
0x1d: {  	[spmem:s19] =	stream.linear.scatter [tilespmem:s13], [sflag:$0x2], $0x500, $0x38;
	[tilespmem:$0x4380] =	vst v63  }
0x1e: {  	_ =	swait.ge [sflag:s14], $0x500  }
0x1f: {  	[sflag:s14] =	ssyncset.done $0x0  }
.LBB2_5:
0x20: {  	[sflag:s14] =	ssyncadd.s32 $0xFFFFFB00  }
0x21: {  	s18 =	simm.s32 $0x0;
	s19 =	simm.s32 $0x0;
	[bflag:$0x0] =	sbarrier.arrive $0xFFFF  }
.LBB2_6:
0x22: {  	s20 =	smul.u32 $0x7D0, s19;
	_ =	sdelay $0x1  }
0x23: {  	s20 =	sadd.s32 s9, s20  }
0x24: {  	s20 =	sshrl.u32 s20, $0x3  }
0x25: {  	s21 =	sadd.s32 s6, s20  }
0x26: {  	[tilespmem:s18], [sflag:$0x2] =	stream.linear.gather [hbm4b:s21+s18], $0x7D0, $0x38;
	[tilespmem:$0x4380] =	vst v63  }
0x27: {  	_ =	swait.ge [sflag:s14], $0x7D0  }
0x28: {  	[sflag:s14] =	ssyncset.done $0x0  }
0x29: {  	s30 =	sadd.s32 s7, s20;
	[sflag:s14] =	ssyncadd.s32 $0xFFFFF830  }
0x2a: {  	[tilespmem:s15], [sflag:$0x2] =	stream.linear.gather [hbm4b:s30+s18], $0x7D0, $0x38;
	[tilespmem:$0x4380] =	vst v63  }
0x2b: {  	_ =	swait.ge [sflag:s14], $0x7D0  }
0x2c: {  	[sflag:s14] =	ssyncset.done $0x0  }
0x2d: {  	s31 =	sadd.s32 s3, s20;
	s20 =	simm.s32 $0xFA0;
	[sflag:s14] =	ssyncadd.s32 $0xFFFFF830  }
0x2e: {  	[tilespmem:s20], [sflag:$0x2] =	stream.linear.gather [hbm4b:s31+s18], $0x7D0, $0x38;
	[tilespmem:$0x4380] =	vst v63  }
0x2f: {  	_ =	swait.ge [sflag:s14], $0x7D0  }
0x30: {  	[sflag:s14] =	ssyncset.done $0x0  }
0x31: {  	s21 =	simm.s32 $0x0;
	[sflag:s14] =	ssyncadd.s32 $0xFFFFF830  }
.LBB2_7:
0x32: {  	s22 =	smul.u32 $0x50, s21  }
0x33: {  	v1 =	vmov s20  }
0x34: {  	[tilespmem:s13], [sflag:$0x1] =	stream.indirect.gather [hbm4b:s0+s16], $0x10, s22, s16, $0xb8;
	[tilespmem:$0x4380] =	vst v63  }
0x35: {  	_ =	swait.ge [sflag:s17], $0x500  }
0x36: {  	[sflag:s17] =	ssyncset.done $0x0  }
0x37: {  	s23 =	simm.s32 $0x0;
	[sflag:s17] =	ssyncadd.s32 $0xFFFFFB00  }
0x38: {  	v2 =	vld.idx.msk [tilespmem:v1+s23+$0x0 ss:$0x1], $0xffff  }
0x39: {  	s23 =	simm.s32 $0x17F0  }
0x3a: {  	v3 =	vld [tilespmem:s23+$0xFFFFFF80]  }
0x3b: {  	v4 =	vld [tilespmem:s23+$0xFFFFFF90]  }
0x3c: {  	v5 =	vld [tilespmem:s23+$0xFFFFFFA0]  }
0x3d: {  	v6 =	vld [tilespmem:s23+$0xFFFFFFB0];
	v7 =	vbroadcast v2, $0x0  }
0x3e: {  	v10 =	vld [tilespmem:s23+$0xFFFFFFD0];
	v8 =	vbroadcast v2, $0x1  }
0x3f: {  	v46 =	vld [tilespmem:s23+$0xFFFFFFE0];
	v11 =	vbroadcast v2, $0x2;
	v3 =	vmul.f32 v7, v3  }
0x40: {  	v9 =	vld [tilespmem:s23+$0xFFFFFFC0];
	v45 =	vbroadcast v2, $0x3;
	v4 =	vmul.f32 v4, v8  }
0x41: {  	v49 =	vld [tilespmem:s23+$0x10];
	v47 =	vbroadcast v2, $0x5;
	v5 =	vmul.f32 v5, v11;
	[tilespmem:s23+$0xFFFFFF80] =	vst v3  }
0x42: {  	v59 =	vld [tilespmem:s23+$0x60];
	v13 =	vbroadcast v2, $0x6;
	v6 =	vmul.f32 v6, v45;
	[tilespmem:s23+$0xFFFFFF90] =	vst v4  }
0x43: {  	v12 =	vld [tilespmem:s23+$0xFFFFFFF0];
	v7 =	vmul.f32 v10, v47;
	v3 =	vbroadcast v2, $0x4;
	[tilespmem:s23+$0xFFFFFFA0] =	vst v5  }
0x44: {  	v48 =	vld [tilespmem:s23+$0x0];
	v53 =	vbroadcast v2, $0x9;
	v8 =	vmul.f32 v46, v13;
	[tilespmem:s23+$0xFFFFFFB0] =	vst v6  }
0x45: {  	v52 =	vld [tilespmem:s23+$0x30];
	v62 =	vbroadcast v2, $0xE;
	[tilespmem:s23+$0xFFFFFFD0] =	vst v7;
	v3 =	vmul.f32 v9, v3  }
0x46: {  	v55 =	vld [tilespmem:s23+$0x50];
	v50 =	vbroadcast v2, $0x7;
	v58 =	vmul.f32 v49, v53;
	[tilespmem:s23+$0xFFFFFFE0] =	vst v8  }
0x47: {  	v51 =	vld [tilespmem:s23+$0x20];
	v63 =	vmul.f32 v59, v62;
	[tilespmem:s23+$0xFFFFFFC0] =	vst v3;
	v3 =	vbroadcast v2, $0x8  }
0x48: {  	v54 =	vld [tilespmem:s23+$0x40];
	v57 =	vbroadcast v2, $0xB;
	v5 =	vmul.f32 v12, v50;
	[tilespmem:s23+$0x10] =	vst v58  }
0x49: {  	v60 =	vld [tilespmem:s23+$0x70];
	v61 =	vbroadcast v2, $0xD;
	[tilespmem:s23+$0x60] =	vst v63;
	v3 =	vmul.f32 v48, v3  }
0x4a: {  	v56 =	vbroadcast v2, $0xA;
	v4 =	vmul.f32 v52, v57;
	[tilespmem:s23+$0xFFFFFFF0] =	vst v5  }
0x4b: {  	v6 =	vmul.f32 v55, v61;
	[tilespmem:s23+$0x0] =	vst v3;
	v3 =	vbroadcast v2, $0xC  }
0x4c: {  	v9 =	vmul.f32 v51, v56;
	[tilespmem:s23+$0x30] =	vst v4;
	v2 =	vbroadcast v2, $0xF  }
0x4d: {  	[tilespmem:s23+$0x50] =	vst v6;
	v3 =	vmul.f32 v54, v3  }
0x4e: {  	[tilespmem:s23+$0x20] =	vst v9;
	v2 =	vmul.f32 v60, v2  }
0x4f: {  	[tilespmem:s23+$0x40] =	vst v3  }
0x50: {  	s25 =	simm.s32 $0x10;
	s24 =	simm.s32 $0x80;
	[tilespmem:s23+$0x70] =	vst v2  }
.LBB2_8:
0x51: {  	p1 =	sne.s32 s24, $0x100;
	v2 =	vld.idx.msk [tilespmem:v1+s25+$0x0 ss:$0x1], $0xffff;
	s23 =	sadd.s32 $0x100, s23  }
0x52: {  	v3 =	vld [tilespmem:s23+$0xFFFFFFB0]  }
0x53: {  	v4 =	vld [tilespmem:s23+$0xFFFFFF90]  }
0x54: {  	v5 =	vld [tilespmem:s23+$0xFFFFFF80]  }
0x55: {  	v6 =	vld [tilespmem:s23+$0xFFFFFFA0]  }
0x56: {  	v7 =	vld [tilespmem:s23+$0xFFFFFFF0]  }
0x57: {  	v8 =	vbroadcast v2, $0x0;
	v9 =	vbroadcast v2, $0x1;
	v10 =	vld [tilespmem:s23+$0xFFFFFFD0]  }
0x58: {  	v11 =	vbroadcast v2, $0x2;
	v12 =	vbroadcast v2, $0x3;
	v13 =	vld [tilespmem:s23+$0xFFFFFFC0]  }
0x59: {  	v4 =	vmul.f32 v4, v9;
	v5 =	vmul.f32 v8, v5;
	v8 =	vld [tilespmem:s23+$0xFFFFFFE0]  }
0x5a: {  	v3 =	vmul.f32 v3, v12;
	v6 =	vmul.f32 v6, v11;
	v9 =	vld [tilespmem:s23+$0x30]  }
0x5b: {  	v11 =	vbroadcast v2, $0x5;
	[tilespmem:s23+$0xFFFFFF80] =	vst v5;
	v5 =	vbroadcast v2, $0x4;
	v12 =	vld [tilespmem:s23+$0x10]  }
0x5c: {  	v14 =	vbroadcast v2, $0x7;
	[tilespmem:s23+$0xFFFFFF90] =	vst v4;
	v4 =	vbroadcast v2, $0x6;
	v15 =	vld [tilespmem:s23+$0x0]  }
0x5d: {  	[tilespmem:s23+$0xFFFFFFA0] =	vst v6;
	v5 =	vmul.f32 v13, v5;
	v6 =	vmul.f32 v10, v11;
	v10 =	vld [tilespmem:s23+$0x20]  }
0x5e: {  	[tilespmem:s23+$0xFFFFFFB0] =	vst v3;
	v3 =	vmul.f32 v8, v4;
	v4 =	vmul.f32 v7, v14;
	v7 =	vld [tilespmem:s23+$0x70]  }
0x5f: {  	v8 =	vbroadcast v2, $0x9;
	[tilespmem:s23+$0xFFFFFFC0] =	vst v5;
	v5 =	vbroadcast v2, $0x8;
	v11 =	vld [tilespmem:s23+$0x50]  }
0x60: {  	v13 =	vbroadcast v2, $0xB;
	[tilespmem:s23+$0xFFFFFFD0] =	vst v6;
	v6 =	vbroadcast v2, $0xA;
	v14 =	vld [tilespmem:s23+$0x40]  }
0x61: {  	[tilespmem:s23+$0xFFFFFFE0] =	vst v3;
	v3 =	vmul.f32 v15, v5;
	v5 =	vmul.f32 v12, v8;
	v8 =	vld [tilespmem:s23+$0x60]  }
0x62: {  	[tilespmem:s23+$0xFFFFFFF0] =	vst v4;
	v4 =	vmul.f32 v10, v6;
	v6 =	vmul.f32 v9, v13  }
0x63: {  	v9 =	vbroadcast v2, $0xD;
	[tilespmem:s23+$0x0] =	vst v3;
	v3 =	vbroadcast v2, $0xC  }
0x64: {  	[tilespmem:s23+$0x10] =	vst v5;
	v5 =	vbroadcast v2, $0xE;
	v2 =	vbroadcast v2, $0xF  }
0x65: {  	[tilespmem:s23+$0x20] =	vst v4;
	v3 =	vmul.f32 v14, v3;
	v4 =	vmul.f32 v11, v9  }
.Ltmp3:
0x66: {  	[tilespmem:s23+$0x30] =	vst v6;
	v5 =	vmul.f32 v8, v5;
	v2 =	vmul.f32 v7, v2;
	(pc) =	sbr.rel @p1 .LBB2_8-.Ltmp3, $4  }
0x67: {  	[tilespmem:s23+$0x40] =	vst v3  }
0x68: {  	[tilespmem:s23+$0x50] =	vst v4  }
0x69: {  	[tilespmem:s23+$0x60] =	vst v5  }
0x6a: {  	s25 =	sshra.s32 s24, $0x2;
	s24 =	sadd.s32 $0x40, s24;
	[tilespmem:s23+$0x70] =	vst v2  }
0x6b: {  	_ =	sdelay $0x3  }
0x6c: {  	v1 =	vld.idx.msk [tilespmem:v1+s25+$0x0 ss:$0x1], $0xffff  }
0x6d: {  	s23 =	sadd.s32 $0x100, s23  }
0x6e: {  	v2 =	vld [tilespmem:s23+$0xFFFFFF80]  }
0x6f: {  	v3 =	vld [tilespmem:s23+$0xFFFFFF90]  }
0x70: {  	v4 =	vld [tilespmem:s23+$0xFFFFFFA0]  }
0x71: {  	v5 =	vld [tilespmem:s23+$0xFFFFFFB0];
	v6 =	vbroadcast v1, $0x0  }
0x72: {  	v9 =	vld [tilespmem:s23+$0xFFFFFFD0];
	v7 =	vbroadcast v1, $0x1  }
0x73: {  	v8 =	vld [tilespmem:s23+$0xFFFFFFC0];
	v10 =	vbroadcast v1, $0x2;
	v2 =	vmul.f32 v6, v2  }
0x74: {  	v49 =	vld [tilespmem:s23+$0xFFFFFFE0];
	v48 =	vbroadcast v1, $0x3;
	v3 =	vmul.f32 v3, v7  }
0x75: {  	v51 =	vld [tilespmem:s23+$0x10];
	v50 =	vbroadcast v1, $0x5;
	v4 =	vmul.f32 v4, v10;
	[tilespmem:s23+$0xFFFFFF80] =	vst v2  }
0x76: {  	v11 =	vld [tilespmem:s23+$0xFFFFFFF0];
	v5 =	vmul.f32 v5, v48;
	v2 =	vbroadcast v1, $0x4;
	[tilespmem:s23+$0xFFFFFF90] =	vst v3  }
0x77: {  	v12 =	vbroadcast v1, $0x6;
	v6 =	vmul.f32 v9, v50;
	v3 =	vld [tilespmem:s23+$0x0];
	[tilespmem:s23+$0xFFFFFFA0] =	vst v4  }
0x78: {  	v57 =	vld [tilespmem:s23+$0x50];
	v55 =	vbroadcast v1, $0x9;
	[tilespmem:s23+$0xFFFFFFB0] =	vst v5;
	v2 =	vmul.f32 v8, v2  }
0x79: {  	v53 =	vld [tilespmem:s23+$0x20];
	v52 =	vbroadcast v1, $0x7;
	v7 =	vmul.f32 v49, v12;
	[tilespmem:s23+$0xFFFFFFD0] =	vst v6  }
0x7a: {  	v54 =	vld [tilespmem:s23+$0x30];
	v59 =	vmul.f32 v51, v55;
	[tilespmem:s23+$0xFFFFFFC0] =	vst v2;
	v2 =	vbroadcast v1, $0x8  }
0x7b: {  	v56 =	vld [tilespmem:s23+$0x40];
	v62 =	vbroadcast v1, $0xD;
	v4 =	vmul.f32 v11, v52;
	[tilespmem:s23+$0xFFFFFFE0] =	vst v7  }
0x7c: {  	v60 =	vld [tilespmem:s23+$0x60];
	v58 =	vbroadcast v1, $0xA;
	[tilespmem:s23+$0x10] =	vst v59;
	v2 =	vmul.f32 v3, v2  }
0x7d: {  	v61 =	vld [tilespmem:s23+$0x70];
	v5 =	vmul.f32 v57, v62;
	[tilespmem:s23+$0xFFFFFFF0] =	vst v4;
	v3 =	vbroadcast v1, $0xB  }
0x7e: {  	v8 =	vmul.f32 v53, v58;
	[tilespmem:s23+$0x0] =	vst v2;
	v2 =	vbroadcast v1, $0xC  }
0x7f: {  	v63 =	vbroadcast v1, $0xE;
	[tilespmem:s23+$0x50] =	vst v5;
	v3 =	vmul.f32 v54, v3  }
0x80: {  	[tilespmem:s23+$0x20] =	vst v8;
	v1 =	vbroadcast v1, $0xF;
	v2 =	vmul.f32 v56, v2  }
0x81: {  	[tilespmem:s23+$0x30] =	vst v3;
	v3 =	vmul.f32 v60, v63  }
0x82: {  	s21 =	sadd.s32 $0x1, s21;
	v1 =	vmul.f32 v61, v1;
	[tilespmem:s23+$0x40] =	vst v2  }
0x83: {  	p1 =	sne.s32 s21, $0x19;
	[tilespmem:s23+$0x60] =	vst v3  }
.Ltmp4:
0x84: {  	s22 =	sadd.s32 $0x7D0, s22;
	[tilespmem:s23+$0x70] =	vst v1;
	(pc) =	sbr.rel @p1 .LBB2_7-.Ltmp4, $4  }
0x85: {  	[spmem:s4] =	stream.indirect.scatter.add.f32 [tilespmem:s13], [sflag:$0x2], $0x10, s22, s16, $0xb8;
	[tilespmem:$0x4380] =	vst v63  }
0x86: {  	_ =	swait.ge [sflag:s14], $0x500  }
0x87: {  	[sflag:s14] =	ssyncset.done $0x0  }
0x88: {  	s20 =	sadd.s32 $0x50, s20;
	[sflag:s14] =	ssyncadd.s32 $0xFFFFFB00  }
0x89: {  	s19 =	sadd.s32 $0x1, s19  }
0x8a: {  	p1 =	sne.s32 s19, $0x5  }
.Ltmp5:
0x8b: {  	_ = 	snop;
	(pc) =	sbr.rel @p1 .LBB2_6-.Ltmp5, $1  }
0x8c: {  	_ =	sdelay $0x3  }
.Ltmp6:
0x8d: {  	(pc) =	sbr.rel @!p0 .LBB2_13-.Ltmp6, $4  }
0x8e: {  	s18 =	sshll.u32 s2, $0x6;
	[bflag:$0x0] =	sbarrier.arrive $0xFFFF  }
0x8f: {  	s19 =	sshrl.u32 s11, $0x3;
	s20 =	sadd.s32 $0x5000, s11;
	s18 =	sor.u32 $0x1C02, s18  }
0x90: {  	[hbm:s12], [sflag:s18] =	dma.local [spmem:s19], $0xA0  }
0x91: {  	s21 =	smov.u32 s12;
	s19 =	sadd.s32 $0xFFFFFFFF, s8;
	_ =	swait.ge [sflag:s14], $0xA0  }
.LBB2_12:
0x92: {  	[sflag:s14] =	ssyncset.done $0x0;
	s21 =	sadd.s32 $0xA00, s21;
	p0 =	sne.s32 s19, $0x1  }
.Ltmp7:
0x93: {  	s22 =	sshrl.u32 s20, $0x3;
	[sflag:s14] =	ssyncadd.s32 $0xFFFFFF60;
	(pc) =	sbr.rel @p0 .LBB2_12-.Ltmp7, $3  }
0x94: {  	[hbm:s21], [sflag:s18] =	dma.local [spmem:s22], $0xA0  }
0x95: {  	s19 =	sadd.s32 $0xFFFFFFFF, s19;
	_ =	sdelay $0x1  }
0x96: {  	s20 =	sadd.s32 $0x5000, s20;
	_ =	swait.ge [sflag:s14], $0xA0  }
.LBB2_13:
0x97: {  	s5 =	sadd.s32 $0x1, s5  }
0x98: {  	p0 =	sne.s32 s5, s10  }
.Ltmp8:
0x99: {  	_ = 	snop;
	(pc) =	sbr.rel @p0 .LBB2_1-.Ltmp8, $3  }
0x9a: {  	_ =	sdelay $0x1  }
0x9b: {  	[sflag:s14] =	ssyncset.done $0x0  }
0x9c: {  	[sflag:s14] =	ssyncadd.s32 $0xFFFFFF60  }
0x9d: {  	_ =	sfence.sel $0x180000  }
0x9e: {  	[bflag:$0x0] =	sbarrier.arrive $0xFFFF  }
0x9f: {  	p0 =	sne.s32 s2, $0x0;
	_ =	strace $0x9000004A  }
0xa0: {  	s0 =	sadd.s32 @!p0 $0x100000, s1;
	[bflag:$0x2] =	sbarrier.arrive $0xFFFF  }
0xa1: {  	[sflag:s0] =	ssyncadd.tile.s32 @!p0 $0x1;
	_ =	shalt  }
.Lfunc_end2:
_tile_overlayer_lowered:
.L_overlay_start_2:
0xa2: {  	(tag) =	ssettag $0x2  }
0xa3: {  	s0 =	rddreg [dreg:$0x0];
	s2 =	stileid.u32  }
0xa4: {  	s1 =	rddreg [dreg:$0x1];
	p0 =	sne.s32 s2, $0x0  }
0xa5: {  	s3 =	rddreg [dreg:$0x2];
	[bflag:$0x3] =	sbarrier.arrive $0xFFFF;
	s2 =	simm.s32 @!p0 $0x1C02  }
0xa6: {  	[timem:s3], [sflag:s2] =	dma.local @!p0 [hbm:s0], s1  }
0xa7: {  	s0 =	simm.s32 @!p0 $0x2  }
0xa8: {  	_ =	swait.ge @!p0 [sflag:s0], s1  }
0xa9: {  	s1 =	ssub.s32 @!p0 $0x0, s1;
	[sflag:s0] =	ssyncset.done @!p0 $0x0  }
0xaa: {  	[sflag:s0] =	ssyncadd.s32 @!p0 s1  }
0xab: {  	[bflag:$0x3] =	sbarrier.arrive $0xFFFF  }
0xac: {  	_ =	shalt  }

// kernel: kernel.7.cloned.1.call-start
scs
__scs_entry_jumppad:
0x0: {  	(pc) =	sbr.rel $0x88, $3  }
0x1: {  	(tag) =	ssettag $0x0;
	lr =	simm.s32 $0x1  }
0x2: {  	[smem:$0x3F9A] =	sst lr;
	_ =	strace $0xD0000000  }
0x3: {  	_ = 	snop  }
0x4: {  	_ = 	snop  }
0x5: {  	_ = 	snop  }
0x6: {  	_ = 	snop  }
0x7: {  	_ = 	snop  }
__scs_overlays_trampoline_lowered:
0x8: {  	[smem:$0x3FA9] =	sst s0  }
0x9: {  	[smem:$0x3FAA] =	sst s1  }
0xa: {  	[smem:$0x3FAB] =	sst s2  }
0xb: {  	[smem:$0x3FAC] =	sst s3  }
0xc: {  	[smem:$0x3FAD] =	sst s4  }
0xd: {  	[smem:$0x3FAE] =	sst s5  }
0xe: {  	[smem:$0x3FAF] =	sst s6  }
0xf: {  	[smem:$0x3FB0] =	sst s7  }
0x10: {  	[smem:$0x3FB1] =	sst s8  }
0x11: {  	[smem:$0x3FB2] =	sst s9;
	s0 =	simm.s32 @!p0 $0x0  }
0x12: {  	s1 =	sld [smem:$0x3F98];
	s0 =	simm.s32 @p0 $0x1  }
0x13: {  	[smem:$0x3FB3] =	sst s0;
	s0 =	simm.s32 @!p1 $0x0  }
0x14: {  	s2 =	sld [smem:$0x3F97];
	s0 =	simm.s32 @p1 $0x1  }
0x15: {  	[smem:$0x3FB4] =	sst s0;
	s0 =	simm.s32 @!p2 $0x0  }
0x16: {  	s3 =	sld [smem:$0x3FDB];
	s0 =	simm.s32 @p2 $0x1  }
0x17: {  	s4 =	simm.s32 $0x1BF5;
	[smem:$0x3FB6] =	sst s0  }
0x18: {  	s0 =	sld [smem:$0x3F99];
	_ =	swait.ge [sflag:s4], $0x0  }
0x19: {  	s7 =	sld [smem:$0x3F9A]  }
0x1a: {  	s8 =	sadd.s32 $0xFFFFE003, lr  }
0x1b: {  	s9 =	sadd.s32 $0xFFFFFEF7, lr;
	s5 =	simm.s32 $0xFFFFFFFF;
	p2 =	slt.u32 s8, $0xFFFFF086  }
0x1c: {  	p1 =	slt.u32 s9, $0xF7A;
	s5 =	simm.s32 @!p2 $0x0  }
0x1d: {  	s5 =	simm.s32 @p1 $0x1;
	p0 =	seq.s32 s7, s2  }
0x1e: {  	s7 =	smul.u32 @!p0 $0xF7A, s2;
	p2 =	seq.s32 @!p0 s5, $0x0  }
0x1f: {  	s9 =	smul.u32 $0xF7A, s1;
	s8 =	simm.s32 @!p0 $0x1BF5;
	p2 =	por !p2, p0  }
0x20: {  	[sflag:s8] =	ssyncset.s32 @!p0 $0xFFFFF086;
	s6 =	sadd.s32 @!p0 s3, s7;
	s7 =	simm.s32 @!p0 $0x108  }
0x21: {  	s3 =	sadd.s32 s3, s9;
	s6 =	sadd.s32 @!p0 $0x88, s6;
	s7 =	simm.s32 @p2 $0x1082  }
0x22: {  	[simem:s7], [sflag:s8] =	dma.local @!p0 [hbm:s6], $0xF7A  }
0x23: {  	s9 =	sor.u32 $0xD0000000, s2;
	s6 =	simm.s32 $0x108;
	_ =	swait.ge @!p0 [sflag:s8], $0x0  }
0x24: {  	s3 =	sadd.s32 $0x88, s3;
	s6 =	simm.s32 @!p1 $0x1082;
	[sflag:s4] =	ssyncset.s32 $0xFFFFF086  }
0x25: {  	[simem:s6], [sflag:s4] =	dma.local [hbm:s3], $0xF7A  }
0x26: {  	[smem:$0x3F9A] =	sst s1;
	(tag) =	ssettag s2;
	_ =	strace s9  }
0x27: {  	s1 =	sld [smem:$0x3FAA]  }
0x28: {  	s2 =	sld [smem:$0x3FAB]  }
0x29: {  	s4 =	sld [smem:$0x3FAD]  }
0x2a: {  	p0 =	seq.s32 s5, $0x0;
	s5 =	sld [smem:$0x3FAE]  }
0x2b: {  	s6 =	sld [smem:$0x3FAF]  }
0x2c: {  	s7 =	sld [smem:$0x3FB0]  }
0x2d: {  	s3 =	simm.s32 $0x108;
	s8 =	sld [smem:$0x3FB1]  }
0x2e: {  	s3 =	simm.s32 @!p0 $0x1082;
	s9 =	sld [smem:$0x3FB2]  }
0x2f: {  	lr =	sadd.s32 s0, s3;
	s0 =	sld [smem:$0x3FA9]  }
0x30: {  	s3 =	sld [smem:$0x3FAC]  }
0x31: {  	[smem:$0x3FB5] =	sst s10  }
0x32: {  	s10 =	sld [smem:$0x3FB3];
	_ =	sdelay $0x3  }
0x33: {  	p0 =	seq.s32 s10, $0x1;
	s10 =	sld [smem:$0x3FB5];
	_ =	sdelay $0x3  }
0x34: {  	[smem:$0x3FB5] =	sst s10  }
0x35: {  	s10 =	sld [smem:$0x3FB4];
	_ =	sdelay $0x3  }
0x36: {  	p1 =	seq.s32 s10, $0x1;
	s10 =	sld [smem:$0x3FB5];
	_ =	sdelay $0x3  }
0x37: {  	[smem:$0x3FB5] =	sst s10  }
0x38: {  	s10 =	sld [smem:$0x3FB6]  }
0x39: {  	_ = 	snop;
	(pc) =	sbr.ind lr, $3  }
0x3a: {  	_ = 	snop  }
0x3b: {  	_ = 	snop  }
0x3c: {  	p2 =	seq.s32 s10, $0x1;
	s10 =	sld [smem:$0x3FB5]  }
0x3d: {  	_ =	shalt  }
0x3e: {  	_ =	shalt  }
0x3f: {  	_ =	shalt  }
0x40: {  	_ =	shalt  }
0x41: {  	_ =	shalt  }
0x42: {  	_ =	shalt  }
0x43: {  	_ =	shalt  }
0x44: {  	_ =	shalt  }
0x45: {  	_ =	shalt  }
0x46: {  	_ =	shalt  }
0x47: {  	_ =	shalt  }
0x48: {  	_ =	shalt  }
0x49: {  	_ =	shalt  }
0x4a: {  	_ =	shalt  }
0x4b: {  	_ =	shalt  }
0x4c: {  	_ =	shalt  }
0x4d: {  	_ =	shalt  }
0x4e: {  	_ =	shalt  }
0x4f: {  	_ =	shalt  }
0x50: {  	_ =	shalt  }
0x51: {  	_ =	shalt  }
0x52: {  	_ =	shalt  }
0x53: {  	_ =	shalt  }
0x54: {  	_ =	shalt  }
0x55: {  	_ =	shalt  }
0x56: {  	_ =	shalt  }
0x57: {  	_ =	shalt  }
0x58: {  	_ =	shalt  }
0x59: {  	_ =	shalt  }
0x5a: {  	_ =	shalt  }
0x5b: {  	_ =	shalt  }
0x5c: {  	_ =	shalt  }
0x5d: {  	_ =	shalt  }
0x5e: {  	_ =	shalt  }
0x5f: {  	_ =	shalt  }
0x60: {  	_ =	shalt  }
0x61: {  	_ =	shalt  }
0x62: {  	_ =	shalt  }
0x63: {  	_ =	shalt  }
0x64: {  	_ =	shalt  }
0x65: {  	_ =	shalt  }
0x66: {  	_ =	shalt  }
0x67: {  	_ =	shalt  }
0x68: {  	_ =	shalt  }
0x69: {  	_ =	shalt  }
0x6a: {  	_ =	shalt  }
0x6b: {  	_ =	shalt  }
0x6c: {  	_ =	shalt  }
0x6d: {  	_ =	shalt  }
0x6e: {  	_ =	shalt  }
0x6f: {  	_ =	shalt  }
0x70: {  	_ =	shalt  }
0x71: {  	_ =	shalt  }
0x72: {  	_ =	shalt  }
0x73: {  	_ =	shalt  }
0x74: {  	_ =	shalt  }
0x75: {  	_ =	shalt  }
0x76: {  	_ =	shalt  }
0x77: {  	_ =	shalt  }
0x78: {  	_ =	shalt  }
0x79: {  	_ =	shalt  }
0x7a: {  	_ =	shalt  }
0x7b: {  	_ =	shalt  }
0x7c: {  	_ =	shalt  }
0x7d: {  	_ =	shalt  }
0x7e: {  	_ =	shalt  }
0x7f: {  	_ =	shalt  }
0x80: {  	_ =	shalt  }
0x81: {  	_ =	shalt  }
0x82: {  	_ =	shalt  }
0x83: {  	_ =	shalt  }
0x84: {  	_ =	shalt  }
0x85: {  	_ =	shalt  }
0x86: {  	_ =	shalt  }
0x87: {  	_ =	shalt  }
.Lfunc_end0:
.L_simem_size_0:
called_computation_lowered:
.L_overlay_start_0:
0x88: {  	s2 =	sld [smem:$0x3FD9]  }
0x89: {  	s3 =	sld [smem:$0x3FFE];
	_ =	sdelay $0x1  }
0x8a: {  	s1 =	srdreg.scid  }
0x8b: {  	s0 =	sand.u32 $0x1, s1  }
0x8c: {  	s14 =	sshll.u32 s0, $0xA;
	s2 =	sadd.s32 s3, s2  }
0x8d: {  	s2 =	sadd.s32 s2, s14  }
0x8e: {  	[smem:$0x3FC1] =	sst s2  }
0x8f: {  	_ = 	snop  }
0x90: {  	s2 =	sld [smem:$0x3FD0];
	_ =	sdelay $0x2  }
0x91: {  	s4 =	simm.s32 $0xA;
	s5 =	simm.s32 $0x10;
	s15 =	sld [smem:$0x3FC7]  }
0x92: {  	[smem:s5], [sflag:s4] =	dma.local [hbm:s2], $0x1  }
0x93: {  	_ =	swait.eq [sflag:s4], $0x1  }
0x94: {  	[sflag:s4] =	ssyncset.done $0x0  }
0x95: {  	[sflag:s4] =	ssyncadd.s32 $0xFFFFFFFF  }
0x96: {  	s16 =	sld [smem:$0x11];
	(tm) =	ssettm $0x1  }
0x97: {  	s17 =	sld [smem:$0x3FFB];
	_ =	sdelay $0x3  }
0x98: {  	_ =	strace s17  }
0x99: {  	s4 =	sld [smem:$0x3FFC];
	_ =	sdelay $0x3  }
0x9a: {  	_ =	strace s4  }
0x9b: {  	s4 =	sld [smem:$0x3FFD];
	_ =	sdelay $0x3  }
0x9c: {  	_ =	strace s4  }
0x9d: {  	_ =	strace $0x8FFFFFFF  }
0x9e: {  	s18 =	sld [smem:$0x3FDB];
	_ =	sdelay $0x1  }
0x9f: {  	s19 =	simm.s32 $_scs_section_size  }
0xa0: {  	s6 =	simm.s32 $_size__tile_overlayer_lowered;
	s7 =	simm.s32 $_tile_overlayer_lowered  }
0xa1: {  	s22 =	simm.s32 $0x1BFF;
	s21 =	sshll.u32 s7, $0x1;
	s4 =	sadd.s32 s19, s18  }
0xa2: {  	s8 =	simm.s32 $0x0;
	s20 =	sshll.u32 s6, $0x1;
	s6 =	sadd.s32 s21, s4  }
0xa3: {  	[timem:s8], [sflag:s22] =	dma.local [hbm:s6], s20  }
0xa4: {  	_ =	swait.ge [sflag:s22], s20  }
0xa5: {  	s5 =	ssub.s32 $0x0, s20;
	[sflag:s22] =	ssyncset.done $0x0  }
0xa6: {  	[sflag:s22] =	ssyncadd.s32 s5;
	_ =	sdelay $0x1  }
0xa7: {  	s23 =	simm.s32 $0x1B8B  }
0xa8: {  	_ =	swait.ge [sflag:s23], $0x1  }
0xa9: {  	[sflag:s23] =	ssyncset.done $0x0  }
0xaa: {  	s25 =	simm.s32 $0x1B8E;
	s24 =	sld [smem:$0x3FFE];
	[sflag:s23] =	ssyncadd.s32 $0xFFFFFFFF  }
0xab: {  	s26 =	simm.s32 $execute0_lowered;
	[smem:$0x3FD2] =	sst s25  }
0xac: {  	s6 =	sshll.u32 s26, $0x1;
	_ =	strace $0x80000046;
	[dreg:$0x1] =	wrdreg $0xFFFFFFFF  }
0xad: {  	s28 =	simm.s32 $_size_execute0_lowered;
	s4 =	sadd.s32 s4, s6;
	[dreg:$0x0] =	wrdreg $0x0  }
0xae: {  	s6 =	sshll.u32 s28, $0x1;
	[dreg:$0x2] =	wrdreg s4  }
0xaf: {  	[dreg:$0x3] =	wrdreg s6  }
0xb0: {  	[dreg:$0x4] =	wrdreg $0xC0  }
0xb1: {  	_ =	task [dreg:s8], $0x5FFFF  }
0xb2: {  	[dreg:$0x1] =	wrdreg $0xFFFFFFFF  }
0xb3: {  	[dreg:$0x0] =	wrdreg $0x60  }
0xb4: {  	[dreg:$0x2] =	wrdreg s16  }
0xb5: {  	[dreg:$0x3] =	wrdreg s24  }
0xb6: {  	[dreg:$0x4] =	wrdreg s15  }
0xb7: {  	[dreg:$0x5] =	wrdreg $0x3F700  }
0xb8: {  	[dreg:$0x6] =	wrdreg $0x9  }
0xb9: {  	_ =	task.clear_ibuf [dreg:s8], $0x7FFFF;
	_ =	strace $0x90000046  }
0xba: {  	s29 =	simm.s32 $0x9;
	_ =	strace $0x80000048  }
0xbb: {  	_ =	swait.ge [sflag:s29], $0x1  }
0xbc: {  	[sflag:s29] =	ssyncadd.s32 $0xFFFFFFFF  }
0xbd: {  	_ =	strace $0x90000048  }
0xbe: {  	_ =	sfence  }
0xbf: {  	s30 =	sld [smem:$0x0];
	_ =	sdelay $0x2  }
0xc0: {  	s31 =	sshll.u32 s1, $0xD;
	s1 =	sshrl.u32 s1, $0x2  }
0xc1: {  	s3 =	sand.u32 $0x4000, s31;
	s1 =	sadd.s32 s1, s30  }
0xc2: {  	s0 =	sor.u32 s3, s0;
	s1 =	sshll.u32 s1, $0x11  }
0xc3: {  	s0 =	sor.u32 s1, s0  }
0xc4: {  	s0 =	sadd.s32 $0x8F2B, s0  }
0xc5: {  	[sflag:s0] =	ssyncadd.remote.s32 $0x1  }
0xc6: {  	_ =	sfence.sel $0xFFFF  }
0xc7: {  	[dreg:$0x0] =	wrdreg $0xFFFFFFFF;
	(pc) =	sbr.abs _section_cstart, $3  }
0xc8: {  	[dreg:$0x1] =	wrdreg $0xFFFFFFFF  }
0xc9: {  	_ =	task.clear_ibuf [dreg:s8], $0x2FFFF;
	_ =	strace $0x9FFFFFFF  }
0xca: {  	(tm) =	ssettm $0x7FFFFFFF  }
0xcb: {  	_ =	shalt  }
tec
execute0_lowered:
.L_overlay_start_1:
0x0: {  	(tag) =	ssettag $0x1  }
0x1: {  	s0 =	rddreg [dreg:$0x0]  }
0x2: {  	s8 =	rddreg [dreg:$0x1]  }
0x3: {  	s3 =	rddreg [dreg:$0x2]  }
0x4: {  	s4 =	rddreg [dreg:$0x3]  }
0x5: {  	s1 =	srdreg.scid;
	s2 =	rddreg [dreg:$0x4];
	s5 =	simm.s32 $0x0  }
0x6: {  	s13 =	simm.s32 $0x1770;
	s14 =	simm.s32 $0x2;
	s15 =	simm.s32 $0x7D0  }
0x7: {  	s16 =	simm.s32 $0xFA0;
	s9 =	sand.u32 $0x1, s1;
	s1 =	stileid.u32  }
0x8: {  	s17 =	simm.s32 $0x50;
	[smem:$0x7FF] =	sst s5;
	s6 =	smul.u32 $0x138800, s9  }
0x9: {  	s18 =	simm.s32 $0x1;
	s7 =	smul.u32 $0x2800, s1;
	_ =	strace $0x80000047  }
0xa: {  	s29 =	ssub.s32 $0x2, s9;
	s9 =	sshll.u32 s9, $0x4;
	s11 =	smul.u32 $0xA000, s1  }
0xb: {  	s31 =	ssub.s32 $0x8C, s1;
	s30 =	sshrl.u32 s29, $0x1;
	s9 =	sor.u32 s1, s9  }
0xc: {  	s7 =	sadd.s32 s7, s6;
	s6 =	sadd.s32 $0xB000, s8;
	s9 =	smul.u32 $0x2710, s9  }
0xd: {  	s11 =	sshrl.u32 s11, $0x2;
	s10 =	sshrl.u32 s7, $0x3;
	s7 =	sadd.s32 $0x1200, s8  }
0xe: {  	s11 =	sadd.s32 s11, s4;
	s12 =	sadd.s32 s10, s8;
	s10 =	ssub.s32 s29, s30  }
0xf: {  	v0 =	vimm.f32 $0.0e+00;
	s8 =	sshrl.u32 s31, $0x4;
	s10 =	smax.u32 s10, $0x1;
	s12 =	sadd.s32 $0x14E00, s12  }
.LBB2_1:
0x10: {  	s19 =	simm.s32 $0x0;
	s20 =	simm.s32 $0x200  }
.LBB2_2:
0x11: {  	p0 =	sne.s32 s20, $0x9E00;
	[tilespmem:s19+$0x17E0] =	vst v0  }
0x12: {  	[tilespmem:s19+$0x1770] =	vst v0  }
0x13: {  	[tilespmem:s19+$0x1780] =	vst v0  }
.Ltmp0:
0x14: {  	[tilespmem:s19+$0x1790] =	vst v0;
	(pc) =	sbr.rel @p0 .LBB2_2-.Ltmp0, $4  }
0x15: {  	[tilespmem:s19+$0x17A0] =	vst v0  }
0x16: {  	[tilespmem:s19+$0x17B0] =	vst v0  }
0x17: {  	[tilespmem:s19+$0x17C0] =	vst v0  }
0x18: {  	[tilespmem:s19+$0x17D0] =	vst v0;
	s19 =	sshra.s32 s20, $0x2;
	s20 =	sadd.s32 $0x200, s20  }
0x19: {  	[tilespmem:s19+$0x17E0] =	vst v0  }
0x1a: {  	[tilespmem:s19+$0x1770] =	vst v0  }
0x1b: {  	[tilespmem:s19+$0x1780] =	vst v0  }
0x1c: {  	[tilespmem:s19+$0x1790] =	vst v0  }
0x1d: {  	[tilespmem:s19+$0x17A0] =	vst v0  }
0x1e: {  	[tilespmem:s19+$0x17B0] =	vst v0;
	p0 =	sne.s32 s8, $0x1  }
.Ltmp1:
0x1f: {  	[tilespmem:s19+$0x17C0] =	vst v0;
	(pc) =	sbr.rel @!p0 .LBB2_5-.Ltmp1, $4  }
0x20: {  	[tilespmem:s19+$0x17D0] =	vst v0  }
0x21: {  	[spmem:s11] =	stream.linear.scatter [tilespmem:s13], [sflag:$0x2], $0x2800, $0x38;
	[tilespmem:$0x177F0] =	vst v63  }
0x22: {  	_ =	swait.ge [sflag:s14], $0x2800  }
0x23: {  	s19 =	sadd.s32 $0xFFFFFFFF, s8;
	s20 =	smov.u32 s11;
	[sflag:s14] =	ssyncset.done $0x0  }
.LBB2_4:
0x24: {  	p1 =	sne.s32 s19, $0x1;
	[sflag:s14] =	ssyncadd.s32 $0xFFFFD800;
	s20 =	sadd.s32 $0x28000, s20  }
.Ltmp2:
0x25: {  	s19 =	sadd.s32 $0xFFFFFFFF, s19;
	(pc) =	sbr.rel @p1 .LBB2_4-.Ltmp2, $4  }
0x26: {  	_ = 	snop  }
0x27: {  	[spmem:s20] =	stream.linear.scatter [tilespmem:s13], [sflag:$0x2], $0x2800, $0x38;
	[tilespmem:$0x177F0] =	vst v63  }
0x28: {  	_ =	swait.ge [sflag:s14], $0x2800  }
0x29: {  	[sflag:s14] =	ssyncset.done $0x0  }
.LBB2_5:
0x2a: {  	[sflag:s14] =	ssyncadd.s32 $0xFFFFD800  }
0x2b: {  	s19 =	simm.s32 $0x0;
	s20 =	simm.s32 $0x0;
	[bflag:$0x0] =	sbarrier.arrive $0xFFFF  }
.LBB2_6:
0x2c: {  	s21 =	smul.u32 $0x7D0, s20;
	_ =	sdelay $0x1  }
0x2d: {  	s21 =	sadd.s32 s9, s21  }
0x2e: {  	s21 =	sshrl.u32 s21, $0x3  }
0x2f: {  	s22 =	sadd.s32 s6, s21  }
0x30: {  	[tilespmem:s19], [sflag:$0x2] =	stream.linear.gather [hbm4b:s22+s19], $0x7D0, $0x38;
	[tilespmem:$0x177F0] =	vst v63  }
0x31: {  	_ =	swait.ge [sflag:s14], $0x7D0  }
0x32: {  	[sflag:s14] =	ssyncset.done $0x0  }
0x33: {  	s31 =	sadd.s32 s7, s21;
	[sflag:s14] =	ssyncadd.s32 $0xFFFFF830  }
0x34: {  	[tilespmem:s15], [sflag:$0x2] =	stream.linear.gather [hbm4b:s31+s19], $0x7D0, $0x38;
	[tilespmem:$0x177F0] =	vst v63  }
0x35: {  	_ =	swait.ge [sflag:s14], $0x7D0  }
0x36: {  	[sflag:s14] =	ssyncset.done $0x0  }
0x37: {  	s21 =	sadd.s32 s3, s21;
	[sflag:s14] =	ssyncadd.s32 $0xFFFFF830  }
0x38: {  	[tilespmem:s16], [sflag:$0x2] =	stream.linear.gather [hbm4b:s21+s19], $0x7D0, $0x38;
	[tilespmem:$0x177F0] =	vst v63  }
0x39: {  	_ =	swait.ge [sflag:s14], $0x7D0  }
0x3a: {  	[sflag:s14] =	ssyncset.done $0x0  }
0x3b: {  	s21 =	simm.s32 $0x0;
	[sflag:s14] =	ssyncadd.s32 $0xFFFFF830  }
.LBB2_7:
0x3c: {  	s22 =	smul.u32 $0x50, s21;
	_ =	sdelay $0x1  }
0x3d: {  	s23 =	sadd.s32 $0xFA0, s22  }
0x3e: {  	v1 =	vmov s23  }
0x3f: {  	[tilespmem:s13], [sflag:$0x1] =	stream.indirect.gather [hbm4b:s0+s17], $0x80, s22, s17, $0xb8;
	[tilespmem:$0x177F0] =	vst v63  }
0x40: {  	_ =	swait.ge [sflag:s18], $0x2800  }
0x41: {  	s31 =	simm.s32 $0x0;
	[sflag:s18] =	ssyncset.done $0x0  }
0x42: {  	s24 =	simm.s32 $0x0;
	s23 =	sand.u32 $0x3FFFFFF0, s31;
	[sflag:s18] =	ssyncadd.s32 $0xFFFFD800  }
0x43: {  	v2 =	vld.idx.msk [tilespmem:v1+s23+$0x0 ss:$0x1], $0xffff;
	s23 =	sand.u32 $0x3FFFF800, s24  }
0x44: {  	v8 =	vld [tilespmem:s23+$0x1830]  }
0x45: {  	v4 =	vld [tilespmem:s23+$0x1790]  }
0x46: {  	v5 =	vld [tilespmem:s23+$0x17A0]  }
0x47: {  	v11 =	vld [tilespmem:s23+$0x17D0]  }
0x48: {  	v12 =	vld [tilespmem:s23+$0x17E0];
	v3 =	vbroadcast v2, $0x0  }
0x49: {  	v13 =	vld [tilespmem:s23+$0x17F0]  }
0x4a: {  	v14 =	vld [tilespmem:s23+$0x1800];
	v4 =	vmul.f32 v4, v3  }
0x4b: {  	v15 =	vld [tilespmem:s23+$0x1810];
	v5 =	vmul.f32 v5, v3  }
0x4c: {  	v10 =	vld [tilespmem:s23+$0x1820];
	v21 =	vbroadcast v2, $0x1;
	v20 =	vmul.f32 v11, v3;
	[tilespmem:s23+$0x1790] =	vst v4  }
0x4d: {  	v9 =	vld [tilespmem:s23+$0x1840];
	v12 =	vmul.f32 v12, v3;
	[tilespmem:s23+$0x17A0] =	vst v5  }
0x4e: {  	v7 =	vld [tilespmem:s23+$0x1CE0];
	v13 =	vmul.f32 v13, v21;
	[tilespmem:s23+$0x17D0] =	vst v20  }
0x4f: {  	v23 =	vld [tilespmem:s23+$0x1860];
	v14 =	vmul.f32 v14, v21;
	[tilespmem:s23+$0x17E0] =	vst v12  }
0x50: {  	v24 =	vld [tilespmem:s23+$0x1870];
	v15 =	vmul.f32 v15, v21;
	[tilespmem:s23+$0x17F0] =	vst v13  }
0x51: {  	v25 =	vld [tilespmem:s23+$0x1880];
	v10 =	vmul.f32 v10, v21;
	[tilespmem:s23+$0x1800] =	vst v14  }
0x52: {  	v22 =	vld [tilespmem:s23+$0x1850];
	v8 =	vmul.f32 v8, v21;
	[tilespmem:s23+$0x1810] =	vst v15  }
0x53: {  	v26 =	vld [tilespmem:s23+$0x1890];
	v16 =	vbroadcast v2, $0x2;
	v9 =	vmul.f32 v9, v21;
	[tilespmem:s23+$0x1820] =	vst v10  }
0x54: {  	v27 =	vld [tilespmem:s23+$0x18A0];
	v11 =	vmul.f32 v23, v21;
	[tilespmem:s23+$0x1830] =	vst v8  }
0x55: {  	v28 =	vld [tilespmem:s23+$0x18B0];
	v6 =	vbroadcast v2, $0xA;
	v30 =	vmul.f32 v24, v16;
	[tilespmem:s23+$0x1840] =	vst v9  }
0x56: {  	v29 =	vld [tilespmem:s23+$0x18C0];
	v32 =	vmul.f32 v25, v16;
	[tilespmem:s23+$0x1860] =	vst v11  }
0x57: {  	v31 =	vld [tilespmem:s23+$0x18D0];
	v4 =	vmul.f32 v7, v6;
	[tilespmem:s23+$0x1870] =	vst v30  }
0x58: {  	v33 =	vld [tilespmem:s23+$0x18E0];
	v12 =	vmul.f32 v22, v21;
	[tilespmem:s23+$0x1880] =	vst v32  }
0x59: {  	v34 =	vld [tilespmem:s23+$0x18F0];
	v10 =	vmul.f32 v26, v16;
	[tilespmem:s23+$0x1CE0] =	vst v4  }
0x5a: {  	v35 =	vld [tilespmem:s23+$0x1900];
	v8 =	vmul.f32 v27, v16;
	[tilespmem:s23+$0x1850] =	vst v12  }
0x5b: {  	v36 =	vld [tilespmem:s23+$0x1910];
	v9 =	vmul.f32 v28, v16;
	[tilespmem:s23+$0x1890] =	vst v10  }
0x5c: {  	v37 =	vld [tilespmem:s23+$0x1920];
	v39 =	vbroadcast v2, $0x3;
	v11 =	vmul.f32 v31, v16;
	[tilespmem:s23+$0x18A0] =	vst v8  }
0x5d: {  	v38 =	vld [tilespmem:s23+$0x1930];
	v13 =	vmul.f32 v33, v16;
	[tilespmem:s23+$0x18B0] =	vst v9  }
0x5e: {  	v40 =	vld [tilespmem:s23+$0x1940];
	v14 =	vmul.f32 v34, v39;
	[tilespmem:s23+$0x18D0] =	vst v11  }
0x5f: {  	v41 =	vld [tilespmem:s23+$0x1950];
	v12 =	vmul.f32 v29, v16;
	[tilespmem:s23+$0x18E0] =	vst v13  }
0x60: {  	v42 =	vld [tilespmem:s23+$0x1960];
	v10 =	vmul.f32 v35, v39;
	[tilespmem:s23+$0x18F0] =	vst v14  }
0x61: {  	v43 =	vld [tilespmem:s23+$0x1970];
	v8 =	vmul.f32 v36, v39;
	[tilespmem:s23+$0x18C0] =	vst v12  }
0x62: {  	v44 =	vld [tilespmem:s23+$0x1980];
	v9 =	vmul.f32 v37, v39;
	[tilespmem:s23+$0x1900] =	vst v10  }
0x63: {  	v45 =	vld [tilespmem:s23+$0x1990];
	v11 =	vmul.f32 v40, v39;
	[tilespmem:s23+$0x1910] =	vst v8  }
0x64: {  	v46 =	vld [tilespmem:s23+$0x19A0];
	v13 =	vmul.f32 v41, v39;
	[tilespmem:s23+$0x1920] =	vst v9  }
0x65: {  	v47 =	vld [tilespmem:s23+$0x19B0];
	v48 =	vbroadcast v2, $0x4;
	v14 =	vmul.f32 v42, v39;
	[tilespmem:s23+$0x1940] =	vst v11  }
0x66: {  	v49 =	vld [tilespmem:s23+$0x19C0];
	v12 =	vmul.f32 v38, v39;
	[tilespmem:s23+$0x1950] =	vst v13  }
0x67: {  	v50 =	vld [tilespmem:s23+$0x19D0];
	v10 =	vmul.f32 v43, v48;
	[tilespmem:s23+$0x1960] =	vst v14  }
0x68: {  	v51 =	vld [tilespmem:s23+$0x19E0];
	v8 =	vmul.f32 v44, v48;
	[tilespmem:s23+$0x1930] =	vst v12  }
0x69: {  	v52 =	vld [tilespmem:s23+$0x19F0];
	v9 =	vmul.f32 v45, v48;
	[tilespmem:s23+$0x1970] =	vst v10  }
0x6a: {  	v53 =	vld [tilespmem:s23+$0x1A00];
	v11 =	vmul.f32 v47, v48;
	[tilespmem:s23+$0x1980] =	vst v8  }
0x6b: {  	v54 =	vld [tilespmem:s23+$0x1A10];
	v13 =	vmul.f32 v49, v48;
	[tilespmem:s23+$0x1990] =	vst v9  }
0x6c: {  	v55 =	vld [tilespmem:s23+$0x1A20];
	v14 =	vmul.f32 v50, v48;
	[tilespmem:s23+$0x19B0] =	vst v11  }
0x6d: {  	v56 =	vld [tilespmem:s23+$0x1A30];
	v57 =	vbroadcast v2, $0x5;
	v12 =	vmul.f32 v46, v48;
	[tilespmem:s23+$0x19C0] =	vst v13  }
0x6e: {  	v58 =	vld [tilespmem:s23+$0x1A40];
	v10 =	vmul.f32 v51, v48;
	[tilespmem:s23+$0x19D0] =	vst v14  }
0x6f: {  	v59 =	vld [tilespmem:s23+$0x1A50];
	v8 =	vmul.f32 v52, v57;
	[tilespmem:s23+$0x19A0] =	vst v12  }
0x70: {  	v60 =	vld [tilespmem:s23+$0x1A60];
	v9 =	vmul.f32 v53, v57;
	[tilespmem:s23+$0x19E0] =	vst v10  }
0x71: {  	v61 =	vld [tilespmem:s23+$0x1A70];
	v11 =	vmul.f32 v55, v57;
	[tilespmem:s23+$0x19F0] =	vst v8  }
0x72: {  	v62 =	vld [tilespmem:s23+$0x1A80];
	v13 =	vmul.f32 v56, v57;
	[tilespmem:s23+$0x1A00] =	vst v9  }
0x73: {  	v63 =	vld [tilespmem:s23+$0x1A90];
	v14 =	vmul.f32 v58, v57;
	[tilespmem:s23+$0x1A20] =	vst v11  }
0x74: {  	v20 =	vld [tilespmem:s23+$0x1AA0];
	v12 =	vmul.f32 v54, v57;
	[tilespmem:s23+$0x1A30] =	vst v13  }
0x75: {  	v21 =	vld [tilespmem:s23+$0x1AB0];
	v22 =	vbroadcast v2, $0x6;
	v10 =	vmul.f32 v59, v57;
	[tilespmem:s23+$0x1A40] =	vst v14  }
0x76: {  	v23 =	vld [tilespmem:s23+$0x1AC0];
	v8 =	vmul.f32 v60, v57;
	[tilespmem:s23+$0x1A10] =	vst v12  }
0x77: {  	v24 =	vld [tilespmem:s23+$0x1AD0];
	v9 =	vmul.f32 v61, v22;
	[tilespmem:s23+$0x1A50] =	vst v10  }
0x78: {  	v25 =	vld [tilespmem:s23+$0x1AE0];
	v11 =	vmul.f32 v63, v22;
	[tilespmem:s23+$0x1A60] =	vst v8  }
0x79: {  	v5 =	vld [tilespmem:s23+$0x1CF0];
	v13 =	vmul.f32 v20, v22;
	[tilespmem:s23+$0x1A70] =	vst v9  }
0x7a: {  	v27 =	vld [tilespmem:s23+$0x1B00];
	v14 =	vmul.f32 v21, v22;
	[tilespmem:s23+$0x1A90] =	vst v11  }
0x7b: {  	v28 =	vld [tilespmem:s23+$0x1B10];
	v12 =	vmul.f32 v62, v22;
	[tilespmem:s23+$0x1AA0] =	vst v13  }
0x7c: {  	v29 =	vld [tilespmem:s23+$0x1B20];
	v10 =	vmul.f32 v23, v22;
	[tilespmem:s23+$0x1AB0] =	vst v14  }
0x7d: {  	v31 =	vbroadcast v2, $0x7;
	v53 =	vld [tilespmem:s23+$0x1C70];
	v8 =	vmul.f32 v24, v22;
	[tilespmem:s23+$0x1A80] =	vst v12  }
0x7e: {  	v58 =	vld [tilespmem:s23+$0x1CC0];
	v9 =	vmul.f32 v25, v22;
	[tilespmem:s23+$0x1AC0] =	vst v10  }
0x7f: {  	v26 =	vld [tilespmem:s23+$0x1AF0];
	v11 =	vmul.f32 v27, v31;
	[tilespmem:s23+$0x1AD0] =	vst v8  }
0x80: {  	v30 =	vld [tilespmem:s23+$0x1B30];
	v13 =	vmul.f32 v28, v31;
	[tilespmem:s23+$0x1AE0] =	vst v9  }
0x81: {  	v32 =	vld [tilespmem:s23+$0x1B40];
	v14 =	vmul.f32 v29, v31;
	[tilespmem:s23+$0x1B00] =	vst v11  }
0x82: {  	v33 =	vld [tilespmem:s23+$0x1B50];
	v59 =	vmul.f32 v53, v6;
	[tilespmem:s23+$0x1B10] =	vst v13  }
0x83: {  	v35 =	vld [tilespmem:s23+$0x1B70];
	v21 =	vmul.f32 v58, v6;
	[tilespmem:s23+$0x1B20] =	vst v14  }
0x84: {  	v36 =	vld [tilespmem:s23+$0x1B80];
	v12 =	vmul.f32 v26, v31;
	[tilespmem:s23+$0x1C70] =	vst v59  }
0x85: {  	v37 =	vld [tilespmem:s23+$0x1B90];
	v10 =	vmul.f32 v30, v31;
	[tilespmem:s23+$0x1CC0] =	vst v21  }
0x86: {  	v7 =	vld [tilespmem:s23+$0x1D00];
	v40 =	vbroadcast v2, $0x8;
	v8 =	vmul.f32 v32, v31;
	[tilespmem:s23+$0x1AF0] =	vst v12  }
0x87: {  	v34 =	vld [tilespmem:s23+$0x1B60];
	v9 =	vmul.f32 v33, v31;
	[tilespmem:s23+$0x1B30] =	vst v10  }
0x88: {  	v57 =	vld [tilespmem:s23+$0x1CB0];
	v11 =	vmul.f32 v35, v40;
	[tilespmem:s23+$0x1B40] =	vst v8  }
0x89: {  	v61 =	vld [tilespmem:s23+$0x1770];
	v24 =	vbroadcast v2, $0xB;
	v13 =	vmul.f32 v36, v40;
	[tilespmem:s23+$0x1B50] =	vst v9  }
0x8a: {  	v4 =	vld [tilespmem:s23+$0x1F40];
	v14 =	vmul.f32 v37, v40;
	[tilespmem:s23+$0x1B70] =	vst v11  }
0x8b: {  	v38 =	vld [tilespmem:s23+$0x1BA0];
	v5 =	vmul.f32 v5, v24;
	[tilespmem:s23+$0x1B80] =	vst v13  }
0x8c: {  	v39 =	vld [tilespmem:s23+$0x1BB0];
	v7 =	vmul.f32 v7, v24;
	[tilespmem:s23+$0x1B90] =	vst v14  }
0x8d: {  	v41 =	vld [tilespmem:s23+$0x1BC0];
	v19 =	vmul.f32 v57, v6;
	[tilespmem:s23+$0x1CF0] =	vst v5  }
0x8e: {  	v43 =	vld [tilespmem:s23+$0x1BE0];
	v25 =	vmul.f32 v3, v61;
	[tilespmem:s23+$0x1D00] =	vst v7  }
0x8f: {  	v44 =	vld [tilespmem:s23+$0x1BF0];
	v12 =	vmul.f32 v34, v31;
	[tilespmem:s23+$0x1CB0] =	vst v19  }
0x90: {  	v45 =	vld [tilespmem:s23+$0x1C00];
	v10 =	vmul.f32 v38, v40;
	[tilespmem:s23+$0x1770] =	vst v25  }
0x91: {  	v27 =	vld [tilespmem:s23+$0x1D40];
	v8 =	vmul.f32 v39, v40;
	[tilespmem:s23+$0x1B60] =	vst v12  }
0x92: {  	v49 =	vbroadcast v2, $0x9;
	v29 =	vld [tilespmem:s23+$0x1D60];
	v9 =	vmul.f32 v41, v40;
	[tilespmem:s23+$0x1BA0] =	vst v10  }
0x93: {  	v42 =	vld [tilespmem:s23+$0x1BD0];
	v11 =	vmul.f32 v43, v40;
	[tilespmem:s23+$0x1BB0] =	vst v8  }
0x94: {  	v46 =	vld [tilespmem:s23+$0x1C10];
	v13 =	vmul.f32 v44, v49;
	[tilespmem:s23+$0x1BC0] =	vst v9  }
0x95: {  	v47 =	vld [tilespmem:s23+$0x1C20];
	v14 =	vmul.f32 v45, v49;
	[tilespmem:s23+$0x1BE0] =	vst v11  }
0x96: {  	v48 =	vld [tilespmem:s23+$0x1C30];
	v32 =	vmul.f32 v27, v24;
	[tilespmem:s23+$0x1BF0] =	vst v13  }
0x97: {  	v51 =	vld [tilespmem:s23+$0x1C50];
	v7 =	vmul.f32 v29, v24;
	[tilespmem:s23+$0x1C00] =	vst v14  }
0x98: {  	v52 =	vld [tilespmem:s23+$0x1C60];
	v12 =	vmul.f32 v42, v40;
	[tilespmem:s23+$0x1D40] =	vst v32  }
0x99: {  	v10 =	vmul.f32 v46, v49;
	[tilespmem:s23+$0x1D60] =	vst v7  }
0x9a: {  	v28 =	vld [tilespmem:s23+$0x1D50];
	v8 =	vmul.f32 v47, v49;
	[tilespmem:s23+$0x1BD0] =	vst v12  }
0x9b: {  	v30 =	vld [tilespmem:s23+$0x1D70];
	v9 =	vmul.f32 v48, v49;
	[tilespmem:s23+$0x1C10] =	vst v10  }
0x9c: {  	v50 =	vld [tilespmem:s23+$0x1C40];
	v5 =	vbroadcast v2, $0xF;
	v11 =	vmul.f32 v51, v49;
	[tilespmem:s23+$0x1C20] =	vst v8  }
0x9d: {  	v54 =	vld [tilespmem:s23+$0x1C80];
	v13 =	vmul.f32 v52, v49;
	[tilespmem:s23+$0x1C30] =	vst v9  }
0x9e: {  	v55 =	vld [tilespmem:s23+$0x1C90];
	v35 =	vbroadcast v2, $0xC;
	v4 =	vmul.f32 v4, v5;
	[tilespmem:s23+$0x1C50] =	vst v11  }
0x9f: {  	v56 =	vld [tilespmem:s23+$0x1CA0];
	v40 =	vmul.f32 v28, v24;
	[tilespmem:s23+$0x1C60] =	vst v13  }
0xa0: {  	v60 =	vld [tilespmem:s23+$0x1CD0];
	v16 =	vmul.f32 v30, v35;
	[tilespmem:s23+$0x1F40] =	vst v4  }
0xa1: {  	v62 =	vld [tilespmem:s23+$0x1780];
	v12 =	vmul.f32 v50, v49;
	[tilespmem:s23+$0x1D50] =	vst v40  }
0xa2: {  	v63 =	vld [tilespmem:s23+$0x17B0];
	v10 =	vmul.f32 v54, v6;
	[tilespmem:s23+$0x1D70] =	vst v16  }
0xa3: {  	v20 =	vld [tilespmem:s23+$0x17C0];
	v8 =	vmul.f32 v55, v6;
	[tilespmem:s23+$0x1C40] =	vst v12  }
0xa4: {  	v33 =	vld [tilespmem:s23+$0x1DA0];
	v9 =	vmul.f32 v56, v6;
	[tilespmem:s23+$0x1C80] =	vst v10  }
0xa5: {  	v61 =	vld [tilespmem:s23+$0x1F60];
	v6 =	vmul.f32 v60, v6;
	[tilespmem:s23+$0x1C90] =	vst v8  }
0xa6: {  	v38 =	vld [tilespmem:s23+$0x1DE0];
	v13 =	vmul.f32 v62, v3;
	[tilespmem:s23+$0x1CA0] =	vst v9  }
0xa7: {  	v22 =	vld [tilespmem:s23+$0x1D10];
	v4 =	vmul.f32 v63, v3;
	[tilespmem:s23+$0x1CD0] =	vst v6  }
0xa8: {  	v23 =	vld [tilespmem:s23+$0x1D20];
	v3 =	vmul.f32 v20, v3;
	[tilespmem:s23+$0x1780] =	vst v13  }
0xa9: {  	v26 =	vld [tilespmem:s23+$0x1D30];
	v62 =	vmul.f32 v33, v35;
	[tilespmem:s23+$0x17B0] =	vst v4  }
0xaa: {  	v31 =	vld [tilespmem:s23+$0x1D80];
	v63 =	vmul.f32 v61, v5;
	[tilespmem:s23+$0x17C0] =	vst v3  }
0xab: {  	v34 =	vld [tilespmem:s23+$0x1DB0];
	v16 =	vmul.f32 v38, v35;
	[tilespmem:s23+$0x1DA0] =	vst v62  }
0xac: {  	v41 =	vld [tilespmem:s23+$0x1E10];
	v8 =	vmul.f32 v22, v24;
	[tilespmem:s23+$0x1F60] =	vst v63  }
0xad: {  	v46 =	vld [tilespmem:s23+$0x1E50];
	v9 =	vmul.f32 v23, v24;
	[tilespmem:s23+$0x1DE0] =	vst v16  }
0xae: {  	v6 =	vmul.f32 v26, v24;
	v3 =	vld [tilespmem:s23+$0x1E00];
	[tilespmem:s23+$0x1D10] =	vst v8  }
0xaf: {  	v36 =	vld [tilespmem:s23+$0x1DC0];
	v44 =	vbroadcast v2, $0xD;
	v10 =	vmul.f32 v31, v35;
	[tilespmem:s23+$0x1D20] =	vst v9  }
0xb0: {  	v37 =	vld [tilespmem:s23+$0x1DD0];
	v13 =	vmul.f32 v34, v35;
	[tilespmem:s23+$0x1D30] =	vst v6  }
0xb1: {  	v39 =	vld [tilespmem:s23+$0x1DF0];
	v12 =	vmul.f32 v41, v44;
	[tilespmem:s23+$0x1D80] =	vst v10  }
0xb2: {  	v42 =	vld [tilespmem:s23+$0x1E20];
	v51 =	vmul.f32 v46, v44;
	[tilespmem:s23+$0x1DB0] =	vst v13  }
0xb3: {  	v48 =	vld [tilespmem:s23+$0x1E80];
	[tilespmem:s23+$0x1E10] =	vst v12;
	v3 =	vmul.f32 v3, v44  }
0xb4: {  	v49 =	vld [tilespmem:s23+$0x1E90];
	v9 =	vmul.f32 v36, v35;
	[tilespmem:s23+$0x1E50] =	vst v51  }
0xb5: {  	v6 =	vmul.f32 v37, v35;
	[tilespmem:s23+$0x1E00] =	vst v3;
	v3 =	vld [tilespmem:s23+$0x1E70]  }
0xb6: {  	v2 =	vbroadcast v2, $0xE;
	v50 =	vld [tilespmem:s23+$0x1EA0];
	v10 =	vmul.f32 v39, v44;
	[tilespmem:s23+$0x1DC0] =	vst v9  }
0xb7: {  	v45 =	vld [tilespmem:s23+$0x1E40];
	v13 =	vmul.f32 v42, v44;
	[tilespmem:s23+$0x1DD0] =	vst v6  }
0xb8: {  	v47 =	vld [tilespmem:s23+$0x1E60];
	v12 =	vmul.f32 v48, v2;
	[tilespmem:s23+$0x1DF0] =	vst v10  }
0xb9: {  	v43 =	vld [tilespmem:s23+$0x1E30];
	v11 =	vmul.f32 v49, v2;
	[tilespmem:s23+$0x1E20] =	vst v13  }
0xba: {  	v55 =	vld [tilespmem:s23+$0x1EF0];
	[tilespmem:s23+$0x1E80] =	vst v12;
	v3 =	vmul.f32 v3, v2  }
0xbb: {  	v57 =	vld [tilespmem:s23+$0x1F10];
	v7 =	vmul.f32 v50, v2;
	[tilespmem:s23+$0x1E90] =	vst v11  }
0xbc: {  	v6 =	vmul.f32 v45, v44;
	[tilespmem:s23+$0x1E70] =	vst v3;
	v3 =	vld [tilespmem:s23+$0x1EE0]  }
0xbd: {  	v52 =	vld [tilespmem:s23+$0x1EB0];
	v10 =	vmul.f32 v47, v44;
	[tilespmem:s23+$0x1EA0] =	vst v7  }
0xbe: {  	v56 =	vld [tilespmem:s23+$0x1F00];
	v9 =	vmul.f32 v43, v44;
	[tilespmem:s23+$0x1E40] =	vst v6  }
0xbf: {  	v54 =	vld [tilespmem:s23+$0x1ED0];
	v12 =	vmul.f32 v55, v5;
	[tilespmem:s23+$0x1E60] =	vst v10  }
0xc0: {  	v58 =	vld [tilespmem:s23+$0x1F20];
	v7 =	vmul.f32 v57, v5;
	[tilespmem:s23+$0x1E30] =	vst v9  }
0xc1: {  	v53 =	vld [tilespmem:s23+$0x1EC0];
	[tilespmem:s23+$0x1EF0] =	vst v12;
	v3 =	vmul.f32 v3, v2  }
0xc2: {  	v59 =	vld [tilespmem:s23+$0x1F30];
	v6 =	vmul.f32 v52, v2;
	[tilespmem:s23+$0x1F10] =	vst v7  }
0xc3: {  	v60 =	vld [tilespmem:s23+$0x1F50];
	[tilespmem:s23+$0x1EE0] =	vst v3;
	v3 =	vmul.f32 v56, v5  }
0xc4: {  	v10 =	vmul.f32 v54, v2;
	[tilespmem:s23+$0x1EB0] =	vst v6  }
0xc5: {  	v4 =	vld [tilespmem:s23+$0x1D90];
	[tilespmem:s23+$0x1F00] =	vst v3;
	v3 =	vmul.f32 v58, v5  }
0xc6: {  	[tilespmem:s23+$0x1ED0] =	vst v10;
	v2 =	vmul.f32 v53, v2  }
0xc7: {  	[tilespmem:s23+$0x1F20] =	vst v3;
	v3 =	vmul.f32 v59, v5  }
0xc8: {  	[tilespmem:s23+$0x1EC0] =	vst v2;
	v5 =	vmul.f32 v60, v5  }
0xc9: {  	[tilespmem:s23+$0x1F30] =	vst v3  }
0xca: {  	s24 =	simm.s32 $0x1;
	v3 =	vmul.f32 v4, v35;
	[tilespmem:s23+$0x1F50] =	vst v5  }
.LBB2_8:
0xcb: {  	s25 =	sshll.u32 s24, $0x4  }
0xcc: {  	p1 =	sne.s32 s24, $0x4;
	[tilespmem:s23+$0x1D90] =	vst v3;
	s23 =	smov.u32 s24;
	s24 =	sadd.s32 $0x1, s24  }
0xcd: {  	s25 =	sand.u32 $0x3FFFFFF0, s25  }
0xce: {  	v2 =	vld.idx.msk [tilespmem:v1+s25+$0x0 ss:$0x1], $0xffff  }
0xcf: {  	s23 =	sshll.u32 s23, $0xB  }
0xd0: {  	s23 =	sand.u32 $0x3FFFF800, s23  }
0xd1: {  	v9 =	vld [tilespmem:s23+$0x1830]  }
0xd2: {  	v10 =	vld [tilespmem:s23+$0x1840]  }
0xd3: {  	v11 =	vld [tilespmem:s23+$0x1820]  }
0xd4: {  	v3 =	vbroadcast v2, $0x0;
	v8 =	vbroadcast v2, $0x4;
	v4 =	vld [tilespmem:s23+$0x1790]  }
0xd5: {  	v6 =	vld [tilespmem:s23+$0x17A0]  }
0xd6: {  	v7 =	vld [tilespmem:s23+$0x1CE0]  }
0xd7: {  	v12 =	vld [tilespmem:s23+$0x17D0]  }
0xd8: {  	v13 =	vld [tilespmem:s23+$0x17E0]  }
0xd9: {  	v5 =	vbroadcast v2, $0xA;
	v4 =	vmul.f32 v4, v3;
	v14 =	vld [tilespmem:s23+$0x17F0]  }
0xda: {  	v6 =	vmul.f32 v6, v3;
	v15 =	vld [tilespmem:s23+$0x1800]  }
0xdb: {  	[tilespmem:s23+$0x1790] =	vst v4;
	v16 =	vld [tilespmem:s23+$0x1810];
	v4 =	vmul.f32 v7, v5  }
0xdc: {  	[tilespmem:s23+$0x17A0] =	vst v6;
	v7 =	vmul.f32 v12, v3;
	v12 =	vbroadcast v2, $0x1;
	v6 =	vld [tilespmem:s23+$0x1CF0]  }
0xdd: {  	v13 =	vmul.f32 v13, v3;
	[tilespmem:s23+$0x1CE0] =	vst v4;
	v4 =	vld [tilespmem:s23+$0x1F40]  }
0xde: {  	[tilespmem:s23+$0x17D0] =	vst v7;
	v14 =	vmul.f32 v14, v12;
	v7 =	vld [tilespmem:s23+$0x1D00]  }
0xdf: {  	[tilespmem:s23+$0x17E0] =	vst v13;
	v13 =	vmul.f32 v15, v12;
	v15 =	vld [tilespmem:s23+$0x1850]  }
0xe0: {  	[tilespmem:s23+$0x17F0] =	vst v14;
	v14 =	vmul.f32 v16, v12;
	v16 =	vld [tilespmem:s23+$0x1860]  }
0xe1: {  	v11 =	vmul.f32 v11, v12;
	[tilespmem:s23+$0x1800] =	vst v13;
	v13 =	vld [tilespmem:s23+$0x1870]  }
0xe2: {  	v9 =	vmul.f32 v9, v12;
	[tilespmem:s23+$0x1810] =	vst v14;
	v14 =	vld [tilespmem:s23+$0x1880]  }
0xe3: {  	v10 =	vmul.f32 v10, v12;
	[tilespmem:s23+$0x1820] =	vst v11;
	v11 =	vld [tilespmem:s23+$0x1890]  }
0xe4: {  	[tilespmem:s23+$0x1830] =	vst v9;
	v9 =	vmul.f32 v15, v12;
	v15 =	vbroadcast v2, $0x2;
	v17 =	vld [tilespmem:s23+$0x18A0]  }
0xe5: {  	[tilespmem:s23+$0x1840] =	vst v10;
	v10 =	vmul.f32 v16, v12;
	v12 =	vld [tilespmem:s23+$0x18B0]  }
0xe6: {  	[tilespmem:s23+$0x1850] =	vst v9;
	v9 =	vmul.f32 v13, v15;
	v13 =	vld [tilespmem:s23+$0x18C0]  }
0xe7: {  	[tilespmem:s23+$0x1860] =	vst v10;
	v10 =	vmul.f32 v14, v15;
	v14 =	vld [tilespmem:s23+$0x18D0]  }
0xe8: {  	[tilespmem:s23+$0x1870] =	vst v9;
	v9 =	vmul.f32 v11, v15;
	v11 =	vld [tilespmem:s23+$0x18E0]  }
0xe9: {  	[tilespmem:s23+$0x1880] =	vst v10;
	v10 =	vmul.f32 v17, v15;
	v16 =	vld [tilespmem:s23+$0x18F0]  }
0xea: {  	[tilespmem:s23+$0x1890] =	vst v9;
	v9 =	vmul.f32 v12, v15;
	v12 =	vld [tilespmem:s23+$0x1900]  }
0xeb: {  	[tilespmem:s23+$0x18A0] =	vst v10;
	v10 =	vmul.f32 v13, v15;
	v13 =	vld [tilespmem:s23+$0x1910]  }
0xec: {  	[tilespmem:s23+$0x18B0] =	vst v9;
	v9 =	vmul.f32 v14, v15;
	v14 =	vbroadcast v2, $0x3;
	v17 =	vld [tilespmem:s23+$0x1920]  }
0xed: {  	[tilespmem:s23+$0x18C0] =	vst v10;
	v10 =	vmul.f32 v11, v15;
	v11 =	vld [tilespmem:s23+$0x1930]  }
0xee: {  	[tilespmem:s23+$0x18D0] =	vst v9;
	v9 =	vmul.f32 v16, v14;
	v15 =	vld [tilespmem:s23+$0x1940]  }
0xef: {  	[tilespmem:s23+$0x18E0] =	vst v10;
	v10 =	vmul.f32 v12, v14;
	v12 =	vld [tilespmem:s23+$0x1950]  }
0xf0: {  	[tilespmem:s23+$0x18F0] =	vst v9;
	v9 =	vmul.f32 v13, v14;
	v13 =	vld [tilespmem:s23+$0x1960]  }
0xf1: {  	[tilespmem:s23+$0x1900] =	vst v10;
	v10 =	vmul.f32 v17, v14;
	v16 =	vld [tilespmem:s23+$0x1970]  }
0xf2: {  	[tilespmem:s23+$0x1910] =	vst v9;
	v9 =	vmul.f32 v11, v14;
	v11 =	vld [tilespmem:s23+$0x1980]  }
0xf3: {  	[tilespmem:s23+$0x1920] =	vst v10;
	v10 =	vmul.f32 v15, v14;
	v15 =	vld [tilespmem:s23+$0x1990]  }
0xf4: {  	[tilespmem:s23+$0x1930] =	vst v9;
	v9 =	vmul.f32 v12, v14;
	v12 =	vld [tilespmem:s23+$0x19A0]  }
0xf5: {  	[tilespmem:s23+$0x1940] =	vst v10;
	v10 =	vmul.f32 v13, v14;
	v13 =	vld [tilespmem:s23+$0x19B0]  }
0xf6: {  	[tilespmem:s23+$0x1950] =	vst v9;
	v9 =	vmul.f32 v16, v8;
	v14 =	vld [tilespmem:s23+$0x19C0]  }
0xf7: {  	[tilespmem:s23+$0x1960] =	vst v10;
	v10 =	vmul.f32 v11, v8;
	v11 =	vld [tilespmem:s23+$0x19D0]  }
0xf8: {  	[tilespmem:s23+$0x1970] =	vst v9;
	v9 =	vmul.f32 v15, v8;
	v15 =	vld [tilespmem:s23+$0x19E0]  }
0xf9: {  	[tilespmem:s23+$0x1980] =	vst v10;
	v10 =	vmul.f32 v12, v8;
	v12 =	vld [tilespmem:s23+$0x19F0]  }
0xfa: {  	[tilespmem:s23+$0x1990] =	vst v9;
	v9 =	vmul.f32 v13, v8;
	v13 =	vld [tilespmem:s23+$0x1A00]  }
0xfb: {  	[tilespmem:s23+$0x19A0] =	vst v10;
	v10 =	vmul.f32 v14, v8;
	v14 =	vld [tilespmem:s23+$0x1A10]  }
0xfc: {  	[tilespmem:s23+$0x19B0] =	vst v9;
	v9 =	vmul.f32 v11, v8;
	v11 =	vbroadcast v2, $0x5;
	v16 =	vld [tilespmem:s23+$0x1A20]  }
0xfd: {  	[tilespmem:s23+$0x19C0] =	vst v10;
	v8 =	vmul.f32 v15, v8;
	v10 =	vld [tilespmem:s23+$0x1A30]  }
0xfe: {  	[tilespmem:s23+$0x19D0] =	vst v9;
	v9 =	vmul.f32 v12, v11;
	v12 =	vld [tilespmem:s23+$0x1A40]  }
0xff: {  	[tilespmem:s23+$0x19E0] =	vst v8;
	v8 =	vmul.f32 v13, v11;
	v13 =	vld [tilespmem:s23+$0x1A50]  }
0x100: {  	[tilespmem:s23+$0x19F0] =	vst v9;
	v9 =	vmul.f32 v14, v11;
	v14 =	vld [tilespmem:s23+$0x1A60]  }
0x101: {  	[tilespmem:s23+$0x1A00] =	vst v8;
	v8 =	vmul.f32 v16, v11;
	v15 =	vld [tilespmem:s23+$0x1A70]  }
0x102: {  	[tilespmem:s23+$0x1A10] =	vst v9;
	v9 =	vmul.f32 v10, v11;
	v10 =	vld [tilespmem:s23+$0x1A80]  }
0x103: {  	[tilespmem:s23+$0x1A20] =	vst v8;
	v8 =	vmul.f32 v12, v11;
	v12 =	vld [tilespmem:s23+$0x1A90]  }
0x104: {  	[tilespmem:s23+$0x1A30] =	vst v9;
	v9 =	vmul.f32 v13, v11;
	v13 =	vbroadcast v2, $0x6;
	v16 =	vld [tilespmem:s23+$0x1AA0]  }
0x105: {  	[tilespmem:s23+$0x1A40] =	vst v8;
	v8 =	vmul.f32 v14, v11;
	v11 =	vld [tilespmem:s23+$0x1AB0]  }
0x106: {  	[tilespmem:s23+$0x1A50] =	vst v9;
	v9 =	vmul.f32 v15, v13;
	v14 =	vld [tilespmem:s23+$0x1AC0]  }
0x107: {  	[tilespmem:s23+$0x1A60] =	vst v8;
	v8 =	vmul.f32 v10, v13;
	v10 =	vld [tilespmem:s23+$0x1AD0]  }
0x108: {  	[tilespmem:s23+$0x1A70] =	vst v9;
	v9 =	vmul.f32 v12, v13;
	v12 =	vld [tilespmem:s23+$0x1AE0]  }
0x109: {  	[tilespmem:s23+$0x1A80] =	vst v8;
	v8 =	vmul.f32 v16, v13;
	v15 =	vld [tilespmem:s23+$0x1AF0]  }
0x10a: {  	[tilespmem:s23+$0x1A90] =	vst v9;
	v9 =	vmul.f32 v11, v13;
	v11 =	vld [tilespmem:s23+$0x1B00]  }
0x10b: {  	[tilespmem:s23+$0x1AA0] =	vst v8;
	v8 =	vmul.f32 v14, v13;
	v14 =	vld [tilespmem:s23+$0x1B10]  }
0x10c: {  	[tilespmem:s23+$0x1AB0] =	vst v9;
	v9 =	vmul.f32 v10, v13;
	v10 =	vbroadcast v2, $0x7;
	v16 =	vld [tilespmem:s23+$0x1B20]  }
0x10d: {  	[tilespmem:s23+$0x1AC0] =	vst v8;
	v8 =	vmul.f32 v12, v13;
	v12 =	vld [tilespmem:s23+$0x1B30]  }
0x10e: {  	[tilespmem:s23+$0x1AD0] =	vst v9;
	v9 =	vmul.f32 v15, v10;
	v13 =	vld [tilespmem:s23+$0x1B40]  }
0x10f: {  	[tilespmem:s23+$0x1AE0] =	vst v8;
	v8 =	vmul.f32 v11, v10;
	v11 =	vld [tilespmem:s23+$0x1B50]  }
0x110: {  	[tilespmem:s23+$0x1AF0] =	vst v9;
	v9 =	vmul.f32 v14, v10;
	v14 =	vld [tilespmem:s23+$0x1B60]  }
0x111: {  	[tilespmem:s23+$0x1B00] =	vst v8;
	v8 =	vmul.f32 v16, v10;
	v15 =	vld [tilespmem:s23+$0x1B70]  }
0x112: {  	[tilespmem:s23+$0x1B10] =	vst v9;
	v9 =	vmul.f32 v12, v10;
	v12 =	vld [tilespmem:s23+$0x1B80]  }
0x113: {  	[tilespmem:s23+$0x1B20] =	vst v8;
	v8 =	vmul.f32 v13, v10;
	v13 =	vld [tilespmem:s23+$0x1B90]  }
0x114: {  	[tilespmem:s23+$0x1B30] =	vst v9;
	v9 =	vmul.f32 v11, v10;
	v11 =	vbroadcast v2, $0x8;
	v16 =	vld [tilespmem:s23+$0x1BA0]  }
0x115: {  	[tilespmem:s23+$0x1B40] =	vst v8;
	v8 =	vmul.f32 v14, v10;
	v10 =	vld [tilespmem:s23+$0x1BB0]  }
0x116: {  	[tilespmem:s23+$0x1B50] =	vst v9;
	v9 =	vmul.f32 v15, v11;
	v14 =	vld [tilespmem:s23+$0x1BC0]  }
0x117: {  	[tilespmem:s23+$0x1B60] =	vst v8;
	v8 =	vmul.f32 v12, v11;
	v12 =	vld [tilespmem:s23+$0x1BD0]  }
0x118: {  	[tilespmem:s23+$0x1B70] =	vst v9;
	v9 =	vmul.f32 v13, v11;
	v13 =	vld [tilespmem:s23+$0x1BE0]  }
0x119: {  	[tilespmem:s23+$0x1B80] =	vst v8;
	v8 =	vmul.f32 v16, v11;
	v15 =	vld [tilespmem:s23+$0x1BF0]  }
0x11a: {  	[tilespmem:s23+$0x1B90] =	vst v9;
	v9 =	vmul.f32 v10, v11;
	v10 =	vld [tilespmem:s23+$0x1C00]  }
0x11b: {  	[tilespmem:s23+$0x1BA0] =	vst v8;
	v8 =	vmul.f32 v14, v11;
	v14 =	vld [tilespmem:s23+$0x1C10]  }
0x11c: {  	[tilespmem:s23+$0x1BB0] =	vst v9;
	v9 =	vmul.f32 v12, v11;
	v12 =	vbroadcast v2, $0x9;
	v16 =	vld [tilespmem:s23+$0x1C20]  }
0x11d: {  	[tilespmem:s23+$0x1BC0] =	vst v8;
	v8 =	vmul.f32 v13, v11;
	v11 =	vld [tilespmem:s23+$0x1C30]  }
0x11e: {  	[tilespmem:s23+$0x1BD0] =	vst v9;
	v9 =	vmul.f32 v15, v12;
	v13 =	vld [tilespmem:s23+$0x1C40]  }
0x11f: {  	[tilespmem:s23+$0x1BE0] =	vst v8;
	v8 =	vmul.f32 v10, v12;
	v10 =	vld [tilespmem:s23+$0x1C50]  }
0x120: {  	[tilespmem:s23+$0x1BF0] =	vst v9;
	v9 =	vmul.f32 v14, v12;
	v14 =	vld [tilespmem:s23+$0x1C60]  }
0x121: {  	[tilespmem:s23+$0x1C00] =	vst v8;
	v8 =	vmul.f32 v16, v12;
	v15 =	vld [tilespmem:s23+$0x1C70]  }
0x122: {  	[tilespmem:s23+$0x1C10] =	vst v9;
	v9 =	vmul.f32 v11, v12;
	v11 =	vld [tilespmem:s23+$0x1C80]  }
0x123: {  	[tilespmem:s23+$0x1C20] =	vst v8;
	v8 =	vmul.f32 v13, v12;
	v13 =	vld [tilespmem:s23+$0x1C90]  }
0x124: {  	[tilespmem:s23+$0x1C30] =	vst v9;
	v9 =	vmul.f32 v10, v12;
	v10 =	vld [tilespmem:s23+$0x1CA0]  }
0x125: {  	[tilespmem:s23+$0x1C40] =	vst v8;
	v8 =	vmul.f32 v14, v12;
	v12 =	vld [tilespmem:s23+$0x1CB0]  }
0x126: {  	[tilespmem:s23+$0x1C50] =	vst v9;
	v9 =	vmul.f32 v15, v5;
	v14 =	vld [tilespmem:s23+$0x1CC0]  }
0x127: {  	[tilespmem:s23+$0x1C60] =	vst v8;
	v8 =	vmul.f32 v11, v5;
	v11 =	vld [tilespmem:s23+$0x1CD0]  }
0x128: {  	v15 =	vld [tilespmem:s23+$0x1770];
	[tilespmem:s23+$0x1C70] =	vst v9;
	v9 =	vmul.f32 v13, v5  }
0x129: {  	v13 =	vld [tilespmem:s23+$0x1780];
	[tilespmem:s23+$0x1C80] =	vst v8;
	v8 =	vmul.f32 v10, v5  }
0x12a: {  	v10 =	vld [tilespmem:s23+$0x17B0];
	[tilespmem:s23+$0x1C90] =	vst v9;
	v9 =	vmul.f32 v12, v5  }
0x12b: {  	v12 =	vld [tilespmem:s23+$0x17C0];
	[tilespmem:s23+$0x1CA0] =	vst v8;
	v8 =	vmul.f32 v14, v5  }
0x12c: {  	[tilespmem:s23+$0x1CB0] =	vst v9;
	v9 =	vmul.f32 v11, v5;
	v11 =	vbroadcast v2, $0xB;
	v14 =	vld [tilespmem:s23+$0x1D10]  }
0x12d: {  	v5 =	vbroadcast v2, $0xF;
	v15 =	vmul.f32 v3, v15;
	[tilespmem:s23+$0x1CC0] =	vst v8;
	v8 =	vld [tilespmem:s23+$0x1D20]  }
0x12e: {  	v13 =	vmul.f32 v13, v3;
	[tilespmem:s23+$0x1CD0] =	vst v9;
	v6 =	vmul.f32 v6, v11;
	v9 =	vld [tilespmem:s23+$0x1D30]  }
0x12f: {  	v7 =	vmul.f32 v7, v11;
	[tilespmem:s23+$0x1770] =	vst v15;
	v10 =	vmul.f32 v10, v3;
	v15 =	vld [tilespmem:s23+$0x1D40]  }
0x130: {  	v4 =	vmul.f32 v4, v5;
	v12 =	vmul.f32 v12, v3;
	[tilespmem:s23+$0x1CF0] =	vst v6;
	v3 =	vld [tilespmem:s23+$0x1D50]  }
0x131: {  	[tilespmem:s23+$0x1D00] =	vst v7;
	v6 =	vmul.f32 v14, v11;
	v7 =	vld [tilespmem:s23+$0x1D60]  }
0x132: {  	v8 =	vmul.f32 v8, v11;
	v14 =	vld [tilespmem:s23+$0x1D70];
	[tilespmem:s23+$0x1F40] =	vst v4  }
0x133: {  	[tilespmem:s23+$0x1780] =	vst v13;
	v4 =	vmul.f32 v9, v11;
	v9 =	vld [tilespmem:s23+$0x1D80]  }
0x134: {  	[tilespmem:s23+$0x17B0] =	vst v10;
	v10 =	vmul.f32 v15, v11;
	v13 =	vld [tilespmem:s23+$0x1D90]  }
0x135: {  	v15 =	vbroadcast v2, $0xC;
	[tilespmem:s23+$0x1D10] =	vst v6;
	v6 =	vmul.f32 v3, v11;
	v16 =	vld [tilespmem:s23+$0x1DA0]  }
0x136: {  	[tilespmem:s23+$0x1D40] =	vst v10;
	v7 =	vmul.f32 v7, v11;
	v10 =	vld [tilespmem:s23+$0x1DB0]  }
0x137: {  	[tilespmem:s23+$0x1D20] =	vst v8;
	v3 =	vmul.f32 v14, v15;
	v8 =	vld [tilespmem:s23+$0x1DC0]  }
0x138: {  	[tilespmem:s23+$0x1D30] =	vst v4;
	v4 =	vmul.f32 v9, v15;
	v9 =	vld [tilespmem:s23+$0x1DD0]  }
0x139: {  	[tilespmem:s23+$0x1D70] =	vst v3;
	v3 =	vmul.f32 v13, v15;
	v11 =	vld [tilespmem:s23+$0x1DE0]  }
0x13a: {  	[tilespmem:s23+$0x1D80] =	vst v4;
	v4 =	vld [tilespmem:s23+$0x1DF0]  }
0x13b: {  	[tilespmem:s23+$0x17C0] =	vst v12;
	v10 =	vmul.f32 v10, v15;
	v12 =	vld [tilespmem:s23+$0x1E00]  }
0x13c: {  	[tilespmem:s23+$0x1D50] =	vst v6;
	v6 =	vmul.f32 v8, v15;
	v8 =	vld [tilespmem:s23+$0x1E10]  }
0x13d: {  	[tilespmem:s23+$0x1DB0] =	vst v10;
	v9 =	vmul.f32 v9, v15;
	v10 =	vbroadcast v2, $0xD;
	v13 =	vld [tilespmem:s23+$0x1E20]  }
0x13e: {  	[tilespmem:s23+$0x1DC0] =	vst v6;
	v6 =	vmul.f32 v11, v15;
	v11 =	vld [tilespmem:s23+$0x1E30]  }
0x13f: {  	[tilespmem:s23+$0x1DD0] =	vst v9;
	v4 =	vmul.f32 v4, v10;
	v9 =	vld [tilespmem:s23+$0x1E40]  }
0x140: {  	[tilespmem:s23+$0x1DE0] =	vst v6;
	v6 =	vmul.f32 v12, v10;
	v12 =	vld [tilespmem:s23+$0x1E50]  }
0x141: {  	[tilespmem:s23+$0x1DF0] =	vst v4;
	v4 =	vmul.f32 v8, v10;
	v8 =	vld [tilespmem:s23+$0x1E60]  }
0x142: {  	[tilespmem:s23+$0x1E00] =	vst v6;
	v6 =	vmul.f32 v13, v10;
	v13 =	vld [tilespmem:s23+$0x1E70]  }
0x143: {  	[tilespmem:s23+$0x1E10] =	vst v4;
	v4 =	vmul.f32 v11, v10;
	v11 =	vld [tilespmem:s23+$0x1E80]  }
0x144: {  	[tilespmem:s23+$0x1E20] =	vst v6;
	v6 =	vmul.f32 v9, v10;
	v9 =	vld [tilespmem:s23+$0x1E90]  }
0x145: {  	v2 =	vbroadcast v2, $0xE;
	[tilespmem:s23+$0x1D60] =	vst v7;
	v7 =	vmul.f32 v12, v10;
	v12 =	vld [tilespmem:s23+$0x1EA0]  }
0x146: {  	[tilespmem:s23+$0x1E40] =	vst v6;
	v6 =	vmul.f32 v8, v10;
	v8 =	vld [tilespmem:s23+$0x1EB0]  }
0x147: {  	[tilespmem:s23+$0x1E50] =	vst v7;
	v7 =	vmul.f32 v13, v2;
	v10 =	vld [tilespmem:s23+$0x1EC0]  }
0x148: {  	[tilespmem:s23+$0x1E60] =	vst v6;
	v6 =	vmul.f32 v11, v2;
	v11 =	vld [tilespmem:s23+$0x1ED0]  }
0x149: {  	[tilespmem:s23+$0x1E70] =	vst v7;
	v7 =	vmul.f32 v9, v2;
	v9 =	vld [tilespmem:s23+$0x1EE0]  }
0x14a: {  	[tilespmem:s23+$0x1E80] =	vst v6;
	v6 =	vmul.f32 v12, v2;
	v12 =	vld [tilespmem:s23+$0x1EF0]  }
0x14b: {  	[tilespmem:s23+$0x1E90] =	vst v7;
	v7 =	vmul.f32 v8, v2;
	v8 =	vld [tilespmem:s23+$0x1F00]  }
0x14c: {  	[tilespmem:s23+$0x1EA0] =	vst v6;
	v6 =	vmul.f32 v10, v2;
	v10 =	vld [tilespmem:s23+$0x1F10]  }
0x14d: {  	[tilespmem:s23+$0x1EB0] =	vst v7;
	v7 =	vmul.f32 v11, v2;
	v11 =	vld [tilespmem:s23+$0x1F20]  }
0x14e: {  	[tilespmem:s23+$0x1E30] =	vst v4;
	v2 =	vmul.f32 v9, v2;
	v4 =	vld [tilespmem:s23+$0x1F30]  }
0x14f: {  	[tilespmem:s23+$0x1ED0] =	vst v7;
	v7 =	vmul.f32 v12, v5;
	v9 =	vld [tilespmem:s23+$0x1F50]  }
0x150: {  	[tilespmem:s23+$0x1EE0] =	vst v2;
	v2 =	vmul.f32 v8, v5;
	v8 =	vld [tilespmem:s23+$0x1F60]  }
0x151: {  	[tilespmem:s23+$0x1EF0] =	vst v7;
	v7 =	vmul.f32 v10, v5  }
0x152: {  	[tilespmem:s23+$0x1F00] =	vst v2;
	v2 =	vmul.f32 v11, v5  }
0x153: {  	v10 =	vmul.f32 v16, v15;
	[tilespmem:s23+$0x1F10] =	vst v7  }
0x154: {  	[tilespmem:s23+$0x1F20] =	vst v2;
	v2 =	vmul.f32 v4, v5  }
.Ltmp3:
0x155: {  	[tilespmem:s23+$0x1DA0] =	vst v10;
	v4 =	vmul.f32 v8, v5;
	(pc) =	sbr.rel @p1 .LBB2_8-.Ltmp3, $4  }
0x156: {  	[tilespmem:s23+$0x1F30] =	vst v2  }
0x157: {  	v2 =	vmul.f32 v9, v5;
	[tilespmem:s23+$0x1F60] =	vst v4  }
0x158: {  	[tilespmem:s23+$0x1EC0] =	vst v6  }
0x159: {  	[tilespmem:s23+$0x1F50] =	vst v2  }
0x15a: {  	s21 =	sadd.s32 $0x1, s21  }
0x15b: {  	p1 =	sne.s32 s21, $0x19  }
.Ltmp4:
0x15c: {  	[tilespmem:s23+$0x1D90] =	vst v3;
	s22 =	sadd.s32 $0x7D0, s22;
	(pc) =	sbr.rel @p1 .LBB2_7-.Ltmp4, $4  }
0x15d: {  	[spmem:s4] =	stream.indirect.scatter.add.f32 [tilespmem:s13], [sflag:$0x2], $0x80, s22, s17, $0xb8;
	[tilespmem:$0x177F0] =	vst v63  }
0x15e: {  	_ =	swait.ge [sflag:s14], $0x2800  }
0x15f: {  	[sflag:s14] =	ssyncset.done $0x0  }
0x160: {  	[sflag:s14] =	ssyncadd.s32 $0xFFFFD800  }
0x161: {  	s20 =	sadd.s32 $0x1, s20  }
0x162: {  	p1 =	sne.s32 s20, $0x5  }
.Ltmp5:
0x163: {  	_ = 	snop;
	(pc) =	sbr.rel @p1 .LBB2_6-.Ltmp5, $1  }
0x164: {  	_ =	sdelay $0x3  }
.Ltmp6:
0x165: {  	(pc) =	sbr.rel @!p0 .LBB2_13-.Ltmp6, $4  }
0x166: {  	s19 =	sshll.u32 s1, $0x6;
	[bflag:$0x0] =	sbarrier.arrive $0xFFFF  }
0x167: {  	s20 =	sshrl.u32 s11, $0x3;
	s21 =	sadd.s32 $0x28000, s11;
	s19 =	sor.u32 $0x1C02, s19  }
0x168: {  	[hbm:s12], [sflag:s19] =	dma.local [spmem:s20], $0x500  }
0x169: {  	s22 =	smov.u32 s12;
	s20 =	sadd.s32 $0xFFFFFFFF, s8;
	_ =	swait.ge [sflag:s14], $0x500  }
.LBB2_12:
0x16a: {  	[sflag:s14] =	ssyncset.done $0x0;
	s22 =	sadd.s32 $0x5000, s22;
	p0 =	sne.s32 s20, $0x1  }
.Ltmp7:
0x16b: {  	s23 =	sshrl.u32 s21, $0x3;
	[sflag:s14] =	ssyncadd.s32 $0xFFFFFB00;
	(pc) =	sbr.rel @p0 .LBB2_12-.Ltmp7, $3  }
0x16c: {  	[hbm:s22], [sflag:s19] =	dma.local [spmem:s23], $0x500  }
0x16d: {  	s20 =	sadd.s32 $0xFFFFFFFF, s20;
	_ =	sdelay $0x1  }
0x16e: {  	s21 =	sadd.s32 $0x28000, s21;
	_ =	swait.ge [sflag:s14], $0x500  }
.LBB2_13:
0x16f: {  	s5 =	sadd.s32 $0x1, s5  }
0x170: {  	p0 =	sne.s32 s5, s10  }
.Ltmp8:
0x171: {  	_ = 	snop;
	(pc) =	sbr.rel @p0 .LBB2_1-.Ltmp8, $3  }
0x172: {  	_ =	sdelay $0x1  }
0x173: {  	[sflag:s14] =	ssyncset.done $0x0  }
0x174: {  	[sflag:s14] =	ssyncadd.s32 $0xFFFFFB00  }
0x175: {  	_ =	sfence.sel $0x180000  }
0x176: {  	[bflag:$0x0] =	sbarrier.arrive $0xFFFF  }
0x177: {  	p0 =	sne.s32 s1, $0x0;
	_ =	strace $0x90000047  }
0x178: {  	s0 =	sadd.s32 @!p0 $0x100000, s2;
	[bflag:$0x2] =	sbarrier.arrive $0xFFFF  }
0x179: {  	[sflag:s0] =	ssyncadd.tile.s32 @!p0 $0x1;
	_ =	shalt  }
.Lfunc_end2:
_tile_overlayer_lowered:
.L_overlay_start_2:
0x17a: {  	(tag) =	ssettag $0x2  }
0x17b: {  	s0 =	rddreg [dreg:$0x0];
	s2 =	stileid.u32  }
0x17c: {  	s1 =	rddreg [dreg:$0x1];
	p0 =	sne.s32 s2, $0x0  }
0x17d: {  	s3 =	rddreg [dreg:$0x2];
	[bflag:$0x3] =	sbarrier.arrive $0xFFFF;
	s2 =	simm.s32 @!p0 $0x1C02  }
0x17e: {  	[timem:s3], [sflag:s2] =	dma.local @!p0 [hbm:s0], s1  }
0x17f: {  	s0 =	simm.s32 @!p0 $0x2  }
0x180: {  	_ =	swait.ge @!p0 [sflag:s0], s1  }
0x181: {  	s1 =	ssub.s32 @!p0 $0x0, s1;
	[sflag:s0] =	ssyncset.done @!p0 $0x0  }
0x182: {  	[sflag:s0] =	ssyncadd.s32 @!p0 s1  }
0x183: {  	[bflag:$0x3] =	sbarrier.arrive $0xFFFF  }
0x184: {  	_ =	shalt  }

</sc_bundles>
